<compile_context>
chip_gen: v7x
topology: tpu7x:2x2x1
jax: 0.10.2.dev20260603
libtpu: 0.0.44.dev20260713+nightly
codegen_flags: <defaults>
</compile_context>

<pallas_src>
import dataclasses

import jax
import jax.numpy as jnp
from jax import lax
from jax.experimental import pallas as pl
from jax.experimental.pallas import tpu as pltpu
from jax.experimental.pallas import tpu_sc as plsc
import numpy as np

B = 4096
V = 256
NB = 32
NKNOTS = NB + 1
MIN_BW = 1e-3
MIN_BH = 1e-3
MIN_D = 1e-3

NC = 2
L = 16
NW = NC * 16
CHUNK = 8192


def _tables_body(uwt_ref, uht_ref, udpt_ref, cumw_ref, rw_ref, ch0_ref, h_ref,
                 d_ref):
    tri = (lax.broadcasted_iota(jnp.int32, (NKNOTS, NB), 1)
           < lax.broadcasted_iota(jnp.int32, (NKNOTS, NB), 0)).astype(jnp.float32)
    row = lax.broadcasted_iota(jnp.int32, (NKNOTS, V), 0)

    def cum_table(u, min_size):
        p = jax.nn.softmax(u, axis=0)
        p = min_size + (1.0 - min_size * NB) * p
        c = jnp.dot(tri, p, preferred_element_type=jnp.float32,
                    precision=lax.Precision.HIGHEST)
        return jnp.where(row == NB, 1.0, c)

    cumw = cum_table(uwt_ref[...], MIN_BW)
    cumh = cum_table(uht_ref[...], MIN_BH)
    cumw_ref[...] = cumw
    rw_ref[...] = 1.0 / (cumw[1:, :] - cumw[:NB, :])
    ch0_ref[...] = cumh[:NB, :]
    h_ref[...] = cumh[1:, :] - cumh[:NB, :]
    udp = udpt_ref[...]
    d_ref[...] = MIN_D + jnp.log(1.0 + jnp.exp(udp))


def _compute_tables(uwt, uht, udpt):
    knots = jax.ShapeDtypeStruct((NKNOTS, V), jnp.float32)
    bins = jax.ShapeDtypeStruct((NB, V), jnp.float32)
    return pl.pallas_call(
        _tables_body,
        out_shape=(knots, bins, bins, bins, knots),
    )(uwt, uht, udpt)


_LN2 = 0.6931471805599453
_SQRT2 = 1.4142135623730951


def _log16(y):
    bits = plsc.bitcast(y, jnp.int32)
    e = lax.shift_right_logical(bits, 23) - 127
    m = plsc.bitcast((bits & 0x007FFFFF) | 0x3F800000, jnp.float32)
    big = m > _SQRT2
    m = jnp.where(big, m * 0.5, m)
    ef = e.astype(jnp.float32) + jnp.where(big, 1.0, 0.0)
    r = m - 1.0
    s = r / (2.0 + r)
    s2 = s * s
    p = 2.0 + s2 * (2.0 / 3.0 + s2 * (0.4 + s2 * (2.0 / 7.0)))
    return ef * _LN2 + s * p


UNROLL = 4


R_SC = 2048
R_TC = B - R_SC
CHUNK_ROWS = CHUNK // V
ROWS_PER_TILE = R_SC // NW
NCHUNK = ROWS_PER_TILE // CHUNK_ROWS
TBLK = 512


def _sc_body(x_hbm, cumw_hbm, rw_hbm, ch0_hbm, h_hbm, d_hbm,
             out_hbm, ld_hbm,
             cumw_v, rw_v, ch0_v, h_v, d_v,
             x_b0, x_b1, out_b0, out_b1, ld_b0, ld_b1,
             semt, semx0, semx1, semo0, semo1, seml0, seml1):
    cid = lax.axis_index("c")
    sid = lax.axis_index("s")
    wid = sid * NC + cid
    base = wid * ROWS_PER_TILE
    x_b = (x_b0, x_b1)
    out_b = (out_b0, out_b1)
    ld_b = (ld_b0, ld_b1)
    semx = (semx0, semx1)
    semo = (semo0, semo1)
    seml = (seml0, seml1)

    def xsrc(i):
        return x_hbm.at[pl.ds(base + i * CHUNK_ROWS, CHUNK_ROWS), :]

    hx = [pltpu.async_copy(xsrc(0), x_b[0], semx[0]),
          pltpu.async_copy(xsrc(1), x_b[1], semx[1])]
    ht = [pltpu.async_copy(src, dst, semt)
          for src, dst in ((cumw_hbm, cumw_v), (rw_hbm, rw_v),
                           (ch0_hbm, ch0_v), (h_hbm, h_v), (d_hbm, d_v))]

    def one_vec(x_v, out_v, ld_v, r, c):
        x_in = x_v[r, pl.ds(c, L)]
        vvec = c + lax.iota(jnp.int32, L)
        x = jnp.clip(x_in, 0.0, 1.0)

        idx = jnp.zeros((L,), jnp.int32)
        for step in (16, 8, 4, 2, 1):
            cand = idx + step
            bv = plsc.load_gather(cumw_v, [cand, vvec])
            idx = jnp.where(x >= bv, cand, idx)

        cw0 = plsc.load_gather(cumw_v, [idx, vvec])
        rw = plsc.load_gather(rw_v, [idx, vvec])
        ch0 = plsc.load_gather(ch0_v, [idx, vvec])
        h = plsc.load_gather(h_v, [idx, vvec])
        d0 = plsc.load_gather(d_v, [idx, vvec])
        d1 = plsc.load_gather(d_v, [idx + 1, vvec])

        delta = h * rw
        theta = (x - cw0) * rw
        om = 1.0 - theta
        tom = theta * om
        th2 = theta * theta
        num = h * (delta * th2 + d0 * tom)
        den = delta + (d0 + d1 - 2.0 * delta) * tom
        out_in = ch0 + num / den
        dnum = delta * delta * (d1 * th2 + 2.0 * delta * tom + d0 * om * om)
        ld_in = _log16(dnum / (den * den))

        outside = (x_in < 0.0) | (x_in > 1.0)
        out_v[r, pl.ds(c, L)] = jnp.where(outside, x_in, out_in)
        ld_v[r, pl.ds(c, L)] = jnp.where(outside, 0.0, ld_in)

    for h_ in ht:
        h_.wait()

    scat = [None, None]
    for i in range(NCHUNK):
        b = i & 1
        hx[b].wait()
        if scat[b] is not None:
            scat[b][0].wait()
            scat[b][1].wait()

        @plsc.parallel_loop(0, CHUNK, step=L, unroll=UNROLL)
        def _vec(j, xv=x_b[b], ov=out_b[b], lv=ld_b[b]):
            one_vec(xv, ov, lv, lax.shift_right_logical(j, 8), j & (V - 1))

        if i + 2 < NCHUNK:
            hx[b] = pltpu.async_copy(xsrc(i + 2), x_b[b], semx[b])
        dst = pl.ds(base + i * CHUNK_ROWS, CHUNK_ROWS)
        scat[b] = (pltpu.async_copy(out_b[b], out_hbm.at[dst, :], semo[b]),
                   pltpu.async_copy(ld_b[b], ld_hbm.at[dst, :], seml[b]))
    for s in scat:
        s[0].wait()
        s[1].wait()


def _spline_sc(x, cumw, rw, ch0, h, d):
    mesh = plsc.VectorSubcoreMesh(core_axis_name="c", subcore_axis_name="s")
    cp = pltpu.CompilerParams()
    if "needs_layout_passes" in pltpu.CompilerParams.__dataclass_fields__:
        cp = dataclasses.replace(cp, needs_layout_passes=False)
    run = pl.kernel(
        _sc_body,
        out_type=(jax.ShapeDtypeStruct((R_SC, V), jnp.float32),
                  jax.ShapeDtypeStruct((R_SC, V), jnp.float32)),
        mesh=mesh,
        compiler_params=cp,
        scratch_types=[
            pltpu.VMEM((NKNOTS, V), jnp.float32),
            pltpu.VMEM((NB, V), jnp.float32),
            pltpu.VMEM((NB, V), jnp.float32),
            pltpu.VMEM((NB, V), jnp.float32),
            pltpu.VMEM((NKNOTS, V), jnp.float32),
            pltpu.VMEM((CHUNK_ROWS, V), jnp.float32),
            pltpu.VMEM((CHUNK_ROWS, V), jnp.float32),
            pltpu.VMEM((CHUNK_ROWS, V), jnp.float32),
            pltpu.VMEM((CHUNK_ROWS, V), jnp.float32),
            pltpu.VMEM((CHUNK_ROWS, V), jnp.float32),
            pltpu.VMEM((CHUNK_ROWS, V), jnp.float32),
            pltpu.SemaphoreType.DMA,
            pltpu.SemaphoreType.DMA,
            pltpu.SemaphoreType.DMA,
            pltpu.SemaphoreType.DMA,
            pltpu.SemaphoreType.DMA,
            pltpu.SemaphoreType.DMA,
            pltpu.SemaphoreType.DMA,
        ],
    )
    return run(x, cumw, rw, ch0, h, d)


def _tc_spline_body(x_ref, cumw_ref, rw_ref, ch0_ref, h_ref, d_ref,
                    out_ref, ld_ref):
    x_in = x_ref[...]
    x = jnp.clip(x_in, 0.0, 1.0)
    cumw = cumw_ref[...]
    rwt = rw_ref[...]
    ch0t = ch0_ref[...]
    ht = h_ref[...]
    dt = d_ref[...]

    cw0 = jnp.zeros_like(x)
    rw = jnp.broadcast_to(rwt[0], x.shape)
    ch0 = jnp.broadcast_to(ch0t[0], x.shape)
    h = jnp.broadcast_to(ht[0], x.shape)
    d0 = jnp.broadcast_to(dt[0], x.shape)
    d1 = jnp.broadcast_to(dt[1], x.shape)
    for k in range(1, NB):
        step = (x >= cumw[k]).astype(jnp.float32)
        cw0 = cw0 + step * (cumw[k] - cumw[k - 1])
        rw = rw + step * (rwt[k] - rwt[k - 1])
        ch0 = ch0 + step * (ch0t[k] - ch0t[k - 1])
        h = h + step * (ht[k] - ht[k - 1])
        d0 = d0 + step * (dt[k] - dt[k - 1])
        d1 = d1 + step * (dt[k + 1] - dt[k])

    delta = h * rw
    theta = (x - cw0) * rw
    om = 1.0 - theta
    tom = theta * om
    th2 = theta * theta
    num = h * (delta * th2 + d0 * tom)
    den = delta + (d0 + d1 - 2.0 * delta) * tom
    out_in = ch0 + num / den
    dnum = delta * delta * (d1 * th2 + 2.0 * delta * tom + d0 * om * om)
    ld_in = jnp.log(dnum) - 2.0 * jnp.log(den)

    outside = (x_in < 0.0) | (x_in > 1.0)
    out_ref[...] = jnp.where(outside, x_in, out_in)
    ld_ref[...] = jnp.where(outside, 0.0, ld_in)


def _spline_tc(x, cumw, rw, ch0, h, d):
    full = jax.ShapeDtypeStruct((B, V), jnp.float32)
    table_spec = pl.BlockSpec((NKNOTS, V), lambda i: (0, 0))
    bins_spec = pl.BlockSpec((NB, V), lambda i: (0, 0))
    tail_spec = pl.BlockSpec((TBLK, V), lambda i: (R_SC // TBLK + i, 0))
    return pl.pallas_call(
        _tc_spline_body,
        grid=(R_TC // TBLK,),
        in_specs=[
            tail_spec,
            table_spec, bins_spec, bins_spec, bins_spec, table_spec,
        ],
        out_specs=[tail_spec, tail_spec],
        out_shape=(full, full),
    )(x, cumw, rw, ch0, h, d)


@jax.jit
def kernel(inputs, unnormalized_widths, unnormalized_heights,
           unnormalized_derivatives):
    constant = float(np.log(np.exp(1.0 - MIN_D) - 1.0))
    udpt = jnp.pad(unnormalized_derivatives.T, [(1, 1), (0, 0)],
                   constant_values=constant)
    cumw, rw, ch0, h, d = _compute_tables(unnormalized_widths.T,
                                          unnormalized_heights.T, udpt)
    out_sc, ld_sc = _spline_sc(inputs, cumw, rw, ch0, h, d)
    out_tc, ld_tc = _spline_tc(inputs, cumw, rw, ch0, h, d)
    return (lax.dynamic_update_slice(out_tc, out_sc, (0, 0)),
            lax.dynamic_update_slice(ld_tc, ld_sc, (0, 0)))

# --- scband reference (transcript-rebuilt; emitter-appended) ---
"""Pipeline reference for scband-rational-quadratic-spline-40973988004342 (READ-ONLY COPY).

The authoritative reference and input builder live on the scoring server;
editing this copy changes nothing except your own understanding.
"""

import jax, jax.numpy as jnp
import numpy as np

B = 4096
VARIABLES = 256
NUM_BINS = 32
LO_IN, HI_IN = 0.0, 1.0
LO_OUT, HI_OUT = 0.0, 1.0
MIN_BW = 1e-3
MIN_BH = 1e-3
MIN_D = 1e-3
DERIV_LO = (HI_OUT - LO_OUT) / (HI_IN - LO_IN)
DERIV_HI = DERIV_LO


def setup_inputs(seed: int = 0) -> dict:
    key = jax.random.key(seed)
    k1, k2, k3, k4 = jax.random.split(key, 4)
    inputs = jax.random.uniform(k1, (B, VARIABLES), dtype=jnp.float32)
    uw = jax.random.uniform(k2, (VARIABLES, NUM_BINS), dtype=jnp.float32)
    uh = jax.random.uniform(k3, (VARIABLES, NUM_BINS), dtype=jnp.float32)
    ud = jax.random.uniform(k4, (VARIABLES, NUM_BINS - 1), dtype=jnp.float32)
    return {"inputs": inputs, "unnormalized_widths": uw, "unnormalized_heights": uh, "unnormalized_derivatives": ud}


def _compute_cumparams(unnorm, nbins, lo, hi, min_size):
    params = jax.nn.softmax(unnorm, axis=-1)
    params = min_size + (1.0 - min_size * nbins) * params
    cum = jnp.cumsum(params, axis=-1)
    pad = [(0, 0)] * (cum.ndim - 1) + [(1, 0)]
    cum = jnp.pad(cum, pad)
    cum = (hi - lo) * cum + lo
    cum = cum.at[..., 0].set(lo)
    cum = cum.at[..., -1].set(hi)
    params = cum[..., 1:] - cum[..., :-1]
    return cum, params


def _gather(t, idx):
    return jnp.take_along_axis(t, idx, axis=-1)[..., 0]


def reference(inputs, unnormalized_widths, unnormalized_heights, unnormalized_derivatives):
    n = inputs.shape[0]
    uw = jnp.broadcast_to(unnormalized_widths[None], (n,) + unnormalized_widths.shape)
    uh = jnp.broadcast_to(unnormalized_heights[None], (n,) + unnormalized_heights.shape)
    ud = jnp.broadcast_to(unnormalized_derivatives[None], (n,) + unnormalized_derivatives.shape)
    constant = np.log(np.exp(1.0 - MIN_D) - 1.0)
    ud = jnp.pad(ud, [(0, 0), (0, 0), (1, 1)])
    ud = ud.at[..., 0].set(constant).at[..., -1].set(constant)

    below = inputs < LO_IN
    above = inputs > HI_IN
    inside = ~(below | above)

    cumw, widths = _compute_cumparams(uw, NUM_BINS, LO_IN, HI_IN, MIN_BW)
    cumh, heights = _compute_cumparams(uh, NUM_BINS, LO_OUT, HI_OUT, MIN_BH)
    derivatives = MIN_D + jax.nn.softplus(ud)
    delta = heights / widths

    boundaries = cumw.at[..., -1].add(1e-6)
    x = jnp.clip(inputs, LO_IN, HI_IN)
    bin_idx = jnp.sum((x[..., None] >= boundaries).astype(jnp.int32), axis=-1) - 1
    bin_idx = jnp.clip(bin_idx, 0, NUM_BINS - 1)[..., None]

    in_cw = _gather(cumw, bin_idx)
    in_w = _gather(widths, bin_idx)
    in_ch = _gather(cumh, bin_idx)
    in_delta = _gather(delta, bin_idx)
    in_d = _gather(derivatives, bin_idx)
    in_dp = _gather(derivatives[..., 1:], bin_idx)
    in_h = _gather(heights, bin_idx)

    theta = (x - in_cw) / in_w
    tom = theta * (1.0 - theta)
    numerator = in_h * (in_delta * theta ** 2 + in_d * tom)
    denominator = in_delta + (in_d + in_dp - 2.0 * in_delta) * tom
    out_in = in_ch + numerator / denominator
    dnum = in_delta ** 2 * (in_dp * theta ** 2 + 2.0 * in_delta * tom + in_d * (1.0 - theta) ** 2)
    logdet_in = jnp.log(dnum) - 2.0 * jnp.log(denominator)

    out_below = LO_OUT + (inputs - LO_IN) * DERIV_LO
    out_above = HI_OUT + (inputs - HI_IN) * DERIV_HI
    outputs = jnp.where(below, out_below, jnp.where(above, out_above, out_in))
    logabsdet = jnp.where(inside, logdet_in, jnp.zeros_like(logdet_in))
    return outputs, logabsdet

if __name__ == "__main__":
    import jax
    _d = setup_inputs()
    print(jax.jit(kernel)(*tuple(_d.values())))

</pallas_src>

<mosaic_0001>
#map = affine_map<(d0, d1) -> (0, 0)>
module attributes {stable_mosaic.version = 14 : i64} {
  func.func @_sc_body(%arg0: i32, %arg1: i32, %arg2: memref<4096x256xf32, #tpu.memory_space<hbm>>, %arg3: memref<33x256xf32, #tpu.memory_space<hbm>>, %arg4: memref<32x256xf32, #tpu.memory_space<hbm>>, %arg5: memref<32x256xf32, #tpu.memory_space<hbm>>, %arg6: memref<32x256xf32, #tpu.memory_space<hbm>>, %arg7: memref<33x256xf32, #tpu.memory_space<hbm>>, %arg8: memref<2048x256xf32, #tpu.memory_space<hbm>>, %arg9: memref<2048x256xf32, #tpu.memory_space<hbm>>, %arg10: memref<33x256xf32, #tpu.memory_space<vmem>>, %arg11: memref<32x256xf32, #tpu.memory_space<vmem>>, %arg12: memref<32x256xf32, #tpu.memory_space<vmem>>, %arg13: memref<32x256xf32, #tpu.memory_space<vmem>>, %arg14: memref<33x256xf32, #tpu.memory_space<vmem>>, %arg15: memref<32x256xf32, #tpu.memory_space<vmem>>, %arg16: memref<32x256xf32, #tpu.memory_space<vmem>>, %arg17: memref<32x256xf32, #tpu.memory_space<vmem>>, %arg18: memref<32x256xf32, #tpu.memory_space<vmem>>, %arg19: memref<32x256xf32, #tpu.memory_space<vmem>>, %arg20: memref<32x256xf32, #tpu.memory_space<vmem>>, %arg21: memref<!tpu.dma_semaphore, #tpu.memory_space<semaphore_mem>>, %arg22: memref<!tpu.dma_semaphore, #tpu.memory_space<semaphore_mem>>, %arg23: memref<!tpu.dma_semaphore, #tpu.memory_space<semaphore_mem>>, %arg24: memref<!tpu.dma_semaphore, #tpu.memory_space<semaphore_mem>>, %arg25: memref<!tpu.dma_semaphore, #tpu.memory_space<semaphore_mem>>, %arg26: memref<!tpu.dma_semaphore, #tpu.memory_space<semaphore_mem>>, %arg27: memref<!tpu.dma_semaphore, #tpu.memory_space<semaphore_mem>>) attributes {dimension_semantics = [#tpu.dimension_semantics<core_parallel>, #tpu.dimension_semantics<subcore_parallel>], iteration_bounds = array<i64: 2, 16>, scalar_prefetch = 0 : i64, scratch_operands = 18 : i64, tpu.core_type = #tpu.core_type<sc_vector_subcore>, window_params = [{transform_indices = #map}, {transform_indices = #map}, {transform_indices = #map}, {transform_indices = #map}, {transform_indices = #map}, {transform_indices = #map}, {transform_indices = #map}, {transform_indices = #map}]} {
    %mul3A = arith.constant 2 : i32
    %mul3A_0 = arith.muli %arg1, %mul3A : i32
    %add3A = arith.addi %mul3A_0, %arg0 : i32
    %mul3A_1 = arith.constant 64 : i32
    %mul3A_2 = arith.muli %add3A, %mul3A_1 : i32
    %add3A_3 = arith.constant 0 : i32
    %add3A_4 = arith.addi %mul3A_2, %add3A_3 : i32
    %dma_start3A = arith.constant 0 : i32
    %dma_start3A_5 = tpu.memref_slice %arg2[%add3A_4, %dma_start3A] : memref<4096x256xf32, #tpu.memory_space<hbm>> -> memref<32x256xf32, #tpu.memory_space<hbm>>
    %dma_start3A_6 = arith.constant 0 : i32
    %dma_start3A_7 = tpu.memref_slice %arg2[%add3A_4, %dma_start3A_6] : memref<4096x256xf32, #tpu.memory_space<hbm>> -> memref<32x256xf32, #tpu.memory_space<hbm>>
    tpu.enqueue_dma source(%dma_start3A_7 : memref<32x256xf32, #tpu.memory_space<hbm>>) target(%arg15 : memref<32x256xf32, #tpu.memory_space<vmem>>) target_semaphore(%arg22 : memref<!tpu.dma_semaphore, #tpu.memory_space<semaphore_mem>>)
    %add3A_8 = arith.constant 32 : i32
    %add3A_9 = arith.addi %mul3A_2, %add3A_8 : i32
    %dma_start3A_10 = arith.constant 0 : i32
    %dma_start3A_11 = tpu.memref_slice %arg2[%add3A_9, %dma_start3A_10] : memref<4096x256xf32, #tpu.memory_space<hbm>> -> memref<32x256xf32, #tpu.memory_space<hbm>>
    %dma_start3A_12 = arith.constant 0 : i32
    %dma_start3A_13 = tpu.memref_slice %arg2[%add3A_9, %dma_start3A_12] : memref<4096x256xf32, #tpu.memory_space<hbm>> -> memref<32x256xf32, #tpu.memory_space<hbm>>
    tpu.enqueue_dma source(%dma_start3A_13 : memref<32x256xf32, #tpu.memory_space<hbm>>) target(%arg16 : memref<32x256xf32, #tpu.memory_space<vmem>>) target_semaphore(%arg23 : memref<!tpu.dma_semaphore, #tpu.memory_space<semaphore_mem>>)
    tpu.enqueue_dma source(%arg3 : memref<33x256xf32, #tpu.memory_space<hbm>>) target(%arg10 : memref<33x256xf32, #tpu.memory_space<vmem>>) target_semaphore(%arg21 : memref<!tpu.dma_semaphore, #tpu.memory_space<semaphore_mem>>)
    tpu.enqueue_dma source(%arg4 : memref<32x256xf32, #tpu.memory_space<hbm>>) target(%arg11 : memref<32x256xf32, #tpu.memory_space<vmem>>) target_semaphore(%arg21 : memref<!tpu.dma_semaphore, #tpu.memory_space<semaphore_mem>>)
    tpu.enqueue_dma source(%arg5 : memref<32x256xf32, #tpu.memory_space<hbm>>) target(%arg12 : memref<32x256xf32, #tpu.memory_space<vmem>>) target_semaphore(%arg21 : memref<!tpu.dma_semaphore, #tpu.memory_space<semaphore_mem>>)
    tpu.enqueue_dma source(%arg6 : memref<32x256xf32, #tpu.memory_space<hbm>>) target(%arg13 : memref<32x256xf32, #tpu.memory_space<vmem>>) target_semaphore(%arg21 : memref<!tpu.dma_semaphore, #tpu.memory_space<semaphore_mem>>)
    tpu.enqueue_dma source(%arg7 : memref<33x256xf32, #tpu.memory_space<hbm>>) target(%arg14 : memref<33x256xf32, #tpu.memory_space<vmem>>) target_semaphore(%arg21 : memref<!tpu.dma_semaphore, #tpu.memory_space<semaphore_mem>>)
    tpu.wait_dma2 semaphore(%arg21 : memref<!tpu.dma_semaphore, #tpu.memory_space<semaphore_mem>>) src(%arg3 : memref<33x256xf32, #tpu.memory_space<hbm>>) dst(%arg10 : memref<33x256xf32, #tpu.memory_space<vmem>>)
    tpu.wait_dma2 semaphore(%arg21 : memref<!tpu.dma_semaphore, #tpu.memory_space<semaphore_mem>>) src(%arg4 : memref<32x256xf32, #tpu.memory_space<hbm>>) dst(%arg11 : memref<32x256xf32, #tpu.memory_space<vmem>>)
    tpu.wait_dma2 semaphore(%arg21 : memref<!tpu.dma_semaphore, #tpu.memory_space<semaphore_mem>>) src(%arg5 : memref<32x256xf32, #tpu.memory_space<hbm>>) dst(%arg12 : memref<32x256xf32, #tpu.memory_space<vmem>>)
    tpu.wait_dma2 semaphore(%arg21 : memref<!tpu.dma_semaphore, #tpu.memory_space<semaphore_mem>>) src(%arg6 : memref<32x256xf32, #tpu.memory_space<hbm>>) dst(%arg13 : memref<32x256xf32, #tpu.memory_space<vmem>>)
    tpu.wait_dma2 semaphore(%arg21 : memref<!tpu.dma_semaphore, #tpu.memory_space<semaphore_mem>>) src(%arg7 : memref<33x256xf32, #tpu.memory_space<hbm>>) dst(%arg14 : memref<33x256xf32, #tpu.memory_space<vmem>>)
    %dma_wait3A = arith.constant 0 : i32
    %dma_wait3A_14 = tpu.memref_slice %arg2[%add3A_4, %dma_wait3A] : memref<4096x256xf32, #tpu.memory_space<hbm>> -> memref<32x256xf32, #tpu.memory_space<hbm>>
    %dma_wait3A_15 = arith.constant 0 : i32
    %dma_wait3A_16 = tpu.memref_slice %arg2[%add3A_4, %dma_wait3A_15] : memref<4096x256xf32, #tpu.memory_space<hbm>> -> memref<32x256xf32, #tpu.memory_space<hbm>>
    tpu.wait_dma2 semaphore(%arg22 : memref<!tpu.dma_semaphore, #tpu.memory_space<semaphore_mem>>) src(%dma_wait3A_16 : memref<32x256xf32, #tpu.memory_space<hbm>>) dst(%arg15 : memref<32x256xf32, #tpu.memory_space<vmem>>)
    %parallel_loop3A = arith.constant 0 : i32
    %parallel_loop3A_17 = arith.constant 8192 : i32
    %parallel_loop3A_18 = arith.constant 16 : i32
    scf.for %parallel_loop3A_62 = %parallel_loop3A to %parallel_loop3A_17 step %parallel_loop3A_18  : i32 {
      %parallel_loop3A_63 = arith.constant 8 : i32
      %parallel_loop3A_64 = arith.shrui %parallel_loop3A_62, %parallel_loop3A_63 : i32
      %parallel_loop3A_65 = arith.constant 255 : i32
      %parallel_loop3A_66 = arith.andi %parallel_loop3A_62, %parallel_loop3A_65 : i32
      %parallel_loop3A_67 = arith.index_cast %parallel_loop3A_64 : i32 to index
      %parallel_loop3A_68 = arith.index_cast %parallel_loop3A_66 : i32 to index
      %parallel_loop3A_69 = tpu.vector_load %arg15[%parallel_loop3A_67, %parallel_loop3A_68] {strides = array<i32>} : memref<32x256xf32, #tpu.memory_space<vmem>>, vector<16xf32>,
      %parallel_loop3A_70 = tpu.iota {dimensions = array<i32: 0>} : vector<16xi32>
      %parallel_loop3A_71 = vector.broadcast %parallel_loop3A_66 : i32 to vector<16xi32>
      %parallel_loop3A_72 = arith.addi %parallel_loop3A_71, %parallel_loop3A_70 : vector<16xi32>
      %parallel_loop3A_73 = arith.constant 0.000000e+00 : f32
      %parallel_loop3A_74 = arith.constant 1.000000e+00 : f32
      %parallel_loop3A_75 = vector.broadcast %parallel_loop3A_73 : f32 to vector<16xf32>
      %parallel_loop3A_76 = arith.maximumf %parallel_loop3A_75, %parallel_loop3A_69 : vector<16xf32>
      %parallel_loop3A_77 = vector.broadcast %parallel_loop3A_74 : f32 to vector<16xf32>
      %parallel_loop3A_78 = arith.minimumf %parallel_loop3A_77, %parallel_loop3A_76 : vector<16xf32>
      %parallel_loop3A_79 = arith.constant 0 : i32
      %parallel_loop3A_80 = vector.broadcast %parallel_loop3A_79 : i32 to vector<16xi32>
      %parallel_loop3A_81 = arith.constant 16 : i32
      %parallel_loop3A_82 = vector.broadcast %parallel_loop3A_81 : i32 to vector<16xi32>
      %parallel_loop3A_83 = arith.addi %parallel_loop3A_80, %parallel_loop3A_82 : vector<16xi32>
      %parallel_loop3A_84 = tpu.vector_load_idx %arg10[%parallel_loop3A_83, %parallel_loop3A_72] : memref<33x256xf32, #tpu.memory_space<vmem>>[vector<16xi32>, vector<16xi32>], vector<16xf32>,
      %parallel_loop3A_85 = arith.cmpf oge, %parallel_loop3A_78, %parallel_loop3A_84 : vector<16xf32>
      %parallel_loop3A_86 = arith.select %parallel_loop3A_85, %parallel_loop3A_83, %parallel_loop3A_80 : vector<16xi1>, vector<16xi32>
      %parallel_loop3A_87 = arith.constant 8 : i32
      %parallel_loop3A_88 = vector.broadcast %parallel_loop3A_87 : i32 to vector<16xi32>
      %parallel_loop3A_89 = arith.addi %parallel_loop3A_86, %parallel_loop3A_88 : vector<16xi32>
      %parallel_loop3A_90 = tpu.vector_load_idx %arg10[%parallel_loop3A_89, %parallel_loop3A_72] : memref<33x256xf32, #tpu.memory_space<vmem>>[vector<16xi32>, vector<16xi32>], vector<16xf32>,
      %parallel_loop3A_91 = arith.cmpf oge, %parallel_loop3A_78, %parallel_loop3A_90 : vector<16xf32>
      %parallel_loop3A_92 = arith.select %parallel_loop3A_91, %parallel_loop3A_89, %parallel_loop3A_86 : vector<16xi1>, vector<16xi32>
      %parallel_loop3A_93 = arith.constant 4 : i32
      %parallel_loop3A_94 = vector.broadcast %parallel_loop3A_93 : i32 to vector<16xi32>
      %parallel_loop3A_95 = arith.addi %parallel_loop3A_92, %parallel_loop3A_94 : vector<16xi32>
      %parallel_loop3A_96 = tpu.vector_load_idx %arg10[%parallel_loop3A_95, %parallel_loop3A_72] : memref<33x256xf32, #tpu.memory_space<vmem>>[vector<16xi32>, vector<16xi32>], vector<16xf32>,
      %parallel_loop3A_97 = arith.cmpf oge, %parallel_loop3A_78, %parallel_loop3A_96 : vector<16xf32>
      %parallel_loop3A_98 = arith.select %parallel_loop3A_97, %parallel_loop3A_95, %parallel_loop3A_92 : vector<16xi1>, vector<16xi32>
      %parallel_loop3A_99 = arith.constant 2 : i32
      %parallel_loop3A_100 = vector.broadcast %parallel_loop3A_99 : i32 to vector<16xi32>
      %parallel_loop3A_101 = arith.addi %parallel_loop3A_98, %parallel_loop3A_100 : vector<16xi32>
      %parallel_loop3A_102 = tpu.vector_load_idx %arg10[%parallel_loop3A_101, %parallel_loop3A_72] : memref<33x256xf32, #tpu.memory_space<vmem>>[vector<16xi32>, vector<16xi32>], vector<16xf32>,
      %parallel_loop3A_103 = arith.cmpf oge, %parallel_loop3A_78, %parallel_loop3A_102 : vector<16xf32>
      %parallel_loop3A_104 = arith.select %parallel_loop3A_103, %parallel_loop3A_101, %parallel_loop3A_98 : vector<16xi1>, vector<16xi32>
      %parallel_loop3A_105 = arith.constant 1 : i32
      %parallel_loop3A_106 = vector.broadcast %parallel_loop3A_105 : i32 to vector<16xi32>
      %parallel_loop3A_107 = arith.addi %parallel_loop3A_104, %parallel_loop3A_106 : vector<16xi32>
      %parallel_loop3A_108 = tpu.vector_load_idx %arg10[%parallel_loop3A_107, %parallel_loop3A_72] : memref<33x256xf32, #tpu.memory_space<vmem>>[vector<16xi32>, vector<16xi32>], vector<16xf32>,
      %parallel_loop3A_109 = arith.cmpf oge, %parallel_loop3A_78, %parallel_loop3A_108 : vector<16xf32>
      %parallel_loop3A_110 = arith.select %parallel_loop3A_109, %parallel_loop3A_107, %parallel_loop3A_104 : vector<16xi1>, vector<16xi32>
      %parallel_loop3A_111 = tpu.vector_load_idx %arg10[%parallel_loop3A_110, %parallel_loop3A_72] : memref<33x256xf32, #tpu.memory_space<vmem>>[vector<16xi32>, vector<16xi32>], vector<16xf32>,
      %parallel_loop3A_112 = tpu.vector_load_idx %arg11[%parallel_loop3A_110, %parallel_loop3A_72] : memref<32x256xf32, #tpu.memory_space<vmem>>[vector<16xi32>, vector<16xi32>], vector<16xf32>,
      %parallel_loop3A_113 = tpu.vector_load_idx %arg12[%parallel_loop3A_110, %parallel_loop3A_72] : memref<32x256xf32, #tpu.memory_space<vmem>>[vector<16xi32>, vector<16xi32>], vector<16xf32>,
      %parallel_loop3A_114 = tpu.vector_load_idx %arg13[%parallel_loop3A_110, %parallel_loop3A_72] : memref<32x256xf32, #tpu.memory_space<vmem>>[vector<16xi32>, vector<16xi32>], vector<16xf32>,
      %parallel_loop3A_115 = tpu.vector_load_idx %arg14[%parallel_loop3A_110, %parallel_loop3A_72] : memref<33x256xf32, #tpu.memory_space<vmem>>[vector<16xi32>, vector<16xi32>], vector<16xf32>,
      %parallel_loop3A_116 = arith.constant 1 : i32
      %parallel_loop3A_117 = vector.broadcast %parallel_loop3A_116 : i32 to vector<16xi32>
      %parallel_loop3A_118 = arith.addi %parallel_loop3A_110, %parallel_loop3A_117 : vector<16xi32>
      %parallel_loop3A_119 = tpu.vector_load_idx %arg14[%parallel_loop3A_118, %parallel_loop3A_72] : memref<33x256xf32, #tpu.memory_space<vmem>>[vector<16xi32>, vector<16xi32>], vector<16xf32>,
      %parallel_loop3A_120 = arith.mulf %parallel_loop3A_114, %parallel_loop3A_112 : vector<16xf32>
      %parallel_loop3A_121 = arith.subf %parallel_loop3A_78, %parallel_loop3A_111 : vector<16xf32>
      %parallel_loop3A_122 = arith.mulf %parallel_loop3A_121, %parallel_loop3A_112 : vector<16xf32>
      %parallel_loop3A_123 = arith.constant 1.000000e+00 : f32
      %parallel_loop3A_124 = vector.broadcast %parallel_loop3A_123 : f32 to vector<16xf32>
      %parallel_loop3A_125 = arith.subf %parallel_loop3A_124, %parallel_loop3A_122 : vector<16xf32>
      %parallel_loop3A_126 = arith.mulf %parallel_loop3A_122, %parallel_loop3A_125 : vector<16xf32>
      %parallel_loop3A_127 = arith.mulf %parallel_loop3A_122, %parallel_loop3A_122 : vector<16xf32>
      %parallel_loop3A_128 = arith.mulf %parallel_loop3A_120, %parallel_loop3A_127 : vector<16xf32>
      %parallel_loop3A_129 = arith.mulf %parallel_loop3A_115, %parallel_loop3A_126 : vector<16xf32>
      %parallel_loop3A_130 = arith.addf %parallel_loop3A_128, %parallel_loop3A_129 : vector<16xf32>
      %parallel_loop3A_131 = arith.mulf %parallel_loop3A_114, %parallel_loop3A_130 : vector<16xf32>
      %parallel_loop3A_132 = arith.addf %parallel_loop3A_115, %parallel_loop3A_119 : vector<16xf32>
      %parallel_loop3A_133 = arith.constant 2.000000e+00 : f32
      %parallel_loop3A_134 = vector.broadcast %parallel_loop3A_133 : f32 to vector<16xf32>
      %parallel_loop3A_135 = arith.mulf %parallel_loop3A_134, %parallel_loop3A_120 : vector<16xf32>
      %parallel_loop3A_136 = arith.subf %parallel_loop3A_132, %parallel_loop3A_135 : vector<16xf32>
      %parallel_loop3A_137 = arith.mulf %parallel_loop3A_136, %parallel_loop3A_126 : vector<16xf32>
      %parallel_loop3A_138 = arith.addf %parallel_loop3A_120, %parallel_loop3A_137 : vector<16xf32>
      %parallel_loop3A_139 = arith.divf %parallel_loop3A_131, %parallel_loop3A_138 : vector<16xf32>
      %parallel_loop3A_140 = arith.addf %parallel_loop3A_113, %parallel_loop3A_139 : vector<16xf32>
      %parallel_loop3A_141 = arith.mulf %parallel_loop3A_120, %parallel_loop3A_120 : vector<16xf32>
      %parallel_loop3A_142 = arith.mulf %parallel_loop3A_119, %parallel_loop3A_127 : vector<16xf32>
      %parallel_loop3A_143 = arith.constant 2.000000e+00 : f32
      %parallel_loop3A_144 = vector.broadcast %parallel_loop3A_143 : f32 to vector<16xf32>
      %parallel_loop3A_145 = arith.mulf %parallel_loop3A_144, %parallel_loop3A_120 : vector<16xf32>
      %parallel_loop3A_146 = arith.mulf %parallel_loop3A_145, %parallel_loop3A_126 : vector<16xf32>
      %parallel_loop3A_147 = arith.addf %parallel_loop3A_142, %parallel_loop3A_146 : vector<16xf32>
      %parallel_loop3A_148 = arith.mulf %parallel_loop3A_115, %parallel_loop3A_125 : vector<16xf32>
      %parallel_loop3A_149 = arith.mulf %parallel_loop3A_148, %parallel_loop3A_125 : vector<16xf32>
      %parallel_loop3A_150 = arith.addf %parallel_loop3A_147, %parallel_loop3A_149 : vector<16xf32>
      %parallel_loop3A_151 = arith.mulf %parallel_loop3A_141, %parallel_loop3A_150 : vector<16xf32>
      %parallel_loop3A_152 = arith.mulf %parallel_loop3A_138, %parallel_loop3A_138 : vector<16xf32>
      %parallel_loop3A_153 = arith.divf %parallel_loop3A_151, %parallel_loop3A_152 : vector<16xf32>
      %parallel_loop3A_154 = vector.bitcast %parallel_loop3A_153 : vector<16xf32> to vector<16xi32>
      %parallel_loop3A_155 = arith.constant 23 : i32
      %parallel_loop3A_156 = vector.broadcast %parallel_loop3A_155 : i32 to vector<16xi32>
      %parallel_loop3A_157 = arith.shrui %parallel_loop3A_154, %parallel_loop3A_156 : vector<16xi32>
      %parallel_loop3A_158 = arith.constant 127 : i32
      %parallel_loop3A_159 = vector.broadcast %parallel_loop3A_158 : i32 to vector<16xi32>
      %parallel_loop3A_160 = arith.subi %parallel_loop3A_157, %parallel_loop3A_159 : vector<16xi32>
      %parallel_loop3A_161 = arith.constant 8388607 : i32
      %parallel_loop3A_162 = vector.broadcast %parallel_loop3A_161 : i32 to vector<16xi32>
      %parallel_loop3A_163 = arith.andi %parallel_loop3A_154, %parallel_loop3A_162 : vector<16xi32>
      %parallel_loop3A_164 = arith.constant 1065353216 : i32
      %parallel_loop3A_165 = vector.broadcast %parallel_loop3A_164 : i32 to vector<16xi32>
      %parallel_loop3A_166 = arith.ori %parallel_loop3A_163, %parallel_loop3A_165 : vector<16xi32>
      %parallel_loop3A_167 = vector.bitcast %parallel_loop3A_166 : vector<16xi32> to vector<16xf32>
      %parallel_loop3A_168 = arith.constant 1.41421354 : f32
      %parallel_loop3A_169 = vector.broadcast %parallel_loop3A_168 : f32 to vector<16xf32>
      %parallel_loop3A_170 = arith.cmpf ogt, %parallel_loop3A_167, %parallel_loop3A_169 : vector<16xf32>
      %parallel_loop3A_171 = arith.constant 5.000000e-01 : f32
      %parallel_loop3A_172 = vector.broadcast %parallel_loop3A_171 : f32 to vector<16xf32>
      %parallel_loop3A_173 = arith.mulf %parallel_loop3A_167, %parallel_loop3A_172 : vector<16xf32>
      %parallel_loop3A_174 = arith.select %parallel_loop3A_170, %parallel_loop3A_173, %parallel_loop3A_167 : vector<16xi1>, vector<16xf32>
      %parallel_loop3A_175 = arith.sitofp %parallel_loop3A_160 : vector<16xi32> to vector<16xf32>
      %parallel_loop3A_176 = arith.constant 1.000000e+00 : f32
      %parallel_loop3A_177 = arith.constant 0.000000e+00 : f32
      %parallel_loop3A_178 = vector.broadcast %parallel_loop3A_176 : f32 to vector<16xf32>
      %parallel_loop3A_179 = vector.broadcast %parallel_loop3A_177 : f32 to vector<16xf32>
      %parallel_loop3A_180 = arith.select %parallel_loop3A_170, %parallel_loop3A_178, %parallel_loop3A_179 : vector<16xi1>, vector<16xf32>
      %parallel_loop3A_181 = arith.addf %parallel_loop3A_175, %parallel_loop3A_180 : vector<16xf32>
      %parallel_loop3A_182 = arith.constant 1.000000e+00 : f32
      %parallel_loop3A_183 = vector.broadcast %parallel_loop3A_182 : f32 to vector<16xf32>
      %parallel_loop3A_184 = arith.subf %parallel_loop3A_174, %parallel_loop3A_183 : vector<16xf32>
      %parallel_loop3A_185 = arith.constant 2.000000e+00 : f32
      %parallel_loop3A_186 = vector.broadcast %parallel_loop3A_185 : f32 to vector<16xf32>
      %parallel_loop3A_187 = arith.addf %parallel_loop3A_186, %parallel_loop3A_184 : vector<16xf32>
      %parallel_loop3A_188 = arith.divf %parallel_loop3A_184, %parallel_loop3A_187 : vector<16xf32>
      %parallel_loop3A_189 = arith.mulf %parallel_loop3A_188, %parallel_loop3A_188 : vector<16xf32>
      %parallel_loop3A_190 = arith.constant 0.285714298 : f32
      %parallel_loop3A_191 = vector.broadcast %parallel_loop3A_190 : f32 to vector<16xf32>
      %parallel_loop3A_192 = arith.mulf %parallel_loop3A_189, %parallel_loop3A_191 : vector<16xf32>
      %parallel_loop3A_193 = arith.constant 4.000000e-01 : f32
      %parallel_loop3A_194 = vector.broadcast %parallel_loop3A_193 : f32 to vector<16xf32>
      %parallel_loop3A_195 = arith.addf %parallel_loop3A_194, %parallel_loop3A_192 : vector<16xf32>
      %parallel_loop3A_196 = arith.mulf %parallel_loop3A_189, %parallel_loop3A_195 : vector<16xf32>
      %parallel_loop3A_197 = arith.constant 0.666666686 : f32
      %parallel_loop3A_198 = vector.broadcast %parallel_loop3A_197 : f32 to vector<16xf32>
      %parallel_loop3A_199 = arith.addf %parallel_loop3A_198, %parallel_loop3A_196 : vector<16xf32>
      %parallel_loop3A_200 = arith.mulf %parallel_loop3A_189, %parallel_loop3A_199 : vector<16xf32>
      %parallel_loop3A_201 = arith.constant 2.000000e+00 : f32
      %parallel_loop3A_202 = vector.broadcast %parallel_loop3A_201 : f32 to vector<16xf32>
      %parallel_loop3A_203 = arith.addf %parallel_loop3A_202, %parallel_loop3A_200 : vector<16xf32>
      %parallel_loop3A_204 = arith.constant 0.693147182 : f32
      %parallel_loop3A_205 = vector.broadcast %parallel_loop3A_204 : f32 to vector<16xf32>
      %parallel_loop3A_206 = arith.mulf %parallel_loop3A_181, %parallel_loop3A_205 : vector<16xf32>
      %parallel_loop3A_207 = arith.mulf %parallel_loop3A_188, %parallel_loop3A_203 : vector<16xf32>
      %parallel_loop3A_208 = arith.addf %parallel_loop3A_206, %parallel_loop3A_207 : vector<16xf32>
      %parallel_loop3A_209 = arith.constant 0.000000e+00 : f32
      %parallel_loop3A_210 = vector.broadcast %parallel_loop3A_209 : f32 to vector<16xf32>
      %parallel_loop3A_211 = arith.cmpf olt, %parallel_loop3A_69, %parallel_loop3A_210 : vector<16xf32>
      %parallel_loop3A_212 = arith.constant 1.000000e+00 : f32
      %parallel_loop3A_213 = vector.broadcast %parallel_loop3A_212 : f32 to vector<16xf32>
      %parallel_loop3A_214 = arith.cmpf ogt, %parallel_loop3A_69, %parallel_loop3A_213 : vector<16xf32>
      %parallel_loop3A_215 = arith.ori %parallel_loop3A_211, %parallel_loop3A_214 : vector<16xi1>
      %parallel_loop3A_216 = arith.select %parallel_loop3A_215, %parallel_loop3A_69, %parallel_loop3A_140 : vector<16xi1>, vector<16xf32>
      %parallel_loop3A_217 = arith.index_cast %parallel_loop3A_64 : i32 to index
      %parallel_loop3A_218 = arith.index_cast %parallel_loop3A_66 : i32 to index
      %parallel_loop3A_219 = tpu.vector_load %arg17[%parallel_loop3A_217, %parallel_loop3A_218] {strides = array<i32>} : memref<32x256xf32, #tpu.memory_space<vmem>>, vector<16xf32>,
      tpu.vector_store %arg17[%parallel_loop3A_217, %parallel_loop3A_218], %parallel_loop3A_216 {strides = array<i32>} : memref<32x256xf32, #tpu.memory_space<vmem>>, vector<16xf32>,
      %parallel_loop3A_220 = arith.constant 0.000000e+00 : f32
      %parallel_loop3A_221 = vector.broadcast %parallel_loop3A_220 : f32 to vector<16xf32>
      %parallel_loop3A_222 = arith.select %parallel_loop3A_215, %parallel_loop3A_221, %parallel_loop3A_208 : vector<16xi1>, vector<16xf32>
      %parallel_loop3A_223 = arith.index_cast %parallel_loop3A_64 : i32 to index
      %parallel_loop3A_224 = arith.index_cast %parallel_loop3A_66 : i32 to index
      %parallel_loop3A_225 = tpu.vector_load %arg19[%parallel_loop3A_223, %parallel_loop3A_224] {strides = array<i32>} : memref<32x256xf32, #tpu.memory_space<vmem>>, vector<16xf32>,
      tpu.vector_store %arg19[%parallel_loop3A_223, %parallel_loop3A_224], %parallel_loop3A_222 {strides = array<i32>} : memref<32x256xf32, #tpu.memory_space<vmem>>, vector<16xf32>,
    } {sc.loop_unroll_factor = 4 : i64, sc.parallel_access}
    %add3A_19 = arith.constant 0 : i32
    %add3A_20 = arith.addi %mul3A_2, %add3A_19 : i32
    %dma_start3A_21 = arith.constant 0 : i32
    %dma_start3A_22 = tpu.memref_slice %arg8[%add3A_20, %dma_start3A_21] : memref<2048x256xf32, #tpu.memory_space<hbm>> -> memref<32x256xf32, #tpu.memory_space<hbm>>
    %dma_start3A_23 = arith.constant 0 : i32
    %dma_start3A_24 = tpu.memref_slice %arg8[%add3A_20, %dma_start3A_23] : memref<2048x256xf32, #tpu.memory_space<hbm>> -> memref<32x256xf32, #tpu.memory_space<hbm>>
    tpu.enqueue_dma source(%arg17 : memref<32x256xf32, #tpu.memory_space<vmem>>) target(%dma_start3A_24 : memref<32x256xf32, #tpu.memory_space<hbm>>) target_semaphore(%arg24 : memref<!tpu.dma_semaphore, #tpu.memory_space<semaphore_mem>>)
    %dma_start3A_25 = arith.constant 0 : i32
    %dma_start3A_26 = tpu.memref_slice %arg9[%add3A_20, %dma_start3A_25] : memref<2048x256xf32, #tpu.memory_space<hbm>> -> memref<32x256xf32, #tpu.memory_space<hbm>>
    %dma_start3A_27 = arith.constant 0 : i32
    %dma_start3A_28 = tpu.memref_slice %arg9[%add3A_20, %dma_start3A_27] : memref<2048x256xf32, #tpu.memory_space<hbm>> -> memref<32x256xf32, #tpu.memory_space<hbm>>
    tpu.enqueue_dma source(%arg19 : memref<32x256xf32, #tpu.memory_space<vmem>>) target(%dma_start3A_28 : memref<32x256xf32, #tpu.memory_space<hbm>>) target_semaphore(%arg26 : memref<!tpu.dma_semaphore, #tpu.memory_space<semaphore_mem>>)
    %dma_wait3A_29 = arith.constant 0 : i32
    %dma_wait3A_30 = tpu.memref_slice %arg2[%add3A_9, %dma_wait3A_29] : memref<4096x256xf32, #tpu.memory_space<hbm>> -> memref<32x256xf32, #tpu.memory_space<hbm>>
    %dma_wait3A_31 = arith.constant 0 : i32
    %dma_wait3A_32 = tpu.memref_slice %arg2[%add3A_9, %dma_wait3A_31] : memref<4096x256xf32, #tpu.memory_space<hbm>> -> memref<32x256xf32, #tpu.memory_space<hbm>>
    tpu.wait_dma2 semaphore(%arg23 : memref<!tpu.dma_semaphore, #tpu.memory_space<semaphore_mem>>) src(%dma_wait3A_32 : memref<32x256xf32, #tpu.memory_space<hbm>>) dst(%arg16 : memref<32x256xf32, #tpu.memory_space<vmem>>)
    %parallel_loop3A_33 = arith.constant 0 : i32
    %parallel_loop3A_34 = arith.constant 8192 : i32
    %parallel_loop3A_35 = arith.constant 16 : i32
    scf.for %parallel_loop3A_62 = %parallel_loop3A_33 to %parallel_loop3A_34 step %parallel_loop3A_35  : i32 {
      %parallel_loop3A_63 = arith.constant 8 : i32
      %parallel_loop3A_64 = arith.shrui %parallel_loop3A_62, %parallel_loop3A_63 : i32
      %parallel_loop3A_65 = arith.constant 255 : i32
      %parallel_loop3A_66 = arith.andi %parallel_loop3A_62, %parallel_loop3A_65 : i32
      %parallel_loop3A_67 = arith.index_cast %parallel_loop3A_64 : i32 to index
      %parallel_loop3A_68 = arith.index_cast %parallel_loop3A_66 : i32 to index
      %parallel_loop3A_69 = tpu.vector_load %arg16[%parallel_loop3A_67, %parallel_loop3A_68] {strides = array<i32>} : memref<32x256xf32, #tpu.memory_space<vmem>>, vector<16xf32>,
      %parallel_loop3A_70 = tpu.iota {dimensions = array<i32: 0>} : vector<16xi32>
      %parallel_loop3A_71 = vector.broadcast %parallel_loop3A_66 : i32 to vector<16xi32>
      %parallel_loop3A_72 = arith.addi %parallel_loop3A_71, %parallel_loop3A_70 : vector<16xi32>
      %parallel_loop3A_73 = arith.constant 0.000000e+00 : f32
      %parallel_loop3A_74 = arith.constant 1.000000e+00 : f32
      %parallel_loop3A_75 = vector.broadcast %parallel_loop3A_73 : f32 to vector<16xf32>
      %parallel_loop3A_76 = arith.maximumf %parallel_loop3A_75, %parallel_loop3A_69 : vector<16xf32>
      %parallel_loop3A_77 = vector.broadcast %parallel_loop3A_74 : f32 to vector<16xf32>
      %parallel_loop3A_78 = arith.minimumf %parallel_loop3A_77, %parallel_loop3A_76 : vector<16xf32>
      %parallel_loop3A_79 = arith.constant 0 : i32
      %parallel_loop3A_80 = vector.broadcast %parallel_loop3A_79 : i32 to vector<16xi32>
      %parallel_loop3A_81 = arith.constant 16 : i32
      %parallel_loop3A_82 = vector.broadcast %parallel_loop3A_81 : i32 to vector<16xi32>
      %parallel_loop3A_83 = arith.addi %parallel_loop3A_80, %parallel_loop3A_82 : vector<16xi32>
      %parallel_loop3A_84 = tpu.vector_load_idx %arg10[%parallel_loop3A_83, %parallel_loop3A_72] : memref<33x256xf32, #tpu.memory_space<vmem>>[vector<16xi32>, vector<16xi32>], vector<16xf32>,
      %parallel_loop3A_85 = arith.cmpf oge, %parallel_loop3A_78, %parallel_loop3A_84 : vector<16xf32>
      %parallel_loop3A_86 = arith.select %parallel_loop3A_85, %parallel_loop3A_83, %parallel_loop3A_80 : vector<16xi1>, vector<16xi32>
      %parallel_loop3A_87 = arith.constant 8 : i32
      %parallel_loop3A_88 = vector.broadcast %parallel_loop3A_87 : i32 to vector<16xi32>
      %parallel_loop3A_89 = arith.addi %parallel_loop3A_86, %parallel_loop3A_88 : vector<16xi32>
      %parallel_loop3A_90 = tpu.vector_load_idx %arg10[%parallel_loop3A_89, %parallel_loop3A_72] : memref<33x256xf32, #tpu.memory_space<vmem>>[vector<16xi32>, vector<16xi32>], vector<16xf32>,
      %parallel_loop3A_91 = arith.cmpf oge, %parallel_loop3A_78, %parallel_loop3A_90 : vector<16xf32>
      %parallel_loop3A_92 = arith.select %parallel_loop3A_91, %parallel_loop3A_89, %parallel_loop3A_86 : vector<16xi1>, vector<16xi32>
      %parallel_loop3A_93 = arith.constant 4 : i32
      %parallel_loop3A_94 = vector.broadcast %parallel_loop3A_93 : i32 to vector<16xi32>
      %parallel_loop3A_95 = arith.addi %parallel_loop3A_92, %parallel_loop3A_94 : vector<16xi32>
      %parallel_loop3A_96 = tpu.vector_load_idx %arg10[%parallel_loop3A_95, %parallel_loop3A_72] : memref<33x256xf32, #tpu.memory_space<vmem>>[vector<16xi32>, vector<16xi32>], vector<16xf32>,
      %parallel_loop3A_97 = arith.cmpf oge, %parallel_loop3A_78, %parallel_loop3A_96 : vector<16xf32>
      %parallel_loop3A_98 = arith.select %parallel_loop3A_97, %parallel_loop3A_95, %parallel_loop3A_92 : vector<16xi1>, vector<16xi32>
      %parallel_loop3A_99 = arith.constant 2 : i32
      %parallel_loop3A_100 = vector.broadcast %parallel_loop3A_99 : i32 to vector<16xi32>
      %parallel_loop3A_101 = arith.addi %parallel_loop3A_98, %parallel_loop3A_100 : vector<16xi32>
      %parallel_loop3A_102 = tpu.vector_load_idx %arg10[%parallel_loop3A_101, %parallel_loop3A_72] : memref<33x256xf32, #tpu.memory_space<vmem>>[vector<16xi32>, vector<16xi32>], vector<16xf32>,
      %parallel_loop3A_103 = arith.cmpf oge, %parallel_loop3A_78, %parallel_loop3A_102 : vector<16xf32>
      %parallel_loop3A_104 = arith.select %parallel_loop3A_103, %parallel_loop3A_101, %parallel_loop3A_98 : vector<16xi1>, vector<16xi32>
      %parallel_loop3A_105 = arith.constant 1 : i32
      %parallel_loop3A_106 = vector.broadcast %parallel_loop3A_105 : i32 to vector<16xi32>
      %parallel_loop3A_107 = arith.addi %parallel_loop3A_104, %parallel_loop3A_106 : vector<16xi32>
      %parallel_loop3A_108 = tpu.vector_load_idx %arg10[%parallel_loop3A_107, %parallel_loop3A_72] : memref<33x256xf32, #tpu.memory_space<vmem>>[vector<16xi32>, vector<16xi32>], vector<16xf32>,
      %parallel_loop3A_109 = arith.cmpf oge, %parallel_loop3A_78, %parallel_loop3A_108 : vector<16xf32>
      %parallel_loop3A_110 = arith.select %parallel_loop3A_109, %parallel_loop3A_107, %parallel_loop3A_104 : vector<16xi1>, vector<16xi32>
      %parallel_loop3A_111 = tpu.vector_load_idx %arg10[%parallel_loop3A_110, %parallel_loop3A_72] : memref<33x256xf32, #tpu.memory_space<vmem>>[vector<16xi32>, vector<16xi32>], vector<16xf32>,
      %parallel_loop3A_112 = tpu.vector_load_idx %arg11[%parallel_loop3A_110, %parallel_loop3A_72] : memref<32x256xf32, #tpu.memory_space<vmem>>[vector<16xi32>, vector<16xi32>], vector<16xf32>,
      %parallel_loop3A_113 = tpu.vector_load_idx %arg12[%parallel_loop3A_110, %parallel_loop3A_72] : memref<32x256xf32, #tpu.memory_space<vmem>>[vector<16xi32>, vector<16xi32>], vector<16xf32>,
      %parallel_loop3A_114 = tpu.vector_load_idx %arg13[%parallel_loop3A_110, %parallel_loop3A_72] : memref<32x256xf32, #tpu.memory_space<vmem>>[vector<16xi32>, vector<16xi32>], vector<16xf32>,
      %parallel_loop3A_115 = tpu.vector_load_idx %arg14[%parallel_loop3A_110, %parallel_loop3A_72] : memref<33x256xf32, #tpu.memory_space<vmem>>[vector<16xi32>, vector<16xi32>], vector<16xf32>,
      %parallel_loop3A_116 = arith.constant 1 : i32
      %parallel_loop3A_117 = vector.broadcast %parallel_loop3A_116 : i32 to vector<16xi32>
      %parallel_loop3A_118 = arith.addi %parallel_loop3A_110, %parallel_loop3A_117 : vector<16xi32>
      %parallel_loop3A_119 = tpu.vector_load_idx %arg14[%parallel_loop3A_118, %parallel_loop3A_72] : memref<33x256xf32, #tpu.memory_space<vmem>>[vector<16xi32>, vector<16xi32>], vector<16xf32>,
      %parallel_loop3A_120 = arith.mulf %parallel_loop3A_114, %parallel_loop3A_112 : vector<16xf32>
      %parallel_loop3A_121 = arith.subf %parallel_loop3A_78, %parallel_loop3A_111 : vector<16xf32>
      %parallel_loop3A_122 = arith.mulf %parallel_loop3A_121, %parallel_loop3A_112 : vector<16xf32>
      %parallel_loop3A_123 = arith.constant 1.000000e+00 : f32
      %parallel_loop3A_124 = vector.broadcast %parallel_loop3A_123 : f32 to vector<16xf32>
      %parallel_loop3A_125 = arith.subf %parallel_loop3A_124, %parallel_loop3A_122 : vector<16xf32>
      %parallel_loop3A_126 = arith.mulf %parallel_loop3A_122, %parallel_loop3A_125 : vector<16xf32>
      %parallel_loop3A_127 = arith.mulf %parallel_loop3A_122, %parallel_loop3A_122 : vector<16xf32>
      %parallel_loop3A_128 = arith.mulf %parallel_loop3A_120, %parallel_loop3A_127 : vector<16xf32>
      %parallel_loop3A_129 = arith.mulf %parallel_loop3A_115, %parallel_loop3A_126 : vector<16xf32>
      %parallel_loop3A_130 = arith.addf %parallel_loop3A_128, %parallel_loop3A_129 : vector<16xf32>
      %parallel_loop3A_131 = arith.mulf %parallel_loop3A_114, %parallel_loop3A_130 : vector<16xf32>
      %parallel_loop3A_132 = arith.addf %parallel_loop3A_115, %parallel_loop3A_119 : vector<16xf32>
      %parallel_loop3A_133 = arith.constant 2.000000e+00 : f32
      %parallel_loop3A_134 = vector.broadcast %parallel_loop3A_133 : f32 to vector<16xf32>
      %parallel_loop3A_135 = arith.mulf %parallel_loop3A_134, %parallel_loop3A_120 : vector<16xf32>
      %parallel_loop3A_136 = arith.subf %parallel_loop3A_132, %parallel_loop3A_135 : vector<16xf32>
      %parallel_loop3A_137 = arith.mulf %parallel_loop3A_136, %parallel_loop3A_126 : vector<16xf32>
      %parallel_loop3A_138 = arith.addf %parallel_loop3A_120, %parallel_loop3A_137 : vector<16xf32>
      %parallel_loop3A_139 = arith.divf %parallel_loop3A_131, %parallel_loop3A_138 : vector<16xf32>
      %parallel_loop3A_140 = arith.addf %parallel_loop3A_113, %parallel_loop3A_139 : vector<16xf32>
      %parallel_loop3A_141 = arith.mulf %parallel_loop3A_120, %parallel_loop3A_120 : vector<16xf32>
      %parallel_loop3A_142 = arith.mulf %parallel_loop3A_119, %parallel_loop3A_127 : vector<16xf32>
      %parallel_loop3A_143 = arith.constant 2.000000e+00 : f32
      %parallel_loop3A_144 = vector.broadcast %parallel_loop3A_143 : f32 to vector<16xf32>
      %parallel_loop3A_145 = arith.mulf %parallel_loop3A_144, %parallel_loop3A_120 : vector<16xf32>
      %parallel_loop3A_146 = arith.mulf %parallel_loop3A_145, %parallel_loop3A_126 : vector<16xf32>
      %parallel_loop3A_147 = arith.addf %parallel_loop3A_142, %parallel_loop3A_146 : vector<16xf32>
      %parallel_loop3A_148 = arith.mulf %parallel_loop3A_115, %parallel_loop3A_125 : vector<16xf32>
      %parallel_loop3A_149 = arith.mulf %parallel_loop3A_148, %parallel_loop3A_125 : vector<16xf32>
      %parallel_loop3A_150 = arith.addf %parallel_loop3A_147, %parallel_loop3A_149 : vector<16xf32>
      %parallel_loop3A_151 = arith.mulf %parallel_loop3A_141, %parallel_loop3A_150 : vector<16xf32>
      %parallel_loop3A_152 = arith.mulf %parallel_loop3A_138, %parallel_loop3A_138 : vector<16xf32>
      %parallel_loop3A_153 = arith.divf %parallel_loop3A_151, %parallel_loop3A_152 : vector<16xf32>
      %parallel_loop3A_154 = vector.bitcast %parallel_loop3A_153 : vector<16xf32> to vector<16xi32>
      %parallel_loop3A_155 = arith.constant 23 : i32
      %parallel_loop3A_156 = vector.broadcast %parallel_loop3A_155 : i32 to vector<16xi32>
      %parallel_loop3A_157 = arith.shrui %parallel_loop3A_154, %parallel_loop3A_156 : vector<16xi32>
      %parallel_loop3A_158 = arith.constant 127 : i32
      %parallel_loop3A_159 = vector.broadcast %parallel_loop3A_158 : i32 to vector<16xi32>
      %parallel_loop3A_160 = arith.subi %parallel_loop3A_157, %parallel_loop3A_159 : vector<16xi32>
      %parallel_loop3A_161 = arith.constant 8388607 : i32
      %parallel_loop3A_162 = vector.broadcast %parallel_loop3A_161 : i32 to vector<16xi32>
      %parallel_loop3A_163 = arith.andi %parallel_loop3A_154, %parallel_loop3A_162 : vector<16xi32>
      %parallel_loop3A_164 = arith.constant 1065353216 : i32
      %parallel_loop3A_165 = vector.broadcast %parallel_loop3A_164 : i32 to vector<16xi32>
      %parallel_loop3A_166 = arith.ori %parallel_loop3A_163, %parallel_loop3A_165 : vector<16xi32>
      %parallel_loop3A_167 = vector.bitcast %parallel_loop3A_166 : vector<16xi32> to vector<16xf32>
      %parallel_loop3A_168 = arith.constant 1.41421354 : f32
      %parallel_loop3A_169 = vector.broadcast %parallel_loop3A_168 : f32 to vector<16xf32>
      %parallel_loop3A_170 = arith.cmpf ogt, %parallel_loop3A_167, %parallel_loop3A_169 : vector<16xf32>
      %parallel_loop3A_171 = arith.constant 5.000000e-01 : f32
      %parallel_loop3A_172 = vector.broadcast %parallel_loop3A_171 : f32 to vector<16xf32>
      %parallel_loop3A_173 = arith.mulf %parallel_loop3A_167, %parallel_loop3A_172 : vector<16xf32>
      %parallel_loop3A_174 = arith.select %parallel_loop3A_170, %parallel_loop3A_173, %parallel_loop3A_167 : vector<16xi1>, vector<16xf32>
      %parallel_loop3A_175 = arith.sitofp %parallel_loop3A_160 : vector<16xi32> to vector<16xf32>
      %parallel_loop3A_176 = arith.constant 1.000000e+00 : f32
      %parallel_loop3A_177 = arith.constant 0.000000e+00 : f32
      %parallel_loop3A_178 = vector.broadcast %parallel_loop3A_176 : f32 to vector<16xf32>
      %parallel_loop3A_179 = vector.broadcast %parallel_loop3A_177 : f32 to vector<16xf32>
      %parallel_loop3A_180 = arith.select %parallel_loop3A_170, %parallel_loop3A_178, %parallel_loop3A_179 : vector<16xi1>, vector<16xf32>
      %parallel_loop3A_181 = arith.addf %parallel_loop3A_175, %parallel_loop3A_180 : vector<16xf32>
      %parallel_loop3A_182 = arith.constant 1.000000e+00 : f32
      %parallel_loop3A_183 = vector.broadcast %parallel_loop3A_182 : f32 to vector<16xf32>
      %parallel_loop3A_184 = arith.subf %parallel_loop3A_174, %parallel_loop3A_183 : vector<16xf32>
      %parallel_loop3A_185 = arith.constant 2.000000e+00 : f32
      %parallel_loop3A_186 = vector.broadcast %parallel_loop3A_185 : f32 to vector<16xf32>
      %parallel_loop3A_187 = arith.addf %parallel_loop3A_186, %parallel_loop3A_184 : vector<16xf32>
      %parallel_loop3A_188 = arith.divf %parallel_loop3A_184, %parallel_loop3A_187 : vector<16xf32>
      %parallel_loop3A_189 = arith.mulf %parallel_loop3A_188, %parallel_loop3A_188 : vector<16xf32>
      %parallel_loop3A_190 = arith.constant 0.285714298 : f32
      %parallel_loop3A_191 = vector.broadcast %parallel_loop3A_190 : f32 to vector<16xf32>
      %parallel_loop3A_192 = arith.mulf %parallel_loop3A_189, %parallel_loop3A_191 : vector<16xf32>
      %parallel_loop3A_193 = arith.constant 4.000000e-01 : f32
      %parallel_loop3A_194 = vector.broadcast %parallel_loop3A_193 : f32 to vector<16xf32>
      %parallel_loop3A_195 = arith.addf %parallel_loop3A_194, %parallel_loop3A_192 : vector<16xf32>
      %parallel_loop3A_196 = arith.mulf %parallel_loop3A_189, %parallel_loop3A_195 : vector<16xf32>
      %parallel_loop3A_197 = arith.constant 0.666666686 : f32
      %parallel_loop3A_198 = vector.broadcast %parallel_loop3A_197 : f32 to vector<16xf32>
      %parallel_loop3A_199 = arith.addf %parallel_loop3A_198, %parallel_loop3A_196 : vector<16xf32>
      %parallel_loop3A_200 = arith.mulf %parallel_loop3A_189, %parallel_loop3A_199 : vector<16xf32>
      %parallel_loop3A_201 = arith.constant 2.000000e+00 : f32
      %parallel_loop3A_202 = vector.broadcast %parallel_loop3A_201 : f32 to vector<16xf32>
      %parallel_loop3A_203 = arith.addf %parallel_loop3A_202, %parallel_loop3A_200 : vector<16xf32>
      %parallel_loop3A_204 = arith.constant 0.693147182 : f32
      %parallel_loop3A_205 = vector.broadcast %parallel_loop3A_204 : f32 to vector<16xf32>
      %parallel_loop3A_206 = arith.mulf %parallel_loop3A_181, %parallel_loop3A_205 : vector<16xf32>
      %parallel_loop3A_207 = arith.mulf %parallel_loop3A_188, %parallel_loop3A_203 : vector<16xf32>
      %parallel_loop3A_208 = arith.addf %parallel_loop3A_206, %parallel_loop3A_207 : vector<16xf32>
      %parallel_loop3A_209 = arith.constant 0.000000e+00 : f32
      %parallel_loop3A_210 = vector.broadcast %parallel_loop3A_209 : f32 to vector<16xf32>
      %parallel_loop3A_211 = arith.cmpf olt, %parallel_loop3A_69, %parallel_loop3A_210 : vector<16xf32>
      %parallel_loop3A_212 = arith.constant 1.000000e+00 : f32
      %parallel_loop3A_213 = vector.broadcast %parallel_loop3A_212 : f32 to vector<16xf32>
      %parallel_loop3A_214 = arith.cmpf ogt, %parallel_loop3A_69, %parallel_loop3A_213 : vector<16xf32>
      %parallel_loop3A_215 = arith.ori %parallel_loop3A_211, %parallel_loop3A_214 : vector<16xi1>
      %parallel_loop3A_216 = arith.select %parallel_loop3A_215, %parallel_loop3A_69, %parallel_loop3A_140 : vector<16xi1>, vector<16xf32>
      %parallel_loop3A_217 = arith.index_cast %parallel_loop3A_64 : i32 to index
      %parallel_loop3A_218 = arith.index_cast %parallel_loop3A_66 : i32 to index
      %parallel_loop3A_219 = tpu.vector_load %arg18[%parallel_loop3A_217, %parallel_loop3A_218] {strides = array<i32>} : memref<32x256xf32, #tpu.memory_space<vmem>>, vector<16xf32>,
      tpu.vector_store %arg18[%parallel_loop3A_217, %parallel_loop3A_218], %parallel_loop3A_216 {strides = array<i32>} : memref<32x256xf32, #tpu.memory_space<vmem>>, vector<16xf32>,
      %parallel_loop3A_220 = arith.constant 0.000000e+00 : f32
      %parallel_loop3A_221 = vector.broadcast %parallel_loop3A_220 : f32 to vector<16xf32>
      %parallel_loop3A_222 = arith.select %parallel_loop3A_215, %parallel_loop3A_221, %parallel_loop3A_208 : vector<16xi1>, vector<16xf32>
      %parallel_loop3A_223 = arith.index_cast %parallel_loop3A_64 : i32 to index
      %parallel_loop3A_224 = arith.index_cast %parallel_loop3A_66 : i32 to index
      %parallel_loop3A_225 = tpu.vector_load %arg20[%parallel_loop3A_223, %parallel_loop3A_224] {strides = array<i32>} : memref<32x256xf32, #tpu.memory_space<vmem>>, vector<16xf32>,
      tpu.vector_store %arg20[%parallel_loop3A_223, %parallel_loop3A_224], %parallel_loop3A_222 {strides = array<i32>} : memref<32x256xf32, #tpu.memory_space<vmem>>, vector<16xf32>,
    } {sc.loop_unroll_factor = 4 : i64, sc.parallel_access}
    %add3A_36 = arith.constant 32 : i32
    %add3A_37 = arith.addi %mul3A_2, %add3A_36 : i32
    %dma_start3A_38 = arith.constant 0 : i32
    %dma_start3A_39 = tpu.memref_slice %arg8[%add3A_37, %dma_start3A_38] : memref<2048x256xf32, #tpu.memory_space<hbm>> -> memref<32x256xf32, #tpu.memory_space<hbm>>
    %dma_start3A_40 = arith.constant 0 : i32
    %dma_start3A_41 = tpu.memref_slice %arg8[%add3A_37, %dma_start3A_40] : memref<2048x256xf32, #tpu.memory_space<hbm>> -> memref<32x256xf32, #tpu.memory_space<hbm>>
    tpu.enqueue_dma source(%arg18 : memref<32x256xf32, #tpu.memory_space<vmem>>) target(%dma_start3A_41 : memref<32x256xf32, #tpu.memory_space<hbm>>) target_semaphore(%arg25 : memref<!tpu.dma_semaphore, #tpu.memory_space<semaphore_mem>>)
    %dma_start3A_42 = arith.constant 0 : i32
    %dma_start3A_43 = tpu.memref_slice %arg9[%add3A_37, %dma_start3A_42] : memref<2048x256xf32, #tpu.memory_space<hbm>> -> memref<32x256xf32, #tpu.memory_space<hbm>>
    %dma_start3A_44 = arith.constant 0 : i32
    %dma_start3A_45 = tpu.memref_slice %arg9[%add3A_37, %dma_start3A_44] : memref<2048x256xf32, #tpu.memory_space<hbm>> -> memref<32x256xf32, #tpu.memory_space<hbm>>
    tpu.enqueue_dma source(%arg20 : memref<32x256xf32, #tpu.memory_space<vmem>>) target(%dma_start3A_45 : memref<32x256xf32, #tpu.memory_space<hbm>>) target_semaphore(%arg27 : memref<!tpu.dma_semaphore, #tpu.memory_space<semaphore_mem>>)
    %dma_wait3A_46 = arith.constant 0 : i32
    %dma_wait3A_47 = tpu.memref_slice %arg8[%add3A_20, %dma_wait3A_46] : memref<2048x256xf32, #tpu.memory_space<hbm>> -> memref<32x256xf32, #tpu.memory_space<hbm>>
    %dma_wait3A_48 = arith.constant 0 : i32
    %dma_wait3A_49 = tpu.memref_slice %arg8[%add3A_20, %dma_wait3A_48] : memref<2048x256xf32, #tpu.memory_space<hbm>> -> memref<32x256xf32, #tpu.memory_space<hbm>>
    tpu.wait_dma2 semaphore(%arg24 : memref<!tpu.dma_semaphore, #tpu.memory_space<semaphore_mem>>) src(%arg17 : memref<32x256xf32, #tpu.memory_space<vmem>>) dst(%dma_wait3A_49 : memref<32x256xf32, #tpu.memory_space<hbm>>)
    %dma_wait3A_50 = arith.constant 0 : i32
    %dma_wait3A_51 = tpu.memref_slice %arg9[%add3A_20, %dma_wait3A_50] : memref<2048x256xf32, #tpu.memory_space<hbm>> -> memref<32x256xf32, #tpu.memory_space<hbm>>
    %dma_wait3A_52 = arith.constant 0 : i32
    %dma_wait3A_53 = tpu.memref_slice %arg9[%add3A_20, %dma_wait3A_52] : memref<2048x256xf32, #tpu.memory_space<hbm>> -> memref<32x256xf32, #tpu.memory_space<hbm>>
    tpu.wait_dma2 semaphore(%arg26 : memref<!tpu.dma_semaphore, #tpu.memory_space<semaphore_mem>>) src(%arg19 : memref<32x256xf32, #tpu.memory_space<vmem>>) dst(%dma_wait3A_53 : memref<32x256xf32, #tpu.memory_space<hbm>>)
    %dma_wait3A_54 = arith.constant 0 : i32
    %dma_wait3A_55 = tpu.memref_slice %arg8[%add3A_37, %dma_wait3A_54] : memref<2048x256xf32, #tpu.memory_space<hbm>> -> memref<32x256xf32, #tpu.memory_space<hbm>>
    %dma_wait3A_56 = arith.constant 0 : i32
    %dma_wait3A_57 = tpu.memref_slice %arg8[%add3A_37, %dma_wait3A_56] : memref<2048x256xf32, #tpu.memory_space<hbm>> -> memref<32x256xf32, #tpu.memory_space<hbm>>
    tpu.wait_dma2 semaphore(%arg25 : memref<!tpu.dma_semaphore, #tpu.memory_space<semaphore_mem>>) src(%arg18 : memref<32x256xf32, #tpu.memory_space<vmem>>) dst(%dma_wait3A_57 : memref<32x256xf32, #tpu.memory_space<hbm>>)
    %dma_wait3A_58 = arith.constant 0 : i32
    %dma_wait3A_59 = tpu.memref_slice %arg9[%add3A_37, %dma_wait3A_58] : memref<2048x256xf32, #tpu.memory_space<hbm>> -> memref<32x256xf32, #tpu.memory_space<hbm>>
    %dma_wait3A_60 = arith.constant 0 : i32
    %dma_wait3A_61 = tpu.memref_slice %arg9[%add3A_37, %dma_wait3A_60] : memref<2048x256xf32, #tpu.memory_space<hbm>> -> memref<32x256xf32, #tpu.memory_space<hbm>>
    tpu.wait_dma2 semaphore(%arg27 : memref<!tpu.dma_semaphore, #tpu.memory_space<semaphore_mem>>) src(%arg20 : memref<32x256xf32, #tpu.memory_space<vmem>>) dst(%dma_wait3A_61 : memref<32x256xf32, #tpu.memory_space<hbm>>)
    return
  }
}

module attributes {stable_mosaic.version = 14 : i64} {
  func.func @_tables_body(%arg0: memref<32x256xf32, #tpu.memory_space<vmem>>, %arg1: memref<32x256xf32, #tpu.memory_space<vmem>>, %arg2: memref<33x256xf32, #tpu.memory_space<vmem>>, %arg3: memref<33x256xf32, #tpu.memory_space<vmem>>, %arg4: memref<32x256xf32, #tpu.memory_space<vmem>>, %arg5: memref<32x256xf32, #tpu.memory_space<vmem>>, %arg6: memref<32x256xf32, #tpu.memory_space<vmem>>, %arg7: memref<33x256xf32, #tpu.memory_space<vmem>>) attributes {dimension_semantics = [], scalar_prefetch = 0 : i64, scratch_operands = 0 : i64, tpu.core_type = #tpu.core_type<tc>} {
    %iota3A = tpu.iota {dimensions = array<i32: 1>} : vector<33x32xi32>
    %iota3A_0 = tpu.iota {dimensions = array<i32: 0>} : vector<33x32xi32>
    %lt3A = arith.cmpi slt, %iota3A, %iota3A_0 : vector<33x32xi32>
    %convert_element_type3A = arith.extui %lt3A : vector<33x32xi1> to vector<33x32xi32>
    %convert_element_type3A_1 = arith.sitofp %convert_element_type3A : vector<33x32xi32> to vector<33x32xf32>
    %iota3A_2 = tpu.iota {dimensions = array<i32: 0>} : vector<33x256xi32>
    %get3A = arith.constant 0 : index
    %get3A_3 = arith.constant 0 : index
    %get3A_4 = vector.load %arg0[%get3A, %get3A_3] : memref<32x256xf32, #tpu.memory_space<vmem>>, vector<32x256xf32>
    %reduce_max3A = arith.constant dense<0xFF800000> : vector<256xf32>
    %reduce_max3A_5 = vector.multi_reduction <maximumf>, %get3A_4, %reduce_max3A [0] : vector<32x256xf32> to vector<256xf32>
    %max3A = arith.constant 0xFF800000 : f32
    %max3A_6 = vector.broadcast %max3A : f32 to vector<256xf32>
    %max3A_7 = arith.maximumf %max3A_6, %reduce_max3A_5 : vector<256xf32>
    %broadcast_in_dim3A = vector.shape_cast %max3A_7 : vector<256xf32> to vector<1x256xf32>
    %sub3A = vector.broadcast %broadcast_in_dim3A : vector<1x256xf32> to vector<32x256xf32>
    %sub3A_8 = arith.subf %get3A_4, %sub3A : vector<32x256xf32>
    %exp3A = math.exp %sub3A_8 : vector<32x256xf32>
    %reduce_sum3A = arith.constant dense<0.000000e+00> : vector<256xf32>
    %reduce_sum3A_9 = vector.multi_reduction <add>, %exp3A, %reduce_sum3A [0] : vector<32x256xf32> to vector<256xf32>
    %broadcast_in_dim3A_10 = vector.shape_cast %reduce_sum3A_9 : vector<256xf32> to vector<1x256xf32>
    %div3A = vector.broadcast %broadcast_in_dim3A_10 : vector<1x256xf32> to vector<32x256xf32>
    %div3A_11 = arith.divf %exp3A, %div3A : vector<32x256xf32>
    %mul3A = arith.constant 0.967999994 : f32
    %mul3A_12 = vector.broadcast %mul3A : f32 to vector<32x256xf32>
    %mul3A_13 = arith.mulf %mul3A_12, %div3A_11 : vector<32x256xf32>
    %add3A = arith.constant 1.000000e-03 : f32
    %add3A_14 = vector.broadcast %add3A : f32 to vector<32x256xf32>
    %add3A_15 = arith.addf %add3A_14, %mul3A_13 : vector<32x256xf32>
    %dot_general3A = arith.constant dense<0.000000e+00> : vector<33x256xf32>
    %dot_general3A_16 = tpu.matmul %convert_element_type3A_1, %add3A_15, %dot_general3A {dimension_numbers = #tpu.dot_dimension_numbers<[1], [0], [0], [1], [0, 0, 1, 1], [], []>, precision = #tpu.contract_precision<fp32>, transpose_lhs_hint = false} : vector<33x32xf32>, vector<32x256xf32>, vector<33x256xf32> -> vector<33x256xf32>
    %eq3A = arith.constant 32 : i32
    %eq3A_17 = vector.broadcast %eq3A : i32 to vector<33x256xi32>
    %eq3A_18 = arith.cmpi eq, %iota3A_2, %eq3A_17 : vector<33x256xi32>
    %jit3A = arith.constant 1.000000e+00 : f32
    %broadcast_in_dim3A_19 = vector.broadcast %jit3A : f32 to vector<33x256xf32>
    %select_n3A = arith.select %eq3A_18, %broadcast_in_dim3A_19, %dot_general3A_16 : vector<33x256xi1>, vector<33x256xf32>
    %get3A_20 = arith.constant 0 : index
    %get3A_21 = arith.constant 0 : index
    %get3A_22 = vector.load %arg1[%get3A_20, %get3A_21] : memref<32x256xf32, #tpu.memory_space<vmem>>, vector<32x256xf32>
    %reduce_max3A_23 = arith.constant dense<0xFF800000> : vector<256xf32>
    %reduce_max3A_24 = vector.multi_reduction <maximumf>, %get3A_22, %reduce_max3A_23 [0] : vector<32x256xf32> to vector<256xf32>
    %max3A_25 = arith.constant 0xFF800000 : f32
    %max3A_26 = vector.broadcast %max3A_25 : f32 to vector<256xf32>
    %max3A_27 = arith.maximumf %max3A_26, %reduce_max3A_24 : vector<256xf32>
    %broadcast_in_dim3A_28 = vector.shape_cast %max3A_27 : vector<256xf32> to vector<1x256xf32>
    %sub3A_29 = vector.broadcast %broadcast_in_dim3A_28 : vector<1x256xf32> to vector<32x256xf32>
    %sub3A_30 = arith.subf %get3A_22, %sub3A_29 : vector<32x256xf32>
    %exp3A_31 = math.exp %sub3A_30 : vector<32x256xf32>
    %reduce_sum3A_32 = arith.constant dense<0.000000e+00> : vector<256xf32>
    %reduce_sum3A_33 = vector.multi_reduction <add>, %exp3A_31, %reduce_sum3A_32 [0] : vector<32x256xf32> to vector<256xf32>
    %broadcast_in_dim3A_34 = vector.shape_cast %reduce_sum3A_33 : vector<256xf32> to vector<1x256xf32>
    %div3A_35 = vector.broadcast %broadcast_in_dim3A_34 : vector<1x256xf32> to vector<32x256xf32>
    %div3A_36 = arith.divf %exp3A_31, %div3A_35 : vector<32x256xf32>
    %mul3A_37 = arith.constant 0.967999994 : f32
    %mul3A_38 = vector.broadcast %mul3A_37 : f32 to vector<32x256xf32>
    %mul3A_39 = arith.mulf %mul3A_38, %div3A_36 : vector<32x256xf32>
    %add3A_40 = arith.constant 1.000000e-03 : f32
    %add3A_41 = vector.broadcast %add3A_40 : f32 to vector<32x256xf32>
    %add3A_42 = arith.addf %add3A_41, %mul3A_39 : vector<32x256xf32>
    %dot_general3A_43 = arith.constant dense<0.000000e+00> : vector<33x256xf32>
    %dot_general3A_44 = tpu.matmul %convert_element_type3A_1, %add3A_42, %dot_general3A_43 {dimension_numbers = #tpu.dot_dimension_numbers<[1], [0], [0], [1], [0, 0, 1, 1], [], []>, precision = #tpu.contract_precision<fp32>, transpose_lhs_hint = false} : vector<33x32xf32>, vector<32x256xf32>, vector<33x256xf32> -> vector<33x256xf32>
    %eq3A_45 = arith.constant 32 : i32
    %eq3A_46 = vector.broadcast %eq3A_45 : i32 to vector<33x256xi32>
    %eq3A_47 = arith.cmpi eq, %iota3A_2, %eq3A_46 : vector<33x256xi32>
    %jit3A_48 = arith.constant 1.000000e+00 : f32
    %broadcast_in_dim3A_49 = vector.broadcast %jit3A_48 : f32 to vector<33x256xf32>
    %select_n3A_50 = arith.select %eq3A_47, %broadcast_in_dim3A_49, %dot_general3A_44 : vector<33x256xi1>, vector<33x256xf32>
    %swap3A = arith.constant 0 : index
    %swap3A_51 = arith.constant 0 : index
    %swap3A_52 = vector.load %arg3[%swap3A, %swap3A_51] : memref<33x256xf32, #tpu.memory_space<vmem>>, vector<33x256xf32>
    tpu.vector_store %arg3[%swap3A, %swap3A_51], %select_n3A {strides = array<i32>} : memref<33x256xf32, #tpu.memory_space<vmem>>, vector<33x256xf32>,
    %slice3A = vector.extract_strided_slice %select_n3A {offsets = [1, 0], sizes = [32, 256], strides = [1, 1]} : vector<33x256xf32> to vector<32x256xf32>
    %slice3A_53 = vector.extract_strided_slice %select_n3A {offsets = [0, 0], sizes = [32, 256], strides = [1, 1]} : vector<33x256xf32> to vector<32x256xf32>
    %sub3A_54 = arith.subf %slice3A, %slice3A_53 : vector<32x256xf32>
    %div3A_55 = arith.constant 1.000000e+00 : f32
    %div3A_56 = vector.broadcast %div3A_55 : f32 to vector<32x256xf32>
    %div3A_57 = arith.divf %div3A_56, %sub3A_54 : vector<32x256xf32>
    %swap3A_58 = arith.constant 0 : index
    %swap3A_59 = arith.constant 0 : index
    %swap3A_60 = vector.load %arg4[%swap3A_58, %swap3A_59] : memref<32x256xf32, #tpu.memory_space<vmem>>, vector<32x256xf32>
    tpu.vector_store %arg4[%swap3A_58, %swap3A_59], %div3A_57 {strides = array<i32>} : memref<32x256xf32, #tpu.memory_space<vmem>>, vector<32x256xf32>,
    %slice3A_61 = vector.extract_strided_slice %select_n3A_50 {offsets = [0, 0], sizes = [32, 256], strides = [1, 1]} : vector<33x256xf32> to vector<32x256xf32>
    %swap3A_62 = arith.constant 0 : index
    %swap3A_63 = arith.constant 0 : index
    %swap3A_64 = vector.load %arg5[%swap3A_62, %swap3A_63] : memref<32x256xf32, #tpu.memory_space<vmem>>, vector<32x256xf32>
    tpu.vector_store %arg5[%swap3A_62, %swap3A_63], %slice3A_61 {strides = array<i32>} : memref<32x256xf32, #tpu.memory_space<vmem>>, vector<32x256xf32>,
    %slice3A_65 = vector.extract_strided_slice %select_n3A_50 {offsets = [1, 0], sizes = [32, 256], strides = [1, 1]} : vector<33x256xf32> to vector<32x256xf32>
    %slice3A_66 = vector.extract_strided_slice %select_n3A_50 {offsets = [0, 0], sizes = [32, 256], strides = [1, 1]} : vector<33x256xf32> to vector<32x256xf32>
    %sub3A_67 = arith.subf %slice3A_65, %slice3A_66 : vector<32x256xf32>
    %swap3A_68 = arith.constant 0 : index
    %swap3A_69 = arith.constant 0 : index
    %swap3A_70 = vector.load %arg6[%swap3A_68, %swap3A_69] : memref<32x256xf32, #tpu.memory_space<vmem>>, vector<32x256xf32>
    tpu.vector_store %arg6[%swap3A_68, %swap3A_69], %sub3A_67 {strides = array<i32>} : memref<32x256xf32, #tpu.memory_space<vmem>>, vector<32x256xf32>,
    %get3A_71 = arith.constant 0 : index
    %get3A_72 = arith.constant 0 : index
    %get3A_73 = vector.load %arg2[%get3A_71, %get3A_72] : memref<33x256xf32, #tpu.memory_space<vmem>>, vector<33x256xf32>
    %exp3A_74 = math.exp %get3A_73 : vector<33x256xf32>
    %add3A_75 = arith.constant 1.000000e+00 : f32
    %add3A_76 = vector.broadcast %add3A_75 : f32 to vector<33x256xf32>
    %add3A_77 = arith.addf %add3A_76, %exp3A_74 : vector<33x256xf32>
    %log3A = math.log %add3A_77 : vector<33x256xf32>
    %add3A_78 = arith.constant 1.000000e-03 : f32
    %add3A_79 = vector.broadcast %add3A_78 : f32 to vector<33x256xf32>
    %add3A_80 = arith.addf %add3A_79, %log3A : vector<33x256xf32>
    %swap3A_81 = arith.constant 0 : index
    %swap3A_82 = arith.constant 0 : index
    %swap3A_83 = vector.load %arg7[%swap3A_81, %swap3A_82] : memref<33x256xf32, #tpu.memory_space<vmem>>, vector<33x256xf32>
    tpu.vector_store %arg7[%swap3A_81, %swap3A_82], %add3A_80 {strides = array<i32>} : memref<33x256xf32, #tpu.memory_space<vmem>>, vector<33x256xf32>,
    return
  }
}

module attributes {stable_mosaic.version = 14 : i64} {
  func.func @_tc_spline_body(%arg0: i32, %arg1: memref<512x256xf32, #tpu.memory_space<vmem>>, %arg2: memref<33x256xf32, #tpu.memory_space<vmem>>, %arg3: memref<32x256xf32, #tpu.memory_space<vmem>>, %arg4: memref<32x256xf32, #tpu.memory_space<vmem>>, %arg5: memref<32x256xf32, #tpu.memory_space<vmem>>, %arg6: memref<33x256xf32, #tpu.memory_space<vmem>>, %arg7: memref<512x256xf32, #tpu.memory_space<vmem>>, %arg8: memref<512x256xf32, #tpu.memory_space<vmem>>) attributes {dimension_semantics = [#tpu.dimension_semantics<arbitrary>], iteration_bounds = array<i64: 4>, scalar_prefetch = 0 : i64, scratch_operands = 0 : i64, tpu.core_type = #tpu.core_type<tc>, window_params = [{transform_indices = @transform_0, window_bounds = array<i64: 512, 256>}, {pipeline_mode = #tpu.pipeline_mode<synchronous>, transform_indices = @transform_1, window_bounds = array<i64: 33, 256>}, {pipeline_mode = #tpu.pipeline_mode<synchronous>, transform_indices = @transform_2, window_bounds = array<i64: 32, 256>}, {pipeline_mode = #tpu.pipeline_mode<synchronous>, transform_indices = @transform_3, window_bounds = array<i64: 32, 256>}, {pipeline_mode = #tpu.pipeline_mode<synchronous>, transform_indices = @transform_4, window_bounds = array<i64: 32, 256>}, {pipeline_mode = #tpu.pipeline_mode<synchronous>, transform_indices = @transform_5, window_bounds = array<i64: 33, 256>}, {transform_indices = @transform_6, window_bounds = array<i64: 512, 256>}, {transform_indices = @transform_7, window_bounds = array<i64: 512, 256>}]} {
    %get3A = arith.constant 0 : index
    %get3A_0 = arith.constant 0 : index
    %get3A_1 = vector.load %arg1[%get3A, %get3A_0] : memref<512x256xf32, #tpu.memory_space<vmem>>, vector<512x256xf32>
    %jit3A = arith.constant 0.000000e+00 : f32
    %jit3A_2 = arith.constant 1.000000e+00 : f32
    %max3A = vector.broadcast %jit3A : f32 to vector<512x256xf32>
    %max3A_3 = arith.maximumf %max3A, %get3A_1 : vector<512x256xf32>
    %min3A = vector.broadcast %jit3A_2 : f32 to vector<512x256xf32>
    %min3A_4 = arith.minimumf %min3A, %max3A_3 : vector<512x256xf32>
    %get3A_5 = arith.constant 0 : index
    %get3A_6 = arith.constant 0 : index
    %get3A_7 = vector.load %arg2[%get3A_5, %get3A_6] : memref<33x256xf32, #tpu.memory_space<vmem>>, vector<33x256xf32>
    %get3A_8 = arith.constant 0 : index
    %get3A_9 = arith.constant 0 : index
    %get3A_10 = vector.load %arg3[%get3A_8, %get3A_9] : memref<32x256xf32, #tpu.memory_space<vmem>>, vector<32x256xf32>
    %get3A_11 = arith.constant 0 : index
    %get3A_12 = arith.constant 0 : index
    %get3A_13 = vector.load %arg4[%get3A_11, %get3A_12] : memref<32x256xf32, #tpu.memory_space<vmem>>, vector<32x256xf32>
    %get3A_14 = arith.constant 0 : index
    %get3A_15 = arith.constant 0 : index
    %get3A_16 = vector.load %arg5[%get3A_14, %get3A_15] : memref<32x256xf32, #tpu.memory_space<vmem>>, vector<32x256xf32>
    %get3A_17 = arith.constant 0 : index
    %get3A_18 = arith.constant 0 : index
    %get3A_19 = vector.load %arg6[%get3A_17, %get3A_18] : memref<33x256xf32, #tpu.memory_space<vmem>>, vector<33x256xf32>
    %broadcast_in_dim3A = arith.constant 0.000000e+00 : f32
    %broadcast_in_dim3A_20 = vector.broadcast %broadcast_in_dim3A : f32 to vector<512x256xf32>
    %slice3A = vector.extract_strided_slice %get3A_10 {offsets = [0, 0], sizes = [1, 256], strides = [1, 1]} : vector<32x256xf32> to vector<1x256xf32>
    %squeeze3A = vector.shape_cast %slice3A : vector<1x256xf32> to vector<256xf32>
    %broadcast_in_dim3A_21 = vector.shape_cast %squeeze3A : vector<256xf32> to vector<1x256xf32>
    %broadcast_in_dim3A_22 = vector.broadcast %broadcast_in_dim3A_21 : vector<1x256xf32> to vector<512x256xf32>
    %slice3A_23 = vector.extract_strided_slice %get3A_13 {offsets = [0, 0], sizes = [1, 256], strides = [1, 1]} : vector<32x256xf32> to vector<1x256xf32>
    %squeeze3A_24 = vector.shape_cast %slice3A_23 : vector<1x256xf32> to vector<256xf32>
    %broadcast_in_dim3A_25 = vector.shape_cast %squeeze3A_24 : vector<256xf32> to vector<1x256xf32>
    %broadcast_in_dim3A_26 = vector.broadcast %broadcast_in_dim3A_25 : vector<1x256xf32> to vector<512x256xf32>
    %slice3A_27 = vector.extract_strided_slice %get3A_16 {offsets = [0, 0], sizes = [1, 256], strides = [1, 1]} : vector<32x256xf32> to vector<1x256xf32>
    %squeeze3A_28 = vector.shape_cast %slice3A_27 : vector<1x256xf32> to vector<256xf32>
    %broadcast_in_dim3A_29 = vector.shape_cast %squeeze3A_28 : vector<256xf32> to vector<1x256xf32>
    %broadcast_in_dim3A_30 = vector.broadcast %broadcast_in_dim3A_29 : vector<1x256xf32> to vector<512x256xf32>
    %slice3A_31 = vector.extract_strided_slice %get3A_19 {offsets = [0, 0], sizes = [1, 256], strides = [1, 1]} : vector<33x256xf32> to vector<1x256xf32>
    %squeeze3A_32 = vector.shape_cast %slice3A_31 : vector<1x256xf32> to vector<256xf32>
    %broadcast_in_dim3A_33 = vector.shape_cast %squeeze3A_32 : vector<256xf32> to vector<1x256xf32>
    %broadcast_in_dim3A_34 = vector.broadcast %broadcast_in_dim3A_33 : vector<1x256xf32> to vector<512x256xf32>
    %slice3A_35 = vector.extract_strided_slice %get3A_19 {offsets = [1, 0], sizes = [1, 256], strides = [1, 1]} : vector<33x256xf32> to vector<1x256xf32>
    %squeeze3A_36 = vector.shape_cast %slice3A_35 : vector<1x256xf32> to vector<256xf32>
    %broadcast_in_dim3A_37 = vector.shape_cast %squeeze3A_36 : vector<256xf32> to vector<1x256xf32>
    %broadcast_in_dim3A_38 = vector.broadcast %broadcast_in_dim3A_37 : vector<1x256xf32> to vector<512x256xf32>
    %slice3A_39 = vector.extract_strided_slice %get3A_7 {offsets = [1, 0], sizes = [1, 256], strides = [1, 1]} : vector<33x256xf32> to vector<1x256xf32>
    %squeeze3A_40 = vector.shape_cast %slice3A_39 : vector<1x256xf32> to vector<256xf32>
    %broadcast_in_dim3A_41 = vector.shape_cast %squeeze3A_40 : vector<256xf32> to vector<1x256xf32>
    %ge3A = vector.broadcast %broadcast_in_dim3A_41 : vector<1x256xf32> to vector<512x256xf32>
    %ge3A_42 = arith.cmpf oge, %min3A_4, %ge3A : vector<512x256xf32>
    %convert_element_type3A = arith.extui %ge3A_42 : vector<512x256xi1> to vector<512x256xi32>
    %convert_element_type3A_43 = arith.sitofp %convert_element_type3A : vector<512x256xi32> to vector<512x256xf32>
    %slice3A_44 = vector.extract_strided_slice %get3A_7 {offsets = [1, 0], sizes = [1, 256], strides = [1, 1]} : vector<33x256xf32> to vector<1x256xf32>
    %squeeze3A_45 = vector.shape_cast %slice3A_44 : vector<1x256xf32> to vector<256xf32>
    %slice3A_46 = vector.extract_strided_slice %get3A_7 {offsets = [0, 0], sizes = [1, 256], strides = [1, 1]} : vector<33x256xf32> to vector<1x256xf32>
    %squeeze3A_47 = vector.shape_cast %slice3A_46 : vector<1x256xf32> to vector<256xf32>
    %sub3A = arith.subf %squeeze3A_45, %squeeze3A_47 : vector<256xf32>
    %broadcast_in_dim3A_48 = vector.shape_cast %sub3A : vector<256xf32> to vector<1x256xf32>
    %mul3A = vector.broadcast %broadcast_in_dim3A_48 : vector<1x256xf32> to vector<512x256xf32>
    %mul3A_49 = arith.mulf %convert_element_type3A_43, %mul3A : vector<512x256xf32>
    %add3A = arith.addf %broadcast_in_dim3A_20, %mul3A_49 : vector<512x256xf32>
    %slice3A_50 = vector.extract_strided_slice %get3A_10 {offsets = [1, 0], sizes = [1, 256], strides = [1, 1]} : vector<32x256xf32> to vector<1x256xf32>
    %squeeze3A_51 = vector.shape_cast %slice3A_50 : vector<1x256xf32> to vector<256xf32>
    %slice3A_52 = vector.extract_strided_slice %get3A_10 {offsets = [0, 0], sizes = [1, 256], strides = [1, 1]} : vector<32x256xf32> to vector<1x256xf32>
    %squeeze3A_53 = vector.shape_cast %slice3A_52 : vector<1x256xf32> to vector<256xf32>
    %sub3A_54 = arith.subf %squeeze3A_51, %squeeze3A_53 : vector<256xf32>
    %broadcast_in_dim3A_55 = vector.shape_cast %sub3A_54 : vector<256xf32> to vector<1x256xf32>
    %mul3A_56 = vector.broadcast %broadcast_in_dim3A_55 : vector<1x256xf32> to vector<512x256xf32>
    %mul3A_57 = arith.mulf %convert_element_type3A_43, %mul3A_56 : vector<512x256xf32>
    %add3A_58 = arith.addf %broadcast_in_dim3A_22, %mul3A_57 : vector<512x256xf32>
    %slice3A_59 = vector.extract_strided_slice %get3A_13 {offsets = [1, 0], sizes = [1, 256], strides = [1, 1]} : vector<32x256xf32> to vector<1x256xf32>
    %squeeze3A_60 = vector.shape_cast %slice3A_59 : vector<1x256xf32> to vector<256xf32>
    %slice3A_61 = vector.extract_strided_slice %get3A_13 {offsets = [0, 0], sizes = [1, 256], strides = [1, 1]} : vector<32x256xf32> to vector<1x256xf32>
    %squeeze3A_62 = vector.shape_cast %slice3A_61 : vector<1x256xf32> to vector<256xf32>
    %sub3A_63 = arith.subf %squeeze3A_60, %squeeze3A_62 : vector<256xf32>
    %broadcast_in_dim3A_64 = vector.shape_cast %sub3A_63 : vector<256xf32> to vector<1x256xf32>
    %mul3A_65 = vector.broadcast %broadcast_in_dim3A_64 : vector<1x256xf32> to vector<512x256xf32>
    %mul3A_66 = arith.mulf %convert_element_type3A_43, %mul3A_65 : vector<512x256xf32>
    %add3A_67 = arith.addf %broadcast_in_dim3A_26, %mul3A_66 : vector<512x256xf32>
    %slice3A_68 = vector.extract_strided_slice %get3A_16 {offsets = [1, 0], sizes = [1, 256], strides = [1, 1]} : vector<32x256xf32> to vector<1x256xf32>
    %squeeze3A_69 = vector.shape_cast %slice3A_68 : vector<1x256xf32> to vector<256xf32>
    %slice3A_70 = vector.extract_strided_slice %get3A_16 {offsets = [0, 0], sizes = [1, 256], strides = [1, 1]} : vector<32x256xf32> to vector<1x256xf32>
    %squeeze3A_71 = vector.shape_cast %slice3A_70 : vector<1x256xf32> to vector<256xf32>
    %sub3A_72 = arith.subf %squeeze3A_69, %squeeze3A_71 : vector<256xf32>
    %broadcast_in_dim3A_73 = vector.shape_cast %sub3A_72 : vector<256xf32> to vector<1x256xf32>
    %mul3A_74 = vector.broadcast %broadcast_in_dim3A_73 : vector<1x256xf32> to vector<512x256xf32>
    %mul3A_75 = arith.mulf %convert_element_type3A_43, %mul3A_74 : vector<512x256xf32>
    %add3A_76 = arith.addf %broadcast_in_dim3A_30, %mul3A_75 : vector<512x256xf32>
    %slice3A_77 = vector.extract_strided_slice %get3A_19 {offsets = [1, 0], sizes = [1, 256], strides = [1, 1]} : vector<33x256xf32> to vector<1x256xf32>
    %squeeze3A_78 = vector.shape_cast %slice3A_77 : vector<1x256xf32> to vector<256xf32>
    %slice3A_79 = vector.extract_strided_slice %get3A_19 {offsets = [0, 0], sizes = [1, 256], strides = [1, 1]} : vector<33x256xf32> to vector<1x256xf32>
    %squeeze3A_80 = vector.shape_cast %slice3A_79 : vector<1x256xf32> to vector<256xf32>
    %sub3A_81 = arith.subf %squeeze3A_78, %squeeze3A_80 : vector<256xf32>
    %broadcast_in_dim3A_82 = vector.shape_cast %sub3A_81 : vector<256xf32> to vector<1x256xf32>
    %mul3A_83 = vector.broadcast %broadcast_in_dim3A_82 : vector<1x256xf32> to vector<512x256xf32>
    %mul3A_84 = arith.mulf %convert_element_type3A_43, %mul3A_83 : vector<512x256xf32>
    %add3A_85 = arith.addf %broadcast_in_dim3A_34, %mul3A_84 : vector<512x256xf32>
    %slice3A_86 = vector.extract_strided_slice %get3A_19 {offsets = [2, 0], sizes = [1, 256], strides = [1, 1]} : vector<33x256xf32> to vector<1x256xf32>
    %squeeze3A_87 = vector.shape_cast %slice3A_86 : vector<1x256xf32> to vector<256xf32>
    %slice3A_88 = vector.extract_strided_slice %get3A_19 {offsets = [1, 0], sizes = [1, 256], strides = [1, 1]} : vector<33x256xf32> to vector<1x256xf32>
    %squeeze3A_89 = vector.shape_cast %slice3A_88 : vector<1x256xf32> to vector<256xf32>
    %sub3A_90 = arith.subf %squeeze3A_87, %squeeze3A_89 : vector<256xf32>
    %broadcast_in_dim3A_91 = vector.shape_cast %sub3A_90 : vector<256xf32> to vector<1x256xf32>
    %mul3A_92 = vector.broadcast %broadcast_in_dim3A_91 : vector<1x256xf32> to vector<512x256xf32>
    %mul3A_93 = arith.mulf %convert_element_type3A_43, %mul3A_92 : vector<512x256xf32>
    %add3A_94 = arith.addf %broadcast_in_dim3A_38, %mul3A_93 : vector<512x256xf32>
    %slice3A_95 = vector.extract_strided_slice %get3A_7 {offsets = [2, 0], sizes = [1, 256], strides = [1, 1]} : vector<33x256xf32> to vector<1x256xf32>
    %squeeze3A_96 = vector.shape_cast %slice3A_95 : vector<1x256xf32> to vector<256xf32>
    %broadcast_in_dim3A_97 = vector.shape_cast %squeeze3A_96 : vector<256xf32> to vector<1x256xf32>
    %ge3A_98 = vector.broadcast %broadcast_in_dim3A_97 : vector<1x256xf32> to vector<512x256xf32>
    %ge3A_99 = arith.cmpf oge, %min3A_4, %ge3A_98 : vector<512x256xf32>
    %convert_element_type3A_100 = arith.extui %ge3A_99 : vector<512x256xi1> to vector<512x256xi32>
    %convert_element_type3A_101 = arith.sitofp %convert_element_type3A_100 : vector<512x256xi32> to vector<512x256xf32>
    %slice3A_102 = vector.extract_strided_slice %get3A_7 {offsets = [2, 0], sizes = [1, 256], strides = [1, 1]} : vector<33x256xf32> to vector<1x256xf32>
    %squeeze3A_103 = vector.shape_cast %slice3A_102 : vector<1x256xf32> to vector<256xf32>
    %slice3A_104 = vector.extract_strided_slice %get3A_7 {offsets = [1, 0], sizes = [1, 256], strides = [1, 1]} : vector<33x256xf32> to vector<1x256xf32>
    %squeeze3A_105 = vector.shape_cast %slice3A_104 : vector<1x256xf32> to vector<256xf32>
    %sub3A_106 = arith.subf %squeeze3A_103, %squeeze3A_105 : vector<256xf32>
    %broadcast_in_dim3A_107 = vector.shape_cast %sub3A_106 : vector<256xf32> to vector<1x256xf32>
    %mul3A_108 = vector.broadcast %broadcast_in_dim3A_107 : vector<1x256xf32> to vector<512x256xf32>
    %mul3A_109 = arith.mulf %convert_element_type3A_101, %mul3A_108 : vector<512x256xf32>
    %add3A_110 = arith.addf %add3A, %mul3A_109 : vector<512x256xf32>
    %slice3A_111 = vector.extract_strided_slice %get3A_10 {offsets = [2, 0], sizes = [1, 256], strides = [1, 1]} : vector<32x256xf32> to vector<1x256xf32>
    %squeeze3A_112 = vector.shape_cast %slice3A_111 : vector<1x256xf32> to vector<256xf32>
    %slice3A_113 = vector.extract_strided_slice %get3A_10 {offsets = [1, 0], sizes = [1, 256], strides = [1, 1]} : vector<32x256xf32> to vector<1x256xf32>
    %squeeze3A_114 = vector.shape_cast %slice3A_113 : vector<1x256xf32> to vector<256xf32>
    %sub3A_115 = arith.subf %squeeze3A_112, %squeeze3A_114 : vector<256xf32>
    %broadcast_in_dim3A_116 = vector.shape_cast %sub3A_115 : vector<256xf32> to vector<1x256xf32>
    %mul3A_117 = vector.broadcast %broadcast_in_dim3A_116 : vector<1x256xf32> to vector<512x256xf32>
    %mul3A_118 = arith.mulf %convert_element_type3A_101, %mul3A_117 : vector<512x256xf32>
    %add3A_119 = arith.addf %add3A_58, %mul3A_118 : vector<512x256xf32>
    %slice3A_120 = vector.extract_strided_slice %get3A_13 {offsets = [2, 0], sizes = [1, 256], strides = [1, 1]} : vector<32x256xf32> to vector<1x256xf32>
    %squeeze3A_121 = vector.shape_cast %slice3A_120 : vector<1x256xf32> to vector<256xf32>
    %slice3A_122 = vector.extract_strided_slice %get3A_13 {offsets = [1, 0], sizes = [1, 256], strides = [1, 1]} : vector<32x256xf32> to vector<1x256xf32>
    %squeeze3A_123 = vector.shape_cast %slice3A_122 : vector<1x256xf32> to vector<256xf32>
    %sub3A_124 = arith.subf %squeeze3A_121, %squeeze3A_123 : vector<256xf32>
    %broadcast_in_dim3A_125 = vector.shape_cast %sub3A_124 : vector<256xf32> to vector<1x256xf32>
    %mul3A_126 = vector.broadcast %broadcast_in_dim3A_125 : vector<1x256xf32> to vector<512x256xf32>
    %mul3A_127 = arith.mulf %convert_element_type3A_101, %mul3A_126 : vector<512x256xf32>
    %add3A_128 = arith.addf %add3A_67, %mul3A_127 : vector<512x256xf32>
    %slice3A_129 = vector.extract_strided_slice %get3A_16 {offsets = [2, 0], sizes = [1, 256], strides = [1, 1]} : vector<32x256xf32> to vector<1x256xf32>
    %squeeze3A_130 = vector.shape_cast %slice3A_129 : vector<1x256xf32> to vector<256xf32>
    %slice3A_131 = vector.extract_strided_slice %get3A_16 {offsets = [1, 0], sizes = [1, 256], strides = [1, 1]} : vector<32x256xf32> to vector<1x256xf32>
    %squeeze3A_132 = vector.shape_cast %slice3A_131 : vector<1x256xf32> to vector<256xf32>
    %sub3A_133 = arith.subf %squeeze3A_130, %squeeze3A_132 : vector<256xf32>
    %broadcast_in_dim3A_134 = vector.shape_cast %sub3A_133 : vector<256xf32> to vector<1x256xf32>
    %mul3A_135 = vector.broadcast %broadcast_in_dim3A_134 : vector<1x256xf32> to vector<512x256xf32>
    %mul3A_136 = arith.mulf %convert_element_type3A_101, %mul3A_135 : vector<512x256xf32>
    %add3A_137 = arith.addf %add3A_76, %mul3A_136 : vector<512x256xf32>
    %slice3A_138 = vector.extract_strided_slice %get3A_19 {offsets = [2, 0], sizes = [1, 256], strides = [1, 1]} : vector<33x256xf32> to vector<1x256xf32>
    %squeeze3A_139 = vector.shape_cast %slice3A_138 : vector<1x256xf32> to vector<256xf32>
    %slice3A_140 = vector.extract_strided_slice %get3A_19 {offsets = [1, 0], sizes = [1, 256], strides = [1, 1]} : vector<33x256xf32> to vector<1x256xf32>
    %squeeze3A_141 = vector.shape_cast %slice3A_140 : vector<1x256xf32> to vector<256xf32>
    %sub3A_142 = arith.subf %squeeze3A_139, %squeeze3A_141 : vector<256xf32>
    %broadcast_in_dim3A_143 = vector.shape_cast %sub3A_142 : vector<256xf32> to vector<1x256xf32>
    %mul3A_144 = vector.broadcast %broadcast_in_dim3A_143 : vector<1x256xf32> to vector<512x256xf32>
    %mul3A_145 = arith.mulf %convert_element_type3A_101, %mul3A_144 : vector<512x256xf32>
    %add3A_146 = arith.addf %add3A_85, %mul3A_145 : vector<512x256xf32>
    %slice3A_147 = vector.extract_strided_slice %get3A_19 {offsets = [3, 0], sizes = [1, 256], strides = [1, 1]} : vector<33x256xf32> to vector<1x256xf32>
    %squeeze3A_148 = vector.shape_cast %slice3A_147 : vector<1x256xf32> to vector<256xf32>
    %slice3A_149 = vector.extract_strided_slice %get3A_19 {offsets = [2, 0], sizes = [1, 256], strides = [1, 1]} : vector<33x256xf32> to vector<1x256xf32>
    %squeeze3A_150 = vector.shape_cast %slice3A_149 : vector<1x256xf32> to vector<256xf32>
    %sub3A_151 = arith.subf %squeeze3A_148, %squeeze3A_150 : vector<256xf32>
    %broadcast_in_dim3A_152 = vector.shape_cast %sub3A_151 : vector<256xf32> to vector<1x256xf32>
    %mul3A_153 = vector.broadcast %broadcast_in_dim3A_152 : vector<1x256xf32> to vector<512x256xf32>
    %mul3A_154 = arith.mulf %convert_element_type3A_101, %mul3A_153 : vector<512x256xf32>
    %add3A_155 = arith.addf %add3A_94, %mul3A_154 : vector<512x256xf32>
    %slice3A_156 = vector.extract_strided_slice %get3A_7 {offsets = [3, 0], sizes = [1, 256], strides = [1, 1]} : vector<33x256xf32> to vector<1x256xf32>
    %squeeze3A_157 = vector.shape_cast %slice3A_156 : vector<1x256xf32> to vector<256xf32>
    %broadcast_in_dim3A_158 = vector.shape_cast %squeeze3A_157 : vector<256xf32> to vector<1x256xf32>
    %ge3A_159 = vector.broadcast %broadcast_in_dim3A_158 : vector<1x256xf32> to vector<512x256xf32>
    %ge3A_160 = arith.cmpf oge, %min3A_4, %ge3A_159 : vector<512x256xf32>
    %convert_element_type3A_161 = arith.extui %ge3A_160 : vector<512x256xi1> to vector<512x256xi32>
    %convert_element_type3A_162 = arith.sitofp %convert_element_type3A_161 : vector<512x256xi32> to vector<512x256xf32>
    %slice3A_163 = vector.extract_strided_slice %get3A_7 {offsets = [3, 0], sizes = [1, 256], strides = [1, 1]} : vector<33x256xf32> to vector<1x256xf32>
    %squeeze3A_164 = vector.shape_cast %slice3A_163 : vector<1x256xf32> to vector<256xf32>
    %slice3A_165 = vector.extract_strided_slice %get3A_7 {offsets = [2, 0], sizes = [1, 256], strides = [1, 1]} : vector<33x256xf32> to vector<1x256xf32>
    %squeeze3A_166 = vector.shape_cast %slice3A_165 : vector<1x256xf32> to vector<256xf32>
    %sub3A_167 = arith.subf %squeeze3A_164, %squeeze3A_166 : vector<256xf32>
    %broadcast_in_dim3A_168 = vector.shape_cast %sub3A_167 : vector<256xf32> to vector<1x256xf32>
    %mul3A_169 = vector.broadcast %broadcast_in_dim3A_168 : vector<1x256xf32> to vector<512x256xf32>
    %mul3A_170 = arith.mulf %convert_element_type3A_162, %mul3A_169 : vector<512x256xf32>
    %add3A_171 = arith.addf %add3A_110, %mul3A_170 : vector<512x256xf32>
    %slice3A_172 = vector.extract_strided_slice %get3A_10 {offsets = [3, 0], sizes = [1, 256], strides = [1, 1]} : vector<32x256xf32> to vector<1x256xf32>
    %squeeze3A_173 = vector.shape_cast %slice3A_172 : vector<1x256xf32> to vector<256xf32>
    %slice3A_174 = vector.extract_strided_slice %get3A_10 {offsets = [2, 0], sizes = [1, 256], strides = [1, 1]} : vector<32x256xf32> to vector<1x256xf32>
    %squeeze3A_175 = vector.shape_cast %slice3A_174 : vector<1x256xf32> to vector<256xf32>
    %sub3A_176 = arith.subf %squeeze3A_173, %squeeze3A_175 : vector<256xf32>
    %broadcast_in_dim3A_177 = vector.shape_cast %sub3A_176 : vector<256xf32> to vector<1x256xf32>
    %mul3A_178 = vector.broadcast %broadcast_in_dim3A_177 : vector<1x256xf32> to vector<512x256xf32>
    %mul3A_179 = arith.mulf %convert_element_type3A_162, %mul3A_178 : vector<512x256xf32>
    %add3A_180 = arith.addf %add3A_119, %mul3A_179 : vector<512x256xf32>
    %slice3A_181 = vector.extract_strided_slice %get3A_13 {offsets = [3, 0], sizes = [1, 256], strides = [1, 1]} : vector<32x256xf32> to vector<1x256xf32>
    %squeeze3A_182 = vector.shape_cast %slice3A_181 : vector<1x256xf32> to vector<256xf32>
    %slice3A_183 = vector.extract_strided_slice %get3A_13 {offsets = [2, 0], sizes = [1, 256], strides = [1, 1]} : vector<32x256xf32> to vector<1x256xf32>
    %squeeze3A_184 = vector.shape_cast %slice3A_183 : vector<1x256xf32> to vector<256xf32>
    %sub3A_185 = arith.subf %squeeze3A_182, %squeeze3A_184 : vector<256xf32>
    %broadcast_in_dim3A_186 = vector.shape_cast %sub3A_185 : vector<256xf32> to vector<1x256xf32>
    %mul3A_187 = vector.broadcast %broadcast_in_dim3A_186 : vector<1x256xf32> to vector<512x256xf32>
    %mul3A_188 = arith.mulf %convert_element_type3A_162, %mul3A_187 : vector<512x256xf32>
    %add3A_189 = arith.addf %add3A_128, %mul3A_188 : vector<512x256xf32>
    %slice3A_190 = vector.extract_strided_slice %get3A_16 {offsets = [3, 0], sizes = [1, 256], strides = [1, 1]} : vector<32x256xf32> to vector<1x256xf32>
    %squeeze3A_191 = vector.shape_cast %slice3A_190 : vector<1x256xf32> to vector<256xf32>
    %slice3A_192 = vector.extract_strided_slice %get3A_16 {offsets = [2, 0], sizes = [1, 256], strides = [1, 1]} : vector<32x256xf32> to vector<1x256xf32>
    %squeeze3A_193 = vector.shape_cast %slice3A_192 : vector<1x256xf32> to vector<256xf32>
    %sub3A_194 = arith.subf %squeeze3A_191, %squeeze3A_193 : vector<256xf32>
    %broadcast_in_dim3A_195 = vector.shape_cast %sub3A_194 : vector<256xf32> to vector<1x256xf32>
    %mul3A_196 = vector.broadcast %broadcast_in_dim3A_195 : vector<1x256xf32> to vector<512x256xf32>
    %mul3A_197 = arith.mulf %convert_element_type3A_162, %mul3A_196 : vector<512x256xf32>
    %add3A_198 = arith.addf %add3A_137, %mul3A_197 : vector<512x256xf32>
    %slice3A_199 = vector.extract_strided_slice %get3A_19 {offsets = [3, 0], sizes = [1, 256], strides = [1, 1]} : vector<33x256xf32> to vector<1x256xf32>
    %squeeze3A_200 = vector.shape_cast %slice3A_199 : vector<1x256xf32> to vector<256xf32>
    %slice3A_201 = vector.extract_strided_slice %get3A_19 {offsets = [2, 0], sizes = [1, 256], strides = [1, 1]} : vector<33x256xf32> to vector<1x256xf32>
    %squeeze3A_202 = vector.shape_cast %slice3A_201 : vector<1x256xf32> to vector<256xf32>
    %sub3A_203 = arith.subf %squeeze3A_200, %squeeze3A_202 : vector<256xf32>
    %broadcast_in_dim3A_204 = vector.shape_cast %sub3A_203 : vector<256xf32> to vector<1x256xf32>
    %mul3A_205 = vector.broadcast %broadcast_in_dim3A_204 : vector<1x256xf32> to vector<512x256xf32>
    %mul3A_206 = arith.mulf %convert_element_type3A_162, %mul3A_205 : vector<512x256xf32>
    %add3A_207 = arith.addf %add3A_146, %mul3A_206 : vector<512x256xf32>
    %slice3A_208 = vector.extract_strided_slice %get3A_19 {offsets = [4, 0], sizes = [1, 256], strides = [1, 1]} : vector<33x256xf32> to vector<1x256xf32>
    %squeeze3A_209 = vector.shape_cast %slice3A_208 : vector<1x256xf32> to vector<256xf32>
    %slice3A_210 = vector.extract_strided_slice %get3A_19 {offsets = [3, 0], sizes = [1, 256], strides = [1, 1]} : vector<33x256xf32> to vector<1x256xf32>
    %squeeze3A_211 = vector.shape_cast %slice3A_210 : vector<1x256xf32> to vector<256xf32>
    %sub3A_212 = arith.subf %squeeze3A_209, %squeeze3A_211 : vector<256xf32>
    %broadcast_in_dim3A_213 = vector.shape_cast %sub3A_212 : vector<256xf32> to vector<1x256xf32>
    %mul3A_214 = vector.broadcast %broadcast_in_dim3A_213 : vector<1x256xf32> to vector<512x256xf32>
    %mul3A_215 = arith.mulf %convert_element_type3A_162, %mul3A_214 : vector<512x256xf32>
    %add3A_216 = arith.addf %add3A_155, %mul3A_215 : vector<512x256xf32>
    %slice3A_217 = vector.extract_strided_slice %get3A_7 {offsets = [4, 0], sizes = [1, 256], strides = [1, 1]} : vector<33x256xf32> to vector<1x256xf32>
    %squeeze3A_218 = vector.shape_cast %slice3A_217 : vector<1x256xf32> to vector<256xf32>
    %broadcast_in_dim3A_219 = vector.shape_cast %squeeze3A_218 : vector<256xf32> to vector<1x256xf32>
    %ge3A_220 = vector.broadcast %broadcast_in_dim3A_219 : vector<1x256xf32> to vector<512x256xf32>
    %ge3A_221 = arith.cmpf oge, %min3A_4, %ge3A_220 : vector<512x256xf32>
    %convert_element_type3A_222 = arith.extui %ge3A_221 : vector<512x256xi1> to vector<512x256xi32>
    %convert_element_type3A_223 = arith.sitofp %convert_element_type3A_222 : vector<512x256xi32> to vector<512x256xf32>
    %slice3A_224 = vector.extract_strided_slice %get3A_7 {offsets = [4, 0], sizes = [1, 256], strides = [1, 1]} : vector<33x256xf32> to vector<1x256xf32>
    %squeeze3A_225 = vector.shape_cast %slice3A_224 : vector<1x256xf32> to vector<256xf32>
    %slice3A_226 = vector.extract_strided_slice %get3A_7 {offsets = [3, 0], sizes = [1, 256], strides = [1, 1]} : vector<33x256xf32> to vector<1x256xf32>
    %squeeze3A_227 = vector.shape_cast %slice3A_226 : vector<1x256xf32> to vector<256xf32>
    %sub3A_228 = arith.subf %squeeze3A_225, %squeeze3A_227 : vector<256xf32>
    %broadcast_in_dim3A_229 = vector.shape_cast %sub3A_228 : vector<256xf32> to vector<1x256xf32>
    %mul3A_230 = vector.broadcast %broadcast_in_dim3A_229 : vector<1x256xf32> to vector<512x256xf32>
    %mul3A_231 = arith.mulf %convert_element_type3A_223, %mul3A_230 : vector<512x256xf32>
    %add3A_232 = arith.addf %add3A_171, %mul3A_231 : vector<512x256xf32>
    %slice3A_233 = vector.extract_strided_slice %get3A_10 {offsets = [4, 0], sizes = [1, 256], strides = [1, 1]} : vector<32x256xf32> to vector<1x256xf32>
    %squeeze3A_234 = vector.shape_cast %slice3A_233 : vector<1x256xf32> to vector<256xf32>
    %slice3A_235 = vector.extract_strided_slice %get3A_10 {offsets = [3, 0], sizes = [1, 256], strides = [1, 1]} : vector<32x256xf32> to vector<1x256xf32>
    %squeeze3A_236 = vector.shape_cast %slice3A_235 : vector<1x256xf32> to vector<256xf32>
    %sub3A_237 = arith.subf %squeeze3A_234, %squeeze3A_236 : vector<256xf32>
    %broadcast_in_dim3A_238 = vector.shape_cast %sub3A_237 : vector<256xf32> to vector<1x256xf32>
    %mul3A_239 = vector.broadcast %broadcast_in_dim3A_238 : vector<1x256xf32> to vector<512x256xf32>
    %mul3A_240 = arith.mulf %convert_element_type3A_223, %mul3A_239 : vector<512x256xf32>
    %add3A_241 = arith.addf %add3A_180, %mul3A_240 : vector<512x256xf32>
    %slice3A_242 = vector.extract_strided_slice %get3A_13 {offsets = [4, 0], sizes = [1, 256], strides = [1, 1]} : vector<32x256xf32> to vector<1x256xf32>
    %squeeze3A_243 = vector.shape_cast %slice3A_242 : vector<1x256xf32> to vector<256xf32>
    %slice3A_244 = vector.extract_strided_slice %get3A_13 {offsets = [3, 0], sizes = [1, 256], strides = [1, 1]} : vector<32x256xf32> to vector<1x256xf32>
    %squeeze3A_245 = vector.shape_cast %slice3A_244 : vector<1x256xf32> to vector<256xf32>
    %sub3A_246 = arith.subf %squeeze3A_243, %squeeze3A_245 : vector<256xf32>
    %broadcast_in_dim3A_247 = vector.shape_cast %sub3A_246 : vector<256xf32> to vector<1x256xf32>
    %mul3A_248 = vector.broadcast %broadcast_in_dim3A_247 : vector<1x256xf32> to vector<512x256xf32>
    %mul3A_249 = arith.mulf %convert_element_type3A_223, %mul3A_248 : vector<512x256xf32>
    %add3A_250 = arith.addf %add3A_189, %mul3A_249 : vector<512x256xf32>
    %slice3A_251 = vector.extract_strided_slice %get3A_16 {offsets = [4, 0], sizes = [1, 256], strides = [1, 1]} : vector<32x256xf32> to vector<1x256xf32>
    %squeeze3A_252 = vector.shape_cast %slice3A_251 : vector<1x256xf32> to vector<256xf32>
    %slice3A_253 = vector.extract_strided_slice %get3A_16 {offsets = [3, 0], sizes = [1, 256], strides = [1, 1]} : vector<32x256xf32> to vector<1x256xf32>
    %squeeze3A_254 = vector.shape_cast %slice3A_253 : vector<1x256xf32> to vector<256xf32>
    %sub3A_255 = arith.subf %squeeze3A_252, %squeeze3A_254 : vector<256xf32>
    %broadcast_in_dim3A_256 = vector.shape_cast %sub3A_255 : vector<256xf32> to vector<1x256xf32>
    %mul3A_257 = vector.broadcast %broadcast_in_dim3A_256 : vector<1x256xf32> to vector<512x256xf32>
    %mul3A_258 = arith.mulf %convert_element_type3A_223, %mul3A_257 : vector<512x256xf32>
    %add3A_259 = arith.addf %add3A_198, %mul3A_258 : vector<512x256xf32>
    %slice3A_260 = vector.extract_strided_slice %get3A_19 {offsets = [4, 0], sizes = [1, 256], strides = [1, 1]} : vector<33x256xf32> to vector<1x256xf32>
    %squeeze3A_261 = vector.shape_cast %slice3A_260 : vector<1x256xf32> to vector<256xf32>
    %slice3A_262 = vector.extract_strided_slice %get3A_19 {offsets = [3, 0], sizes = [1, 256], strides = [1, 1]} : vector<33x256xf32> to vector<1x256xf32>
    %squeeze3A_263 = vector.shape_cast %slice3A_262 : vector<1x256xf32> to vector<256xf32>
    %sub3A_264 = arith.subf %squeeze3A_261, %squeeze3A_263 : vector<256xf32>
    %broadcast_in_dim3A_265 = vector.shape_cast %sub3A_264 : vector<256xf32> to vector<1x256xf32>
    %mul3A_266 = vector.broadcast %broadcast_in_dim3A_265 : vector<1x256xf32> to vector<512x256xf32>
    %mul3A_267 = arith.mulf %convert_element_type3A_223, %mul3A_266 : vector<512x256xf32>
    %add3A_268 = arith.addf %add3A_207, %mul3A_267 : vector<512x256xf32>
    %slice3A_269 = vector.extract_strided_slice %get3A_19 {offsets = [5, 0], sizes = [1, 256], strides = [1, 1]} : vector<33x256xf32> to vector<1x256xf32>
    %squeeze3A_270 = vector.shape_cast %slice3A_269 : vector<1x256xf32> to vector<256xf32>
    %slice3A_271 = vector.extract_strided_slice %get3A_19 {offsets = [4, 0], sizes = [1, 256], strides = [1, 1]} : vector<33x256xf32> to vector<1x256xf32>
    %squeeze3A_272 = vector.shape_cast %slice3A_271 : vector<1x256xf32> to vector<256xf32>
    %sub3A_273 = arith.subf %squeeze3A_270, %squeeze3A_272 : vector<256xf32>
    %broadcast_in_dim3A_274 = vector.shape_cast %sub3A_273 : vector<256xf32> to vector<1x256xf32>
    %mul3A_275 = vector.broadcast %broadcast_in_dim3A_274 : vector<1x256xf32> to vector<512x256xf32>
    %mul3A_276 = arith.mulf %convert_element_type3A_223, %mul3A_275 : vector<512x256xf32>
    %add3A_277 = arith.addf %add3A_216, %mul3A_276 : vector<512x256xf32>
    %slice3A_278 = vector.extract_strided_slice %get3A_7 {offsets = [5, 0], sizes = [1, 256], strides = [1, 1]} : vector<33x256xf32> to vector<1x256xf32>
    %squeeze3A_279 = vector.shape_cast %slice3A_278 : vector<1x256xf32> to vector<256xf32>
    %broadcast_in_dim3A_280 = vector.shape_cast %squeeze3A_279 : vector<256xf32> to vector<1x256xf32>
    %ge3A_281 = vector.broadcast %broadcast_in_dim3A_280 : vector<1x256xf32> to vector<512x256xf32>
    %ge3A_282 = arith.cmpf oge, %min3A_4, %ge3A_281 : vector<512x256xf32>
    %convert_element_type3A_283 = arith.extui %ge3A_282 : vector<512x256xi1> to vector<512x256xi32>
    %convert_element_type3A_284 = arith.sitofp %convert_element_type3A_283 : vector<512x256xi32> to vector<512x256xf32>
    %slice3A_285 = vector.extract_strided_slice %get3A_7 {offsets = [5, 0], sizes = [1, 256], strides = [1, 1]} : vector<33x256xf32> to vector<1x256xf32>
    %squeeze3A_286 = vector.shape_cast %slice3A_285 : vector<1x256xf32> to vector<256xf32>
    %slice3A_287 = vector.extract_strided_slice %get3A_7 {offsets = [4, 0], sizes = [1, 256], strides = [1, 1]} : vector<33x256xf32> to vector<1x256xf32>
    %squeeze3A_288 = vector.shape_cast %slice3A_287 : vector<1x256xf32> to vector<256xf32>
    %sub3A_289 = arith.subf %squeeze3A_286, %squeeze3A_288 : vector<256xf32>
    %broadcast_in_dim3A_290 = vector.shape_cast %sub3A_289 : vector<256xf32> to vector<1x256xf32>
    %mul3A_291 = vector.broadcast %broadcast_in_dim3A_290 : vector<1x256xf32> to vector<512x256xf32>
    %mul3A_292 = arith.mulf %convert_element_type3A_284, %mul3A_291 : vector<512x256xf32>
    %add3A_293 = arith.addf %add3A_232, %mul3A_292 : vector<512x256xf32>
    %slice3A_294 = vector.extract_strided_slice %get3A_10 {offsets = [5, 0], sizes = [1, 256], strides = [1, 1]} : vector<32x256xf32> to vector<1x256xf32>
    %squeeze3A_295 = vector.shape_cast %slice3A_294 : vector<1x256xf32> to vector<256xf32>
    %slice3A_296 = vector.extract_strided_slice %get3A_10 {offsets = [4, 0], sizes = [1, 256], strides = [1, 1]} : vector<32x256xf32> to vector<1x256xf32>
    %squeeze3A_297 = vector.shape_cast %slice3A_296 : vector<1x256xf32> to vector<256xf32>
    %sub3A_298 = arith.subf %squeeze3A_295, %squeeze3A_297 : vector<256xf32>
    %broadcast_in_dim3A_299 = vector.shape_cast %sub3A_298 : vector<256xf32> to vector<1x256xf32>
    %mul3A_300 = vector.broadcast %broadcast_in_dim3A_299 : vector<1x256xf32> to vector<512x256xf32>
    %mul3A_301 = arith.mulf %convert_element_type3A_284, %mul3A_300 : vector<512x256xf32>
    %add3A_302 = arith.addf %add3A_241, %mul3A_301 : vector<512x256xf32>
    %slice3A_303 = vector.extract_strided_slice %get3A_13 {offsets = [5, 0], sizes = [1, 256], strides = [1, 1]} : vector<32x256xf32> to vector<1x256xf32>
    %squeeze3A_304 = vector.shape_cast %slice3A_303 : vector<1x256xf32> to vector<256xf32>
    %slice3A_305 = vector.extract_strided_slice %get3A_13 {offsets = [4, 0], sizes = [1, 256], strides = [1, 1]} : vector<32x256xf32> to vector<1x256xf32>
    %squeeze3A_306 = vector.shape_cast %slice3A_305 : vector<1x256xf32> to vector<256xf32>
    %sub3A_307 = arith.subf %squeeze3A_304, %squeeze3A_306 : vector<256xf32>
    %broadcast_in_dim3A_308 = vector.shape_cast %sub3A_307 : vector<256xf32> to vector<1x256xf32>
    %mul3A_309 = vector.broadcast %broadcast_in_dim3A_308 : vector<1x256xf32> to vector<512x256xf32>
    %mul3A_310 = arith.mulf %convert_element_type3A_284, %mul3A_309 : vector<512x256xf32>
    %add3A_311 = arith.addf %add3A_250, %mul3A_310 : vector<512x256xf32>
    %slice3A_312 = vector.extract_strided_slice %get3A_16 {offsets = [5, 0], sizes = [1, 256], strides = [1, 1]} : vector<32x256xf32> to vector<1x256xf32>
    %squeeze3A_313 = vector.shape_cast %slice3A_312 : vector<1x256xf32> to vector<256xf32>
    %slice3A_314 = vector.extract_strided_slice %get3A_16 {offsets = [4, 0], sizes = [1, 256], strides = [1, 1]} : vector<32x256xf32> to vector<1x256xf32>
    %squeeze3A_315 = vector.shape_cast %slice3A_314 : vector<1x256xf32> to vector<256xf32>
    %sub3A_316 = arith.subf %squeeze3A_313, %squeeze3A_315 : vector<256xf32>
    %broadcast_in_dim3A_317 = vector.shape_cast %sub3A_316 : vector<256xf32> to vector<1x256xf32>
    %mul3A_318 = vector.broadcast %broadcast_in_dim3A_317 : vector<1x256xf32> to vector<512x256xf32>
    %mul3A_319 = arith.mulf %convert_element_type3A_284, %mul3A_318 : vector<512x256xf32>
    %add3A_320 = arith.addf %add3A_259, %mul3A_319 : vector<512x256xf32>
    %slice3A_321 = vector.extract_strided_slice %get3A_19 {offsets = [5, 0], sizes = [1, 256], strides = [1, 1]} : vector<33x256xf32> to vector<1x256xf32>
    %squeeze3A_322 = vector.shape_cast %slice3A_321 : vector<1x256xf32> to vector<256xf32>
    %slice3A_323 = vector.extract_strided_slice %get3A_19 {offsets = [4, 0], sizes = [1, 256], strides = [1, 1]} : vector<33x256xf32> to vector<1x256xf32>
    %squeeze3A_324 = vector.shape_cast %slice3A_323 : vector<1x256xf32> to vector<256xf32>
    %sub3A_325 = arith.subf %squeeze3A_322, %squeeze3A_324 : vector<256xf32>
    %broadcast_in_dim3A_326 = vector.shape_cast %sub3A_325 : vector<256xf32> to vector<1x256xf32>
    %mul3A_327 = vector.broadcast %broadcast_in_dim3A_326 : vector<1x256xf32> to vector<512x256xf32>
    %mul3A_328 = arith.mulf %convert_element_type3A_284, %mul3A_327 : vector<512x256xf32>
    %add3A_329 = arith.addf %add3A_268, %mul3A_328 : vector<512x256xf32>
    %slice3A_330 = vector.extract_strided_slice %get3A_19 {offsets = [6, 0], sizes = [1, 256], strides = [1, 1]} : vector<33x256xf32> to vector<1x256xf32>
    %squeeze3A_331 = vector.shape_cast %slice3A_330 : vector<1x256xf32> to vector<256xf32>
    %slice3A_332 = vector.extract_strided_slice %get3A_19 {offsets = [5, 0], sizes = [1, 256], strides = [1, 1]} : vector<33x256xf32> to vector<1x256xf32>
    %squeeze3A_333 = vector.shape_cast %slice3A_332 : vector<1x256xf32> to vector<256xf32>
    %sub3A_334 = arith.subf %squeeze3A_331, %squeeze3A_333 : vector<256xf32>
    %broadcast_in_dim3A_335 = vector.shape_cast %sub3A_334 : vector<256xf32> to vector<1x256xf32>
    %mul3A_336 = vector.broadcast %broadcast_in_dim3A_335 : vector<1x256xf32> to vector<512x256xf32>
    %mul3A_337 = arith.mulf %convert_element_type3A_284, %mul3A_336 : vector<512x256xf32>
    %add3A_338 = arith.addf %add3A_277, %mul3A_337 : vector<512x256xf32>
    %slice3A_339 = vector.extract_strided_slice %get3A_7 {offsets = [6, 0], sizes = [1, 256], strides = [1, 1]} : vector<33x256xf32> to vector<1x256xf32>
    %squeeze3A_340 = vector.shape_cast %slice3A_339 : vector<1x256xf32> to vector<256xf32>
    %broadcast_in_dim3A_341 = vector.shape_cast %squeeze3A_340 : vector<256xf32> to vector<1x256xf32>
    %ge3A_342 = vector.broadcast %broadcast_in_dim3A_341 : vector<1x256xf32> to vector<512x256xf32>
    %ge3A_343 = arith.cmpf oge, %min3A_4, %ge3A_342 : vector<512x256xf32>
    %convert_element_type3A_344 = arith.extui %ge3A_343 : vector<512x256xi1> to vector<512x256xi32>
    %convert_element_type3A_345 = arith.sitofp %convert_element_type3A_344 : vector<512x256xi32> to vector<512x256xf32>
    %slice3A_346 = vector.extract_strided_slice %get3A_7 {offsets = [6, 0], sizes = [1, 256], strides = [1, 1]} : vector<33x256xf32> to vector<1x256xf32>
    %squeeze3A_347 = vector.shape_cast %slice3A_346 : vector<1x256xf32> to vector<256xf32>
    %slice3A_348 = vector.extract_strided_slice %get3A_7 {offsets = [5, 0], sizes = [1, 256], strides = [1, 1]} : vector<33x256xf32> to vector<1x256xf32>
    %squeeze3A_349 = vector.shape_cast %slice3A_348 : vector<1x256xf32> to vector<256xf32>
    %sub3A_350 = arith.subf %squeeze3A_347, %squeeze3A_349 : vector<256xf32>
    %broadcast_in_dim3A_351 = vector.shape_cast %sub3A_350 : vector<256xf32> to vector<1x256xf32>
    %mul3A_352 = vector.broadcast %broadcast_in_dim3A_351 : vector<1x256xf32> to vector<512x256xf32>
    %mul3A_353 = arith.mulf %convert_element_type3A_345, %mul3A_352 : vector<512x256xf32>
    %add3A_354 = arith.addf %add3A_293, %mul3A_353 : vector<512x256xf32>
    %slice3A_355 = vector.extract_strided_slice %get3A_10 {offsets = [6, 0], sizes = [1, 256], strides = [1, 1]} : vector<32x256xf32> to vector<1x256xf32>
    %squeeze3A_356 = vector.shape_cast %slice3A_355 : vector<1x256xf32> to vector<256xf32>
    %slice3A_357 = vector.extract_strided_slice %get3A_10 {offsets = [5, 0], sizes = [1, 256], strides = [1, 1]} : vector<32x256xf32> to vector<1x256xf32>
    %squeeze3A_358 = vector.shape_cast %slice3A_357 : vector<1x256xf32> to vector<256xf32>
    %sub3A_359 = arith.subf %squeeze3A_356, %squeeze3A_358 : vector<256xf32>
    %broadcast_in_dim3A_360 = vector.shape_cast %sub3A_359 : vector<256xf32> to vector<1x256xf32>
    %mul3A_361 = vector.broadcast %broadcast_in_dim3A_360 : vector<1x256xf32> to vector<512x256xf32>
    %mul3A_362 = arith.mulf %convert_element_type3A_345, %mul3A_361 : vector<512x256xf32>
    %add3A_363 = arith.addf %add3A_302, %mul3A_362 : vector<512x256xf32>
    %slice3A_364 = vector.extract_strided_slice %get3A_13 {offsets = [6, 0], sizes = [1, 256], strides = [1, 1]} : vector<32x256xf32> to vector<1x256xf32>
    %squeeze3A_365 = vector.shape_cast %slice3A_364 : vector<1x256xf32> to vector<256xf32>
    %slice3A_366 = vector.extract_strided_slice %get3A_13 {offsets = [5, 0], sizes = [1, 256], strides = [1, 1]} : vector<32x256xf32> to vector<1x256xf32>
    %squeeze3A_367 = vector.shape_cast %slice3A_366 : vector<1x256xf32> to vector<256xf32>
    %sub3A_368 = arith.subf %squeeze3A_365, %squeeze3A_367 : vector<256xf32>
    %broadcast_in_dim3A_369 = vector.shape_cast %sub3A_368 : vector<256xf32> to vector<1x256xf32>
    %mul3A_370 = vector.broadcast %broadcast_in_dim3A_369 : vector<1x256xf32> to vector<512x256xf32>
    %mul3A_371 = arith.mulf %convert_element_type3A_345, %mul3A_370 : vector<512x256xf32>
    %add3A_372 = arith.addf %add3A_311, %mul3A_371 : vector<512x256xf32>
    %slice3A_373 = vector.extract_strided_slice %get3A_16 {offsets = [6, 0], sizes = [1, 256], strides = [1, 1]} : vector<32x256xf32> to vector<1x256xf32>
    %squeeze3A_374 = vector.shape_cast %slice3A_373 : vector<1x256xf32> to vector<256xf32>
    %slice3A_375 = vector.extract_strided_slice %get3A_16 {offsets = [5, 0], sizes = [1, 256], strides = [1, 1]} : vector<32x256xf32> to vector<1x256xf32>
    %squeeze3A_376 = vector.shape_cast %slice3A_375 : vector<1x256xf32> to vector<256xf32>
    %sub3A_377 = arith.subf %squeeze3A_374, %squeeze3A_376 : vector<256xf32>
    %broadcast_in_dim3A_378 = vector.shape_cast %sub3A_377 : vector<256xf32> to vector<1x256xf32>
    %mul3A_379 = vector.broadcast %broadcast_in_dim3A_378 : vector<1x256xf32> to vector<512x256xf32>
    %mul3A_380 = arith.mulf %convert_element_type3A_345, %mul3A_379 : vector<512x256xf32>
    %add3A_381 = arith.addf %add3A_320, %mul3A_380 : vector<512x256xf32>
    %slice3A_382 = vector.extract_strided_slice %get3A_19 {offsets = [6, 0], sizes = [1, 256], strides = [1, 1]} : vector<33x256xf32> to vector<1x256xf32>
    %squeeze3A_383 = vector.shape_cast %slice3A_382 : vector<1x256xf32> to vector<256xf32>
    %slice3A_384 = vector.extract_strided_slice %get3A_19 {offsets = [5, 0], sizes = [1, 256], strides = [1, 1]} : vector<33x256xf32> to vector<1x256xf32>
    %squeeze3A_385 = vector.shape_cast %slice3A_384 : vector<1x256xf32> to vector<256xf32>
    %sub3A_386 = arith.subf %squeeze3A_383, %squeeze3A_385 : vector<256xf32>
    %broadcast_in_dim3A_387 = vector.shape_cast %sub3A_386 : vector<256xf32> to vector<1x256xf32>
    %mul3A_388 = vector.broadcast %broadcast_in_dim3A_387 : vector<1x256xf32> to vector<512x256xf32>
    %mul3A_389 = arith.mulf %convert_element_type3A_345, %mul3A_388 : vector<512x256xf32>
    %add3A_390 = arith.addf %add3A_329, %mul3A_389 : vector<512x256xf32>
    %slice3A_391 = vector.extract_strided_slice %get3A_19 {offsets = [7, 0], sizes = [1, 256], strides = [1, 1]} : vector<33x256xf32> to vector<1x256xf32>
    %squeeze3A_392 = vector.shape_cast %slice3A_391 : vector<1x256xf32> to vector<256xf32>
    %slice3A_393 = vector.extract_strided_slice %get3A_19 {offsets = [6, 0], sizes = [1, 256], strides = [1, 1]} : vector<33x256xf32> to vector<1x256xf32>
    %squeeze3A_394 = vector.shape_cast %slice3A_393 : vector<1x256xf32> to vector<256xf32>
    %sub3A_395 = arith.subf %squeeze3A_392, %squeeze3A_394 : vector<256xf32>
    %broadcast_in_dim3A_396 = vector.shape_cast %sub3A_395 : vector<256xf32> to vector<1x256xf32>
    %mul3A_397 = vector.broadcast %broadcast_in_dim3A_396 : vector<1x256xf32> to vector<512x256xf32>
    %mul3A_398 = arith.mulf %convert_element_type3A_345, %mul3A_397 : vector<512x256xf32>
    %add3A_399 = arith.addf %add3A_338, %mul3A_398 : vector<512x256xf32>
    %slice3A_400 = vector.extract_strided_slice %get3A_7 {offsets = [7, 0], sizes = [1, 256], strides = [1, 1]} : vector<33x256xf32> to vector<1x256xf32>
    %squeeze3A_401 = vector.shape_cast %slice3A_400 : vector<1x256xf32> to vector<256xf32>
    %broadcast_in_dim3A_402 = vector.shape_cast %squeeze3A_401 : vector<256xf32> to vector<1x256xf32>
    %ge3A_403 = vector.broadcast %broadcast_in_dim3A_402 : vector<1x256xf32> to vector<512x256xf32>
    %ge3A_404 = arith.cmpf oge, %min3A_4, %ge3A_403 : vector<512x256xf32>
    %convert_element_type3A_405 = arith.extui %ge3A_404 : vector<512x256xi1> to vector<512x256xi32>
    %convert_element_type3A_406 = arith.sitofp %convert_element_type3A_405 : vector<512x256xi32> to vector<512x256xf32>
    %slice3A_407 = vector.extract_strided_slice %get3A_7 {offsets = [7, 0], sizes = [1, 256], strides = [1, 1]} : vector<33x256xf32> to vector<1x256xf32>
    %squeeze3A_408 = vector.shape_cast %slice3A_407 : vector<1x256xf32> to vector<256xf32>
    %slice3A_409 = vector.extract_strided_slice %get3A_7 {offsets = [6, 0], sizes = [1, 256], strides = [1, 1]} : vector<33x256xf32> to vector<1x256xf32>
    %squeeze3A_410 = vector.shape_cast %slice3A_409 : vector<1x256xf32> to vector<256xf32>
    %sub3A_411 = arith.subf %squeeze3A_408, %squeeze3A_410 : vector<256xf32>
    %broadcast_in_dim3A_412 = vector.shape_cast %sub3A_411 : vector<256xf32> to vector<1x256xf32>
    %mul3A_413 = vector.broadcast %broadcast_in_dim3A_412 : vector<1x256xf32> to vector<512x256xf32>
    %mul3A_414 = arith.mulf %convert_element_type3A_406, %mul3A_413 : vector<512x256xf32>
    %add3A_415 = arith.addf %add3A_354, %mul3A_414 : vector<512x256xf32>
    %slice3A_416 = vector.extract_strided_slice %get3A_10 {offsets = [7, 0], sizes = [1, 256], strides = [1, 1]} : vector<32x256xf32> to vector<1x256xf32>
    %squeeze3A_417 = vector.shape_cast %slice3A_416 : vector<1x256xf32> to vector<256xf32>
    %slice3A_418 = vector.extract_strided_slice %get3A_10 {offsets = [6, 0], sizes = [1, 256], strides = [1, 1]} : vector<32x256xf32> to vector<1x256xf32>
    %squeeze3A_419 = vector.shape_cast %slice3A_418 : vector<1x256xf32> to vector<256xf32>
    %sub3A_420 = arith.subf %squeeze3A_417, %squeeze3A_419 : vector<256xf32>
    %broadcast_in_dim3A_421 = vector.shape_cast %sub3A_420 : vector<256xf32> to vector<1x256xf32>
    %mul3A_422 = vector.broadcast %broadcast_in_dim3A_421 : vector<1x256xf32> to vector<512x256xf32>
    %mul3A_423 = arith.mulf %convert_element_type3A_406, %mul3A_422 : vector<512x256xf32>
    %add3A_424 = arith.addf %add3A_363, %mul3A_423 : vector<512x256xf32>
    %slice3A_425 = vector.extract_strided_slice %get3A_13 {offsets = [7, 0], sizes = [1, 256], strides = [1, 1]} : vector<32x256xf32> to vector<1x256xf32>
    %squeeze3A_426 = vector.shape_cast %slice3A_425 : vector<1x256xf32> to vector<256xf32>
    %slice3A_427 = vector.extract_strided_slice %get3A_13 {offsets = [6, 0], sizes = [1, 256], strides = [1, 1]} : vector<32x256xf32> to vector<1x256xf32>
    %squeeze3A_428 = vector.shape_cast %slice3A_427 : vector<1x256xf32> to vector<256xf32>
    %sub3A_429 = arith.subf %squeeze3A_426, %squeeze3A_428 : vector<256xf32>
    %broadcast_in_dim3A_430 = vector.shape_cast %sub3A_429 : vector<256xf32> to vector<1x256xf32>
    %mul3A_431 = vector.broadcast %broadcast_in_dim3A_430 : vector<1x256xf32> to vector<512x256xf32>
    %mul3A_432 = arith.mulf %convert_element_type3A_406, %mul3A_431 : vector<512x256xf32>
    %add3A_433 = arith.addf %add3A_372, %mul3A_432 : vector<512x256xf32>
    %slice3A_434 = vector.extract_strided_slice %get3A_16 {offsets = [7, 0], sizes = [1, 256], strides = [1, 1]} : vector<32x256xf32> to vector<1x256xf32>
    %squeeze3A_435 = vector.shape_cast %slice3A_434 : vector<1x256xf32> to vector<256xf32>
    %slice3A_436 = vector.extract_strided_slice %get3A_16 {offsets = [6, 0], sizes = [1, 256], strides = [1, 1]} : vector<32x256xf32> to vector<1x256xf32>
    %squeeze3A_437 = vector.shape_cast %slice3A_436 : vector<1x256xf32> to vector<256xf32>
    %sub3A_438 = arith.subf %squeeze3A_435, %squeeze3A_437 : vector<256xf32>
    %broadcast_in_dim3A_439 = vector.shape_cast %sub3A_438 : vector<256xf32> to vector<1x256xf32>
    %mul3A_440 = vector.broadcast %broadcast_in_dim3A_439 : vector<1x256xf32> to vector<512x256xf32>
    %mul3A_441 = arith.mulf %convert_element_type3A_406, %mul3A_440 : vector<512x256xf32>
    %add3A_442 = arith.addf %add3A_381, %mul3A_441 : vector<512x256xf32>
    %slice3A_443 = vector.extract_strided_slice %get3A_19 {offsets = [7, 0], sizes = [1, 256], strides = [1, 1]} : vector<33x256xf32> to vector<1x256xf32>
    %squeeze3A_444 = vector.shape_cast %slice3A_443 : vector<1x256xf32> to vector<256xf32>
    %slice3A_445 = vector.extract_strided_slice %get3A_19 {offsets = [6, 0], sizes = [1, 256], strides = [1, 1]} : vector<33x256xf32> to vector<1x256xf32>
    %squeeze3A_446 = vector.shape_cast %slice3A_445 : vector<1x256xf32> to vector<256xf32>
    %sub3A_447 = arith.subf %squeeze3A_444, %squeeze3A_446 : vector<256xf32>
    %broadcast_in_dim3A_448 = vector.shape_cast %sub3A_447 : vector<256xf32> to vector<1x256xf32>
    %mul3A_449 = vector.broadcast %broadcast_in_dim3A_448 : vector<1x256xf32> to vector<512x256xf32>
    %mul3A_450 = arith.mulf %convert_element_type3A_406, %mul3A_449 : vector<512x256xf32>
    %add3A_451 = arith.addf %add3A_390, %mul3A_450 : vector<512x256xf32>
    %slice3A_452 = vector.extract_strided_slice %get3A_19 {offsets = [8, 0], sizes = [1, 256], strides = [1, 1]} : vector<33x256xf32> to vector<1x256xf32>
    %squeeze3A_453 = vector.shape_cast %slice3A_452 : vector<1x256xf32> to vector<256xf32>
    %slice3A_454 = vector.extract_strided_slice %get3A_19 {offsets = [7, 0], sizes = [1, 256], strides = [1, 1]} : vector<33x256xf32> to vector<1x256xf32>
    %squeeze3A_455 = vector.shape_cast %slice3A_454 : vector<1x256xf32> to vector<256xf32>
    %sub3A_456 = arith.subf %squeeze3A_453, %squeeze3A_455 : vector<256xf32>
    %broadcast_in_dim3A_457 = vector.shape_cast %sub3A_456 : vector<256xf32> to vector<1x256xf32>
    %mul3A_458 = vector.broadcast %broadcast_in_dim3A_457 : vector<1x256xf32> to vector<512x256xf32>
    %mul3A_459 = arith.mulf %convert_element_type3A_406, %mul3A_458 : vector<512x256xf32>
    %add3A_460 = arith.addf %add3A_399, %mul3A_459 : vector<512x256xf32>
    %slice3A_461 = vector.extract_strided_slice %get3A_7 {offsets = [8, 0], sizes = [1, 256], strides = [1, 1]} : vector<33x256xf32> to vector<1x256xf32>
    %squeeze3A_462 = vector.shape_cast %slice3A_461 : vector<1x256xf32> to vector<256xf32>
    %broadcast_in_dim3A_463 = vector.shape_cast %squeeze3A_462 : vector<256xf32> to vector<1x256xf32>
    %ge3A_464 = vector.broadcast %broadcast_in_dim3A_463 : vector<1x256xf32> to vector<512x256xf32>
    %ge3A_465 = arith.cmpf oge, %min3A_4, %ge3A_464 : vector<512x256xf32>
    %convert_element_type3A_466 = arith.extui %ge3A_465 : vector<512x256xi1> to vector<512x256xi32>
    %convert_element_type3A_467 = arith.sitofp %convert_element_type3A_466 : vector<512x256xi32> to vector<512x256xf32>
    %slice3A_468 = vector.extract_strided_slice %get3A_7 {offsets = [8, 0], sizes = [1, 256], strides = [1, 1]} : vector<33x256xf32> to vector<1x256xf32>
    %squeeze3A_469 = vector.shape_cast %slice3A_468 : vector<1x256xf32> to vector<256xf32>
    %slice3A_470 = vector.extract_strided_slice %get3A_7 {offsets = [7, 0], sizes = [1, 256], strides = [1, 1]} : vector<33x256xf32> to vector<1x256xf32>
    %squeeze3A_471 = vector.shape_cast %slice3A_470 : vector<1x256xf32> to vector<256xf32>
    %sub3A_472 = arith.subf %squeeze3A_469, %squeeze3A_471 : vector<256xf32>
    %broadcast_in_dim3A_473 = vector.shape_cast %sub3A_472 : vector<256xf32> to vector<1x256xf32>
    %mul3A_474 = vector.broadcast %broadcast_in_dim3A_473 : vector<1x256xf32> to vector<512x256xf32>
    %mul3A_475 = arith.mulf %convert_element_type3A_467, %mul3A_474 : vector<512x256xf32>
    %add3A_476 = arith.addf %add3A_415, %mul3A_475 : vector<512x256xf32>
    %slice3A_477 = vector.extract_strided_slice %get3A_10 {offsets = [8, 0], sizes = [1, 256], strides = [1, 1]} : vector<32x256xf32> to vector<1x256xf32>
    %squeeze3A_478 = vector.shape_cast %slice3A_477 : vector<1x256xf32> to vector<256xf32>
    %slice3A_479 = vector.extract_strided_slice %get3A_10 {offsets = [7, 0], sizes = [1, 256], strides = [1, 1]} : vector<32x256xf32> to vector<1x256xf32>
    %squeeze3A_480 = vector.shape_cast %slice3A_479 : vector<1x256xf32> to vector<256xf32>
    %sub3A_481 = arith.subf %squeeze3A_478, %squeeze3A_480 : vector<256xf32>
    %broadcast_in_dim3A_482 = vector.shape_cast %sub3A_481 : vector<256xf32> to vector<1x256xf32>
    %mul3A_483 = vector.broadcast %broadcast_in_dim3A_482 : vector<1x256xf32> to vector<512x256xf32>
    %mul3A_484 = arith.mulf %convert_element_type3A_467, %mul3A_483 : vector<512x256xf32>
    %add3A_485 = arith.addf %add3A_424, %mul3A_484 : vector<512x256xf32>
    %slice3A_486 = vector.extract_strided_slice %get3A_13 {offsets = [8, 0], sizes = [1, 256], strides = [1, 1]} : vector<32x256xf32> to vector<1x256xf32>
    %squeeze3A_487 = vector.shape_cast %slice3A_486 : vector<1x256xf32> to vector<256xf32>
    %slice3A_488 = vector.extract_strided_slice %get3A_13 {offsets = [7, 0], sizes = [1, 256], strides = [1, 1]} : vector<32x256xf32> to vector<1x256xf32>
    %squeeze3A_489 = vector.shape_cast %slice3A_488 : vector<1x256xf32> to vector<256xf32>
    %sub3A_490 = arith.subf %squeeze3A_487, %squeeze3A_489 : vector<256xf32>
    %broadcast_in_dim3A_491 = vector.shape_cast %sub3A_490 : vector<256xf32> to vector<1x256xf32>
    %mul3A_492 = vector.broadcast %broadcast_in_dim3A_491 : vector<1x256xf32> to vector<512x256xf32>
    %mul3A_493 = arith.mulf %convert_element_type3A_467, %mul3A_492 : vector<512x256xf32>
    %add3A_494 = arith.addf %add3A_433, %mul3A_493 : vector<512x256xf32>
    %slice3A_495 = vector.extract_strided_slice %get3A_16 {offsets = [8, 0], sizes = [1, 256], strides = [1, 1]} : vector<32x256xf32> to vector<1x256xf32>
    %squeeze3A_496 = vector.shape_cast %slice3A_495 : vector<1x256xf32> to vector<256xf32>
    %slice3A_497 = vector.extract_strided_slice %get3A_16 {offsets = [7, 0], sizes = [1, 256], strides = [1, 1]} : vector<32x256xf32> to vector<1x256xf32>
    %squeeze3A_498 = vector.shape_cast %slice3A_497 : vector<1x256xf32> to vector<256xf32>
    %sub3A_499 = arith.subf %squeeze3A_496, %squeeze3A_498 : vector<256xf32>
    %broadcast_in_dim3A_500 = vector.shape_cast %sub3A_499 : vector<256xf32> to vector<1x256xf32>
    %mul3A_501 = vector.broadcast %broadcast_in_dim3A_500 : vector<1x256xf32> to vector<512x256xf32>
    %mul3A_502 = arith.mulf %convert_element_type3A_467, %mul3A_501 : vector<512x256xf32>
    %add3A_503 = arith.addf %add3A_442, %mul3A_502 : vector<512x256xf32>
    %slice3A_504 = vector.extract_strided_slice %get3A_19 {offsets = [8, 0], sizes = [1, 256], strides = [1, 1]} : vector<33x256xf32> to vector<1x256xf32>
    %squeeze3A_505 = vector.shape_cast %slice3A_504 : vector<1x256xf32> to vector<256xf32>
    %slice3A_506 = vector.extract_strided_slice %get3A_19 {offsets = [7, 0], sizes = [1, 256], strides = [1, 1]} : vector<33x256xf32> to vector<1x256xf32>
    %squeeze3A_507 = vector.shape_cast %slice3A_506 : vector<1x256xf32> to vector<256xf32>
    %sub3A_508 = arith.subf %squeeze3A_505, %squeeze3A_507 : vector<256xf32>
    %broadcast_in_dim3A_509 = vector.shape_cast %sub3A_508 : vector<256xf32> to vector<1x256xf32>
    %mul3A_510 = vector.broadcast %broadcast_in_dim3A_509 : vector<1x256xf32> to vector<512x256xf32>
    %mul3A_511 = arith.mulf %convert_element_type3A_467, %mul3A_510 : vector<512x256xf32>
    %add3A_512 = arith.addf %add3A_451, %mul3A_511 : vector<512x256xf32>
    %slice3A_513 = vector.extract_strided_slice %get3A_19 {offsets = [9, 0], sizes = [1, 256], strides = [1, 1]} : vector<33x256xf32> to vector<1x256xf32>
    %squeeze3A_514 = vector.shape_cast %slice3A_513 : vector<1x256xf32> to vector<256xf32>
    %slice3A_515 = vector.extract_strided_slice %get3A_19 {offsets = [8, 0], sizes = [1, 256], strides = [1, 1]} : vector<33x256xf32> to vector<1x256xf32>
    %squeeze3A_516 = vector.shape_cast %slice3A_515 : vector<1x256xf32> to vector<256xf32>
    %sub3A_517 = arith.subf %squeeze3A_514, %squeeze3A_516 : vector<256xf32>
    %broadcast_in_dim3A_518 = vector.shape_cast %sub3A_517 : vector<256xf32> to vector<1x256xf32>
    %mul3A_519 = vector.broadcast %broadcast_in_dim3A_518 : vector<1x256xf32> to vector<512x256xf32>
    %mul3A_520 = arith.mulf %convert_element_type3A_467, %mul3A_519 : vector<512x256xf32>
    %add3A_521 = arith.addf %add3A_460, %mul3A_520 : vector<512x256xf32>
    %slice3A_522 = vector.extract_strided_slice %get3A_7 {offsets = [9, 0], sizes = [1, 256], strides = [1, 1]} : vector<33x256xf32> to vector<1x256xf32>
    %squeeze3A_523 = vector.shape_cast %slice3A_522 : vector<1x256xf32> to vector<256xf32>
    %broadcast_in_dim3A_524 = vector.shape_cast %squeeze3A_523 : vector<256xf32> to vector<1x256xf32>
    %ge3A_525 = vector.broadcast %broadcast_in_dim3A_524 : vector<1x256xf32> to vector<512x256xf32>
    %ge3A_526 = arith.cmpf oge, %min3A_4, %ge3A_525 : vector<512x256xf32>
    %convert_element_type3A_527 = arith.extui %ge3A_526 : vector<512x256xi1> to vector<512x256xi32>
    %convert_element_type3A_528 = arith.sitofp %convert_element_type3A_527 : vector<512x256xi32> to vector<512x256xf32>
    %slice3A_529 = vector.extract_strided_slice %get3A_7 {offsets = [9, 0], sizes = [1, 256], strides = [1, 1]} : vector<33x256xf32> to vector<1x256xf32>
    %squeeze3A_530 = vector.shape_cast %slice3A_529 : vector<1x256xf32> to vector<256xf32>
    %slice3A_531 = vector.extract_strided_slice %get3A_7 {offsets = [8, 0], sizes = [1, 256], strides = [1, 1]} : vector<33x256xf32> to vector<1x256xf32>
    %squeeze3A_532 = vector.shape_cast %slice3A_531 : vector<1x256xf32> to vector<256xf32>
    %sub3A_533 = arith.subf %squeeze3A_530, %squeeze3A_532 : vector<256xf32>
    %broadcast_in_dim3A_534 = vector.shape_cast %sub3A_533 : vector<256xf32> to vector<1x256xf32>
    %mul3A_535 = vector.broadcast %broadcast_in_dim3A_534 : vector<1x256xf32> to vector<512x256xf32>
    %mul3A_536 = arith.mulf %convert_element_type3A_528, %mul3A_535 : vector<512x256xf32>
    %add3A_537 = arith.addf %add3A_476, %mul3A_536 : vector<512x256xf32>
    %slice3A_538 = vector.extract_strided_slice %get3A_10 {offsets = [9, 0], sizes = [1, 256], strides = [1, 1]} : vector<32x256xf32> to vector<1x256xf32>
    %squeeze3A_539 = vector.shape_cast %slice3A_538 : vector<1x256xf32> to vector<256xf32>
    %slice3A_540 = vector.extract_strided_slice %get3A_10 {offsets = [8, 0], sizes = [1, 256], strides = [1, 1]} : vector<32x256xf32> to vector<1x256xf32>
    %squeeze3A_541 = vector.shape_cast %slice3A_540 : vector<1x256xf32> to vector<256xf32>
    %sub3A_542 = arith.subf %squeeze3A_539, %squeeze3A_541 : vector<256xf32>
    %broadcast_in_dim3A_543 = vector.shape_cast %sub3A_542 : vector<256xf32> to vector<1x256xf32>
    %mul3A_544 = vector.broadcast %broadcast_in_dim3A_543 : vector<1x256xf32> to vector<512x256xf32>
    %mul3A_545 = arith.mulf %convert_element_type3A_528, %mul3A_544 : vector<512x256xf32>
    %add3A_546 = arith.addf %add3A_485, %mul3A_545 : vector<512x256xf32>
    %slice3A_547 = vector.extract_strided_slice %get3A_13 {offsets = [9, 0], sizes = [1, 256], strides = [1, 1]} : vector<32x256xf32> to vector<1x256xf32>
    %squeeze3A_548 = vector.shape_cast %slice3A_547 : vector<1x256xf32> to vector<256xf32>
    %slice3A_549 = vector.extract_strided_slice %get3A_13 {offsets = [8, 0], sizes = [1, 256], strides = [1, 1]} : vector<32x256xf32> to vector<1x256xf32>
    %squeeze3A_550 = vector.shape_cast %slice3A_549 : vector<1x256xf32> to vector<256xf32>
    %sub3A_551 = arith.subf %squeeze3A_548, %squeeze3A_550 : vector<256xf32>
    %broadcast_in_dim3A_552 = vector.shape_cast %sub3A_551 : vector<256xf32> to vector<1x256xf32>
    %mul3A_553 = vector.broadcast %broadcast_in_dim3A_552 : vector<1x256xf32> to vector<512x256xf32>
    %mul3A_554 = arith.mulf %convert_element_type3A_528, %mul3A_553 : vector<512x256xf32>
    %add3A_555 = arith.addf %add3A_494, %mul3A_554 : vector<512x256xf32>
    %slice3A_556 = vector.extract_strided_slice %get3A_16 {offsets = [9, 0], sizes = [1, 256], strides = [1, 1]} : vector<32x256xf32> to vector<1x256xf32>
    %squeeze3A_557 = vector.shape_cast %slice3A_556 : vector<1x256xf32> to vector<256xf32>
    %slice3A_558 = vector.extract_strided_slice %get3A_16 {offsets = [8, 0], sizes = [1, 256], strides = [1, 1]} : vector<32x256xf32> to vector<1x256xf32>
    %squeeze3A_559 = vector.shape_cast %slice3A_558 : vector<1x256xf32> to vector<256xf32>
    %sub3A_560 = arith.subf %squeeze3A_557, %squeeze3A_559 : vector<256xf32>
    %broadcast_in_dim3A_561 = vector.shape_cast %sub3A_560 : vector<256xf32> to vector<1x256xf32>
    %mul3A_562 = vector.broadcast %broadcast_in_dim3A_561 : vector<1x256xf32> to vector<512x256xf32>
    %mul3A_563 = arith.mulf %convert_element_type3A_528, %mul3A_562 : vector<512x256xf32>
    %add3A_564 = arith.addf %add3A_503, %mul3A_563 : vector<512x256xf32>
    %slice3A_565 = vector.extract_strided_slice %get3A_19 {offsets = [9, 0], sizes = [1, 256], strides = [1, 1]} : vector<33x256xf32> to vector<1x256xf32>
    %squeeze3A_566 = vector.shape_cast %slice3A_565 : vector<1x256xf32> to vector<256xf32>
    %slice3A_567 = vector.extract_strided_slice %get3A_19 {offsets = [8, 0], sizes = [1, 256], strides = [1, 1]} : vector<33x256xf32> to vector<1x256xf32>
    %squeeze3A_568 = vector.shape_cast %slice3A_567 : vector<1x256xf32> to vector<256xf32>
    %sub3A_569 = arith.subf %squeeze3A_566, %squeeze3A_568 : vector<256xf32>
    %broadcast_in_dim3A_570 = vector.shape_cast %sub3A_569 : vector<256xf32> to vector<1x256xf32>
    %mul3A_571 = vector.broadcast %broadcast_in_dim3A_570 : vector<1x256xf32> to vector<512x256xf32>
    %mul3A_572 = arith.mulf %convert_element_type3A_528, %mul3A_571 : vector<512x256xf32>
    %add3A_573 = arith.addf %add3A_512, %mul3A_572 : vector<512x256xf32>
    %slice3A_574 = vector.extract_strided_slice %get3A_19 {offsets = [10, 0], sizes = [1, 256], strides = [1, 1]} : vector<33x256xf32> to vector<1x256xf32>
    %squeeze3A_575 = vector.shape_cast %slice3A_574 : vector<1x256xf32> to vector<256xf32>
    %slice3A_576 = vector.extract_strided_slice %get3A_19 {offsets = [9, 0], sizes = [1, 256], strides = [1, 1]} : vector<33x256xf32> to vector<1x256xf32>
    %squeeze3A_577 = vector.shape_cast %slice3A_576 : vector<1x256xf32> to vector<256xf32>
    %sub3A_578 = arith.subf %squeeze3A_575, %squeeze3A_577 : vector<256xf32>
    %broadcast_in_dim3A_579 = vector.shape_cast %sub3A_578 : vector<256xf32> to vector<1x256xf32>
    %mul3A_580 = vector.broadcast %broadcast_in_dim3A_579 : vector<1x256xf32> to vector<512x256xf32>
    %mul3A_581 = arith.mulf %convert_element_type3A_528, %mul3A_580 : vector<512x256xf32>
    %add3A_582 = arith.addf %add3A_521, %mul3A_581 : vector<512x256xf32>
    %slice3A_583 = vector.extract_strided_slice %get3A_7 {offsets = [10, 0], sizes = [1, 256], strides = [1, 1]} : vector<33x256xf32> to vector<1x256xf32>
    %squeeze3A_584 = vector.shape_cast %slice3A_583 : vector<1x256xf32> to vector<256xf32>
    %broadcast_in_dim3A_585 = vector.shape_cast %squeeze3A_584 : vector<256xf32> to vector<1x256xf32>
    %ge3A_586 = vector.broadcast %broadcast_in_dim3A_585 : vector<1x256xf32> to vector<512x256xf32>
    %ge3A_587 = arith.cmpf oge, %min3A_4, %ge3A_586 : vector<512x256xf32>
    %convert_element_type3A_588 = arith.extui %ge3A_587 : vector<512x256xi1> to vector<512x256xi32>
    %convert_element_type3A_589 = arith.sitofp %convert_element_type3A_588 : vector<512x256xi32> to vector<512x256xf32>
    %slice3A_590 = vector.extract_strided_slice %get3A_7 {offsets = [10, 0], sizes = [1, 256], strides = [1, 1]} : vector<33x256xf32> to vector<1x256xf32>
    %squeeze3A_591 = vector.shape_cast %slice3A_590 : vector<1x256xf32> to vector<256xf32>
    %slice3A_592 = vector.extract_strided_slice %get3A_7 {offsets = [9, 0], sizes = [1, 256], strides = [1, 1]} : vector<33x256xf32> to vector<1x256xf32>
    %squeeze3A_593 = vector.shape_cast %slice3A_592 : vector<1x256xf32> to vector<256xf32>
    %sub3A_594 = arith.subf %squeeze3A_591, %squeeze3A_593 : vector<256xf32>
    %broadcast_in_dim3A_595 = vector.shape_cast %sub3A_594 : vector<256xf32> to vector<1x256xf32>
    %mul3A_596 = vector.broadcast %broadcast_in_dim3A_595 : vector<1x256xf32> to vector<512x256xf32>
    %mul3A_597 = arith.mulf %convert_element_type3A_589, %mul3A_596 : vector<512x256xf32>
    %add3A_598 = arith.addf %add3A_537, %mul3A_597 : vector<512x256xf32>
    %slice3A_599 = vector.extract_strided_slice %get3A_10 {offsets = [10, 0], sizes = [1, 256], strides = [1, 1]} : vector<32x256xf32> to vector<1x256xf32>
    %squeeze3A_600 = vector.shape_cast %slice3A_599 : vector<1x256xf32> to vector<256xf32>
    %slice3A_601 = vector.extract_strided_slice %get3A_10 {offsets = [9, 0], sizes = [1, 256], strides = [1, 1]} : vector<32x256xf32> to vector<1x256xf32>
    %squeeze3A_602 = vector.shape_cast %slice3A_601 : vector<1x256xf32> to vector<256xf32>
    %sub3A_603 = arith.subf %squeeze3A_600, %squeeze3A_602 : vector<256xf32>
    %broadcast_in_dim3A_604 = vector.shape_cast %sub3A_603 : vector<256xf32> to vector<1x256xf32>
    %mul3A_605 = vector.broadcast %broadcast_in_dim3A_604 : vector<1x256xf32> to vector<512x256xf32>
    %mul3A_606 = arith.mulf %convert_element_type3A_589, %mul3A_605 : vector<512x256xf32>
    %add3A_607 = arith.addf %add3A_546, %mul3A_606 : vector<512x256xf32>
    %slice3A_608 = vector.extract_strided_slice %get3A_13 {offsets = [10, 0], sizes = [1, 256], strides = [1, 1]} : vector<32x256xf32> to vector<1x256xf32>
    %squeeze3A_609 = vector.shape_cast %slice3A_608 : vector<1x256xf32> to vector<256xf32>
    %slice3A_610 = vector.extract_strided_slice %get3A_13 {offsets = [9, 0], sizes = [1, 256], strides = [1, 1]} : vector<32x256xf32> to vector<1x256xf32>
    %squeeze3A_611 = vector.shape_cast %slice3A_610 : vector<1x256xf32> to vector<256xf32>
    %sub3A_612 = arith.subf %squeeze3A_609, %squeeze3A_611 : vector<256xf32>
    %broadcast_in_dim3A_613 = vector.shape_cast %sub3A_612 : vector<256xf32> to vector<1x256xf32>
    %mul3A_614 = vector.broadcast %broadcast_in_dim3A_613 : vector<1x256xf32> to vector<512x256xf32>
    %mul3A_615 = arith.mulf %convert_element_type3A_589, %mul3A_614 : vector<512x256xf32>
    %add3A_616 = arith.addf %add3A_555, %mul3A_615 : vector<512x256xf32>
    %slice3A_617 = vector.extract_strided_slice %get3A_16 {offsets = [10, 0], sizes = [1, 256], strides = [1, 1]} : vector<32x256xf32> to vector<1x256xf32>
    %squeeze3A_618 = vector.shape_cast %slice3A_617 : vector<1x256xf32> to vector<256xf32>
    %slice3A_619 = vector.extract_strided_slice %get3A_16 {offsets = [9, 0], sizes = [1, 256], strides = [1, 1]} : vector<32x256xf32> to vector<1x256xf32>
    %squeeze3A_620 = vector.shape_cast %slice3A_619 : vector<1x256xf32> to vector<256xf32>
    %sub3A_621 = arith.subf %squeeze3A_618, %squeeze3A_620 : vector<256xf32>
    %broadcast_in_dim3A_622 = vector.shape_cast %sub3A_621 : vector<256xf32> to vector<1x256xf32>
    %mul3A_623 = vector.broadcast %broadcast_in_dim3A_622 : vector<1x256xf32> to vector<512x256xf32>
    %mul3A_624 = arith.mulf %convert_element_type3A_589, %mul3A_623 : vector<512x256xf32>
    %add3A_625 = arith.addf %add3A_564, %mul3A_624 : vector<512x256xf32>
    %slice3A_626 = vector.extract_strided_slice %get3A_19 {offsets = [10, 0], sizes = [1, 256], strides = [1, 1]} : vector<33x256xf32> to vector<1x256xf32>
    %squeeze3A_627 = vector.shape_cast %slice3A_626 : vector<1x256xf32> to vector<256xf32>
    %slice3A_628 = vector.extract_strided_slice %get3A_19 {offsets = [9, 0], sizes = [1, 256], strides = [1, 1]} : vector<33x256xf32> to vector<1x256xf32>
    %squeeze3A_629 = vector.shape_cast %slice3A_628 : vector<1x256xf32> to vector<256xf32>
    %sub3A_630 = arith.subf %squeeze3A_627, %squeeze3A_629 : vector<256xf32>
    %broadcast_in_dim3A_631 = vector.shape_cast %sub3A_630 : vector<256xf32> to vector<1x256xf32>
    %mul3A_632 = vector.broadcast %broadcast_in_dim3A_631 : vector<1x256xf32> to vector<512x256xf32>
    %mul3A_633 = arith.mulf %convert_element_type3A_589, %mul3A_632 : vector<512x256xf32>
    %add3A_634 = arith.addf %add3A_573, %mul3A_633 : vector<512x256xf32>
    %slice3A_635 = vector.extract_strided_slice %get3A_19 {offsets = [11, 0], sizes = [1, 256], strides = [1, 1]} : vector<33x256xf32> to vector<1x256xf32>
    %squeeze3A_636 = vector.shape_cast %slice3A_635 : vector<1x256xf32> to vector<256xf32>
    %slice3A_637 = vector.extract_strided_slice %get3A_19 {offsets = [10, 0], sizes = [1, 256], strides = [1, 1]} : vector<33x256xf32> to vector<1x256xf32>
    %squeeze3A_638 = vector.shape_cast %slice3A_637 : vector<1x256xf32> to vector<256xf32>
    %sub3A_639 = arith.subf %squeeze3A_636, %squeeze3A_638 : vector<256xf32>
    %broadcast_in_dim3A_640 = vector.shape_cast %sub3A_639 : vector<256xf32> to vector<1x256xf32>
    %mul3A_641 = vector.broadcast %broadcast_in_dim3A_640 : vector<1x256xf32> to vector<512x256xf32>
    %mul3A_642 = arith.mulf %convert_element_type3A_589, %mul3A_641 : vector<512x256xf32>
    %add3A_643 = arith.addf %add3A_582, %mul3A_642 : vector<512x256xf32>
    %slice3A_644 = vector.extract_strided_slice %get3A_7 {offsets = [11, 0], sizes = [1, 256], strides = [1, 1]} : vector<33x256xf32> to vector<1x256xf32>
    %squeeze3A_645 = vector.shape_cast %slice3A_644 : vector<1x256xf32> to vector<256xf32>
    %broadcast_in_dim3A_646 = vector.shape_cast %squeeze3A_645 : vector<256xf32> to vector<1x256xf32>
    %ge3A_647 = vector.broadcast %broadcast_in_dim3A_646 : vector<1x256xf32> to vector<512x256xf32>
    %ge3A_648 = arith.cmpf oge, %min3A_4, %ge3A_647 : vector<512x256xf32>
    %convert_element_type3A_649 = arith.extui %ge3A_648 : vector<512x256xi1> to vector<512x256xi32>
    %convert_element_type3A_650 = arith.sitofp %convert_element_type3A_649 : vector<512x256xi32> to vector<512x256xf32>
    %slice3A_651 = vector.extract_strided_slice %get3A_7 {offsets = [11, 0], sizes = [1, 256], strides = [1, 1]} : vector<33x256xf32> to vector<1x256xf32>
    %squeeze3A_652 = vector.shape_cast %slice3A_651 : vector<1x256xf32> to vector<256xf32>
    %slice3A_653 = vector.extract_strided_slice %get3A_7 {offsets = [10, 0], sizes = [1, 256], strides = [1, 1]} : vector<33x256xf32> to vector<1x256xf32>
    %squeeze3A_654 = vector.shape_cast %slice3A_653 : vector<1x256xf32> to vector<256xf32>
    %sub3A_655 = arith.subf %squeeze3A_652, %squeeze3A_654 : vector<256xf32>
    %broadcast_in_dim3A_656 = vector.shape_cast %sub3A_655 : vector<256xf32> to vector<1x256xf32>
    %mul3A_657 = vector.broadcast %broadcast_in_dim3A_656 : vector<1x256xf32> to vector<512x256xf32>
    %mul3A_658 = arith.mulf %convert_element_type3A_650, %mul3A_657 : vector<512x256xf32>
    %add3A_659 = arith.addf %add3A_598, %mul3A_658 : vector<512x256xf32>
    %slice3A_660 = vector.extract_strided_slice %get3A_10 {offsets = [11, 0], sizes = [1, 256], strides = [1, 1]} : vector<32x256xf32> to vector<1x256xf32>
    %squeeze3A_661 = vector.shape_cast %slice3A_660 : vector<1x256xf32> to vector<256xf32>
    %slice3A_662 = vector.extract_strided_slice %get3A_10 {offsets = [10, 0], sizes = [1, 256], strides = [1, 1]} : vector<32x256xf32> to vector<1x256xf32>
    %squeeze3A_663 = vector.shape_cast %slice3A_662 : vector<1x256xf32> to vector<256xf32>
    %sub3A_664 = arith.subf %squeeze3A_661, %squeeze3A_663 : vector<256xf32>
    %broadcast_in_dim3A_665 = vector.shape_cast %sub3A_664 : vector<256xf32> to vector<1x256xf32>
    %mul3A_666 = vector.broadcast %broadcast_in_dim3A_665 : vector<1x256xf32> to vector<512x256xf32>
    %mul3A_667 = arith.mulf %convert_element_type3A_650, %mul3A_666 : vector<512x256xf32>
    %add3A_668 = arith.addf %add3A_607, %mul3A_667 : vector<512x256xf32>
    %slice3A_669 = vector.extract_strided_slice %get3A_13 {offsets = [11, 0], sizes = [1, 256], strides = [1, 1]} : vector<32x256xf32> to vector<1x256xf32>
    %squeeze3A_670 = vector.shape_cast %slice3A_669 : vector<1x256xf32> to vector<256xf32>
    %slice3A_671 = vector.extract_strided_slice %get3A_13 {offsets = [10, 0], sizes = [1, 256], strides = [1, 1]} : vector<32x256xf32> to vector<1x256xf32>
    %squeeze3A_672 = vector.shape_cast %slice3A_671 : vector<1x256xf32> to vector<256xf32>
    %sub3A_673 = arith.subf %squeeze3A_670, %squeeze3A_672 : vector<256xf32>
    %broadcast_in_dim3A_674 = vector.shape_cast %sub3A_673 : vector<256xf32> to vector<1x256xf32>
    %mul3A_675 = vector.broadcast %broadcast_in_dim3A_674 : vector<1x256xf32> to vector<512x256xf32>
    %mul3A_676 = arith.mulf %convert_element_type3A_650, %mul3A_675 : vector<512x256xf32>
    %add3A_677 = arith.addf %add3A_616, %mul3A_676 : vector<512x256xf32>
    %slice3A_678 = vector.extract_strided_slice %get3A_16 {offsets = [11, 0], sizes = [1, 256], strides = [1, 1]} : vector<32x256xf32> to vector<1x256xf32>
    %squeeze3A_679 = vector.shape_cast %slice3A_678 : vector<1x256xf32> to vector<256xf32>
    %slice3A_680 = vector.extract_strided_slice %get3A_16 {offsets = [10, 0], sizes = [1, 256], strides = [1, 1]} : vector<32x256xf32> to vector<1x256xf32>
    %squeeze3A_681 = vector.shape_cast %slice3A_680 : vector<1x256xf32> to vector<256xf32>
    %sub3A_682 = arith.subf %squeeze3A_679, %squeeze3A_681 : vector<256xf32>
    %broadcast_in_dim3A_683 = vector.shape_cast %sub3A_682 : vector<256xf32> to vector<1x256xf32>
    %mul3A_684 = vector.broadcast %broadcast_in_dim3A_683 : vector<1x256xf32> to vector<512x256xf32>
    %mul3A_685 = arith.mulf %convert_element_type3A_650, %mul3A_684 : vector<512x256xf32>
    %add3A_686 = arith.addf %add3A_625, %mul3A_685 : vector<512x256xf32>
    %slice3A_687 = vector.extract_strided_slice %get3A_19 {offsets = [11, 0], sizes = [1, 256], strides = [1, 1]} : vector<33x256xf32> to vector<1x256xf32>
    %squeeze3A_688 = vector.shape_cast %slice3A_687 : vector<1x256xf32> to vector<256xf32>
    %slice3A_689 = vector.extract_strided_slice %get3A_19 {offsets = [10, 0], sizes = [1, 256], strides = [1, 1]} : vector<33x256xf32> to vector<1x256xf32>
    %squeeze3A_690 = vector.shape_cast %slice3A_689 : vector<1x256xf32> to vector<256xf32>
    %sub3A_691 = arith.subf %squeeze3A_688, %squeeze3A_690 : vector<256xf32>
    %broadcast_in_dim3A_692 = vector.shape_cast %sub3A_691 : vector<256xf32> to vector<1x256xf32>
    %mul3A_693 = vector.broadcast %broadcast_in_dim3A_692 : vector<1x256xf32> to vector<512x256xf32>
    %mul3A_694 = arith.mulf %convert_element_type3A_650, %mul3A_693 : vector<512x256xf32>
    %add3A_695 = arith.addf %add3A_634, %mul3A_694 : vector<512x256xf32>
    %slice3A_696 = vector.extract_strided_slice %get3A_19 {offsets = [12, 0], sizes = [1, 256], strides = [1, 1]} : vector<33x256xf32> to vector<1x256xf32>
    %squeeze3A_697 = vector.shape_cast %slice3A_696 : vector<1x256xf32> to vector<256xf32>
    %slice3A_698 = vector.extract_strided_slice %get3A_19 {offsets = [11, 0], sizes = [1, 256], strides = [1, 1]} : vector<33x256xf32> to vector<1x256xf32>
    %squeeze3A_699 = vector.shape_cast %slice3A_698 : vector<1x256xf32> to vector<256xf32>
    %sub3A_700 = arith.subf %squeeze3A_697, %squeeze3A_699 : vector<256xf32>
    %broadcast_in_dim3A_701 = vector.shape_cast %sub3A_700 : vector<256xf32> to vector<1x256xf32>
    %mul3A_702 = vector.broadcast %broadcast_in_dim3A_701 : vector<1x256xf32> to vector<512x256xf32>
    %mul3A_703 = arith.mulf %convert_element_type3A_650, %mul3A_702 : vector<512x256xf32>
    %add3A_704 = arith.addf %add3A_643, %mul3A_703 : vector<512x256xf32>
    %slice3A_705 = vector.extract_strided_slice %get3A_7 {offsets = [12, 0], sizes = [1, 256], strides = [1, 1]} : vector<33x256xf32> to vector<1x256xf32>
    %squeeze3A_706 = vector.shape_cast %slice3A_705 : vector<1x256xf32> to vector<256xf32>
    %broadcast_in_dim3A_707 = vector.shape_cast %squeeze3A_706 : vector<256xf32> to vector<1x256xf32>
    %ge3A_708 = vector.broadcast %broadcast_in_dim3A_707 : vector<1x256xf32> to vector<512x256xf32>
    %ge3A_709 = arith.cmpf oge, %min3A_4, %ge3A_708 : vector<512x256xf32>
    %convert_element_type3A_710 = arith.extui %ge3A_709 : vector<512x256xi1> to vector<512x256xi32>
    %convert_element_type3A_711 = arith.sitofp %convert_element_type3A_710 : vector<512x256xi32> to vector<512x256xf32>
    %slice3A_712 = vector.extract_strided_slice %get3A_7 {offsets = [12, 0], sizes = [1, 256], strides = [1, 1]} : vector<33x256xf32> to vector<1x256xf32>
    %squeeze3A_713 = vector.shape_cast %slice3A_712 : vector<1x256xf32> to vector<256xf32>
    %slice3A_714 = vector.extract_strided_slice %get3A_7 {offsets = [11, 0], sizes = [1, 256], strides = [1, 1]} : vector<33x256xf32> to vector<1x256xf32>
    %squeeze3A_715 = vector.shape_cast %slice3A_714 : vector<1x256xf32> to vector<256xf32>
    %sub3A_716 = arith.subf %squeeze3A_713, %squeeze3A_715 : vector<256xf32>
    %broadcast_in_dim3A_717 = vector.shape_cast %sub3A_716 : vector<256xf32> to vector<1x256xf32>
    %mul3A_718 = vector.broadcast %broadcast_in_dim3A_717 : vector<1x256xf32> to vector<512x256xf32>
    %mul3A_719 = arith.mulf %convert_element_type3A_711, %mul3A_718 : vector<512x256xf32>
    %add3A_720 = arith.addf %add3A_659, %mul3A_719 : vector<512x256xf32>
    %slice3A_721 = vector.extract_strided_slice %get3A_10 {offsets = [12, 0], sizes = [1, 256], strides = [1, 1]} : vector<32x256xf32> to vector<1x256xf32>
    %squeeze3A_722 = vector.shape_cast %slice3A_721 : vector<1x256xf32> to vector<256xf32>
    %slice3A_723 = vector.extract_strided_slice %get3A_10 {offsets = [11, 0], sizes = [1, 256], strides = [1, 1]} : vector<32x256xf32> to vector<1x256xf32>
    %squeeze3A_724 = vector.shape_cast %slice3A_723 : vector<1x256xf32> to vector<256xf32>
    %sub3A_725 = arith.subf %squeeze3A_722, %squeeze3A_724 : vector<256xf32>
    %broadcast_in_dim3A_726 = vector.shape_cast %sub3A_725 : vector<256xf32> to vector<1x256xf32>
    %mul3A_727 = vector.broadcast %broadcast_in_dim3A_726 : vector<1x256xf32> to vector<512x256xf32>
    %mul3A_728 = arith.mulf %convert_element_type3A_711, %mul3A_727 : vector<512x256xf32>
    %add3A_729 = arith.addf %add3A_668, %mul3A_728 : vector<512x256xf32>
    %slice3A_730 = vector.extract_strided_slice %get3A_13 {offsets = [12, 0], sizes = [1, 256], strides = [1, 1]} : vector<32x256xf32> to vector<1x256xf32>
    %squeeze3A_731 = vector.shape_cast %slice3A_730 : vector<1x256xf32> to vector<256xf32>
    %slice3A_732 = vector.extract_strided_slice %get3A_13 {offsets = [11, 0], sizes = [1, 256], strides = [1, 1]} : vector<32x256xf32> to vector<1x256xf32>
    %squeeze3A_733 = vector.shape_cast %slice3A_732 : vector<1x256xf32> to vector<256xf32>
    %sub3A_734 = arith.subf %squeeze3A_731, %squeeze3A_733 : vector<256xf32>
    %broadcast_in_dim3A_735 = vector.shape_cast %sub3A_734 : vector<256xf32> to vector<1x256xf32>
    %mul3A_736 = vector.broadcast %broadcast_in_dim3A_735 : vector<1x256xf32> to vector<512x256xf32>
    %mul3A_737 = arith.mulf %convert_element_type3A_711, %mul3A_736 : vector<512x256xf32>
    %add3A_738 = arith.addf %add3A_677, %mul3A_737 : vector<512x256xf32>
    %slice3A_739 = vector.extract_strided_slice %get3A_16 {offsets = [12, 0], sizes = [1, 256], strides = [1, 1]} : vector<32x256xf32> to vector<1x256xf32>
    %squeeze3A_740 = vector.shape_cast %slice3A_739 : vector<1x256xf32> to vector<256xf32>
    %slice3A_741 = vector.extract_strided_slice %get3A_16 {offsets = [11, 0], sizes = [1, 256], strides = [1, 1]} : vector<32x256xf32> to vector<1x256xf32>
    %squeeze3A_742 = vector.shape_cast %slice3A_741 : vector<1x256xf32> to vector<256xf32>
    %sub3A_743 = arith.subf %squeeze3A_740, %squeeze3A_742 : vector<256xf32>
    %broadcast_in_dim3A_744 = vector.shape_cast %sub3A_743 : vector<256xf32> to vector<1x256xf32>
    %mul3A_745 = vector.broadcast %broadcast_in_dim3A_744 : vector<1x256xf32> to vector<512x256xf32>
    %mul3A_746 = arith.mulf %convert_element_type3A_711, %mul3A_745 : vector<512x256xf32>
    %add3A_747 = arith.addf %add3A_686, %mul3A_746 : vector<512x256xf32>
    %slice3A_748 = vector.extract_strided_slice %get3A_19 {offsets = [12, 0], sizes = [1, 256], strides = [1, 1]} : vector<33x256xf32> to vector<1x256xf32>
    %squeeze3A_749 = vector.shape_cast %slice3A_748 : vector<1x256xf32> to vector<256xf32>
    %slice3A_750 = vector.extract_strided_slice %get3A_19 {offsets = [11, 0], sizes = [1, 256], strides = [1, 1]} : vector<33x256xf32> to vector<1x256xf32>
    %squeeze3A_751 = vector.shape_cast %slice3A_750 : vector<1x256xf32> to vector<256xf32>
    %sub3A_752 = arith.subf %squeeze3A_749, %squeeze3A_751 : vector<256xf32>
    %broadcast_in_dim3A_753 = vector.shape_cast %sub3A_752 : vector<256xf32> to vector<1x256xf32>
    %mul3A_754 = vector.broadcast %broadcast_in_dim3A_753 : vector<1x256xf32> to vector<512x256xf32>
    %mul3A_755 = arith.mulf %convert_element_type3A_711, %mul3A_754 : vector<512x256xf32>
    %add3A_756 = arith.addf %add3A_695, %mul3A_755 : vector<512x256xf32>
    %slice3A_757 = vector.extract_strided_slice %get3A_19 {offsets = [13, 0], sizes = [1, 256], strides = [1, 1]} : vector<33x256xf32> to vector<1x256xf32>
    %squeeze3A_758 = vector.shape_cast %slice3A_757 : vector<1x256xf32> to vector<256xf32>
    %slice3A_759 = vector.extract_strided_slice %get3A_19 {offsets = [12, 0], sizes = [1, 256], strides = [1, 1]} : vector<33x256xf32> to vector<1x256xf32>
    %squeeze3A_760 = vector.shape_cast %slice3A_759 : vector<1x256xf32> to vector<256xf32>
    %sub3A_761 = arith.subf %squeeze3A_758, %squeeze3A_760 : vector<256xf32>
    %broadcast_in_dim3A_762 = vector.shape_cast %sub3A_761 : vector<256xf32> to vector<1x256xf32>
    %mul3A_763 = vector.broadcast %broadcast_in_dim3A_762 : vector<1x256xf32> to vector<512x256xf32>
    %mul3A_764 = arith.mulf %convert_element_type3A_711, %mul3A_763 : vector<512x256xf32>
    %add3A_765 = arith.addf %add3A_704, %mul3A_764 : vector<512x256xf32>
    %slice3A_766 = vector.extract_strided_slice %get3A_7 {offsets = [13, 0], sizes = [1, 256], strides = [1, 1]} : vector<33x256xf32> to vector<1x256xf32>
    %squeeze3A_767 = vector.shape_cast %slice3A_766 : vector<1x256xf32> to vector<256xf32>
    %broadcast_in_dim3A_768 = vector.shape_cast %squeeze3A_767 : vector<256xf32> to vector<1x256xf32>
    %ge3A_769 = vector.broadcast %broadcast_in_dim3A_768 : vector<1x256xf32> to vector<512x256xf32>
    %ge3A_770 = arith.cmpf oge, %min3A_4, %ge3A_769 : vector<512x256xf32>
    %convert_element_type3A_771 = arith.extui %ge3A_770 : vector<512x256xi1> to vector<512x256xi32>
    %convert_element_type3A_772 = arith.sitofp %convert_element_type3A_771 : vector<512x256xi32> to vector<512x256xf32>
    %slice3A_773 = vector.extract_strided_slice %get3A_7 {offsets = [13, 0], sizes = [1, 256], strides = [1, 1]} : vector<33x256xf32> to vector<1x256xf32>
    %squeeze3A_774 = vector.shape_cast %slice3A_773 : vector<1x256xf32> to vector<256xf32>
    %slice3A_775 = vector.extract_strided_slice %get3A_7 {offsets = [12, 0], sizes = [1, 256], strides = [1, 1]} : vector<33x256xf32> to vector<1x256xf32>
    %squeeze3A_776 = vector.shape_cast %slice3A_775 : vector<1x256xf32> to vector<256xf32>
    %sub3A_777 = arith.subf %squeeze3A_774, %squeeze3A_776 : vector<256xf32>
    %broadcast_in_dim3A_778 = vector.shape_cast %sub3A_777 : vector<256xf32> to vector<1x256xf32>
    %mul3A_779 = vector.broadcast %broadcast_in_dim3A_778 : vector<1x256xf32> to vector<512x256xf32>
    %mul3A_780 = arith.mulf %convert_element_type3A_772, %mul3A_779 : vector<512x256xf32>
    %add3A_781 = arith.addf %add3A_720, %mul3A_780 : vector<512x256xf32>
    %slice3A_782 = vector.extract_strided_slice %get3A_10 {offsets = [13, 0], sizes = [1, 256], strides = [1, 1]} : vector<32x256xf32> to vector<1x256xf32>
    %squeeze3A_783 = vector.shape_cast %slice3A_782 : vector<1x256xf32> to vector<256xf32>
    %slice3A_784 = vector.extract_strided_slice %get3A_10 {offsets = [12, 0], sizes = [1, 256], strides = [1, 1]} : vector<32x256xf32> to vector<1x256xf32>
    %squeeze3A_785 = vector.shape_cast %slice3A_784 : vector<1x256xf32> to vector<256xf32>
    %sub3A_786 = arith.subf %squeeze3A_783, %squeeze3A_785 : vector<256xf32>
    %broadcast_in_dim3A_787 = vector.shape_cast %sub3A_786 : vector<256xf32> to vector<1x256xf32>
    %mul3A_788 = vector.broadcast %broadcast_in_dim3A_787 : vector<1x256xf32> to vector<512x256xf32>
    %mul3A_789 = arith.mulf %convert_element_type3A_772, %mul3A_788 : vector<512x256xf32>
    %add3A_790 = arith.addf %add3A_729, %mul3A_789 : vector<512x256xf32>
    %slice3A_791 = vector.extract_strided_slice %get3A_13 {offsets = [13, 0], sizes = [1, 256], strides = [1, 1]} : vector<32x256xf32> to vector<1x256xf32>
    %squeeze3A_792 = vector.shape_cast %slice3A_791 : vector<1x256xf32> to vector<256xf32>
    %slice3A_793 = vector.extract_strided_slice %get3A_13 {offsets = [12, 0], sizes = [1, 256], strides = [1, 1]} : vector<32x256xf32> to vector<1x256xf32>
    %squeeze3A_794 = vector.shape_cast %slice3A_793 : vector<1x256xf32> to vector<256xf32>
    %sub3A_795 = arith.subf %squeeze3A_792, %squeeze3A_794 : vector<256xf32>
    %broadcast_in_dim3A_796 = vector.shape_cast %sub3A_795 : vector<256xf32> to vector<1x256xf32>
    %mul3A_797 = vector.broadcast %broadcast_in_dim3A_796 : vector<1x256xf32> to vector<512x256xf32>
    %mul3A_798 = arith.mulf %convert_element_type3A_772, %mul3A_797 : vector<512x256xf32>
    %add3A_799 = arith.addf %add3A_738, %mul3A_798 : vector<512x256xf32>
    %slice3A_800 = vector.extract_strided_slice %get3A_16 {offsets = [13, 0], sizes = [1, 256], strides = [1, 1]} : vector<32x256xf32> to vector<1x256xf32>
    %squeeze3A_801 = vector.shape_cast %slice3A_800 : vector<1x256xf32> to vector<256xf32>
    %slice3A_802 = vector.extract_strided_slice %get3A_16 {offsets = [12, 0], sizes = [1, 256], strides = [1, 1]} : vector<32x256xf32> to vector<1x256xf32>
    %squeeze3A_803 = vector.shape_cast %slice3A_802 : vector<1x256xf32> to vector<256xf32>
    %sub3A_804 = arith.subf %squeeze3A_801, %squeeze3A_803 : vector<256xf32>
    %broadcast_in_dim3A_805 = vector.shape_cast %sub3A_804 : vector<256xf32> to vector<1x256xf32>
    %mul3A_806 = vector.broadcast %broadcast_in_dim3A_805 : vector<1x256xf32> to vector<512x256xf32>
    %mul3A_807 = arith.mulf %convert_element_type3A_772, %mul3A_806 : vector<512x256xf32>
    %add3A_808 = arith.addf %add3A_747, %mul3A_807 : vector<512x256xf32>
    %slice3A_809 = vector.extract_strided_slice %get3A_19 {offsets = [13, 0], sizes = [1, 256], strides = [1, 1]} : vector<33x256xf32> to vector<1x256xf32>
    %squeeze3A_810 = vector.shape_cast %slice3A_809 : vector<1x256xf32> to vector<256xf32>
    %slice3A_811 = vector.extract_strided_slice %get3A_19 {offsets = [12, 0], sizes = [1, 256], strides = [1, 1]} : vector<33x256xf32> to vector<1x256xf32>
    %squeeze3A_812 = vector.shape_cast %slice3A_811 : vector<1x256xf32> to vector<256xf32>
    %sub3A_813 = arith.subf %squeeze3A_810, %squeeze3A_812 : vector<256xf32>
    %broadcast_in_dim3A_814 = vector.shape_cast %sub3A_813 : vector<256xf32> to vector<1x256xf32>
    %mul3A_815 = vector.broadcast %broadcast_in_dim3A_814 : vector<1x256xf32> to vector<512x256xf32>
    %mul3A_816 = arith.mulf %convert_element_type3A_772, %mul3A_815 : vector<512x256xf32>
    %add3A_817 = arith.addf %add3A_756, %mul3A_816 : vector<512x256xf32>
    %slice3A_818 = vector.extract_strided_slice %get3A_19 {offsets = [14, 0], sizes = [1, 256], strides = [1, 1]} : vector<33x256xf32> to vector<1x256xf32>
    %squeeze3A_819 = vector.shape_cast %slice3A_818 : vector<1x256xf32> to vector<256xf32>
    %slice3A_820 = vector.extract_strided_slice %get3A_19 {offsets = [13, 0], sizes = [1, 256], strides = [1, 1]} : vector<33x256xf32> to vector<1x256xf32>
    %squeeze3A_821 = vector.shape_cast %slice3A_820 : vector<1x256xf32> to vector<256xf32>
    %sub3A_822 = arith.subf %squeeze3A_819, %squeeze3A_821 : vector<256xf32>
    %broadcast_in_dim3A_823 = vector.shape_cast %sub3A_822 : vector<256xf32> to vector<1x256xf32>
    %mul3A_824 = vector.broadcast %broadcast_in_dim3A_823 : vector<1x256xf32> to vector<512x256xf32>
    %mul3A_825 = arith.mulf %convert_element_type3A_772, %mul3A_824 : vector<512x256xf32>
    %add3A_826 = arith.addf %add3A_765, %mul3A_825 : vector<512x256xf32>
    %slice3A_827 = vector.extract_strided_slice %get3A_7 {offsets = [14, 0], sizes = [1, 256], strides = [1, 1]} : vector<33x256xf32> to vector<1x256xf32>
    %squeeze3A_828 = vector.shape_cast %slice3A_827 : vector<1x256xf32> to vector<256xf32>
    %broadcast_in_dim3A_829 = vector.shape_cast %squeeze3A_828 : vector<256xf32> to vector<1x256xf32>
    %ge3A_830 = vector.broadcast %broadcast_in_dim3A_829 : vector<1x256xf32> to vector<512x256xf32>
    %ge3A_831 = arith.cmpf oge, %min3A_4, %ge3A_830 : vector<512x256xf32>
    %convert_element_type3A_832 = arith.extui %ge3A_831 : vector<512x256xi1> to vector<512x256xi32>
    %convert_element_type3A_833 = arith.sitofp %convert_element_type3A_832 : vector<512x256xi32> to vector<512x256xf32>
    %slice3A_834 = vector.extract_strided_slice %get3A_7 {offsets = [14, 0], sizes = [1, 256], strides = [1, 1]} : vector<33x256xf32> to vector<1x256xf32>
    %squeeze3A_835 = vector.shape_cast %slice3A_834 : vector<1x256xf32> to vector<256xf32>
    %slice3A_836 = vector.extract_strided_slice %get3A_7 {offsets = [13, 0], sizes = [1, 256], strides = [1, 1]} : vector<33x256xf32> to vector<1x256xf32>
    %squeeze3A_837 = vector.shape_cast %slice3A_836 : vector<1x256xf32> to vector<256xf32>
    %sub3A_838 = arith.subf %squeeze3A_835, %squeeze3A_837 : vector<256xf32>
    %broadcast_in_dim3A_839 = vector.shape_cast %sub3A_838 : vector<256xf32> to vector<1x256xf32>
    %mul3A_840 = vector.broadcast %broadcast_in_dim3A_839 : vector<1x256xf32> to vector<512x256xf32>
    %mul3A_841 = arith.mulf %convert_element_type3A_833, %mul3A_840 : vector<512x256xf32>
    %add3A_842 = arith.addf %add3A_781, %mul3A_841 : vector<512x256xf32>
    %slice3A_843 = vector.extract_strided_slice %get3A_10 {offsets = [14, 0], sizes = [1, 256], strides = [1, 1]} : vector<32x256xf32> to vector<1x256xf32>
    %squeeze3A_844 = vector.shape_cast %slice3A_843 : vector<1x256xf32> to vector<256xf32>
    %slice3A_845 = vector.extract_strided_slice %get3A_10 {offsets = [13, 0], sizes = [1, 256], strides = [1, 1]} : vector<32x256xf32> to vector<1x256xf32>
    %squeeze3A_846 = vector.shape_cast %slice3A_845 : vector<1x256xf32> to vector<256xf32>
    %sub3A_847 = arith.subf %squeeze3A_844, %squeeze3A_846 : vector<256xf32>
    %broadcast_in_dim3A_848 = vector.shape_cast %sub3A_847 : vector<256xf32> to vector<1x256xf32>
    %mul3A_849 = vector.broadcast %broadcast_in_dim3A_848 : vector<1x256xf32> to vector<512x256xf32>
    %mul3A_850 = arith.mulf %convert_element_type3A_833, %mul3A_849 : vector<512x256xf32>
    %add3A_851 = arith.addf %add3A_790, %mul3A_850 : vector<512x256xf32>
    %slice3A_852 = vector.extract_strided_slice %get3A_13 {offsets = [14, 0], sizes = [1, 256], strides = [1, 1]} : vector<32x256xf32> to vector<1x256xf32>
    %squeeze3A_853 = vector.shape_cast %slice3A_852 : vector<1x256xf32> to vector<256xf32>
    %slice3A_854 = vector.extract_strided_slice %get3A_13 {offsets = [13, 0], sizes = [1, 256], strides = [1, 1]} : vector<32x256xf32> to vector<1x256xf32>
    %squeeze3A_855 = vector.shape_cast %slice3A_854 : vector<1x256xf32> to vector<256xf32>
    %sub3A_856 = arith.subf %squeeze3A_853, %squeeze3A_855 : vector<256xf32>
    %broadcast_in_dim3A_857 = vector.shape_cast %sub3A_856 : vector<256xf32> to vector<1x256xf32>
    %mul3A_858 = vector.broadcast %broadcast_in_dim3A_857 : vector<1x256xf32> to vector<512x256xf32>
    %mul3A_859 = arith.mulf %convert_element_type3A_833, %mul3A_858 : vector<512x256xf32>
    %add3A_860 = arith.addf %add3A_799, %mul3A_859 : vector<512x256xf32>
    %slice3A_861 = vector.extract_strided_slice %get3A_16 {offsets = [14, 0], sizes = [1, 256], strides = [1, 1]} : vector<32x256xf32> to vector<1x256xf32>
    %squeeze3A_862 = vector.shape_cast %slice3A_861 : vector<1x256xf32> to vector<256xf32>
    %slice3A_863 = vector.extract_strided_slice %get3A_16 {offsets = [13, 0], sizes = [1, 256], strides = [1, 1]} : vector<32x256xf32> to vector<1x256xf32>
    %squeeze3A_864 = vector.shape_cast %slice3A_863 : vector<1x256xf32> to vector<256xf32>
    %sub3A_865 = arith.subf %squeeze3A_862, %squeeze3A_864 : vector<256xf32>
    %broadcast_in_dim3A_866 = vector.shape_cast %sub3A_865 : vector<256xf32> to vector<1x256xf32>
    %mul3A_867 = vector.broadcast %broadcast_in_dim3A_866 : vector<1x256xf32> to vector<512x256xf32>
    %mul3A_868 = arith.mulf %convert_element_type3A_833, %mul3A_867 : vector<512x256xf32>
    %add3A_869 = arith.addf %add3A_808, %mul3A_868 : vector<512x256xf32>
    %slice3A_870 = vector.extract_strided_slice %get3A_19 {offsets = [14, 0], sizes = [1, 256], strides = [1, 1]} : vector<33x256xf32> to vector<1x256xf32>
    %squeeze3A_871 = vector.shape_cast %slice3A_870 : vector<1x256xf32> to vector<256xf32>
    %slice3A_872 = vector.extract_strided_slice %get3A_19 {offsets = [13, 0], sizes = [1, 256], strides = [1, 1]} : vector<33x256xf32> to vector<1x256xf32>
    %squeeze3A_873 = vector.shape_cast %slice3A_872 : vector<1x256xf32> to vector<256xf32>
    %sub3A_874 = arith.subf %squeeze3A_871, %squeeze3A_873 : vector<256xf32>
    %broadcast_in_dim3A_875 = vector.shape_cast %sub3A_874 : vector<256xf32> to vector<1x256xf32>
    %mul3A_876 = vector.broadcast %broadcast_in_dim3A_875 : vector<1x256xf32> to vector<512x256xf32>
    %mul3A_877 = arith.mulf %convert_element_type3A_833, %mul3A_876 : vector<512x256xf32>
    %add3A_878 = arith.addf %add3A_817, %mul3A_877 : vector<512x256xf32>
    %slice3A_879 = vector.extract_strided_slice %get3A_19 {offsets = [15, 0], sizes = [1, 256], strides = [1, 1]} : vector<33x256xf32> to vector<1x256xf32>
    %squeeze3A_880 = vector.shape_cast %slice3A_879 : vector<1x256xf32> to vector<256xf32>
    %slice3A_881 = vector.extract_strided_slice %get3A_19 {offsets = [14, 0], sizes = [1, 256], strides = [1, 1]} : vector<33x256xf32> to vector<1x256xf32>
    %squeeze3A_882 = vector.shape_cast %slice3A_881 : vector<1x256xf32> to vector<256xf32>
    %sub3A_883 = arith.subf %squeeze3A_880, %squeeze3A_882 : vector<256xf32>
    %broadcast_in_dim3A_884 = vector.shape_cast %sub3A_883 : vector<256xf32> to vector<1x256xf32>
    %mul3A_885 = vector.broadcast %broadcast_in_dim3A_884 : vector<1x256xf32> to vector<512x256xf32>
    %mul3A_886 = arith.mulf %convert_element_type3A_833, %mul3A_885 : vector<512x256xf32>
    %add3A_887 = arith.addf %add3A_826, %mul3A_886 : vector<512x256xf32>
    %slice3A_888 = vector.extract_strided_slice %get3A_7 {offsets = [15, 0], sizes = [1, 256], strides = [1, 1]} : vector<33x256xf32> to vector<1x256xf32>
    %squeeze3A_889 = vector.shape_cast %slice3A_888 : vector<1x256xf32> to vector<256xf32>
    %broadcast_in_dim3A_890 = vector.shape_cast %squeeze3A_889 : vector<256xf32> to vector<1x256xf32>
    %ge3A_891 = vector.broadcast %broadcast_in_dim3A_890 : vector<1x256xf32> to vector<512x256xf32>
    %ge3A_892 = arith.cmpf oge, %min3A_4, %ge3A_891 : vector<512x256xf32>
    %convert_element_type3A_893 = arith.extui %ge3A_892 : vector<512x256xi1> to vector<512x256xi32>
    %convert_element_type3A_894 = arith.sitofp %convert_element_type3A_893 : vector<512x256xi32> to vector<512x256xf32>
    %slice3A_895 = vector.extract_strided_slice %get3A_7 {offsets = [15, 0], sizes = [1, 256], strides = [1, 1]} : vector<33x256xf32> to vector<1x256xf32>
    %squeeze3A_896 = vector.shape_cast %slice3A_895 : vector<1x256xf32> to vector<256xf32>
    %slice3A_897 = vector.extract_strided_slice %get3A_7 {offsets = [14, 0], sizes = [1, 256], strides = [1, 1]} : vector<33x256xf32> to vector<1x256xf32>
    %squeeze3A_898 = vector.shape_cast %slice3A_897 : vector<1x256xf32> to vector<256xf32>
    %sub3A_899 = arith.subf %squeeze3A_896, %squeeze3A_898 : vector<256xf32>
    %broadcast_in_dim3A_900 = vector.shape_cast %sub3A_899 : vector<256xf32> to vector<1x256xf32>
    %mul3A_901 = vector.broadcast %broadcast_in_dim3A_900 : vector<1x256xf32> to vector<512x256xf32>
    %mul3A_902 = arith.mulf %convert_element_type3A_894, %mul3A_901 : vector<512x256xf32>
    %add3A_903 = arith.addf %add3A_842, %mul3A_902 : vector<512x256xf32>
    %slice3A_904 = vector.extract_strided_slice %get3A_10 {offsets = [15, 0], sizes = [1, 256], strides = [1, 1]} : vector<32x256xf32> to vector<1x256xf32>
    %squeeze3A_905 = vector.shape_cast %slice3A_904 : vector<1x256xf32> to vector<256xf32>
    %slice3A_906 = vector.extract_strided_slice %get3A_10 {offsets = [14, 0], sizes = [1, 256], strides = [1, 1]} : vector<32x256xf32> to vector<1x256xf32>
    %squeeze3A_907 = vector.shape_cast %slice3A_906 : vector<1x256xf32> to vector<256xf32>
    %sub3A_908 = arith.subf %squeeze3A_905, %squeeze3A_907 : vector<256xf32>
    %broadcast_in_dim3A_909 = vector.shape_cast %sub3A_908 : vector<256xf32> to vector<1x256xf32>
    %mul3A_910 = vector.broadcast %broadcast_in_dim3A_909 : vector<1x256xf32> to vector<512x256xf32>
    %mul3A_911 = arith.mulf %convert_element_type3A_894, %mul3A_910 : vector<512x256xf32>
    %add3A_912 = arith.addf %add3A_851, %mul3A_911 : vector<512x256xf32>
    %slice3A_913 = vector.extract_strided_slice %get3A_13 {offsets = [15, 0], sizes = [1, 256], strides = [1, 1]} : vector<32x256xf32> to vector<1x256xf32>
    %squeeze3A_914 = vector.shape_cast %slice3A_913 : vector<1x256xf32> to vector<256xf32>
    %slice3A_915 = vector.extract_strided_slice %get3A_13 {offsets = [14, 0], sizes = [1, 256], strides = [1, 1]} : vector<32x256xf32> to vector<1x256xf32>
    %squeeze3A_916 = vector.shape_cast %slice3A_915 : vector<1x256xf32> to vector<256xf32>
    %sub3A_917 = arith.subf %squeeze3A_914, %squeeze3A_916 : vector<256xf32>
    %broadcast_in_dim3A_918 = vector.shape_cast %sub3A_917 : vector<256xf32> to vector<1x256xf32>
    %mul3A_919 = vector.broadcast %broadcast_in_dim3A_918 : vector<1x256xf32> to vector<512x256xf32>
    %mul3A_920 = arith.mulf %convert_element_type3A_894, %mul3A_919 : vector<512x256xf32>
    %add3A_921 = arith.addf %add3A_860, %mul3A_920 : vector<512x256xf32>
    %slice3A_922 = vector.extract_strided_slice %get3A_16 {offsets = [15, 0], sizes = [1, 256], strides = [1, 1]} : vector<32x256xf32> to vector<1x256xf32>
    %squeeze3A_923 = vector.shape_cast %slice3A_922 : vector<1x256xf32> to vector<256xf32>
    %slice3A_924 = vector.extract_strided_slice %get3A_16 {offsets = [14, 0], sizes = [1, 256], strides = [1, 1]} : vector<32x256xf32> to vector<1x256xf32>
    %squeeze3A_925 = vector.shape_cast %slice3A_924 : vector<1x256xf32> to vector<256xf32>
    %sub3A_926 = arith.subf %squeeze3A_923, %squeeze3A_925 : vector<256xf32>
    %broadcast_in_dim3A_927 = vector.shape_cast %sub3A_926 : vector<256xf32> to vector<1x256xf32>
    %mul3A_928 = vector.broadcast %broadcast_in_dim3A_927 : vector<1x256xf32> to vector<512x256xf32>
    %mul3A_929 = arith.mulf %convert_element_type3A_894, %mul3A_928 : vector<512x256xf32>
    %add3A_930 = arith.addf %add3A_869, %mul3A_929 : vector<512x256xf32>
    %slice3A_931 = vector.extract_strided_slice %get3A_19 {offsets = [15, 0], sizes = [1, 256], strides = [1, 1]} : vector<33x256xf32> to vector<1x256xf32>
    %squeeze3A_932 = vector.shape_cast %slice3A_931 : vector<1x256xf32> to vector<256xf32>
    %slice3A_933 = vector.extract_strided_slice %get3A_19 {offsets = [14, 0], sizes = [1, 256], strides = [1, 1]} : vector<33x256xf32> to vector<1x256xf32>
    %squeeze3A_934 = vector.shape_cast %slice3A_933 : vector<1x256xf32> to vector<256xf32>
    %sub3A_935 = arith.subf %squeeze3A_932, %squeeze3A_934 : vector<256xf32>
    %broadcast_in_dim3A_936 = vector.shape_cast %sub3A_935 : vector<256xf32> to vector<1x256xf32>
    %mul3A_937 = vector.broadcast %broadcast_in_dim3A_936 : vector<1x256xf32> to vector<512x256xf32>
    %mul3A_938 = arith.mulf %convert_element_type3A_894, %mul3A_937 : vector<512x256xf32>
    %add3A_939 = arith.addf %add3A_878, %mul3A_938 : vector<512x256xf32>
    %slice3A_940 = vector.extract_strided_slice %get3A_19 {offsets = [16, 0], sizes = [1, 256], strides = [1, 1]} : vector<33x256xf32> to vector<1x256xf32>
    %squeeze3A_941 = vector.shape_cast %slice3A_940 : vector<1x256xf32> to vector<256xf32>
    %slice3A_942 = vector.extract_strided_slice %get3A_19 {offsets = [15, 0], sizes = [1, 256], strides = [1, 1]} : vector<33x256xf32> to vector<1x256xf32>
    %squeeze3A_943 = vector.shape_cast %slice3A_942 : vector<1x256xf32> to vector<256xf32>
    %sub3A_944 = arith.subf %squeeze3A_941, %squeeze3A_943 : vector<256xf32>
    %broadcast_in_dim3A_945 = vector.shape_cast %sub3A_944 : vector<256xf32> to vector<1x256xf32>
    %mul3A_946 = vector.broadcast %broadcast_in_dim3A_945 : vector<1x256xf32> to vector<512x256xf32>
    %mul3A_947 = arith.mulf %convert_element_type3A_894, %mul3A_946 : vector<512x256xf32>
    %add3A_948 = arith.addf %add3A_887, %mul3A_947 : vector<512x256xf32>
    %slice3A_949 = vector.extract_strided_slice %get3A_7 {offsets = [16, 0], sizes = [1, 256], strides = [1, 1]} : vector<33x256xf32> to vector<1x256xf32>
    %squeeze3A_950 = vector.shape_cast %slice3A_949 : vector<1x256xf32> to vector<256xf32>
    %broadcast_in_dim3A_951 = vector.shape_cast %squeeze3A_950 : vector<256xf32> to vector<1x256xf32>
    %ge3A_952 = vector.broadcast %broadcast_in_dim3A_951 : vector<1x256xf32> to vector<512x256xf32>
    %ge3A_953 = arith.cmpf oge, %min3A_4, %ge3A_952 : vector<512x256xf32>
    %convert_element_type3A_954 = arith.extui %ge3A_953 : vector<512x256xi1> to vector<512x256xi32>
    %convert_element_type3A_955 = arith.sitofp %convert_element_type3A_954 : vector<512x256xi32> to vector<512x256xf32>
    %slice3A_956 = vector.extract_strided_slice %get3A_7 {offsets = [16, 0], sizes = [1, 256], strides = [1, 1]} : vector<33x256xf32> to vector<1x256xf32>
    %squeeze3A_957 = vector.shape_cast %slice3A_956 : vector<1x256xf32> to vector<256xf32>
    %slice3A_958 = vector.extract_strided_slice %get3A_7 {offsets = [15, 0], sizes = [1, 256], strides = [1, 1]} : vector<33x256xf32> to vector<1x256xf32>
    %squeeze3A_959 = vector.shape_cast %slice3A_958 : vector<1x256xf32> to vector<256xf32>
    %sub3A_960 = arith.subf %squeeze3A_957, %squeeze3A_959 : vector<256xf32>
    %broadcast_in_dim3A_961 = vector.shape_cast %sub3A_960 : vector<256xf32> to vector<1x256xf32>
    %mul3A_962 = vector.broadcast %broadcast_in_dim3A_961 : vector<1x256xf32> to vector<512x256xf32>
    %mul3A_963 = arith.mulf %convert_element_type3A_955, %mul3A_962 : vector<512x256xf32>
    %add3A_964 = arith.addf %add3A_903, %mul3A_963 : vector<512x256xf32>
    %slice3A_965 = vector.extract_strided_slice %get3A_10 {offsets = [16, 0], sizes = [1, 256], strides = [1, 1]} : vector<32x256xf32> to vector<1x256xf32>
    %squeeze3A_966 = vector.shape_cast %slice3A_965 : vector<1x256xf32> to vector<256xf32>
    %slice3A_967 = vector.extract_strided_slice %get3A_10 {offsets = [15, 0], sizes = [1, 256], strides = [1, 1]} : vector<32x256xf32> to vector<1x256xf32>
    %squeeze3A_968 = vector.shape_cast %slice3A_967 : vector<1x256xf32> to vector<256xf32>
    %sub3A_969 = arith.subf %squeeze3A_966, %squeeze3A_968 : vector<256xf32>
    %broadcast_in_dim3A_970 = vector.shape_cast %sub3A_969 : vector<256xf32> to vector<1x256xf32>
    %mul3A_971 = vector.broadcast %broadcast_in_dim3A_970 : vector<1x256xf32> to vector<512x256xf32>
    %mul3A_972 = arith.mulf %convert_element_type3A_955, %mul3A_971 : vector<512x256xf32>
    %add3A_973 = arith.addf %add3A_912, %mul3A_972 : vector<512x256xf32>
    %slice3A_974 = vector.extract_strided_slice %get3A_13 {offsets = [16, 0], sizes = [1, 256], strides = [1, 1]} : vector<32x256xf32> to vector<1x256xf32>
    %squeeze3A_975 = vector.shape_cast %slice3A_974 : vector<1x256xf32> to vector<256xf32>
    %slice3A_976 = vector.extract_strided_slice %get3A_13 {offsets = [15, 0], sizes = [1, 256], strides = [1, 1]} : vector<32x256xf32> to vector<1x256xf32>
    %squeeze3A_977 = vector.shape_cast %slice3A_976 : vector<1x256xf32> to vector<256xf32>
    %sub3A_978 = arith.subf %squeeze3A_975, %squeeze3A_977 : vector<256xf32>
    %broadcast_in_dim3A_979 = vector.shape_cast %sub3A_978 : vector<256xf32> to vector<1x256xf32>
    %mul3A_980 = vector.broadcast %broadcast_in_dim3A_979 : vector<1x256xf32> to vector<512x256xf32>
    %mul3A_981 = arith.mulf %convert_element_type3A_955, %mul3A_980 : vector<512x256xf32>
    %add3A_982 = arith.addf %add3A_921, %mul3A_981 : vector<512x256xf32>
    %slice3A_983 = vector.extract_strided_slice %get3A_16 {offsets = [16, 0], sizes = [1, 256], strides = [1, 1]} : vector<32x256xf32> to vector<1x256xf32>
    %squeeze3A_984 = vector.shape_cast %slice3A_983 : vector<1x256xf32> to vector<256xf32>
    %slice3A_985 = vector.extract_strided_slice %get3A_16 {offsets = [15, 0], sizes = [1, 256], strides = [1, 1]} : vector<32x256xf32> to vector<1x256xf32>
    %squeeze3A_986 = vector.shape_cast %slice3A_985 : vector<1x256xf32> to vector<256xf32>
    %sub3A_987 = arith.subf %squeeze3A_984, %squeeze3A_986 : vector<256xf32>
    %broadcast_in_dim3A_988 = vector.shape_cast %sub3A_987 : vector<256xf32> to vector<1x256xf32>
    %mul3A_989 = vector.broadcast %broadcast_in_dim3A_988 : vector<1x256xf32> to vector<512x256xf32>
    %mul3A_990 = arith.mulf %convert_element_type3A_955, %mul3A_989 : vector<512x256xf32>
    %add3A_991 = arith.addf %add3A_930, %mul3A_990 : vector<512x256xf32>
    %slice3A_992 = vector.extract_strided_slice %get3A_19 {offsets = [16, 0], sizes = [1, 256], strides = [1, 1]} : vector<33x256xf32> to vector<1x256xf32>
    %squeeze3A_993 = vector.shape_cast %slice3A_992 : vector<1x256xf32> to vector<256xf32>
    %slice3A_994 = vector.extract_strided_slice %get3A_19 {offsets = [15, 0], sizes = [1, 256], strides = [1, 1]} : vector<33x256xf32> to vector<1x256xf32>
    %squeeze3A_995 = vector.shape_cast %slice3A_994 : vector<1x256xf32> to vector<256xf32>
    %sub3A_996 = arith.subf %squeeze3A_993, %squeeze3A_995 : vector<256xf32>
    %broadcast_in_dim3A_997 = vector.shape_cast %sub3A_996 : vector<256xf32> to vector<1x256xf32>
    %mul3A_998 = vector.broadcast %broadcast_in_dim3A_997 : vector<1x256xf32> to vector<512x256xf32>
    %mul3A_999 = arith.mulf %convert_element_type3A_955, %mul3A_998 : vector<512x256xf32>
    %add3A_1000 = arith.addf %add3A_939, %mul3A_999 : vector<512x256xf32>
    %slice3A_1001 = vector.extract_strided_slice %get3A_19 {offsets = [17, 0], sizes = [1, 256], strides = [1, 1]} : vector<33x256xf32> to vector<1x256xf32>
    %squeeze3A_1002 = vector.shape_cast %slice3A_1001 : vector<1x256xf32> to vector<256xf32>
    %slice3A_1003 = vector.extract_strided_slice %get3A_19 {offsets = [16, 0], sizes = [1, 256], strides = [1, 1]} : vector<33x256xf32> to vector<1x256xf32>
    %squeeze3A_1004 = vector.shape_cast %slice3A_1003 : vector<1x256xf32> to vector<256xf32>
    %sub3A_1005 = arith.subf %squeeze3A_1002, %squeeze3A_1004 : vector<256xf32>
    %broadcast_in_dim3A_1006 = vector.shape_cast %sub3A_1005 : vector<256xf32> to vector<1x256xf32>
    %mul3A_1007 = vector.broadcast %broadcast_in_dim3A_1006 : vector<1x256xf32> to vector<512x256xf32>
    %mul3A_1008 = arith.mulf %convert_element_type3A_955, %mul3A_1007 : vector<512x256xf32>
    %add3A_1009 = arith.addf %add3A_948, %mul3A_1008 : vector<512x256xf32>
    %slice3A_1010 = vector.extract_strided_slice %get3A_7 {offsets = [17, 0], sizes = [1, 256], strides = [1, 1]} : vector<33x256xf32> to vector<1x256xf32>
    %squeeze3A_1011 = vector.shape_cast %slice3A_1010 : vector<1x256xf32> to vector<256xf32>
    %broadcast_in_dim3A_1012 = vector.shape_cast %squeeze3A_1011 : vector<256xf32> to vector<1x256xf32>
    %ge3A_1013 = vector.broadcast %broadcast_in_dim3A_1012 : vector<1x256xf32> to vector<512x256xf32>
    %ge3A_1014 = arith.cmpf oge, %min3A_4, %ge3A_1013 : vector<512x256xf32>
    %convert_element_type3A_1015 = arith.extui %ge3A_1014 : vector<512x256xi1> to vector<512x256xi32>
    %convert_element_type3A_1016 = arith.sitofp %convert_element_type3A_1015 : vector<512x256xi32> to vector<512x256xf32>
    %slice3A_1017 = vector.extract_strided_slice %get3A_7 {offsets = [17, 0], sizes = [1, 256], strides = [1, 1]} : vector<33x256xf32> to vector<1x256xf32>
    %squeeze3A_1018 = vector.shape_cast %slice3A_1017 : vector<1x256xf32> to vector<256xf32>
    %slice3A_1019 = vector.extract_strided_slice %get3A_7 {offsets = [16, 0], sizes = [1, 256], strides = [1, 1]} : vector<33x256xf32> to vector<1x256xf32>
    %squeeze3A_1020 = vector.shape_cast %slice3A_1019 : vector<1x256xf32> to vector<256xf32>
    %sub3A_1021 = arith.subf %squeeze3A_1018, %squeeze3A_1020 : vector<256xf32>
    %broadcast_in_dim3A_1022 = vector.shape_cast %sub3A_1021 : vector<256xf32> to vector<1x256xf32>
    %mul3A_1023 = vector.broadcast %broadcast_in_dim3A_1022 : vector<1x256xf32> to vector<512x256xf32>
    %mul3A_1024 = arith.mulf %convert_element_type3A_1016, %mul3A_1023 : vector<512x256xf32>
    %add3A_1025 = arith.addf %add3A_964, %mul3A_1024 : vector<512x256xf32>
    %slice3A_1026 = vector.extract_strided_slice %get3A_10 {offsets = [17, 0], sizes = [1, 256], strides = [1, 1]} : vector<32x256xf32> to vector<1x256xf32>
    %squeeze3A_1027 = vector.shape_cast %slice3A_1026 : vector<1x256xf32> to vector<256xf32>
    %slice3A_1028 = vector.extract_strided_slice %get3A_10 {offsets = [16, 0], sizes = [1, 256], strides = [1, 1]} : vector<32x256xf32> to vector<1x256xf32>
    %squeeze3A_1029 = vector.shape_cast %slice3A_1028 : vector<1x256xf32> to vector<256xf32>
    %sub3A_1030 = arith.subf %squeeze3A_1027, %squeeze3A_1029 : vector<256xf32>
    %broadcast_in_dim3A_1031 = vector.shape_cast %sub3A_1030 : vector<256xf32> to vector<1x256xf32>
    %mul3A_1032 = vector.broadcast %broadcast_in_dim3A_1031 : vector<1x256xf32> to vector<512x256xf32>
    %mul3A_1033 = arith.mulf %convert_element_type3A_1016, %mul3A_1032 : vector<512x256xf32>
    %add3A_1034 = arith.addf %add3A_973, %mul3A_1033 : vector<512x256xf32>
    %slice3A_1035 = vector.extract_strided_slice %get3A_13 {offsets = [17, 0], sizes = [1, 256], strides = [1, 1]} : vector<32x256xf32> to vector<1x256xf32>
    %squeeze3A_1036 = vector.shape_cast %slice3A_1035 : vector<1x256xf32> to vector<256xf32>
    %slice3A_1037 = vector.extract_strided_slice %get3A_13 {offsets = [16, 0], sizes = [1, 256], strides = [1, 1]} : vector<32x256xf32> to vector<1x256xf32>
    %squeeze3A_1038 = vector.shape_cast %slice3A_1037 : vector<1x256xf32> to vector<256xf32>
    %sub3A_1039 = arith.subf %squeeze3A_1036, %squeeze3A_1038 : vector<256xf32>
    %broadcast_in_dim3A_1040 = vector.shape_cast %sub3A_1039 : vector<256xf32> to vector<1x256xf32>
    %mul3A_1041 = vector.broadcast %broadcast_in_dim3A_1040 : vector<1x256xf32> to vector<512x256xf32>
    %mul3A_1042 = arith.mulf %convert_element_type3A_1016, %mul3A_1041 : vector<512x256xf32>
    %add3A_1043 = arith.addf %add3A_982, %mul3A_1042 : vector<512x256xf32>
    %slice3A_1044 = vector.extract_strided_slice %get3A_16 {offsets = [17, 0], sizes = [1, 256], strides = [1, 1]} : vector<32x256xf32> to vector<1x256xf32>
    %squeeze3A_1045 = vector.shape_cast %slice3A_1044 : vector<1x256xf32> to vector<256xf32>
    %slice3A_1046 = vector.extract_strided_slice %get3A_16 {offsets = [16, 0], sizes = [1, 256], strides = [1, 1]} : vector<32x256xf32> to vector<1x256xf32>
    %squeeze3A_1047 = vector.shape_cast %slice3A_1046 : vector<1x256xf32> to vector<256xf32>
    %sub3A_1048 = arith.subf %squeeze3A_1045, %squeeze3A_1047 : vector<256xf32>
    %broadcast_in_dim3A_1049 = vector.shape_cast %sub3A_1048 : vector<256xf32> to vector<1x256xf32>
    %mul3A_1050 = vector.broadcast %broadcast_in_dim3A_1049 : vector<1x256xf32> to vector<512x256xf32>
    %mul3A_1051 = arith.mulf %convert_element_type3A_1016, %mul3A_1050 : vector<512x256xf32>
    %add3A_1052 = arith.addf %add3A_991, %mul3A_1051 : vector<512x256xf32>
    %slice3A_1053 = vector.extract_strided_slice %get3A_19 {offsets = [17, 0], sizes = [1, 256], strides = [1, 1]} : vector<33x256xf32> to vector<1x256xf32>
    %squeeze3A_1054 = vector.shape_cast %slice3A_1053 : vector<1x256xf32> to vector<256xf32>
    %slice3A_1055 = vector.extract_strided_slice %get3A_19 {offsets = [16, 0], sizes = [1, 256], strides = [1, 1]} : vector<33x256xf32> to vector<1x256xf32>
    %squeeze3A_1056 = vector.shape_cast %slice3A_1055 : vector<1x256xf32> to vector<256xf32>
    %sub3A_1057 = arith.subf %squeeze3A_1054, %squeeze3A_1056 : vector<256xf32>
    %broadcast_in_dim3A_1058 = vector.shape_cast %sub3A_1057 : vector<256xf32> to vector<1x256xf32>
    %mul3A_1059 = vector.broadcast %broadcast_in_dim3A_1058 : vector<1x256xf32> to vector<512x256xf32>
    %mul3A_1060 = arith.mulf %convert_element_type3A_1016, %mul3A_1059 : vector<512x256xf32>
    %add3A_1061 = arith.addf %add3A_1000, %mul3A_1060 : vector<512x256xf32>
    %slice3A_1062 = vector.extract_strided_slice %get3A_19 {offsets = [18, 0], sizes = [1, 256], strides = [1, 1]} : vector<33x256xf32> to vector<1x256xf32>
    %squeeze3A_1063 = vector.shape_cast %slice3A_1062 : vector<1x256xf32> to vector<256xf32>
    %slice3A_1064 = vector.extract_strided_slice %get3A_19 {offsets = [17, 0], sizes = [1, 256], strides = [1, 1]} : vector<33x256xf32> to vector<1x256xf32>
    %squeeze3A_1065 = vector.shape_cast %slice3A_1064 : vector<1x256xf32> to vector<256xf32>
    %sub3A_1066 = arith.subf %squeeze3A_1063, %squeeze3A_1065 : vector<256xf32>
    %broadcast_in_dim3A_1067 = vector.shape_cast %sub3A_1066 : vector<256xf32> to vector<1x256xf32>
    %mul3A_1068 = vector.broadcast %broadcast_in_dim3A_1067 : vector<1x256xf32> to vector<512x256xf32>
    %mul3A_1069 = arith.mulf %convert_element_type3A_1016, %mul3A_1068 : vector<512x256xf32>
    %add3A_1070 = arith.addf %add3A_1009, %mul3A_1069 : vector<512x256xf32>
    %slice3A_1071 = vector.extract_strided_slice %get3A_7 {offsets = [18, 0], sizes = [1, 256], strides = [1, 1]} : vector<33x256xf32> to vector<1x256xf32>
    %squeeze3A_1072 = vector.shape_cast %slice3A_1071 : vector<1x256xf32> to vector<256xf32>
    %broadcast_in_dim3A_1073 = vector.shape_cast %squeeze3A_1072 : vector<256xf32> to vector<1x256xf32>
    %ge3A_1074 = vector.broadcast %broadcast_in_dim3A_1073 : vector<1x256xf32> to vector<512x256xf32>
    %ge3A_1075 = arith.cmpf oge, %min3A_4, %ge3A_1074 : vector<512x256xf32>
    %convert_element_type3A_1076 = arith.extui %ge3A_1075 : vector<512x256xi1> to vector<512x256xi32>
    %convert_element_type3A_1077 = arith.sitofp %convert_element_type3A_1076 : vector<512x256xi32> to vector<512x256xf32>
    %slice3A_1078 = vector.extract_strided_slice %get3A_7 {offsets = [18, 0], sizes = [1, 256], strides = [1, 1]} : vector<33x256xf32> to vector<1x256xf32>
    %squeeze3A_1079 = vector.shape_cast %slice3A_1078 : vector<1x256xf32> to vector<256xf32>
    %slice3A_1080 = vector.extract_strided_slice %get3A_7 {offsets = [17, 0], sizes = [1, 256], strides = [1, 1]} : vector<33x256xf32> to vector<1x256xf32>
    %squeeze3A_1081 = vector.shape_cast %slice3A_1080 : vector<1x256xf32> to vector<256xf32>
    %sub3A_1082 = arith.subf %squeeze3A_1079, %squeeze3A_1081 : vector<256xf32>
    %broadcast_in_dim3A_1083 = vector.shape_cast %sub3A_1082 : vector<256xf32> to vector<1x256xf32>
    %mul3A_1084 = vector.broadcast %broadcast_in_dim3A_1083 : vector<1x256xf32> to vector<512x256xf32>
    %mul3A_1085 = arith.mulf %convert_element_type3A_1077, %mul3A_1084 : vector<512x256xf32>
    %add3A_1086 = arith.addf %add3A_1025, %mul3A_1085 : vector<512x256xf32>
    %slice3A_1087 = vector.extract_strided_slice %get3A_10 {offsets = [18, 0], sizes = [1, 256], strides = [1, 1]} : vector<32x256xf32> to vector<1x256xf32>
    %squeeze3A_1088 = vector.shape_cast %slice3A_1087 : vector<1x256xf32> to vector<256xf32>
    %slice3A_1089 = vector.extract_strided_slice %get3A_10 {offsets = [17, 0], sizes = [1, 256], strides = [1, 1]} : vector<32x256xf32> to vector<1x256xf32>
    %squeeze3A_1090 = vector.shape_cast %slice3A_1089 : vector<1x256xf32> to vector<256xf32>
    %sub3A_1091 = arith.subf %squeeze3A_1088, %squeeze3A_1090 : vector<256xf32>
    %broadcast_in_dim3A_1092 = vector.shape_cast %sub3A_1091 : vector<256xf32> to vector<1x256xf32>
    %mul3A_1093 = vector.broadcast %broadcast_in_dim3A_1092 : vector<1x256xf32> to vector<512x256xf32>
    %mul3A_1094 = arith.mulf %convert_element_type3A_1077, %mul3A_1093 : vector<512x256xf32>
    %add3A_1095 = arith.addf %add3A_1034, %mul3A_1094 : vector<512x256xf32>
    %slice3A_1096 = vector.extract_strided_slice %get3A_13 {offsets = [18, 0], sizes = [1, 256], strides = [1, 1]} : vector<32x256xf32> to vector<1x256xf32>
    %squeeze3A_1097 = vector.shape_cast %slice3A_1096 : vector<1x256xf32> to vector<256xf32>
    %slice3A_1098 = vector.extract_strided_slice %get3A_13 {offsets = [17, 0], sizes = [1, 256], strides = [1, 1]} : vector<32x256xf32> to vector<1x256xf32>
    %squeeze3A_1099 = vector.shape_cast %slice3A_1098 : vector<1x256xf32> to vector<256xf32>
    %sub3A_1100 = arith.subf %squeeze3A_1097, %squeeze3A_1099 : vector<256xf32>
    %broadcast_in_dim3A_1101 = vector.shape_cast %sub3A_1100 : vector<256xf32> to vector<1x256xf32>
    %mul3A_1102 = vector.broadcast %broadcast_in_dim3A_1101 : vector<1x256xf32> to vector<512x256xf32>
    %mul3A_1103 = arith.mulf %convert_element_type3A_1077, %mul3A_1102 : vector<512x256xf32>
    %add3A_1104 = arith.addf %add3A_1043, %mul3A_1103 : vector<512x256xf32>
    %slice3A_1105 = vector.extract_strided_slice %get3A_16 {offsets = [18, 0], sizes = [1, 256], strides = [1, 1]} : vector<32x256xf32> to vector<1x256xf32>
    %squeeze3A_1106 = vector.shape_cast %slice3A_1105 : vector<1x256xf32> to vector<256xf32>
    %slice3A_1107 = vector.extract_strided_slice %get3A_16 {offsets = [17, 0], sizes = [1, 256], strides = [1, 1]} : vector<32x256xf32> to vector<1x256xf32>
    %squeeze3A_1108 = vector.shape_cast %slice3A_1107 : vector<1x256xf32> to vector<256xf32>
    %sub3A_1109 = arith.subf %squeeze3A_1106, %squeeze3A_1108 : vector<256xf32>
    %broadcast_in_dim3A_1110 = vector.shape_cast %sub3A_1109 : vector<256xf32> to vector<1x256xf32>
    %mul3A_1111 = vector.broadcast %broadcast_in_dim3A_1110 : vector<1x256xf32> to vector<512x256xf32>
    %mul3A_1112 = arith.mulf %convert_element_type3A_1077, %mul3A_1111 : vector<512x256xf32>
    %add3A_1113 = arith.addf %add3A_1052, %mul3A_1112 : vector<512x256xf32>
    %slice3A_1114 = vector.extract_strided_slice %get3A_19 {offsets = [18, 0], sizes = [1, 256], strides = [1, 1]} : vector<33x256xf32> to vector<1x256xf32>
    %squeeze3A_1115 = vector.shape_cast %slice3A_1114 : vector<1x256xf32> to vector<256xf32>
    %slice3A_1116 = vector.extract_strided_slice %get3A_19 {offsets = [17, 0], sizes = [1, 256], strides = [1, 1]} : vector<33x256xf32> to vector<1x256xf32>
    %squeeze3A_1117 = vector.shape_cast %slice3A_1116 : vector<1x256xf32> to vector<256xf32>
    %sub3A_1118 = arith.subf %squeeze3A_1115, %squeeze3A_1117 : vector<256xf32>
    %broadcast_in_dim3A_1119 = vector.shape_cast %sub3A_1118 : vector<256xf32> to vector<1x256xf32>
    %mul3A_1120 = vector.broadcast %broadcast_in_dim3A_1119 : vector<1x256xf32> to vector<512x256xf32>
    %mul3A_1121 = arith.mulf %convert_element_type3A_1077, %mul3A_1120 : vector<512x256xf32>
    %add3A_1122 = arith.addf %add3A_1061, %mul3A_1121 : vector<512x256xf32>
    %slice3A_1123 = vector.extract_strided_slice %get3A_19 {offsets = [19, 0], sizes = [1, 256], strides = [1, 1]} : vector<33x256xf32> to vector<1x256xf32>
    %squeeze3A_1124 = vector.shape_cast %slice3A_1123 : vector<1x256xf32> to vector<256xf32>
    %slice3A_1125 = vector.extract_strided_slice %get3A_19 {offsets = [18, 0], sizes = [1, 256], strides = [1, 1]} : vector<33x256xf32> to vector<1x256xf32>
    %squeeze3A_1126 = vector.shape_cast %slice3A_1125 : vector<1x256xf32> to vector<256xf32>
    %sub3A_1127 = arith.subf %squeeze3A_1124, %squeeze3A_1126 : vector<256xf32>
    %broadcast_in_dim3A_1128 = vector.shape_cast %sub3A_1127 : vector<256xf32> to vector<1x256xf32>
    %mul3A_1129 = vector.broadcast %broadcast_in_dim3A_1128 : vector<1x256xf32> to vector<512x256xf32>
    %mul3A_1130 = arith.mulf %convert_element_type3A_1077, %mul3A_1129 : vector<512x256xf32>
    %add3A_1131 = arith.addf %add3A_1070, %mul3A_1130 : vector<512x256xf32>
    %slice3A_1132 = vector.extract_strided_slice %get3A_7 {offsets = [19, 0], sizes = [1, 256], strides = [1, 1]} : vector<33x256xf32> to vector<1x256xf32>
    %squeeze3A_1133 = vector.shape_cast %slice3A_1132 : vector<1x256xf32> to vector<256xf32>
    %broadcast_in_dim3A_1134 = vector.shape_cast %squeeze3A_1133 : vector<256xf32> to vector<1x256xf32>
    %ge3A_1135 = vector.broadcast %broadcast_in_dim3A_1134 : vector<1x256xf32> to vector<512x256xf32>
    %ge3A_1136 = arith.cmpf oge, %min3A_4, %ge3A_1135 : vector<512x256xf32>
    %convert_element_type3A_1137 = arith.extui %ge3A_1136 : vector<512x256xi1> to vector<512x256xi32>
    %convert_element_type3A_1138 = arith.sitofp %convert_element_type3A_1137 : vector<512x256xi32> to vector<512x256xf32>
    %slice3A_1139 = vector.extract_strided_slice %get3A_7 {offsets = [19, 0], sizes = [1, 256], strides = [1, 1]} : vector<33x256xf32> to vector<1x256xf32>
    %squeeze3A_1140 = vector.shape_cast %slice3A_1139 : vector<1x256xf32> to vector<256xf32>
    %slice3A_1141 = vector.extract_strided_slice %get3A_7 {offsets = [18, 0], sizes = [1, 256], strides = [1, 1]} : vector<33x256xf32> to vector<1x256xf32>
    %squeeze3A_1142 = vector.shape_cast %slice3A_1141 : vector<1x256xf32> to vector<256xf32>
    %sub3A_1143 = arith.subf %squeeze3A_1140, %squeeze3A_1142 : vector<256xf32>
    %broadcast_in_dim3A_1144 = vector.shape_cast %sub3A_1143 : vector<256xf32> to vector<1x256xf32>
    %mul3A_1145 = vector.broadcast %broadcast_in_dim3A_1144 : vector<1x256xf32> to vector<512x256xf32>
    %mul3A_1146 = arith.mulf %convert_element_type3A_1138, %mul3A_1145 : vector<512x256xf32>
    %add3A_1147 = arith.addf %add3A_1086, %mul3A_1146 : vector<512x256xf32>
    %slice3A_1148 = vector.extract_strided_slice %get3A_10 {offsets = [19, 0], sizes = [1, 256], strides = [1, 1]} : vector<32x256xf32> to vector<1x256xf32>
    %squeeze3A_1149 = vector.shape_cast %slice3A_1148 : vector<1x256xf32> to vector<256xf32>
    %slice3A_1150 = vector.extract_strided_slice %get3A_10 {offsets = [18, 0], sizes = [1, 256], strides = [1, 1]} : vector<32x256xf32> to vector<1x256xf32>
    %squeeze3A_1151 = vector.shape_cast %slice3A_1150 : vector<1x256xf32> to vector<256xf32>
    %sub3A_1152 = arith.subf %squeeze3A_1149, %squeeze3A_1151 : vector<256xf32>
    %broadcast_in_dim3A_1153 = vector.shape_cast %sub3A_1152 : vector<256xf32> to vector<1x256xf32>
    %mul3A_1154 = vector.broadcast %broadcast_in_dim3A_1153 : vector<1x256xf32> to vector<512x256xf32>
    %mul3A_1155 = arith.mulf %convert_element_type3A_1138, %mul3A_1154 : vector<512x256xf32>
    %add3A_1156 = arith.addf %add3A_1095, %mul3A_1155 : vector<512x256xf32>
    %slice3A_1157 = vector.extract_strided_slice %get3A_13 {offsets = [19, 0], sizes = [1, 256], strides = [1, 1]} : vector<32x256xf32> to vector<1x256xf32>
    %squeeze3A_1158 = vector.shape_cast %slice3A_1157 : vector<1x256xf32> to vector<256xf32>
    %slice3A_1159 = vector.extract_strided_slice %get3A_13 {offsets = [18, 0], sizes = [1, 256], strides = [1, 1]} : vector<32x256xf32> to vector<1x256xf32>
    %squeeze3A_1160 = vector.shape_cast %slice3A_1159 : vector<1x256xf32> to vector<256xf32>
    %sub3A_1161 = arith.subf %squeeze3A_1158, %squeeze3A_1160 : vector<256xf32>
    %broadcast_in_dim3A_1162 = vector.shape_cast %sub3A_1161 : vector<256xf32> to vector<1x256xf32>
    %mul3A_1163 = vector.broadcast %broadcast_in_dim3A_1162 : vector<1x256xf32> to vector<512x256xf32>
    %mul3A_1164 = arith.mulf %convert_element_type3A_1138, %mul3A_1163 : vector<512x256xf32>
    %add3A_1165 = arith.addf %add3A_1104, %mul3A_1164 : vector<512x256xf32>
    %slice3A_1166 = vector.extract_strided_slice %get3A_16 {offsets = [19, 0], sizes = [1, 256], strides = [1, 1]} : vector<32x256xf32> to vector<1x256xf32>
    %squeeze3A_1167 = vector.shape_cast %slice3A_1166 : vector<1x256xf32> to vector<256xf32>
    %slice3A_1168 = vector.extract_strided_slice %get3A_16 {offsets = [18, 0], sizes = [1, 256], strides = [1, 1]} : vector<32x256xf32> to vector<1x256xf32>
    %squeeze3A_1169 = vector.shape_cast %slice3A_1168 : vector<1x256xf32> to vector<256xf32>
    %sub3A_1170 = arith.subf %squeeze3A_1167, %squeeze3A_1169 : vector<256xf32>
    %broadcast_in_dim3A_1171 = vector.shape_cast %sub3A_1170 : vector<256xf32> to vector<1x256xf32>
    %mul3A_1172 = vector.broadcast %broadcast_in_dim3A_1171 : vector<1x256xf32> to vector<512x256xf32>
    %mul3A_1173 = arith.mulf %convert_element_type3A_1138, %mul3A_1172 : vector<512x256xf32>
    %add3A_1174 = arith.addf %add3A_1113, %mul3A_1173 : vector<512x256xf32>
    %slice3A_1175 = vector.extract_strided_slice %get3A_19 {offsets = [19, 0], sizes = [1, 256], strides = [1, 1]} : vector<33x256xf32> to vector<1x256xf32>
    %squeeze3A_1176 = vector.shape_cast %slice3A_1175 : vector<1x256xf32> to vector<256xf32>
    %slice3A_1177 = vector.extract_strided_slice %get3A_19 {offsets = [18, 0], sizes = [1, 256], strides = [1, 1]} : vector<33x256xf32> to vector<1x256xf32>
    %squeeze3A_1178 = vector.shape_cast %slice3A_1177 : vector<1x256xf32> to vector<256xf32>
    %sub3A_1179 = arith.subf %squeeze3A_1176, %squeeze3A_1178 : vector<256xf32>
    %broadcast_in_dim3A_1180 = vector.shape_cast %sub3A_1179 : vector<256xf32> to vector<1x256xf32>
    %mul3A_1181 = vector.broadcast %broadcast_in_dim3A_1180 : vector<1x256xf32> to vector<512x256xf32>
    %mul3A_1182 = arith.mulf %convert_element_type3A_1138, %mul3A_1181 : vector<512x256xf32>
    %add3A_1183 = arith.addf %add3A_1122, %mul3A_1182 : vector<512x256xf32>
    %slice3A_1184 = vector.extract_strided_slice %get3A_19 {offsets = [20, 0], sizes = [1, 256], strides = [1, 1]} : vector<33x256xf32> to vector<1x256xf32>
    %squeeze3A_1185 = vector.shape_cast %slice3A_1184 : vector<1x256xf32> to vector<256xf32>
    %slice3A_1186 = vector.extract_strided_slice %get3A_19 {offsets = [19, 0], sizes = [1, 256], strides = [1, 1]} : vector<33x256xf32> to vector<1x256xf32>
    %squeeze3A_1187 = vector.shape_cast %slice3A_1186 : vector<1x256xf32> to vector<256xf32>
    %sub3A_1188 = arith.subf %squeeze3A_1185, %squeeze3A_1187 : vector<256xf32>
    %broadcast_in_dim3A_1189 = vector.shape_cast %sub3A_1188 : vector<256xf32> to vector<1x256xf32>
    %mul3A_1190 = vector.broadcast %broadcast_in_dim3A_1189 : vector<1x256xf32> to vector<512x256xf32>
    %mul3A_1191 = arith.mulf %convert_element_type3A_1138, %mul3A_1190 : vector<512x256xf32>
    %add3A_1192 = arith.addf %add3A_1131, %mul3A_1191 : vector<512x256xf32>
    %slice3A_1193 = vector.extract_strided_slice %get3A_7 {offsets = [20, 0], sizes = [1, 256], strides = [1, 1]} : vector<33x256xf32> to vector<1x256xf32>
    %squeeze3A_1194 = vector.shape_cast %slice3A_1193 : vector<1x256xf32> to vector<256xf32>
    %broadcast_in_dim3A_1195 = vector.shape_cast %squeeze3A_1194 : vector<256xf32> to vector<1x256xf32>
    %ge3A_1196 = vector.broadcast %broadcast_in_dim3A_1195 : vector<1x256xf32> to vector<512x256xf32>
    %ge3A_1197 = arith.cmpf oge, %min3A_4, %ge3A_1196 : vector<512x256xf32>
    %convert_element_type3A_1198 = arith.extui %ge3A_1197 : vector<512x256xi1> to vector<512x256xi32>
    %convert_element_type3A_1199 = arith.sitofp %convert_element_type3A_1198 : vector<512x256xi32> to vector<512x256xf32>
    %slice3A_1200 = vector.extract_strided_slice %get3A_7 {offsets = [20, 0], sizes = [1, 256], strides = [1, 1]} : vector<33x256xf32> to vector<1x256xf32>
    %squeeze3A_1201 = vector.shape_cast %slice3A_1200 : vector<1x256xf32> to vector<256xf32>
    %slice3A_1202 = vector.extract_strided_slice %get3A_7 {offsets = [19, 0], sizes = [1, 256], strides = [1, 1]} : vector<33x256xf32> to vector<1x256xf32>
    %squeeze3A_1203 = vector.shape_cast %slice3A_1202 : vector<1x256xf32> to vector<256xf32>
    %sub3A_1204 = arith.subf %squeeze3A_1201, %squeeze3A_1203 : vector<256xf32>
    %broadcast_in_dim3A_1205 = vector.shape_cast %sub3A_1204 : vector<256xf32> to vector<1x256xf32>
    %mul3A_1206 = vector.broadcast %broadcast_in_dim3A_1205 : vector<1x256xf32> to vector<512x256xf32>
    %mul3A_1207 = arith.mulf %convert_element_type3A_1199, %mul3A_1206 : vector<512x256xf32>
    %add3A_1208 = arith.addf %add3A_1147, %mul3A_1207 : vector<512x256xf32>
    %slice3A_1209 = vector.extract_strided_slice %get3A_10 {offsets = [20, 0], sizes = [1, 256], strides = [1, 1]} : vector<32x256xf32> to vector<1x256xf32>
    %squeeze3A_1210 = vector.shape_cast %slice3A_1209 : vector<1x256xf32> to vector<256xf32>
    %slice3A_1211 = vector.extract_strided_slice %get3A_10 {offsets = [19, 0], sizes = [1, 256], strides = [1, 1]} : vector<32x256xf32> to vector<1x256xf32>
    %squeeze3A_1212 = vector.shape_cast %slice3A_1211 : vector<1x256xf32> to vector<256xf32>
    %sub3A_1213 = arith.subf %squeeze3A_1210, %squeeze3A_1212 : vector<256xf32>
    %broadcast_in_dim3A_1214 = vector.shape_cast %sub3A_1213 : vector<256xf32> to vector<1x256xf32>
    %mul3A_1215 = vector.broadcast %broadcast_in_dim3A_1214 : vector<1x256xf32> to vector<512x256xf32>
    %mul3A_1216 = arith.mulf %convert_element_type3A_1199, %mul3A_1215 : vector<512x256xf32>
    %add3A_1217 = arith.addf %add3A_1156, %mul3A_1216 : vector<512x256xf32>
    %slice3A_1218 = vector.extract_strided_slice %get3A_13 {offsets = [20, 0], sizes = [1, 256], strides = [1, 1]} : vector<32x256xf32> to vector<1x256xf32>
    %squeeze3A_1219 = vector.shape_cast %slice3A_1218 : vector<1x256xf32> to vector<256xf32>
    %slice3A_1220 = vector.extract_strided_slice %get3A_13 {offsets = [19, 0], sizes = [1, 256], strides = [1, 1]} : vector<32x256xf32> to vector<1x256xf32>
    %squeeze3A_1221 = vector.shape_cast %slice3A_1220 : vector<1x256xf32> to vector<256xf32>
    %sub3A_1222 = arith.subf %squeeze3A_1219, %squeeze3A_1221 : vector<256xf32>
    %broadcast_in_dim3A_1223 = vector.shape_cast %sub3A_1222 : vector<256xf32> to vector<1x256xf32>
    %mul3A_1224 = vector.broadcast %broadcast_in_dim3A_1223 : vector<1x256xf32> to vector<512x256xf32>
    %mul3A_1225 = arith.mulf %convert_element_type3A_1199, %mul3A_1224 : vector<512x256xf32>
    %add3A_1226 = arith.addf %add3A_1165, %mul3A_1225 : vector<512x256xf32>
    %slice3A_1227 = vector.extract_strided_slice %get3A_16 {offsets = [20, 0], sizes = [1, 256], strides = [1, 1]} : vector<32x256xf32> to vector<1x256xf32>
    %squeeze3A_1228 = vector.shape_cast %slice3A_1227 : vector<1x256xf32> to vector<256xf32>
    %slice3A_1229 = vector.extract_strided_slice %get3A_16 {offsets = [19, 0], sizes = [1, 256], strides = [1, 1]} : vector<32x256xf32> to vector<1x256xf32>
    %squeeze3A_1230 = vector.shape_cast %slice3A_1229 : vector<1x256xf32> to vector<256xf32>
    %sub3A_1231 = arith.subf %squeeze3A_1228, %squeeze3A_1230 : vector<256xf32>
    %broadcast_in_dim3A_1232 = vector.shape_cast %sub3A_1231 : vector<256xf32> to vector<1x256xf32>
    %mul3A_1233 = vector.broadcast %broadcast_in_dim3A_1232 : vector<1x256xf32> to vector<512x256xf32>
    %mul3A_1234 = arith.mulf %convert_element_type3A_1199, %mul3A_1233 : vector<512x256xf32>
    %add3A_1235 = arith.addf %add3A_1174, %mul3A_1234 : vector<512x256xf32>
    %slice3A_1236 = vector.extract_strided_slice %get3A_19 {offsets = [20, 0], sizes = [1, 256], strides = [1, 1]} : vector<33x256xf32> to vector<1x256xf32>
    %squeeze3A_1237 = vector.shape_cast %slice3A_1236 : vector<1x256xf32> to vector<256xf32>
    %slice3A_1238 = vector.extract_strided_slice %get3A_19 {offsets = [19, 0], sizes = [1, 256], strides = [1, 1]} : vector<33x256xf32> to vector<1x256xf32>
    %squeeze3A_1239 = vector.shape_cast %slice3A_1238 : vector<1x256xf32> to vector<256xf32>
    %sub3A_1240 = arith.subf %squeeze3A_1237, %squeeze3A_1239 : vector<256xf32>
    %broadcast_in_dim3A_1241 = vector.shape_cast %sub3A_1240 : vector<256xf32> to vector<1x256xf32>
    %mul3A_1242 = vector.broadcast %broadcast_in_dim3A_1241 : vector<1x256xf32> to vector<512x256xf32>
    %mul3A_1243 = arith.mulf %convert_element_type3A_1199, %mul3A_1242 : vector<512x256xf32>
    %add3A_1244 = arith.addf %add3A_1183, %mul3A_1243 : vector<512x256xf32>
    %slice3A_1245 = vector.extract_strided_slice %get3A_19 {offsets = [21, 0], sizes = [1, 256], strides = [1, 1]} : vector<33x256xf32> to vector<1x256xf32>
    %squeeze3A_1246 = vector.shape_cast %slice3A_1245 : vector<1x256xf32> to vector<256xf32>
    %slice3A_1247 = vector.extract_strided_slice %get3A_19 {offsets = [20, 0], sizes = [1, 256], strides = [1, 1]} : vector<33x256xf32> to vector<1x256xf32>
    %squeeze3A_1248 = vector.shape_cast %slice3A_1247 : vector<1x256xf32> to vector<256xf32>
    %sub3A_1249 = arith.subf %squeeze3A_1246, %squeeze3A_1248 : vector<256xf32>
    %broadcast_in_dim3A_1250 = vector.shape_cast %sub3A_1249 : vector<256xf32> to vector<1x256xf32>
    %mul3A_1251 = vector.broadcast %broadcast_in_dim3A_1250 : vector<1x256xf32> to vector<512x256xf32>
    %mul3A_1252 = arith.mulf %convert_element_type3A_1199, %mul3A_1251 : vector<512x256xf32>
    %add3A_1253 = arith.addf %add3A_1192, %mul3A_1252 : vector<512x256xf32>
    %slice3A_1254 = vector.extract_strided_slice %get3A_7 {offsets = [21, 0], sizes = [1, 256], strides = [1, 1]} : vector<33x256xf32> to vector<1x256xf32>
    %squeeze3A_1255 = vector.shape_cast %slice3A_1254 : vector<1x256xf32> to vector<256xf32>
    %broadcast_in_dim3A_1256 = vector.shape_cast %squeeze3A_1255 : vector<256xf32> to vector<1x256xf32>
    %ge3A_1257 = vector.broadcast %broadcast_in_dim3A_1256 : vector<1x256xf32> to vector<512x256xf32>
    %ge3A_1258 = arith.cmpf oge, %min3A_4, %ge3A_1257 : vector<512x256xf32>
    %convert_element_type3A_1259 = arith.extui %ge3A_1258 : vector<512x256xi1> to vector<512x256xi32>
    %convert_element_type3A_1260 = arith.sitofp %convert_element_type3A_1259 : vector<512x256xi32> to vector<512x256xf32>
    %slice3A_1261 = vector.extract_strided_slice %get3A_7 {offsets = [21, 0], sizes = [1, 256], strides = [1, 1]} : vector<33x256xf32> to vector<1x256xf32>
    %squeeze3A_1262 = vector.shape_cast %slice3A_1261 : vector<1x256xf32> to vector<256xf32>
    %slice3A_1263 = vector.extract_strided_slice %get3A_7 {offsets = [20, 0], sizes = [1, 256], strides = [1, 1]} : vector<33x256xf32> to vector<1x256xf32>
    %squeeze3A_1264 = vector.shape_cast %slice3A_1263 : vector<1x256xf32> to vector<256xf32>
    %sub3A_1265 = arith.subf %squeeze3A_1262, %squeeze3A_1264 : vector<256xf32>
    %broadcast_in_dim3A_1266 = vector.shape_cast %sub3A_1265 : vector<256xf32> to vector<1x256xf32>
    %mul3A_1267 = vector.broadcast %broadcast_in_dim3A_1266 : vector<1x256xf32> to vector<512x256xf32>
    %mul3A_1268 = arith.mulf %convert_element_type3A_1260, %mul3A_1267 : vector<512x256xf32>
    %add3A_1269 = arith.addf %add3A_1208, %mul3A_1268 : vector<512x256xf32>
    %slice3A_1270 = vector.extract_strided_slice %get3A_10 {offsets = [21, 0], sizes = [1, 256], strides = [1, 1]} : vector<32x256xf32> to vector<1x256xf32>
    %squeeze3A_1271 = vector.shape_cast %slice3A_1270 : vector<1x256xf32> to vector<256xf32>
    %slice3A_1272 = vector.extract_strided_slice %get3A_10 {offsets = [20, 0], sizes = [1, 256], strides = [1, 1]} : vector<32x256xf32> to vector<1x256xf32>
    %squeeze3A_1273 = vector.shape_cast %slice3A_1272 : vector<1x256xf32> to vector<256xf32>
    %sub3A_1274 = arith.subf %squeeze3A_1271, %squeeze3A_1273 : vector<256xf32>
    %broadcast_in_dim3A_1275 = vector.shape_cast %sub3A_1274 : vector<256xf32> to vector<1x256xf32>
    %mul3A_1276 = vector.broadcast %broadcast_in_dim3A_1275 : vector<1x256xf32> to vector<512x256xf32>
    %mul3A_1277 = arith.mulf %convert_element_type3A_1260, %mul3A_1276 : vector<512x256xf32>
    %add3A_1278 = arith.addf %add3A_1217, %mul3A_1277 : vector<512x256xf32>
    %slice3A_1279 = vector.extract_strided_slice %get3A_13 {offsets = [21, 0], sizes = [1, 256], strides = [1, 1]} : vector<32x256xf32> to vector<1x256xf32>
    %squeeze3A_1280 = vector.shape_cast %slice3A_1279 : vector<1x256xf32> to vector<256xf32>
    %slice3A_1281 = vector.extract_strided_slice %get3A_13 {offsets = [20, 0], sizes = [1, 256], strides = [1, 1]} : vector<32x256xf32> to vector<1x256xf32>
    %squeeze3A_1282 = vector.shape_cast %slice3A_1281 : vector<1x256xf32> to vector<256xf32>
    %sub3A_1283 = arith.subf %squeeze3A_1280, %squeeze3A_1282 : vector<256xf32>
    %broadcast_in_dim3A_1284 = vector.shape_cast %sub3A_1283 : vector<256xf32> to vector<1x256xf32>
    %mul3A_1285 = vector.broadcast %broadcast_in_dim3A_1284 : vector<1x256xf32> to vector<512x256xf32>
    %mul3A_1286 = arith.mulf %convert_element_type3A_1260, %mul3A_1285 : vector<512x256xf32>
    %add3A_1287 = arith.addf %add3A_1226, %mul3A_1286 : vector<512x256xf32>
    %slice3A_1288 = vector.extract_strided_slice %get3A_16 {offsets = [21, 0], sizes = [1, 256], strides = [1, 1]} : vector<32x256xf32> to vector<1x256xf32>
    %squeeze3A_1289 = vector.shape_cast %slice3A_1288 : vector<1x256xf32> to vector<256xf32>
    %slice3A_1290 = vector.extract_strided_slice %get3A_16 {offsets = [20, 0], sizes = [1, 256], strides = [1, 1]} : vector<32x256xf32> to vector<1x256xf32>
    %squeeze3A_1291 = vector.shape_cast %slice3A_1290 : vector<1x256xf32> to vector<256xf32>
    %sub3A_1292 = arith.subf %squeeze3A_1289, %squeeze3A_1291 : vector<256xf32>
    %broadcast_in_dim3A_1293 = vector.shape_cast %sub3A_1292 : vector<256xf32> to vector<1x256xf32>
    %mul3A_1294 = vector.broadcast %broadcast_in_dim3A_1293 : vector<1x256xf32> to vector<512x256xf32>
    %mul3A_1295 = arith.mulf %convert_element_type3A_1260, %mul3A_1294 : vector<512x256xf32>
    %add3A_1296 = arith.addf %add3A_1235, %mul3A_1295 : vector<512x256xf32>
    %slice3A_1297 = vector.extract_strided_slice %get3A_19 {offsets = [21, 0], sizes = [1, 256], strides = [1, 1]} : vector<33x256xf32> to vector<1x256xf32>
    %squeeze3A_1298 = vector.shape_cast %slice3A_1297 : vector<1x256xf32> to vector<256xf32>
    %slice3A_1299 = vector.extract_strided_slice %get3A_19 {offsets = [20, 0], sizes = [1, 256], strides = [1, 1]} : vector<33x256xf32> to vector<1x256xf32>
    %squeeze3A_1300 = vector.shape_cast %slice3A_1299 : vector<1x256xf32> to vector<256xf32>
    %sub3A_1301 = arith.subf %squeeze3A_1298, %squeeze3A_1300 : vector<256xf32>
    %broadcast_in_dim3A_1302 = vector.shape_cast %sub3A_1301 : vector<256xf32> to vector<1x256xf32>
    %mul3A_1303 = vector.broadcast %broadcast_in_dim3A_1302 : vector<1x256xf32> to vector<512x256xf32>
    %mul3A_1304 = arith.mulf %convert_element_type3A_1260, %mul3A_1303 : vector<512x256xf32>
    %add3A_1305 = arith.addf %add3A_1244, %mul3A_1304 : vector<512x256xf32>
    %slice3A_1306 = vector.extract_strided_slice %get3A_19 {offsets = [22, 0], sizes = [1, 256], strides = [1, 1]} : vector<33x256xf32> to vector<1x256xf32>
    %squeeze3A_1307 = vector.shape_cast %slice3A_1306 : vector<1x256xf32> to vector<256xf32>
    %slice3A_1308 = vector.extract_strided_slice %get3A_19 {offsets = [21, 0], sizes = [1, 256], strides = [1, 1]} : vector<33x256xf32> to vector<1x256xf32>
    %squeeze3A_1309 = vector.shape_cast %slice3A_1308 : vector<1x256xf32> to vector<256xf32>
    %sub3A_1310 = arith.subf %squeeze3A_1307, %squeeze3A_1309 : vector<256xf32>
    %broadcast_in_dim3A_1311 = vector.shape_cast %sub3A_1310 : vector<256xf32> to vector<1x256xf32>
    %mul3A_1312 = vector.broadcast %broadcast_in_dim3A_1311 : vector<1x256xf32> to vector<512x256xf32>
    %mul3A_1313 = arith.mulf %convert_element_type3A_1260, %mul3A_1312 : vector<512x256xf32>
    %add3A_1314 = arith.addf %add3A_1253, %mul3A_1313 : vector<512x256xf32>
    %slice3A_1315 = vector.extract_strided_slice %get3A_7 {offsets = [22, 0], sizes = [1, 256], strides = [1, 1]} : vector<33x256xf32> to vector<1x256xf32>
    %squeeze3A_1316 = vector.shape_cast %slice3A_1315 : vector<1x256xf32> to vector<256xf32>
    %broadcast_in_dim3A_1317 = vector.shape_cast %squeeze3A_1316 : vector<256xf32> to vector<1x256xf32>
    %ge3A_1318 = vector.broadcast %broadcast_in_dim3A_1317 : vector<1x256xf32> to vector<512x256xf32>
    %ge3A_1319 = arith.cmpf oge, %min3A_4, %ge3A_1318 : vector<512x256xf32>
    %convert_element_type3A_1320 = arith.extui %ge3A_1319 : vector<512x256xi1> to vector<512x256xi32>
    %convert_element_type3A_1321 = arith.sitofp %convert_element_type3A_1320 : vector<512x256xi32> to vector<512x256xf32>
    %slice3A_1322 = vector.extract_strided_slice %get3A_7 {offsets = [22, 0], sizes = [1, 256], strides = [1, 1]} : vector<33x256xf32> to vector<1x256xf32>
    %squeeze3A_1323 = vector.shape_cast %slice3A_1322 : vector<1x256xf32> to vector<256xf32>
    %slice3A_1324 = vector.extract_strided_slice %get3A_7 {offsets = [21, 0], sizes = [1, 256], strides = [1, 1]} : vector<33x256xf32> to vector<1x256xf32>
    %squeeze3A_1325 = vector.shape_cast %slice3A_1324 : vector<1x256xf32> to vector<256xf32>
    %sub3A_1326 = arith.subf %squeeze3A_1323, %squeeze3A_1325 : vector<256xf32>
    %broadcast_in_dim3A_1327 = vector.shape_cast %sub3A_1326 : vector<256xf32> to vector<1x256xf32>
    %mul3A_1328 = vector.broadcast %broadcast_in_dim3A_1327 : vector<1x256xf32> to vector<512x256xf32>
    %mul3A_1329 = arith.mulf %convert_element_type3A_1321, %mul3A_1328 : vector<512x256xf32>
    %add3A_1330 = arith.addf %add3A_1269, %mul3A_1329 : vector<512x256xf32>
    %slice3A_1331 = vector.extract_strided_slice %get3A_10 {offsets = [22, 0], sizes = [1, 256], strides = [1, 1]} : vector<32x256xf32> to vector<1x256xf32>
    %squeeze3A_1332 = vector.shape_cast %slice3A_1331 : vector<1x256xf32> to vector<256xf32>
    %slice3A_1333 = vector.extract_strided_slice %get3A_10 {offsets = [21, 0], sizes = [1, 256], strides = [1, 1]} : vector<32x256xf32> to vector<1x256xf32>
    %squeeze3A_1334 = vector.shape_cast %slice3A_1333 : vector<1x256xf32> to vector<256xf32>
    %sub3A_1335 = arith.subf %squeeze3A_1332, %squeeze3A_1334 : vector<256xf32>
    %broadcast_in_dim3A_1336 = vector.shape_cast %sub3A_1335 : vector<256xf32> to vector<1x256xf32>
    %mul3A_1337 = vector.broadcast %broadcast_in_dim3A_1336 : vector<1x256xf32> to vector<512x256xf32>
    %mul3A_1338 = arith.mulf %convert_element_type3A_1321, %mul3A_1337 : vector<512x256xf32>
    %add3A_1339 = arith.addf %add3A_1278, %mul3A_1338 : vector<512x256xf32>
    %slice3A_1340 = vector.extract_strided_slice %get3A_13 {offsets = [22, 0], sizes = [1, 256], strides = [1, 1]} : vector<32x256xf32> to vector<1x256xf32>
    %squeeze3A_1341 = vector.shape_cast %slice3A_1340 : vector<1x256xf32> to vector<256xf32>
    %slice3A_1342 = vector.extract_strided_slice %get3A_13 {offsets = [21, 0], sizes = [1, 256], strides = [1, 1]} : vector<32x256xf32> to vector<1x256xf32>
    %squeeze3A_1343 = vector.shape_cast %slice3A_1342 : vector<1x256xf32> to vector<256xf32>
    %sub3A_1344 = arith.subf %squeeze3A_1341, %squeeze3A_1343 : vector<256xf32>
    %broadcast_in_dim3A_1345 = vector.shape_cast %sub3A_1344 : vector<256xf32> to vector<1x256xf32>
    %mul3A_1346 = vector.broadcast %broadcast_in_dim3A_1345 : vector<1x256xf32> to vector<512x256xf32>
    %mul3A_1347 = arith.mulf %convert_element_type3A_1321, %mul3A_1346 : vector<512x256xf32>
    %add3A_1348 = arith.addf %add3A_1287, %mul3A_1347 : vector<512x256xf32>
    %slice3A_1349 = vector.extract_strided_slice %get3A_16 {offsets = [22, 0], sizes = [1, 256], strides = [1, 1]} : vector<32x256xf32> to vector<1x256xf32>
    %squeeze3A_1350 = vector.shape_cast %slice3A_1349 : vector<1x256xf32> to vector<256xf32>
    %slice3A_1351 = vector.extract_strided_slice %get3A_16 {offsets = [21, 0], sizes = [1, 256], strides = [1, 1]} : vector<32x256xf32> to vector<1x256xf32>
    %squeeze3A_1352 = vector.shape_cast %slice3A_1351 : vector<1x256xf32> to vector<256xf32>
    %sub3A_1353 = arith.subf %squeeze3A_1350, %squeeze3A_1352 : vector<256xf32>
    %broadcast_in_dim3A_1354 = vector.shape_cast %sub3A_1353 : vector<256xf32> to vector<1x256xf32>
    %mul3A_1355 = vector.broadcast %broadcast_in_dim3A_1354 : vector<1x256xf32> to vector<512x256xf32>
    %mul3A_1356 = arith.mulf %convert_element_type3A_1321, %mul3A_1355 : vector<512x256xf32>
    %add3A_1357 = arith.addf %add3A_1296, %mul3A_1356 : vector<512x256xf32>
    %slice3A_1358 = vector.extract_strided_slice %get3A_19 {offsets = [22, 0], sizes = [1, 256], strides = [1, 1]} : vector<33x256xf32> to vector<1x256xf32>
    %squeeze3A_1359 = vector.shape_cast %slice3A_1358 : vector<1x256xf32> to vector<256xf32>
    %slice3A_1360 = vector.extract_strided_slice %get3A_19 {offsets = [21, 0], sizes = [1, 256], strides = [1, 1]} : vector<33x256xf32> to vector<1x256xf32>
    %squeeze3A_1361 = vector.shape_cast %slice3A_1360 : vector<1x256xf32> to vector<256xf32>
    %sub3A_1362 = arith.subf %squeeze3A_1359, %squeeze3A_1361 : vector<256xf32>
    %broadcast_in_dim3A_1363 = vector.shape_cast %sub3A_1362 : vector<256xf32> to vector<1x256xf32>
    %mul3A_1364 = vector.broadcast %broadcast_in_dim3A_1363 : vector<1x256xf32> to vector<512x256xf32>
    %mul3A_1365 = arith.mulf %convert_element_type3A_1321, %mul3A_1364 : vector<512x256xf32>
    %add3A_1366 = arith.addf %add3A_1305, %mul3A_1365 : vector<512x256xf32>
    %slice3A_1367 = vector.extract_strided_slice %get3A_19 {offsets = [23, 0], sizes = [1, 256], strides = [1, 1]} : vector<33x256xf32> to vector<1x256xf32>
    %squeeze3A_1368 = vector.shape_cast %slice3A_1367 : vector<1x256xf32> to vector<256xf32>
    %slice3A_1369 = vector.extract_strided_slice %get3A_19 {offsets = [22, 0], sizes = [1, 256], strides = [1, 1]} : vector<33x256xf32> to vector<1x256xf32>
    %squeeze3A_1370 = vector.shape_cast %slice3A_1369 : vector<1x256xf32> to vector<256xf32>
    %sub3A_1371 = arith.subf %squeeze3A_1368, %squeeze3A_1370 : vector<256xf32>
    %broadcast_in_dim3A_1372 = vector.shape_cast %sub3A_1371 : vector<256xf32> to vector<1x256xf32>
    %mul3A_1373 = vector.broadcast %broadcast_in_dim3A_1372 : vector<1x256xf32> to vector<512x256xf32>
    %mul3A_1374 = arith.mulf %convert_element_type3A_1321, %mul3A_1373 : vector<512x256xf32>
    %add3A_1375 = arith.addf %add3A_1314, %mul3A_1374 : vector<512x256xf32>
    %slice3A_1376 = vector.extract_strided_slice %get3A_7 {offsets = [23, 0], sizes = [1, 256], strides = [1, 1]} : vector<33x256xf32> to vector<1x256xf32>
    %squeeze3A_1377 = vector.shape_cast %slice3A_1376 : vector<1x256xf32> to vector<256xf32>
    %broadcast_in_dim3A_1378 = vector.shape_cast %squeeze3A_1377 : vector<256xf32> to vector<1x256xf32>
    %ge3A_1379 = vector.broadcast %broadcast_in_dim3A_1378 : vector<1x256xf32> to vector<512x256xf32>
    %ge3A_1380 = arith.cmpf oge, %min3A_4, %ge3A_1379 : vector<512x256xf32>
    %convert_element_type3A_1381 = arith.extui %ge3A_1380 : vector<512x256xi1> to vector<512x256xi32>
    %convert_element_type3A_1382 = arith.sitofp %convert_element_type3A_1381 : vector<512x256xi32> to vector<512x256xf32>
    %slice3A_1383 = vector.extract_strided_slice %get3A_7 {offsets = [23, 0], sizes = [1, 256], strides = [1, 1]} : vector<33x256xf32> to vector<1x256xf32>
    %squeeze3A_1384 = vector.shape_cast %slice3A_1383 : vector<1x256xf32> to vector<256xf32>
    %slice3A_1385 = vector.extract_strided_slice %get3A_7 {offsets = [22, 0], sizes = [1, 256], strides = [1, 1]} : vector<33x256xf32> to vector<1x256xf32>
    %squeeze3A_1386 = vector.shape_cast %slice3A_1385 : vector<1x256xf32> to vector<256xf32>
    %sub3A_1387 = arith.subf %squeeze3A_1384, %squeeze3A_1386 : vector<256xf32>
    %broadcast_in_dim3A_1388 = vector.shape_cast %sub3A_1387 : vector<256xf32> to vector<1x256xf32>
    %mul3A_1389 = vector.broadcast %broadcast_in_dim3A_1388 : vector<1x256xf32> to vector<512x256xf32>
    %mul3A_1390 = arith.mulf %convert_element_type3A_1382, %mul3A_1389 : vector<512x256xf32>
    %add3A_1391 = arith.addf %add3A_1330, %mul3A_1390 : vector<512x256xf32>
    %slice3A_1392 = vector.extract_strided_slice %get3A_10 {offsets = [23, 0], sizes = [1, 256], strides = [1, 1]} : vector<32x256xf32> to vector<1x256xf32>
    %squeeze3A_1393 = vector.shape_cast %slice3A_1392 : vector<1x256xf32> to vector<256xf32>
    %slice3A_1394 = vector.extract_strided_slice %get3A_10 {offsets = [22, 0], sizes = [1, 256], strides = [1, 1]} : vector<32x256xf32> to vector<1x256xf32>
    %squeeze3A_1395 = vector.shape_cast %slice3A_1394 : vector<1x256xf32> to vector<256xf32>
    %sub3A_1396 = arith.subf %squeeze3A_1393, %squeeze3A_1395 : vector<256xf32>
    %broadcast_in_dim3A_1397 = vector.shape_cast %sub3A_1396 : vector<256xf32> to vector<1x256xf32>
    %mul3A_1398 = vector.broadcast %broadcast_in_dim3A_1397 : vector<1x256xf32> to vector<512x256xf32>
    %mul3A_1399 = arith.mulf %convert_element_type3A_1382, %mul3A_1398 : vector<512x256xf32>
    %add3A_1400 = arith.addf %add3A_1339, %mul3A_1399 : vector<512x256xf32>
    %slice3A_1401 = vector.extract_strided_slice %get3A_13 {offsets = [23, 0], sizes = [1, 256], strides = [1, 1]} : vector<32x256xf32> to vector<1x256xf32>
    %squeeze3A_1402 = vector.shape_cast %slice3A_1401 : vector<1x256xf32> to vector<256xf32>
    %slice3A_1403 = vector.extract_strided_slice %get3A_13 {offsets = [22, 0], sizes = [1, 256], strides = [1, 1]} : vector<32x256xf32> to vector<1x256xf32>
    %squeeze3A_1404 = vector.shape_cast %slice3A_1403 : vector<1x256xf32> to vector<256xf32>
    %sub3A_1405 = arith.subf %squeeze3A_1402, %squeeze3A_1404 : vector<256xf32>
    %broadcast_in_dim3A_1406 = vector.shape_cast %sub3A_1405 : vector<256xf32> to vector<1x256xf32>
    %mul3A_1407 = vector.broadcast %broadcast_in_dim3A_1406 : vector<1x256xf32> to vector<512x256xf32>
    %mul3A_1408 = arith.mulf %convert_element_type3A_1382, %mul3A_1407 : vector<512x256xf32>
    %add3A_1409 = arith.addf %add3A_1348, %mul3A_1408 : vector<512x256xf32>
    %slice3A_1410 = vector.extract_strided_slice %get3A_16 {offsets = [23, 0], sizes = [1, 256], strides = [1, 1]} : vector<32x256xf32> to vector<1x256xf32>
    %squeeze3A_1411 = vector.shape_cast %slice3A_1410 : vector<1x256xf32> to vector<256xf32>
    %slice3A_1412 = vector.extract_strided_slice %get3A_16 {offsets = [22, 0], sizes = [1, 256], strides = [1, 1]} : vector<32x256xf32> to vector<1x256xf32>
    %squeeze3A_1413 = vector.shape_cast %slice3A_1412 : vector<1x256xf32> to vector<256xf32>
    %sub3A_1414 = arith.subf %squeeze3A_1411, %squeeze3A_1413 : vector<256xf32>
    %broadcast_in_dim3A_1415 = vector.shape_cast %sub3A_1414 : vector<256xf32> to vector<1x256xf32>
    %mul3A_1416 = vector.broadcast %broadcast_in_dim3A_1415 : vector<1x256xf32> to vector<512x256xf32>
    %mul3A_1417 = arith.mulf %convert_element_type3A_1382, %mul3A_1416 : vector<512x256xf32>
    %add3A_1418 = arith.addf %add3A_1357, %mul3A_1417 : vector<512x256xf32>
    %slice3A_1419 = vector.extract_strided_slice %get3A_19 {offsets = [23, 0], sizes = [1, 256], strides = [1, 1]} : vector<33x256xf32> to vector<1x256xf32>
    %squeeze3A_1420 = vector.shape_cast %slice3A_1419 : vector<1x256xf32> to vector<256xf32>
    %slice3A_1421 = vector.extract_strided_slice %get3A_19 {offsets = [22, 0], sizes = [1, 256], strides = [1, 1]} : vector<33x256xf32> to vector<1x256xf32>
    %squeeze3A_1422 = vector.shape_cast %slice3A_1421 : vector<1x256xf32> to vector<256xf32>
    %sub3A_1423 = arith.subf %squeeze3A_1420, %squeeze3A_1422 : vector<256xf32>
    %broadcast_in_dim3A_1424 = vector.shape_cast %sub3A_1423 : vector<256xf32> to vector<1x256xf32>
    %mul3A_1425 = vector.broadcast %broadcast_in_dim3A_1424 : vector<1x256xf32> to vector<512x256xf32>
    %mul3A_1426 = arith.mulf %convert_element_type3A_1382, %mul3A_1425 : vector<512x256xf32>
    %add3A_1427 = arith.addf %add3A_1366, %mul3A_1426 : vector<512x256xf32>
    %slice3A_1428 = vector.extract_strided_slice %get3A_19 {offsets = [24, 0], sizes = [1, 256], strides = [1, 1]} : vector<33x256xf32> to vector<1x256xf32>
    %squeeze3A_1429 = vector.shape_cast %slice3A_1428 : vector<1x256xf32> to vector<256xf32>
    %slice3A_1430 = vector.extract_strided_slice %get3A_19 {offsets = [23, 0], sizes = [1, 256], strides = [1, 1]} : vector<33x256xf32> to vector<1x256xf32>
    %squeeze3A_1431 = vector.shape_cast %slice3A_1430 : vector<1x256xf32> to vector<256xf32>
    %sub3A_1432 = arith.subf %squeeze3A_1429, %squeeze3A_1431 : vector<256xf32>
    %broadcast_in_dim3A_1433 = vector.shape_cast %sub3A_1432 : vector<256xf32> to vector<1x256xf32>
    %mul3A_1434 = vector.broadcast %broadcast_in_dim3A_1433 : vector<1x256xf32> to vector<512x256xf32>
    %mul3A_1435 = arith.mulf %convert_element_type3A_1382, %mul3A_1434 : vector<512x256xf32>
    %add3A_1436 = arith.addf %add3A_1375, %mul3A_1435 : vector<512x256xf32>
    %slice3A_1437 = vector.extract_strided_slice %get3A_7 {offsets = [24, 0], sizes = [1, 256], strides = [1, 1]} : vector<33x256xf32> to vector<1x256xf32>
    %squeeze3A_1438 = vector.shape_cast %slice3A_1437 : vector<1x256xf32> to vector<256xf32>
    %broadcast_in_dim3A_1439 = vector.shape_cast %squeeze3A_1438 : vector<256xf32> to vector<1x256xf32>
    %ge3A_1440 = vector.broadcast %broadcast_in_dim3A_1439 : vector<1x256xf32> to vector<512x256xf32>
    %ge3A_1441 = arith.cmpf oge, %min3A_4, %ge3A_1440 : vector<512x256xf32>
    %convert_element_type3A_1442 = arith.extui %ge3A_1441 : vector<512x256xi1> to vector<512x256xi32>
    %convert_element_type3A_1443 = arith.sitofp %convert_element_type3A_1442 : vector<512x256xi32> to vector<512x256xf32>
    %slice3A_1444 = vector.extract_strided_slice %get3A_7 {offsets = [24, 0], sizes = [1, 256], strides = [1, 1]} : vector<33x256xf32> to vector<1x256xf32>
    %squeeze3A_1445 = vector.shape_cast %slice3A_1444 : vector<1x256xf32> to vector<256xf32>
    %slice3A_1446 = vector.extract_strided_slice %get3A_7 {offsets = [23, 0], sizes = [1, 256], strides = [1, 1]} : vector<33x256xf32> to vector<1x256xf32>
    %squeeze3A_1447 = vector.shape_cast %slice3A_1446 : vector<1x256xf32> to vector<256xf32>
    %sub3A_1448 = arith.subf %squeeze3A_1445, %squeeze3A_1447 : vector<256xf32>
    %broadcast_in_dim3A_1449 = vector.shape_cast %sub3A_1448 : vector<256xf32> to vector<1x256xf32>
    %mul3A_1450 = vector.broadcast %broadcast_in_dim3A_1449 : vector<1x256xf32> to vector<512x256xf32>
    %mul3A_1451 = arith.mulf %convert_element_type3A_1443, %mul3A_1450 : vector<512x256xf32>
    %add3A_1452 = arith.addf %add3A_1391, %mul3A_1451 : vector<512x256xf32>
    %slice3A_1453 = vector.extract_strided_slice %get3A_10 {offsets = [24, 0], sizes = [1, 256], strides = [1, 1]} : vector<32x256xf32> to vector<1x256xf32>
    %squeeze3A_1454 = vector.shape_cast %slice3A_1453 : vector<1x256xf32> to vector<256xf32>
    %slice3A_1455 = vector.extract_strided_slice %get3A_10 {offsets = [23, 0], sizes = [1, 256], strides = [1, 1]} : vector<32x256xf32> to vector<1x256xf32>
    %squeeze3A_1456 = vector.shape_cast %slice3A_1455 : vector<1x256xf32> to vector<256xf32>
    %sub3A_1457 = arith.subf %squeeze3A_1454, %squeeze3A_1456 : vector<256xf32>
    %broadcast_in_dim3A_1458 = vector.shape_cast %sub3A_1457 : vector<256xf32> to vector<1x256xf32>
    %mul3A_1459 = vector.broadcast %broadcast_in_dim3A_1458 : vector<1x256xf32> to vector<512x256xf32>
    %mul3A_1460 = arith.mulf %convert_element_type3A_1443, %mul3A_1459 : vector<512x256xf32>
    %add3A_1461 = arith.addf %add3A_1400, %mul3A_1460 : vector<512x256xf32>
    %slice3A_1462 = vector.extract_strided_slice %get3A_13 {offsets = [24, 0], sizes = [1, 256], strides = [1, 1]} : vector<32x256xf32> to vector<1x256xf32>
    %squeeze3A_1463 = vector.shape_cast %slice3A_1462 : vector<1x256xf32> to vector<256xf32>
    %slice3A_1464 = vector.extract_strided_slice %get3A_13 {offsets = [23, 0], sizes = [1, 256], strides = [1, 1]} : vector<32x256xf32> to vector<1x256xf32>
    %squeeze3A_1465 = vector.shape_cast %slice3A_1464 : vector<1x256xf32> to vector<256xf32>
    %sub3A_1466 = arith.subf %squeeze3A_1463, %squeeze3A_1465 : vector<256xf32>
    %broadcast_in_dim3A_1467 = vector.shape_cast %sub3A_1466 : vector<256xf32> to vector<1x256xf32>
    %mul3A_1468 = vector.broadcast %broadcast_in_dim3A_1467 : vector<1x256xf32> to vector<512x256xf32>
    %mul3A_1469 = arith.mulf %convert_element_type3A_1443, %mul3A_1468 : vector<512x256xf32>
    %add3A_1470 = arith.addf %add3A_1409, %mul3A_1469 : vector<512x256xf32>
    %slice3A_1471 = vector.extract_strided_slice %get3A_16 {offsets = [24, 0], sizes = [1, 256], strides = [1, 1]} : vector<32x256xf32> to vector<1x256xf32>
    %squeeze3A_1472 = vector.shape_cast %slice3A_1471 : vector<1x256xf32> to vector<256xf32>
    %slice3A_1473 = vector.extract_strided_slice %get3A_16 {offsets = [23, 0], sizes = [1, 256], strides = [1, 1]} : vector<32x256xf32> to vector<1x256xf32>
    %squeeze3A_1474 = vector.shape_cast %slice3A_1473 : vector<1x256xf32> to vector<256xf32>
    %sub3A_1475 = arith.subf %squeeze3A_1472, %squeeze3A_1474 : vector<256xf32>
    %broadcast_in_dim3A_1476 = vector.shape_cast %sub3A_1475 : vector<256xf32> to vector<1x256xf32>
    %mul3A_1477 = vector.broadcast %broadcast_in_dim3A_1476 : vector<1x256xf32> to vector<512x256xf32>
    %mul3A_1478 = arith.mulf %convert_element_type3A_1443, %mul3A_1477 : vector<512x256xf32>
    %add3A_1479 = arith.addf %add3A_1418, %mul3A_1478 : vector<512x256xf32>
    %slice3A_1480 = vector.extract_strided_slice %get3A_19 {offsets = [24, 0], sizes = [1, 256], strides = [1, 1]} : vector<33x256xf32> to vector<1x256xf32>
    %squeeze3A_1481 = vector.shape_cast %slice3A_1480 : vector<1x256xf32> to vector<256xf32>
    %slice3A_1482 = vector.extract_strided_slice %get3A_19 {offsets = [23, 0], sizes = [1, 256], strides = [1, 1]} : vector<33x256xf32> to vector<1x256xf32>
    %squeeze3A_1483 = vector.shape_cast %slice3A_1482 : vector<1x256xf32> to vector<256xf32>
    %sub3A_1484 = arith.subf %squeeze3A_1481, %squeeze3A_1483 : vector<256xf32>
    %broadcast_in_dim3A_1485 = vector.shape_cast %sub3A_1484 : vector<256xf32> to vector<1x256xf32>
    %mul3A_1486 = vector.broadcast %broadcast_in_dim3A_1485 : vector<1x256xf32> to vector<512x256xf32>
    %mul3A_1487 = arith.mulf %convert_element_type3A_1443, %mul3A_1486 : vector<512x256xf32>
    %add3A_1488 = arith.addf %add3A_1427, %mul3A_1487 : vector<512x256xf32>
    %slice3A_1489 = vector.extract_strided_slice %get3A_19 {offsets = [25, 0], sizes = [1, 256], strides = [1, 1]} : vector<33x256xf32> to vector<1x256xf32>
    %squeeze3A_1490 = vector.shape_cast %slice3A_1489 : vector<1x256xf32> to vector<256xf32>
    %slice3A_1491 = vector.extract_strided_slice %get3A_19 {offsets = [24, 0], sizes = [1, 256], strides = [1, 1]} : vector<33x256xf32> to vector<1x256xf32>
    %squeeze3A_1492 = vector.shape_cast %slice3A_1491 : vector<1x256xf32> to vector<256xf32>
    %sub3A_1493 = arith.subf %squeeze3A_1490, %squeeze3A_1492 : vector<256xf32>
    %broadcast_in_dim3A_1494 = vector.shape_cast %sub3A_1493 : vector<256xf32> to vector<1x256xf32>
    %mul3A_1495 = vector.broadcast %broadcast_in_dim3A_1494 : vector<1x256xf32> to vector<512x256xf32>
    %mul3A_1496 = arith.mulf %convert_element_type3A_1443, %mul3A_1495 : vector<512x256xf32>
    %add3A_1497 = arith.addf %add3A_1436, %mul3A_1496 : vector<512x256xf32>
    %slice3A_1498 = vector.extract_strided_slice %get3A_7 {offsets = [25, 0], sizes = [1, 256], strides = [1, 1]} : vector<33x256xf32> to vector<1x256xf32>
    %squeeze3A_1499 = vector.shape_cast %slice3A_1498 : vector<1x256xf32> to vector<256xf32>
    %broadcast_in_dim3A_1500 = vector.shape_cast %squeeze3A_1499 : vector<256xf32> to vector<1x256xf32>
    %ge3A_1501 = vector.broadcast %broadcast_in_dim3A_1500 : vector<1x256xf32> to vector<512x256xf32>
    %ge3A_1502 = arith.cmpf oge, %min3A_4, %ge3A_1501 : vector<512x256xf32>
    %convert_element_type3A_1503 = arith.extui %ge3A_1502 : vector<512x256xi1> to vector<512x256xi32>
    %convert_element_type3A_1504 = arith.sitofp %convert_element_type3A_1503 : vector<512x256xi32> to vector<512x256xf32>
    %slice3A_1505 = vector.extract_strided_slice %get3A_7 {offsets = [25, 0], sizes = [1, 256], strides = [1, 1]} : vector<33x256xf32> to vector<1x256xf32>
    %squeeze3A_1506 = vector.shape_cast %slice3A_1505 : vector<1x256xf32> to vector<256xf32>
    %slice3A_1507 = vector.extract_strided_slice %get3A_7 {offsets = [24, 0], sizes = [1, 256], strides = [1, 1]} : vector<33x256xf32> to vector<1x256xf32>
    %squeeze3A_1508 = vector.shape_cast %slice3A_1507 : vector<1x256xf32> to vector<256xf32>
    %sub3A_1509 = arith.subf %squeeze3A_1506, %squeeze3A_1508 : vector<256xf32>
    %broadcast_in_dim3A_1510 = vector.shape_cast %sub3A_1509 : vector<256xf32> to vector<1x256xf32>
    %mul3A_1511 = vector.broadcast %broadcast_in_dim3A_1510 : vector<1x256xf32> to vector<512x256xf32>
    %mul3A_1512 = arith.mulf %convert_element_type3A_1504, %mul3A_1511 : vector<512x256xf32>
    %add3A_1513 = arith.addf %add3A_1452, %mul3A_1512 : vector<512x256xf32>
    %slice3A_1514 = vector.extract_strided_slice %get3A_10 {offsets = [25, 0], sizes = [1, 256], strides = [1, 1]} : vector<32x256xf32> to vector<1x256xf32>
    %squeeze3A_1515 = vector.shape_cast %slice3A_1514 : vector<1x256xf32> to vector<256xf32>
    %slice3A_1516 = vector.extract_strided_slice %get3A_10 {offsets = [24, 0], sizes = [1, 256], strides = [1, 1]} : vector<32x256xf32> to vector<1x256xf32>
    %squeeze3A_1517 = vector.shape_cast %slice3A_1516 : vector<1x256xf32> to vector<256xf32>
    %sub3A_1518 = arith.subf %squeeze3A_1515, %squeeze3A_1517 : vector<256xf32>
    %broadcast_in_dim3A_1519 = vector.shape_cast %sub3A_1518 : vector<256xf32> to vector<1x256xf32>
    %mul3A_1520 = vector.broadcast %broadcast_in_dim3A_1519 : vector<1x256xf32> to vector<512x256xf32>
    %mul3A_1521 = arith.mulf %convert_element_type3A_1504, %mul3A_1520 : vector<512x256xf32>
    %add3A_1522 = arith.addf %add3A_1461, %mul3A_1521 : vector<512x256xf32>
    %slice3A_1523 = vector.extract_strided_slice %get3A_13 {offsets = [25, 0], sizes = [1, 256], strides = [1, 1]} : vector<32x256xf32> to vector<1x256xf32>
    %squeeze3A_1524 = vector.shape_cast %slice3A_1523 : vector<1x256xf32> to vector<256xf32>
    %slice3A_1525 = vector.extract_strided_slice %get3A_13 {offsets = [24, 0], sizes = [1, 256], strides = [1, 1]} : vector<32x256xf32> to vector<1x256xf32>
    %squeeze3A_1526 = vector.shape_cast %slice3A_1525 : vector<1x256xf32> to vector<256xf32>
    %sub3A_1527 = arith.subf %squeeze3A_1524, %squeeze3A_1526 : vector<256xf32>
    %broadcast_in_dim3A_1528 = vector.shape_cast %sub3A_1527 : vector<256xf32> to vector<1x256xf32>
    %mul3A_1529 = vector.broadcast %broadcast_in_dim3A_1528 : vector<1x256xf32> to vector<512x256xf32>
    %mul3A_1530 = arith.mulf %convert_element_type3A_1504, %mul3A_1529 : vector<512x256xf32>
    %add3A_1531 = arith.addf %add3A_1470, %mul3A_1530 : vector<512x256xf32>
    %slice3A_1532 = vector.extract_strided_slice %get3A_16 {offsets = [25, 0], sizes = [1, 256], strides = [1, 1]} : vector<32x256xf32> to vector<1x256xf32>
    %squeeze3A_1533 = vector.shape_cast %slice3A_1532 : vector<1x256xf32> to vector<256xf32>
    %slice3A_1534 = vector.extract_strided_slice %get3A_16 {offsets = [24, 0], sizes = [1, 256], strides = [1, 1]} : vector<32x256xf32> to vector<1x256xf32>
    %squeeze3A_1535 = vector.shape_cast %slice3A_1534 : vector<1x256xf32> to vector<256xf32>
    %sub3A_1536 = arith.subf %squeeze3A_1533, %squeeze3A_1535 : vector<256xf32>
    %broadcast_in_dim3A_1537 = vector.shape_cast %sub3A_1536 : vector<256xf32> to vector<1x256xf32>
    %mul3A_1538 = vector.broadcast %broadcast_in_dim3A_1537 : vector<1x256xf32> to vector<512x256xf32>
    %mul3A_1539 = arith.mulf %convert_element_type3A_1504, %mul3A_1538 : vector<512x256xf32>
    %add3A_1540 = arith.addf %add3A_1479, %mul3A_1539 : vector<512x256xf32>
    %slice3A_1541 = vector.extract_strided_slice %get3A_19 {offsets = [25, 0], sizes = [1, 256], strides = [1, 1]} : vector<33x256xf32> to vector<1x256xf32>
    %squeeze3A_1542 = vector.shape_cast %slice3A_1541 : vector<1x256xf32> to vector<256xf32>
    %slice3A_1543 = vector.extract_strided_slice %get3A_19 {offsets = [24, 0], sizes = [1, 256], strides = [1, 1]} : vector<33x256xf32> to vector<1x256xf32>
    %squeeze3A_1544 = vector.shape_cast %slice3A_1543 : vector<1x256xf32> to vector<256xf32>
    %sub3A_1545 = arith.subf %squeeze3A_1542, %squeeze3A_1544 : vector<256xf32>
    %broadcast_in_dim3A_1546 = vector.shape_cast %sub3A_1545 : vector<256xf32> to vector<1x256xf32>
    %mul3A_1547 = vector.broadcast %broadcast_in_dim3A_1546 : vector<1x256xf32> to vector<512x256xf32>
    %mul3A_1548 = arith.mulf %convert_element_type3A_1504, %mul3A_1547 : vector<512x256xf32>
    %add3A_1549 = arith.addf %add3A_1488, %mul3A_1548 : vector<512x256xf32>
    %slice3A_1550 = vector.extract_strided_slice %get3A_19 {offsets = [26, 0], sizes = [1, 256], strides = [1, 1]} : vector<33x256xf32> to vector<1x256xf32>
    %squeeze3A_1551 = vector.shape_cast %slice3A_1550 : vector<1x256xf32> to vector<256xf32>
    %slice3A_1552 = vector.extract_strided_slice %get3A_19 {offsets = [25, 0], sizes = [1, 256], strides = [1, 1]} : vector<33x256xf32> to vector<1x256xf32>
    %squeeze3A_1553 = vector.shape_cast %slice3A_1552 : vector<1x256xf32> to vector<256xf32>
    %sub3A_1554 = arith.subf %squeeze3A_1551, %squeeze3A_1553 : vector<256xf32>
    %broadcast_in_dim3A_1555 = vector.shape_cast %sub3A_1554 : vector<256xf32> to vector<1x256xf32>
    %mul3A_1556 = vector.broadcast %broadcast_in_dim3A_1555 : vector<1x256xf32> to vector<512x256xf32>
    %mul3A_1557 = arith.mulf %convert_element_type3A_1504, %mul3A_1556 : vector<512x256xf32>
    %add3A_1558 = arith.addf %add3A_1497, %mul3A_1557 : vector<512x256xf32>
    %slice3A_1559 = vector.extract_strided_slice %get3A_7 {offsets = [26, 0], sizes = [1, 256], strides = [1, 1]} : vector<33x256xf32> to vector<1x256xf32>
    %squeeze3A_1560 = vector.shape_cast %slice3A_1559 : vector<1x256xf32> to vector<256xf32>
    %broadcast_in_dim3A_1561 = vector.shape_cast %squeeze3A_1560 : vector<256xf32> to vector<1x256xf32>
    %ge3A_1562 = vector.broadcast %broadcast_in_dim3A_1561 : vector<1x256xf32> to vector<512x256xf32>
    %ge3A_1563 = arith.cmpf oge, %min3A_4, %ge3A_1562 : vector<512x256xf32>
    %convert_element_type3A_1564 = arith.extui %ge3A_1563 : vector<512x256xi1> to vector<512x256xi32>
    %convert_element_type3A_1565 = arith.sitofp %convert_element_type3A_1564 : vector<512x256xi32> to vector<512x256xf32>
    %slice3A_1566 = vector.extract_strided_slice %get3A_7 {offsets = [26, 0], sizes = [1, 256], strides = [1, 1]} : vector<33x256xf32> to vector<1x256xf32>
    %squeeze3A_1567 = vector.shape_cast %slice3A_1566 : vector<1x256xf32> to vector<256xf32>
    %slice3A_1568 = vector.extract_strided_slice %get3A_7 {offsets = [25, 0], sizes = [1, 256], strides = [1, 1]} : vector<33x256xf32> to vector<1x256xf32>
    %squeeze3A_1569 = vector.shape_cast %slice3A_1568 : vector<1x256xf32> to vector<256xf32>
    %sub3A_1570 = arith.subf %squeeze3A_1567, %squeeze3A_1569 : vector<256xf32>
    %broadcast_in_dim3A_1571 = vector.shape_cast %sub3A_1570 : vector<256xf32> to vector<1x256xf32>
    %mul3A_1572 = vector.broadcast %broadcast_in_dim3A_1571 : vector<1x256xf32> to vector<512x256xf32>
    %mul3A_1573 = arith.mulf %convert_element_type3A_1565, %mul3A_1572 : vector<512x256xf32>
    %add3A_1574 = arith.addf %add3A_1513, %mul3A_1573 : vector<512x256xf32>
    %slice3A_1575 = vector.extract_strided_slice %get3A_10 {offsets = [26, 0], sizes = [1, 256], strides = [1, 1]} : vector<32x256xf32> to vector<1x256xf32>
    %squeeze3A_1576 = vector.shape_cast %slice3A_1575 : vector<1x256xf32> to vector<256xf32>
    %slice3A_1577 = vector.extract_strided_slice %get3A_10 {offsets = [25, 0], sizes = [1, 256], strides = [1, 1]} : vector<32x256xf32> to vector<1x256xf32>
    %squeeze3A_1578 = vector.shape_cast %slice3A_1577 : vector<1x256xf32> to vector<256xf32>
    %sub3A_1579 = arith.subf %squeeze3A_1576, %squeeze3A_1578 : vector<256xf32>
    %broadcast_in_dim3A_1580 = vector.shape_cast %sub3A_1579 : vector<256xf32> to vector<1x256xf32>
    %mul3A_1581 = vector.broadcast %broadcast_in_dim3A_1580 : vector<1x256xf32> to vector<512x256xf32>
    %mul3A_1582 = arith.mulf %convert_element_type3A_1565, %mul3A_1581 : vector<512x256xf32>
    %add3A_1583 = arith.addf %add3A_1522, %mul3A_1582 : vector<512x256xf32>
    %slice3A_1584 = vector.extract_strided_slice %get3A_13 {offsets = [26, 0], sizes = [1, 256], strides = [1, 1]} : vector<32x256xf32> to vector<1x256xf32>
    %squeeze3A_1585 = vector.shape_cast %slice3A_1584 : vector<1x256xf32> to vector<256xf32>
    %slice3A_1586 = vector.extract_strided_slice %get3A_13 {offsets = [25, 0], sizes = [1, 256], strides = [1, 1]} : vector<32x256xf32> to vector<1x256xf32>
    %squeeze3A_1587 = vector.shape_cast %slice3A_1586 : vector<1x256xf32> to vector<256xf32>
    %sub3A_1588 = arith.subf %squeeze3A_1585, %squeeze3A_1587 : vector<256xf32>
    %broadcast_in_dim3A_1589 = vector.shape_cast %sub3A_1588 : vector<256xf32> to vector<1x256xf32>
    %mul3A_1590 = vector.broadcast %broadcast_in_dim3A_1589 : vector<1x256xf32> to vector<512x256xf32>
    %mul3A_1591 = arith.mulf %convert_element_type3A_1565, %mul3A_1590 : vector<512x256xf32>
    %add3A_1592 = arith.addf %add3A_1531, %mul3A_1591 : vector<512x256xf32>
    %slice3A_1593 = vector.extract_strided_slice %get3A_16 {offsets = [26, 0], sizes = [1, 256], strides = [1, 1]} : vector<32x256xf32> to vector<1x256xf32>
    %squeeze3A_1594 = vector.shape_cast %slice3A_1593 : vector<1x256xf32> to vector<256xf32>
    %slice3A_1595 = vector.extract_strided_slice %get3A_16 {offsets = [25, 0], sizes = [1, 256], strides = [1, 1]} : vector<32x256xf32> to vector<1x256xf32>
    %squeeze3A_1596 = vector.shape_cast %slice3A_1595 : vector<1x256xf32> to vector<256xf32>
    %sub3A_1597 = arith.subf %squeeze3A_1594, %squeeze3A_1596 : vector<256xf32>
    %broadcast_in_dim3A_1598 = vector.shape_cast %sub3A_1597 : vector<256xf32> to vector<1x256xf32>
    %mul3A_1599 = vector.broadcast %broadcast_in_dim3A_1598 : vector<1x256xf32> to vector<512x256xf32>
    %mul3A_1600 = arith.mulf %convert_element_type3A_1565, %mul3A_1599 : vector<512x256xf32>
    %add3A_1601 = arith.addf %add3A_1540, %mul3A_1600 : vector<512x256xf32>
    %slice3A_1602 = vector.extract_strided_slice %get3A_19 {offsets = [26, 0], sizes = [1, 256], strides = [1, 1]} : vector<33x256xf32> to vector<1x256xf32>
    %squeeze3A_1603 = vector.shape_cast %slice3A_1602 : vector<1x256xf32> to vector<256xf32>
    %slice3A_1604 = vector.extract_strided_slice %get3A_19 {offsets = [25, 0], sizes = [1, 256], strides = [1, 1]} : vector<33x256xf32> to vector<1x256xf32>
    %squeeze3A_1605 = vector.shape_cast %slice3A_1604 : vector<1x256xf32> to vector<256xf32>
    %sub3A_1606 = arith.subf %squeeze3A_1603, %squeeze3A_1605 : vector<256xf32>
    %broadcast_in_dim3A_1607 = vector.shape_cast %sub3A_1606 : vector<256xf32> to vector<1x256xf32>
    %mul3A_1608 = vector.broadcast %broadcast_in_dim3A_1607 : vector<1x256xf32> to vector<512x256xf32>
    %mul3A_1609 = arith.mulf %convert_element_type3A_1565, %mul3A_1608 : vector<512x256xf32>
    %add3A_1610 = arith.addf %add3A_1549, %mul3A_1609 : vector<512x256xf32>
    %slice3A_1611 = vector.extract_strided_slice %get3A_19 {offsets = [27, 0], sizes = [1, 256], strides = [1, 1]} : vector<33x256xf32> to vector<1x256xf32>
    %squeeze3A_1612 = vector.shape_cast %slice3A_1611 : vector<1x256xf32> to vector<256xf32>
    %slice3A_1613 = vector.extract_strided_slice %get3A_19 {offsets = [26, 0], sizes = [1, 256], strides = [1, 1]} : vector<33x256xf32> to vector<1x256xf32>
    %squeeze3A_1614 = vector.shape_cast %slice3A_1613 : vector<1x256xf32> to vector<256xf32>
    %sub3A_1615 = arith.subf %squeeze3A_1612, %squeeze3A_1614 : vector<256xf32>
    %broadcast_in_dim3A_1616 = vector.shape_cast %sub3A_1615 : vector<256xf32> to vector<1x256xf32>
    %mul3A_1617 = vector.broadcast %broadcast_in_dim3A_1616 : vector<1x256xf32> to vector<512x256xf32>
    %mul3A_1618 = arith.mulf %convert_element_type3A_1565, %mul3A_1617 : vector<512x256xf32>
    %add3A_1619 = arith.addf %add3A_1558, %mul3A_1618 : vector<512x256xf32>
    %slice3A_1620 = vector.extract_strided_slice %get3A_7 {offsets = [27, 0], sizes = [1, 256], strides = [1, 1]} : vector<33x256xf32> to vector<1x256xf32>
    %squeeze3A_1621 = vector.shape_cast %slice3A_1620 : vector<1x256xf32> to vector<256xf32>
    %broadcast_in_dim3A_1622 = vector.shape_cast %squeeze3A_1621 : vector<256xf32> to vector<1x256xf32>
    %ge3A_1623 = vector.broadcast %broadcast_in_dim3A_1622 : vector<1x256xf32> to vector<512x256xf32>
    %ge3A_1624 = arith.cmpf oge, %min3A_4, %ge3A_1623 : vector<512x256xf32>
    %convert_element_type3A_1625 = arith.extui %ge3A_1624 : vector<512x256xi1> to vector<512x256xi32>
    %convert_element_type3A_1626 = arith.sitofp %convert_element_type3A_1625 : vector<512x256xi32> to vector<512x256xf32>
    %slice3A_1627 = vector.extract_strided_slice %get3A_7 {offsets = [27, 0], sizes = [1, 256], strides = [1, 1]} : vector<33x256xf32> to vector<1x256xf32>
    %squeeze3A_1628 = vector.shape_cast %slice3A_1627 : vector<1x256xf32> to vector<256xf32>
    %slice3A_1629 = vector.extract_strided_slice %get3A_7 {offsets = [26, 0], sizes = [1, 256], strides = [1, 1]} : vector<33x256xf32> to vector<1x256xf32>
    %squeeze3A_1630 = vector.shape_cast %slice3A_1629 : vector<1x256xf32> to vector<256xf32>
    %sub3A_1631 = arith.subf %squeeze3A_1628, %squeeze3A_1630 : vector<256xf32>
    %broadcast_in_dim3A_1632 = vector.shape_cast %sub3A_1631 : vector<256xf32> to vector<1x256xf32>
    %mul3A_1633 = vector.broadcast %broadcast_in_dim3A_1632 : vector<1x256xf32> to vector<512x256xf32>
    %mul3A_1634 = arith.mulf %convert_element_type3A_1626, %mul3A_1633 : vector<512x256xf32>
    %add3A_1635 = arith.addf %add3A_1574, %mul3A_1634 : vector<512x256xf32>
    %slice3A_1636 = vector.extract_strided_slice %get3A_10 {offsets = [27, 0], sizes = [1, 256], strides = [1, 1]} : vector<32x256xf32> to vector<1x256xf32>
    %squeeze3A_1637 = vector.shape_cast %slice3A_1636 : vector<1x256xf32> to vector<256xf32>
    %slice3A_1638 = vector.extract_strided_slice %get3A_10 {offsets = [26, 0], sizes = [1, 256], strides = [1, 1]} : vector<32x256xf32> to vector<1x256xf32>
    %squeeze3A_1639 = vector.shape_cast %slice3A_1638 : vector<1x256xf32> to vector<256xf32>
    %sub3A_1640 = arith.subf %squeeze3A_1637, %squeeze3A_1639 : vector<256xf32>
    %broadcast_in_dim3A_1641 = vector.shape_cast %sub3A_1640 : vector<256xf32> to vector<1x256xf32>
    %mul3A_1642 = vector.broadcast %broadcast_in_dim3A_1641 : vector<1x256xf32> to vector<512x256xf32>
    %mul3A_1643 = arith.mulf %convert_element_type3A_1626, %mul3A_1642 : vector<512x256xf32>
    %add3A_1644 = arith.addf %add3A_1583, %mul3A_1643 : vector<512x256xf32>
    %slice3A_1645 = vector.extract_strided_slice %get3A_13 {offsets = [27, 0], sizes = [1, 256], strides = [1, 1]} : vector<32x256xf32> to vector<1x256xf32>
    %squeeze3A_1646 = vector.shape_cast %slice3A_1645 : vector<1x256xf32> to vector<256xf32>
    %slice3A_1647 = vector.extract_strided_slice %get3A_13 {offsets = [26, 0], sizes = [1, 256], strides = [1, 1]} : vector<32x256xf32> to vector<1x256xf32>
    %squeeze3A_1648 = vector.shape_cast %slice3A_1647 : vector<1x256xf32> to vector<256xf32>
    %sub3A_1649 = arith.subf %squeeze3A_1646, %squeeze3A_1648 : vector<256xf32>
    %broadcast_in_dim3A_1650 = vector.shape_cast %sub3A_1649 : vector<256xf32> to vector<1x256xf32>
    %mul3A_1651 = vector.broadcast %broadcast_in_dim3A_1650 : vector<1x256xf32> to vector<512x256xf32>
    %mul3A_1652 = arith.mulf %convert_element_type3A_1626, %mul3A_1651 : vector<512x256xf32>
    %add3A_1653 = arith.addf %add3A_1592, %mul3A_1652 : vector<512x256xf32>
    %slice3A_1654 = vector.extract_strided_slice %get3A_16 {offsets = [27, 0], sizes = [1, 256], strides = [1, 1]} : vector<32x256xf32> to vector<1x256xf32>
    %squeeze3A_1655 = vector.shape_cast %slice3A_1654 : vector<1x256xf32> to vector<256xf32>
    %slice3A_1656 = vector.extract_strided_slice %get3A_16 {offsets = [26, 0], sizes = [1, 256], strides = [1, 1]} : vector<32x256xf32> to vector<1x256xf32>
    %squeeze3A_1657 = vector.shape_cast %slice3A_1656 : vector<1x256xf32> to vector<256xf32>
    %sub3A_1658 = arith.subf %squeeze3A_1655, %squeeze3A_1657 : vector<256xf32>
    %broadcast_in_dim3A_1659 = vector.shape_cast %sub3A_1658 : vector<256xf32> to vector<1x256xf32>
    %mul3A_1660 = vector.broadcast %broadcast_in_dim3A_1659 : vector<1x256xf32> to vector<512x256xf32>
    %mul3A_1661 = arith.mulf %convert_element_type3A_1626, %mul3A_1660 : vector<512x256xf32>
    %add3A_1662 = arith.addf %add3A_1601, %mul3A_1661 : vector<512x256xf32>
    %slice3A_1663 = vector.extract_strided_slice %get3A_19 {offsets = [27, 0], sizes = [1, 256], strides = [1, 1]} : vector<33x256xf32> to vector<1x256xf32>
    %squeeze3A_1664 = vector.shape_cast %slice3A_1663 : vector<1x256xf32> to vector<256xf32>
    %slice3A_1665 = vector.extract_strided_slice %get3A_19 {offsets = [26, 0], sizes = [1, 256], strides = [1, 1]} : vector<33x256xf32> to vector<1x256xf32>
    %squeeze3A_1666 = vector.shape_cast %slice3A_1665 : vector<1x256xf32> to vector<256xf32>
    %sub3A_1667 = arith.subf %squeeze3A_1664, %squeeze3A_1666 : vector<256xf32>
    %broadcast_in_dim3A_1668 = vector.shape_cast %sub3A_1667 : vector<256xf32> to vector<1x256xf32>
    %mul3A_1669 = vector.broadcast %broadcast_in_dim3A_1668 : vector<1x256xf32> to vector<512x256xf32>
    %mul3A_1670 = arith.mulf %convert_element_type3A_1626, %mul3A_1669 : vector<512x256xf32>
    %add3A_1671 = arith.addf %add3A_1610, %mul3A_1670 : vector<512x256xf32>
    %slice3A_1672 = vector.extract_strided_slice %get3A_19 {offsets = [28, 0], sizes = [1, 256], strides = [1, 1]} : vector<33x256xf32> to vector<1x256xf32>
    %squeeze3A_1673 = vector.shape_cast %slice3A_1672 : vector<1x256xf32> to vector<256xf32>
    %slice3A_1674 = vector.extract_strided_slice %get3A_19 {offsets = [27, 0], sizes = [1, 256], strides = [1, 1]} : vector<33x256xf32> to vector<1x256xf32>
    %squeeze3A_1675 = vector.shape_cast %slice3A_1674 : vector<1x256xf32> to vector<256xf32>
    %sub3A_1676 = arith.subf %squeeze3A_1673, %squeeze3A_1675 : vector<256xf32>
    %broadcast_in_dim3A_1677 = vector.shape_cast %sub3A_1676 : vector<256xf32> to vector<1x256xf32>
    %mul3A_1678 = vector.broadcast %broadcast_in_dim3A_1677 : vector<1x256xf32> to vector<512x256xf32>
    %mul3A_1679 = arith.mulf %convert_element_type3A_1626, %mul3A_1678 : vector<512x256xf32>
    %add3A_1680 = arith.addf %add3A_1619, %mul3A_1679 : vector<512x256xf32>
    %slice3A_1681 = vector.extract_strided_slice %get3A_7 {offsets = [28, 0], sizes = [1, 256], strides = [1, 1]} : vector<33x256xf32> to vector<1x256xf32>
    %squeeze3A_1682 = vector.shape_cast %slice3A_1681 : vector<1x256xf32> to vector<256xf32>
    %broadcast_in_dim3A_1683 = vector.shape_cast %squeeze3A_1682 : vector<256xf32> to vector<1x256xf32>
    %ge3A_1684 = vector.broadcast %broadcast_in_dim3A_1683 : vector<1x256xf32> to vector<512x256xf32>
    %ge3A_1685 = arith.cmpf oge, %min3A_4, %ge3A_1684 : vector<512x256xf32>
    %convert_element_type3A_1686 = arith.extui %ge3A_1685 : vector<512x256xi1> to vector<512x256xi32>
    %convert_element_type3A_1687 = arith.sitofp %convert_element_type3A_1686 : vector<512x256xi32> to vector<512x256xf32>
    %slice3A_1688 = vector.extract_strided_slice %get3A_7 {offsets = [28, 0], sizes = [1, 256], strides = [1, 1]} : vector<33x256xf32> to vector<1x256xf32>
    %squeeze3A_1689 = vector.shape_cast %slice3A_1688 : vector<1x256xf32> to vector<256xf32>
    %slice3A_1690 = vector.extract_strided_slice %get3A_7 {offsets = [27, 0], sizes = [1, 256], strides = [1, 1]} : vector<33x256xf32> to vector<1x256xf32>
    %squeeze3A_1691 = vector.shape_cast %slice3A_1690 : vector<1x256xf32> to vector<256xf32>
    %sub3A_1692 = arith.subf %squeeze3A_1689, %squeeze3A_1691 : vector<256xf32>
    %broadcast_in_dim3A_1693 = vector.shape_cast %sub3A_1692 : vector<256xf32> to vector<1x256xf32>
    %mul3A_1694 = vector.broadcast %broadcast_in_dim3A_1693 : vector<1x256xf32> to vector<512x256xf32>
    %mul3A_1695 = arith.mulf %convert_element_type3A_1687, %mul3A_1694 : vector<512x256xf32>
    %add3A_1696 = arith.addf %add3A_1635, %mul3A_1695 : vector<512x256xf32>
    %slice3A_1697 = vector.extract_strided_slice %get3A_10 {offsets = [28, 0], sizes = [1, 256], strides = [1, 1]} : vector<32x256xf32> to vector<1x256xf32>
    %squeeze3A_1698 = vector.shape_cast %slice3A_1697 : vector<1x256xf32> to vector<256xf32>
    %slice3A_1699 = vector.extract_strided_slice %get3A_10 {offsets = [27, 0], sizes = [1, 256], strides = [1, 1]} : vector<32x256xf32> to vector<1x256xf32>
    %squeeze3A_1700 = vector.shape_cast %slice3A_1699 : vector<1x256xf32> to vector<256xf32>
    %sub3A_1701 = arith.subf %squeeze3A_1698, %squeeze3A_1700 : vector<256xf32>
    %broadcast_in_dim3A_1702 = vector.shape_cast %sub3A_1701 : vector<256xf32> to vector<1x256xf32>
    %mul3A_1703 = vector.broadcast %broadcast_in_dim3A_1702 : vector<1x256xf32> to vector<512x256xf32>
    %mul3A_1704 = arith.mulf %convert_element_type3A_1687, %mul3A_1703 : vector<512x256xf32>
    %add3A_1705 = arith.addf %add3A_1644, %mul3A_1704 : vector<512x256xf32>
    %slice3A_1706 = vector.extract_strided_slice %get3A_13 {offsets = [28, 0], sizes = [1, 256], strides = [1, 1]} : vector<32x256xf32> to vector<1x256xf32>
    %squeeze3A_1707 = vector.shape_cast %slice3A_1706 : vector<1x256xf32> to vector<256xf32>
    %slice3A_1708 = vector.extract_strided_slice %get3A_13 {offsets = [27, 0], sizes = [1, 256], strides = [1, 1]} : vector<32x256xf32> to vector<1x256xf32>
    %squeeze3A_1709 = vector.shape_cast %slice3A_1708 : vector<1x256xf32> to vector<256xf32>
    %sub3A_1710 = arith.subf %squeeze3A_1707, %squeeze3A_1709 : vector<256xf32>
    %broadcast_in_dim3A_1711 = vector.shape_cast %sub3A_1710 : vector<256xf32> to vector<1x256xf32>
    %mul3A_1712 = vector.broadcast %broadcast_in_dim3A_1711 : vector<1x256xf32> to vector<512x256xf32>
    %mul3A_1713 = arith.mulf %convert_element_type3A_1687, %mul3A_1712 : vector<512x256xf32>
    %add3A_1714 = arith.addf %add3A_1653, %mul3A_1713 : vector<512x256xf32>
    %slice3A_1715 = vector.extract_strided_slice %get3A_16 {offsets = [28, 0], sizes = [1, 256], strides = [1, 1]} : vector<32x256xf32> to vector<1x256xf32>
    %squeeze3A_1716 = vector.shape_cast %slice3A_1715 : vector<1x256xf32> to vector<256xf32>
    %slice3A_1717 = vector.extract_strided_slice %get3A_16 {offsets = [27, 0], sizes = [1, 256], strides = [1, 1]} : vector<32x256xf32> to vector<1x256xf32>
    %squeeze3A_1718 = vector.shape_cast %slice3A_1717 : vector<1x256xf32> to vector<256xf32>
    %sub3A_1719 = arith.subf %squeeze3A_1716, %squeeze3A_1718 : vector<256xf32>
    %broadcast_in_dim3A_1720 = vector.shape_cast %sub3A_1719 : vector<256xf32> to vector<1x256xf32>
    %mul3A_1721 = vector.broadcast %broadcast_in_dim3A_1720 : vector<1x256xf32> to vector<512x256xf32>
    %mul3A_1722 = arith.mulf %convert_element_type3A_1687, %mul3A_1721 : vector<512x256xf32>
    %add3A_1723 = arith.addf %add3A_1662, %mul3A_1722 : vector<512x256xf32>
    %slice3A_1724 = vector.extract_strided_slice %get3A_19 {offsets = [28, 0], sizes = [1, 256], strides = [1, 1]} : vector<33x256xf32> to vector<1x256xf32>
    %squeeze3A_1725 = vector.shape_cast %slice3A_1724 : vector<1x256xf32> to vector<256xf32>
    %slice3A_1726 = vector.extract_strided_slice %get3A_19 {offsets = [27, 0], sizes = [1, 256], strides = [1, 1]} : vector<33x256xf32> to vector<1x256xf32>
    %squeeze3A_1727 = vector.shape_cast %slice3A_1726 : vector<1x256xf32> to vector<256xf32>
    %sub3A_1728 = arith.subf %squeeze3A_1725, %squeeze3A_1727 : vector<256xf32>
    %broadcast_in_dim3A_1729 = vector.shape_cast %sub3A_1728 : vector<256xf32> to vector<1x256xf32>
    %mul3A_1730 = vector.broadcast %broadcast_in_dim3A_1729 : vector<1x256xf32> to vector<512x256xf32>
    %mul3A_1731 = arith.mulf %convert_element_type3A_1687, %mul3A_1730 : vector<512x256xf32>
    %add3A_1732 = arith.addf %add3A_1671, %mul3A_1731 : vector<512x256xf32>
    %slice3A_1733 = vector.extract_strided_slice %get3A_19 {offsets = [29, 0], sizes = [1, 256], strides = [1, 1]} : vector<33x256xf32> to vector<1x256xf32>
    %squeeze3A_1734 = vector.shape_cast %slice3A_1733 : vector<1x256xf32> to vector<256xf32>
    %slice3A_1735 = vector.extract_strided_slice %get3A_19 {offsets = [28, 0], sizes = [1, 256], strides = [1, 1]} : vector<33x256xf32> to vector<1x256xf32>
    %squeeze3A_1736 = vector.shape_cast %slice3A_1735 : vector<1x256xf32> to vector<256xf32>
    %sub3A_1737 = arith.subf %squeeze3A_1734, %squeeze3A_1736 : vector<256xf32>
    %broadcast_in_dim3A_1738 = vector.shape_cast %sub3A_1737 : vector<256xf32> to vector<1x256xf32>
    %mul3A_1739 = vector.broadcast %broadcast_in_dim3A_1738 : vector<1x256xf32> to vector<512x256xf32>
    %mul3A_1740 = arith.mulf %convert_element_type3A_1687, %mul3A_1739 : vector<512x256xf32>
    %add3A_1741 = arith.addf %add3A_1680, %mul3A_1740 : vector<512x256xf32>
    %slice3A_1742 = vector.extract_strided_slice %get3A_7 {offsets = [29, 0], sizes = [1, 256], strides = [1, 1]} : vector<33x256xf32> to vector<1x256xf32>
    %squeeze3A_1743 = vector.shape_cast %slice3A_1742 : vector<1x256xf32> to vector<256xf32>
    %broadcast_in_dim3A_1744 = vector.shape_cast %squeeze3A_1743 : vector<256xf32> to vector<1x256xf32>
    %ge3A_1745 = vector.broadcast %broadcast_in_dim3A_1744 : vector<1x256xf32> to vector<512x256xf32>
    %ge3A_1746 = arith.cmpf oge, %min3A_4, %ge3A_1745 : vector<512x256xf32>
    %convert_element_type3A_1747 = arith.extui %ge3A_1746 : vector<512x256xi1> to vector<512x256xi32>
    %convert_element_type3A_1748 = arith.sitofp %convert_element_type3A_1747 : vector<512x256xi32> to vector<512x256xf32>
    %slice3A_1749 = vector.extract_strided_slice %get3A_7 {offsets = [29, 0], sizes = [1, 256], strides = [1, 1]} : vector<33x256xf32> to vector<1x256xf32>
    %squeeze3A_1750 = vector.shape_cast %slice3A_1749 : vector<1x256xf32> to vector<256xf32>
    %slice3A_1751 = vector.extract_strided_slice %get3A_7 {offsets = [28, 0], sizes = [1, 256], strides = [1, 1]} : vector<33x256xf32> to vector<1x256xf32>
    %squeeze3A_1752 = vector.shape_cast %slice3A_1751 : vector<1x256xf32> to vector<256xf32>
    %sub3A_1753 = arith.subf %squeeze3A_1750, %squeeze3A_1752 : vector<256xf32>
    %broadcast_in_dim3A_1754 = vector.shape_cast %sub3A_1753 : vector<256xf32> to vector<1x256xf32>
    %mul3A_1755 = vector.broadcast %broadcast_in_dim3A_1754 : vector<1x256xf32> to vector<512x256xf32>
    %mul3A_1756 = arith.mulf %convert_element_type3A_1748, %mul3A_1755 : vector<512x256xf32>
    %add3A_1757 = arith.addf %add3A_1696, %mul3A_1756 : vector<512x256xf32>
    %slice3A_1758 = vector.extract_strided_slice %get3A_10 {offsets = [29, 0], sizes = [1, 256], strides = [1, 1]} : vector<32x256xf32> to vector<1x256xf32>
    %squeeze3A_1759 = vector.shape_cast %slice3A_1758 : vector<1x256xf32> to vector<256xf32>
    %slice3A_1760 = vector.extract_strided_slice %get3A_10 {offsets = [28, 0], sizes = [1, 256], strides = [1, 1]} : vector<32x256xf32> to vector<1x256xf32>
    %squeeze3A_1761 = vector.shape_cast %slice3A_1760 : vector<1x256xf32> to vector<256xf32>
    %sub3A_1762 = arith.subf %squeeze3A_1759, %squeeze3A_1761 : vector<256xf32>
    %broadcast_in_dim3A_1763 = vector.shape_cast %sub3A_1762 : vector<256xf32> to vector<1x256xf32>
    %mul3A_1764 = vector.broadcast %broadcast_in_dim3A_1763 : vector<1x256xf32> to vector<512x256xf32>
    %mul3A_1765 = arith.mulf %convert_element_type3A_1748, %mul3A_1764 : vector<512x256xf32>
    %add3A_1766 = arith.addf %add3A_1705, %mul3A_1765 : vector<512x256xf32>
    %slice3A_1767 = vector.extract_strided_slice %get3A_13 {offsets = [29, 0], sizes = [1, 256], strides = [1, 1]} : vector<32x256xf32> to vector<1x256xf32>
    %squeeze3A_1768 = vector.shape_cast %slice3A_1767 : vector<1x256xf32> to vector<256xf32>
    %slice3A_1769 = vector.extract_strided_slice %get3A_13 {offsets = [28, 0], sizes = [1, 256], strides = [1, 1]} : vector<32x256xf32> to vector<1x256xf32>
    %squeeze3A_1770 = vector.shape_cast %slice3A_1769 : vector<1x256xf32> to vector<256xf32>
    %sub3A_1771 = arith.subf %squeeze3A_1768, %squeeze3A_1770 : vector<256xf32>
    %broadcast_in_dim3A_1772 = vector.shape_cast %sub3A_1771 : vector<256xf32> to vector<1x256xf32>
    %mul3A_1773 = vector.broadcast %broadcast_in_dim3A_1772 : vector<1x256xf32> to vector<512x256xf32>
    %mul3A_1774 = arith.mulf %convert_element_type3A_1748, %mul3A_1773 : vector<512x256xf32>
    %add3A_1775 = arith.addf %add3A_1714, %mul3A_1774 : vector<512x256xf32>
    %slice3A_1776 = vector.extract_strided_slice %get3A_16 {offsets = [29, 0], sizes = [1, 256], strides = [1, 1]} : vector<32x256xf32> to vector<1x256xf32>
    %squeeze3A_1777 = vector.shape_cast %slice3A_1776 : vector<1x256xf32> to vector<256xf32>
    %slice3A_1778 = vector.extract_strided_slice %get3A_16 {offsets = [28, 0], sizes = [1, 256], strides = [1, 1]} : vector<32x256xf32> to vector<1x256xf32>
    %squeeze3A_1779 = vector.shape_cast %slice3A_1778 : vector<1x256xf32> to vector<256xf32>
    %sub3A_1780 = arith.subf %squeeze3A_1777, %squeeze3A_1779 : vector<256xf32>
    %broadcast_in_dim3A_1781 = vector.shape_cast %sub3A_1780 : vector<256xf32> to vector<1x256xf32>
    %mul3A_1782 = vector.broadcast %broadcast_in_dim3A_1781 : vector<1x256xf32> to vector<512x256xf32>
    %mul3A_1783 = arith.mulf %convert_element_type3A_1748, %mul3A_1782 : vector<512x256xf32>
    %add3A_1784 = arith.addf %add3A_1723, %mul3A_1783 : vector<512x256xf32>
    %slice3A_1785 = vector.extract_strided_slice %get3A_19 {offsets = [29, 0], sizes = [1, 256], strides = [1, 1]} : vector<33x256xf32> to vector<1x256xf32>
    %squeeze3A_1786 = vector.shape_cast %slice3A_1785 : vector<1x256xf32> to vector<256xf32>
    %slice3A_1787 = vector.extract_strided_slice %get3A_19 {offsets = [28, 0], sizes = [1, 256], strides = [1, 1]} : vector<33x256xf32> to vector<1x256xf32>
    %squeeze3A_1788 = vector.shape_cast %slice3A_1787 : vector<1x256xf32> to vector<256xf32>
    %sub3A_1789 = arith.subf %squeeze3A_1786, %squeeze3A_1788 : vector<256xf32>
    %broadcast_in_dim3A_1790 = vector.shape_cast %sub3A_1789 : vector<256xf32> to vector<1x256xf32>
    %mul3A_1791 = vector.broadcast %broadcast_in_dim3A_1790 : vector<1x256xf32> to vector<512x256xf32>
    %mul3A_1792 = arith.mulf %convert_element_type3A_1748, %mul3A_1791 : vector<512x256xf32>
    %add3A_1793 = arith.addf %add3A_1732, %mul3A_1792 : vector<512x256xf32>
    %slice3A_1794 = vector.extract_strided_slice %get3A_19 {offsets = [30, 0], sizes = [1, 256], strides = [1, 1]} : vector<33x256xf32> to vector<1x256xf32>
    %squeeze3A_1795 = vector.shape_cast %slice3A_1794 : vector<1x256xf32> to vector<256xf32>
    %slice3A_1796 = vector.extract_strided_slice %get3A_19 {offsets = [29, 0], sizes = [1, 256], strides = [1, 1]} : vector<33x256xf32> to vector<1x256xf32>
    %squeeze3A_1797 = vector.shape_cast %slice3A_1796 : vector<1x256xf32> to vector<256xf32>
    %sub3A_1798 = arith.subf %squeeze3A_1795, %squeeze3A_1797 : vector<256xf32>
    %broadcast_in_dim3A_1799 = vector.shape_cast %sub3A_1798 : vector<256xf32> to vector<1x256xf32>
    %mul3A_1800 = vector.broadcast %broadcast_in_dim3A_1799 : vector<1x256xf32> to vector<512x256xf32>
    %mul3A_1801 = arith.mulf %convert_element_type3A_1748, %mul3A_1800 : vector<512x256xf32>
    %add3A_1802 = arith.addf %add3A_1741, %mul3A_1801 : vector<512x256xf32>
    %slice3A_1803 = vector.extract_strided_slice %get3A_7 {offsets = [30, 0], sizes = [1, 256], strides = [1, 1]} : vector<33x256xf32> to vector<1x256xf32>
    %squeeze3A_1804 = vector.shape_cast %slice3A_1803 : vector<1x256xf32> to vector<256xf32>
    %broadcast_in_dim3A_1805 = vector.shape_cast %squeeze3A_1804 : vector<256xf32> to vector<1x256xf32>
    %ge3A_1806 = vector.broadcast %broadcast_in_dim3A_1805 : vector<1x256xf32> to vector<512x256xf32>
    %ge3A_1807 = arith.cmpf oge, %min3A_4, %ge3A_1806 : vector<512x256xf32>
    %convert_element_type3A_1808 = arith.extui %ge3A_1807 : vector<512x256xi1> to vector<512x256xi32>
    %convert_element_type3A_1809 = arith.sitofp %convert_element_type3A_1808 : vector<512x256xi32> to vector<512x256xf32>
    %slice3A_1810 = vector.extract_strided_slice %get3A_7 {offsets = [30, 0], sizes = [1, 256], strides = [1, 1]} : vector<33x256xf32> to vector<1x256xf32>
    %squeeze3A_1811 = vector.shape_cast %slice3A_1810 : vector<1x256xf32> to vector<256xf32>
    %slice3A_1812 = vector.extract_strided_slice %get3A_7 {offsets = [29, 0], sizes = [1, 256], strides = [1, 1]} : vector<33x256xf32> to vector<1x256xf32>
    %squeeze3A_1813 = vector.shape_cast %slice3A_1812 : vector<1x256xf32> to vector<256xf32>
    %sub3A_1814 = arith.subf %squeeze3A_1811, %squeeze3A_1813 : vector<256xf32>
    %broadcast_in_dim3A_1815 = vector.shape_cast %sub3A_1814 : vector<256xf32> to vector<1x256xf32>
    %mul3A_1816 = vector.broadcast %broadcast_in_dim3A_1815 : vector<1x256xf32> to vector<512x256xf32>
    %mul3A_1817 = arith.mulf %convert_element_type3A_1809, %mul3A_1816 : vector<512x256xf32>
    %add3A_1818 = arith.addf %add3A_1757, %mul3A_1817 : vector<512x256xf32>
    %slice3A_1819 = vector.extract_strided_slice %get3A_10 {offsets = [30, 0], sizes = [1, 256], strides = [1, 1]} : vector<32x256xf32> to vector<1x256xf32>
    %squeeze3A_1820 = vector.shape_cast %slice3A_1819 : vector<1x256xf32> to vector<256xf32>
    %slice3A_1821 = vector.extract_strided_slice %get3A_10 {offsets = [29, 0], sizes = [1, 256], strides = [1, 1]} : vector<32x256xf32> to vector<1x256xf32>
    %squeeze3A_1822 = vector.shape_cast %slice3A_1821 : vector<1x256xf32> to vector<256xf32>
    %sub3A_1823 = arith.subf %squeeze3A_1820, %squeeze3A_1822 : vector<256xf32>
    %broadcast_in_dim3A_1824 = vector.shape_cast %sub3A_1823 : vector<256xf32> to vector<1x256xf32>
    %mul3A_1825 = vector.broadcast %broadcast_in_dim3A_1824 : vector<1x256xf32> to vector<512x256xf32>
    %mul3A_1826 = arith.mulf %convert_element_type3A_1809, %mul3A_1825 : vector<512x256xf32>
    %add3A_1827 = arith.addf %add3A_1766, %mul3A_1826 : vector<512x256xf32>
    %slice3A_1828 = vector.extract_strided_slice %get3A_13 {offsets = [30, 0], sizes = [1, 256], strides = [1, 1]} : vector<32x256xf32> to vector<1x256xf32>
    %squeeze3A_1829 = vector.shape_cast %slice3A_1828 : vector<1x256xf32> to vector<256xf32>
    %slice3A_1830 = vector.extract_strided_slice %get3A_13 {offsets = [29, 0], sizes = [1, 256], strides = [1, 1]} : vector<32x256xf32> to vector<1x256xf32>
    %squeeze3A_1831 = vector.shape_cast %slice3A_1830 : vector<1x256xf32> to vector<256xf32>
    %sub3A_1832 = arith.subf %squeeze3A_1829, %squeeze3A_1831 : vector<256xf32>
    %broadcast_in_dim3A_1833 = vector.shape_cast %sub3A_1832 : vector<256xf32> to vector<1x256xf32>
    %mul3A_1834 = vector.broadcast %broadcast_in_dim3A_1833 : vector<1x256xf32> to vector<512x256xf32>
    %mul3A_1835 = arith.mulf %convert_element_type3A_1809, %mul3A_1834 : vector<512x256xf32>
    %add3A_1836 = arith.addf %add3A_1775, %mul3A_1835 : vector<512x256xf32>
    %slice3A_1837 = vector.extract_strided_slice %get3A_16 {offsets = [30, 0], sizes = [1, 256], strides = [1, 1]} : vector<32x256xf32> to vector<1x256xf32>
    %squeeze3A_1838 = vector.shape_cast %slice3A_1837 : vector<1x256xf32> to vector<256xf32>
    %slice3A_1839 = vector.extract_strided_slice %get3A_16 {offsets = [29, 0], sizes = [1, 256], strides = [1, 1]} : vector<32x256xf32> to vector<1x256xf32>
    %squeeze3A_1840 = vector.shape_cast %slice3A_1839 : vector<1x256xf32> to vector<256xf32>
    %sub3A_1841 = arith.subf %squeeze3A_1838, %squeeze3A_1840 : vector<256xf32>
    %broadcast_in_dim3A_1842 = vector.shape_cast %sub3A_1841 : vector<256xf32> to vector<1x256xf32>
    %mul3A_1843 = vector.broadcast %broadcast_in_dim3A_1842 : vector<1x256xf32> to vector<512x256xf32>
    %mul3A_1844 = arith.mulf %convert_element_type3A_1809, %mul3A_1843 : vector<512x256xf32>
    %add3A_1845 = arith.addf %add3A_1784, %mul3A_1844 : vector<512x256xf32>
    %slice3A_1846 = vector.extract_strided_slice %get3A_19 {offsets = [30, 0], sizes = [1, 256], strides = [1, 1]} : vector<33x256xf32> to vector<1x256xf32>
    %squeeze3A_1847 = vector.shape_cast %slice3A_1846 : vector<1x256xf32> to vector<256xf32>
    %slice3A_1848 = vector.extract_strided_slice %get3A_19 {offsets = [29, 0], sizes = [1, 256], strides = [1, 1]} : vector<33x256xf32> to vector<1x256xf32>
    %squeeze3A_1849 = vector.shape_cast %slice3A_1848 : vector<1x256xf32> to vector<256xf32>
    %sub3A_1850 = arith.subf %squeeze3A_1847, %squeeze3A_1849 : vector<256xf32>
    %broadcast_in_dim3A_1851 = vector.shape_cast %sub3A_1850 : vector<256xf32> to vector<1x256xf32>
    %mul3A_1852 = vector.broadcast %broadcast_in_dim3A_1851 : vector<1x256xf32> to vector<512x256xf32>
    %mul3A_1853 = arith.mulf %convert_element_type3A_1809, %mul3A_1852 : vector<512x256xf32>
    %add3A_1854 = arith.addf %add3A_1793, %mul3A_1853 : vector<512x256xf32>
    %slice3A_1855 = vector.extract_strided_slice %get3A_19 {offsets = [31, 0], sizes = [1, 256], strides = [1, 1]} : vector<33x256xf32> to vector<1x256xf32>
    %squeeze3A_1856 = vector.shape_cast %slice3A_1855 : vector<1x256xf32> to vector<256xf32>
    %slice3A_1857 = vector.extract_strided_slice %get3A_19 {offsets = [30, 0], sizes = [1, 256], strides = [1, 1]} : vector<33x256xf32> to vector<1x256xf32>
    %squeeze3A_1858 = vector.shape_cast %slice3A_1857 : vector<1x256xf32> to vector<256xf32>
    %sub3A_1859 = arith.subf %squeeze3A_1856, %squeeze3A_1858 : vector<256xf32>
    %broadcast_in_dim3A_1860 = vector.shape_cast %sub3A_1859 : vector<256xf32> to vector<1x256xf32>
    %mul3A_1861 = vector.broadcast %broadcast_in_dim3A_1860 : vector<1x256xf32> to vector<512x256xf32>
    %mul3A_1862 = arith.mulf %convert_element_type3A_1809, %mul3A_1861 : vector<512x256xf32>
    %add3A_1863 = arith.addf %add3A_1802, %mul3A_1862 : vector<512x256xf32>
    %slice3A_1864 = vector.extract_strided_slice %get3A_7 {offsets = [31, 0], sizes = [1, 256], strides = [1, 1]} : vector<33x256xf32> to vector<1x256xf32>
    %squeeze3A_1865 = vector.shape_cast %slice3A_1864 : vector<1x256xf32> to vector<256xf32>
    %broadcast_in_dim3A_1866 = vector.shape_cast %squeeze3A_1865 : vector<256xf32> to vector<1x256xf32>
    %ge3A_1867 = vector.broadcast %broadcast_in_dim3A_1866 : vector<1x256xf32> to vector<512x256xf32>
    %ge3A_1868 = arith.cmpf oge, %min3A_4, %ge3A_1867 : vector<512x256xf32>
    %convert_element_type3A_1869 = arith.extui %ge3A_1868 : vector<512x256xi1> to vector<512x256xi32>
    %convert_element_type3A_1870 = arith.sitofp %convert_element_type3A_1869 : vector<512x256xi32> to vector<512x256xf32>
    %slice3A_1871 = vector.extract_strided_slice %get3A_7 {offsets = [31, 0], sizes = [1, 256], strides = [1, 1]} : vector<33x256xf32> to vector<1x256xf32>
    %squeeze3A_1872 = vector.shape_cast %slice3A_1871 : vector<1x256xf32> to vector<256xf32>
    %slice3A_1873 = vector.extract_strided_slice %get3A_7 {offsets = [30, 0], sizes = [1, 256], strides = [1, 1]} : vector<33x256xf32> to vector<1x256xf32>
    %squeeze3A_1874 = vector.shape_cast %slice3A_1873 : vector<1x256xf32> to vector<256xf32>
    %sub3A_1875 = arith.subf %squeeze3A_1872, %squeeze3A_1874 : vector<256xf32>
    %broadcast_in_dim3A_1876 = vector.shape_cast %sub3A_1875 : vector<256xf32> to vector<1x256xf32>
    %mul3A_1877 = vector.broadcast %broadcast_in_dim3A_1876 : vector<1x256xf32> to vector<512x256xf32>
    %mul3A_1878 = arith.mulf %convert_element_type3A_1870, %mul3A_1877 : vector<512x256xf32>
    %add3A_1879 = arith.addf %add3A_1818, %mul3A_1878 : vector<512x256xf32>
    %slice3A_1880 = vector.extract_strided_slice %get3A_10 {offsets = [31, 0], sizes = [1, 256], strides = [1, 1]} : vector<32x256xf32> to vector<1x256xf32>
    %squeeze3A_1881 = vector.shape_cast %slice3A_1880 : vector<1x256xf32> to vector<256xf32>
    %slice3A_1882 = vector.extract_strided_slice %get3A_10 {offsets = [30, 0], sizes = [1, 256], strides = [1, 1]} : vector<32x256xf32> to vector<1x256xf32>
    %squeeze3A_1883 = vector.shape_cast %slice3A_1882 : vector<1x256xf32> to vector<256xf32>
    %sub3A_1884 = arith.subf %squeeze3A_1881, %squeeze3A_1883 : vector<256xf32>
    %broadcast_in_dim3A_1885 = vector.shape_cast %sub3A_1884 : vector<256xf32> to vector<1x256xf32>
    %mul3A_1886 = vector.broadcast %broadcast_in_dim3A_1885 : vector<1x256xf32> to vector<512x256xf32>
    %mul3A_1887 = arith.mulf %convert_element_type3A_1870, %mul3A_1886 : vector<512x256xf32>
    %add3A_1888 = arith.addf %add3A_1827, %mul3A_1887 : vector<512x256xf32>
    %slice3A_1889 = vector.extract_strided_slice %get3A_13 {offsets = [31, 0], sizes = [1, 256], strides = [1, 1]} : vector<32x256xf32> to vector<1x256xf32>
    %squeeze3A_1890 = vector.shape_cast %slice3A_1889 : vector<1x256xf32> to vector<256xf32>
    %slice3A_1891 = vector.extract_strided_slice %get3A_13 {offsets = [30, 0], sizes = [1, 256], strides = [1, 1]} : vector<32x256xf32> to vector<1x256xf32>
    %squeeze3A_1892 = vector.shape_cast %slice3A_1891 : vector<1x256xf32> to vector<256xf32>
    %sub3A_1893 = arith.subf %squeeze3A_1890, %squeeze3A_1892 : vector<256xf32>
    %broadcast_in_dim3A_1894 = vector.shape_cast %sub3A_1893 : vector<256xf32> to vector<1x256xf32>
    %mul3A_1895 = vector.broadcast %broadcast_in_dim3A_1894 : vector<1x256xf32> to vector<512x256xf32>
    %mul3A_1896 = arith.mulf %convert_element_type3A_1870, %mul3A_1895 : vector<512x256xf32>
    %add3A_1897 = arith.addf %add3A_1836, %mul3A_1896 : vector<512x256xf32>
    %slice3A_1898 = vector.extract_strided_slice %get3A_16 {offsets = [31, 0], sizes = [1, 256], strides = [1, 1]} : vector<32x256xf32> to vector<1x256xf32>
    %squeeze3A_1899 = vector.shape_cast %slice3A_1898 : vector<1x256xf32> to vector<256xf32>
    %slice3A_1900 = vector.extract_strided_slice %get3A_16 {offsets = [30, 0], sizes = [1, 256], strides = [1, 1]} : vector<32x256xf32> to vector<1x256xf32>
    %squeeze3A_1901 = vector.shape_cast %slice3A_1900 : vector<1x256xf32> to vector<256xf32>
    %sub3A_1902 = arith.subf %squeeze3A_1899, %squeeze3A_1901 : vector<256xf32>
    %broadcast_in_dim3A_1903 = vector.shape_cast %sub3A_1902 : vector<256xf32> to vector<1x256xf32>
    %mul3A_1904 = vector.broadcast %broadcast_in_dim3A_1903 : vector<1x256xf32> to vector<512x256xf32>
    %mul3A_1905 = arith.mulf %convert_element_type3A_1870, %mul3A_1904 : vector<512x256xf32>
    %add3A_1906 = arith.addf %add3A_1845, %mul3A_1905 : vector<512x256xf32>
    %slice3A_1907 = vector.extract_strided_slice %get3A_19 {offsets = [31, 0], sizes = [1, 256], strides = [1, 1]} : vector<33x256xf32> to vector<1x256xf32>
    %squeeze3A_1908 = vector.shape_cast %slice3A_1907 : vector<1x256xf32> to vector<256xf32>
    %slice3A_1909 = vector.extract_strided_slice %get3A_19 {offsets = [30, 0], sizes = [1, 256], strides = [1, 1]} : vector<33x256xf32> to vector<1x256xf32>
    %squeeze3A_1910 = vector.shape_cast %slice3A_1909 : vector<1x256xf32> to vector<256xf32>
    %sub3A_1911 = arith.subf %squeeze3A_1908, %squeeze3A_1910 : vector<256xf32>
    %broadcast_in_dim3A_1912 = vector.shape_cast %sub3A_1911 : vector<256xf32> to vector<1x256xf32>
    %mul3A_1913 = vector.broadcast %broadcast_in_dim3A_1912 : vector<1x256xf32> to vector<512x256xf32>
    %mul3A_1914 = arith.mulf %convert_element_type3A_1870, %mul3A_1913 : vector<512x256xf32>
    %add3A_1915 = arith.addf %add3A_1854, %mul3A_1914 : vector<512x256xf32>
    %slice3A_1916 = vector.extract_strided_slice %get3A_19 {offsets = [32, 0], sizes = [1, 256], strides = [1, 1]} : vector<33x256xf32> to vector<1x256xf32>
    %squeeze3A_1917 = vector.shape_cast %slice3A_1916 : vector<1x256xf32> to vector<256xf32>
    %slice3A_1918 = vector.extract_strided_slice %get3A_19 {offsets = [31, 0], sizes = [1, 256], strides = [1, 1]} : vector<33x256xf32> to vector<1x256xf32>
    %squeeze3A_1919 = vector.shape_cast %slice3A_1918 : vector<1x256xf32> to vector<256xf32>
    %sub3A_1920 = arith.subf %squeeze3A_1917, %squeeze3A_1919 : vector<256xf32>
    %broadcast_in_dim3A_1921 = vector.shape_cast %sub3A_1920 : vector<256xf32> to vector<1x256xf32>
    %mul3A_1922 = vector.broadcast %broadcast_in_dim3A_1921 : vector<1x256xf32> to vector<512x256xf32>
    %mul3A_1923 = arith.mulf %convert_element_type3A_1870, %mul3A_1922 : vector<512x256xf32>
    %add3A_1924 = arith.addf %add3A_1863, %mul3A_1923 : vector<512x256xf32>
    %mul3A_1925 = arith.mulf %add3A_1906, %add3A_1888 : vector<512x256xf32>
    %sub3A_1926 = arith.subf %min3A_4, %add3A_1879 : vector<512x256xf32>
    %mul3A_1927 = arith.mulf %sub3A_1926, %add3A_1888 : vector<512x256xf32>
    %sub3A_1928 = arith.constant 1.000000e+00 : f32
    %sub3A_1929 = vector.broadcast %sub3A_1928 : f32 to vector<512x256xf32>
    %sub3A_1930 = arith.subf %sub3A_1929, %mul3A_1927 : vector<512x256xf32>
    %mul3A_1931 = arith.mulf %mul3A_1927, %sub3A_1930 : vector<512x256xf32>
    %mul3A_1932 = arith.mulf %mul3A_1927, %mul3A_1927 : vector<512x256xf32>
    %mul3A_1933 = arith.mulf %mul3A_1925, %mul3A_1932 : vector<512x256xf32>
    %mul3A_1934 = arith.mulf %add3A_1915, %mul3A_1931 : vector<512x256xf32>
    %add3A_1935 = arith.addf %mul3A_1933, %mul3A_1934 : vector<512x256xf32>
    %mul3A_1936 = arith.mulf %add3A_1906, %add3A_1935 : vector<512x256xf32>
    %add3A_1937 = arith.addf %add3A_1915, %add3A_1924 : vector<512x256xf32>
    %mul3A_1938 = arith.constant 2.000000e+00 : f32
    %mul3A_1939 = vector.broadcast %mul3A_1938 : f32 to vector<512x256xf32>
    %mul3A_1940 = arith.mulf %mul3A_1939, %mul3A_1925 : vector<512x256xf32>
    %sub3A_1941 = arith.subf %add3A_1937, %mul3A_1940 : vector<512x256xf32>
    %mul3A_1942 = arith.mulf %sub3A_1941, %mul3A_1931 : vector<512x256xf32>
    %add3A_1943 = arith.addf %mul3A_1925, %mul3A_1942 : vector<512x256xf32>
    %div3A = arith.divf %mul3A_1936, %add3A_1943 : vector<512x256xf32>
    %add3A_1944 = arith.addf %add3A_1897, %div3A : vector<512x256xf32>
    %mul3A_1945 = arith.mulf %mul3A_1925, %mul3A_1925 : vector<512x256xf32>
    %mul3A_1946 = arith.mulf %add3A_1924, %mul3A_1932 : vector<512x256xf32>
    %mul3A_1947 = arith.constant 2.000000e+00 : f32
    %mul3A_1948 = vector.broadcast %mul3A_1947 : f32 to vector<512x256xf32>
    %mul3A_1949 = arith.mulf %mul3A_1948, %mul3A_1925 : vector<512x256xf32>
    %mul3A_1950 = arith.mulf %mul3A_1949, %mul3A_1931 : vector<512x256xf32>
    %add3A_1951 = arith.addf %mul3A_1946, %mul3A_1950 : vector<512x256xf32>
    %mul3A_1952 = arith.mulf %add3A_1915, %sub3A_1930 : vector<512x256xf32>
    %mul3A_1953 = arith.mulf %mul3A_1952, %sub3A_1930 : vector<512x256xf32>
    %add3A_1954 = arith.addf %add3A_1951, %mul3A_1953 : vector<512x256xf32>
    %mul3A_1955 = arith.mulf %mul3A_1945, %add3A_1954 : vector<512x256xf32>
    %log3A = math.log %mul3A_1955 : vector<512x256xf32>
    %log3A_1956 = math.log %add3A_1943 : vector<512x256xf32>
    %mul3A_1957 = arith.constant 2.000000e+00 : f32
    %mul3A_1958 = vector.broadcast %mul3A_1957 : f32 to vector<512x256xf32>
    %mul3A_1959 = arith.mulf %mul3A_1958, %log3A_1956 : vector<512x256xf32>
    %sub3A_1960 = arith.subf %log3A, %mul3A_1959 : vector<512x256xf32>
    %lt3A = arith.constant 0.000000e+00 : f32
    %lt3A_1961 = vector.broadcast %lt3A : f32 to vector<512x256xf32>
    %lt3A_1962 = arith.cmpf olt, %get3A_1, %lt3A_1961 : vector<512x256xf32>
    %gt3A = arith.constant 1.000000e+00 : f32
    %gt3A_1963 = vector.broadcast %gt3A : f32 to vector<512x256xf32>
    %gt3A_1964 = arith.cmpf ogt, %get3A_1, %gt3A_1963 : vector<512x256xf32>
    %or3A = arith.ori %lt3A_1962, %gt3A_1964 : vector<512x256xi1>
    %select_n3A = arith.select %or3A, %get3A_1, %add3A_1944 : vector<512x256xi1>, vector<512x256xf32>
    %swap3A = arith.constant 0 : index
    %swap3A_1965 = arith.constant 0 : index
    %swap3A_1966 = vector.load %arg7[%swap3A, %swap3A_1965] : memref<512x256xf32, #tpu.memory_space<vmem>>, vector<512x256xf32>
    tpu.vector_store %arg7[%swap3A, %swap3A_1965], %select_n3A {strides = array<i32>} : memref<512x256xf32, #tpu.memory_space<vmem>>, vector<512x256xf32>,
    %jit3A_1967 = arith.constant 0.000000e+00 : f32
    %broadcast_in_dim3A_1968 = vector.broadcast %jit3A_1967 : f32 to vector<512x256xf32>
    %select_n3A_1969 = arith.select %or3A, %broadcast_in_dim3A_1968, %sub3A_1960 : vector<512x256xi1>, vector<512x256xf32>
    %swap3A_1970 = arith.constant 0 : index
    %swap3A_1971 = arith.constant 0 : index
    %swap3A_1972 = vector.load %arg8[%swap3A_1970, %swap3A_1971] : memref<512x256xf32, #tpu.memory_space<vmem>>, vector<512x256xf32>
    tpu.vector_store %arg8[%swap3A_1970, %swap3A_1971], %select_n3A_1969 {strides = array<i32>} : memref<512x256xf32, #tpu.memory_space<vmem>>, vector<512x256xf32>,
    return
  }
  func.func @transform_0(%arg0: i32) -> (i32, i32) {
    %add3A = arith.constant 4 : i32
    %add3A_0 = arith.addi %add3A, %arg0 : i32
    %c0_i32 = arith.constant 0 : i32
    %c0_i32_1 = arith.constant 0 : i32
    return %add3A_0, %c0_i32 : i32, i32
  }
  func.func @transform_1(%arg0: i32) -> (i32, i32) {
    %c0_i32 = arith.constant 0 : i32
    %c0_i32_0 = arith.constant 0 : i32
    %c0_i32_1 = arith.constant 0 : i32
    return %c0_i32, %c0_i32_0 : i32, i32
  }
  func.func @transform_2(%arg0: i32) -> (i32, i32) {
    %c0_i32 = arith.constant 0 : i32
    %c0_i32_0 = arith.constant 0 : i32
    %c0_i32_1 = arith.constant 0 : i32
    return %c0_i32, %c0_i32_0 : i32, i32
  }
  func.func @transform_3(%arg0: i32) -> (i32, i32) {
    %c0_i32 = arith.constant 0 : i32
    %c0_i32_0 = arith.constant 0 : i32
    %c0_i32_1 = arith.constant 0 : i32
    return %c0_i32, %c0_i32_0 : i32, i32
  }
  func.func @transform_4(%arg0: i32) -> (i32, i32) {
    %c0_i32 = arith.constant 0 : i32
    %c0_i32_0 = arith.constant 0 : i32
    %c0_i32_1 = arith.constant 0 : i32
    return %c0_i32, %c0_i32_0 : i32, i32
  }
  func.func @transform_5(%arg0: i32) -> (i32, i32) {
    %c0_i32 = arith.constant 0 : i32
    %c0_i32_0 = arith.constant 0 : i32
    %c0_i32_1 = arith.constant 0 : i32
    return %c0_i32, %c0_i32_0 : i32, i32
  }
  func.func @transform_6(%arg0: i32) -> (i32, i32) {
    %add3A = arith.constant 4 : i32
    %add3A_0 = arith.addi %add3A, %arg0 : i32
    %c0_i32 = arith.constant 0 : i32
    %c0_i32_1 = arith.constant 0 : i32
    return %add3A_0, %c0_i32 : i32, i32
  }
  func.func @transform_7(%arg0: i32) -> (i32, i32) {
    %add3A = arith.constant 4 : i32
    %add3A_0 = arith.addi %add3A, %arg0 : i32
    %c0_i32 = arith.constant 0 : i32
    %c0_i32_1 = arith.constant 0 : i32
    return %add3A_0, %c0_i32 : i32, i32
  }
}

</mosaic_0001>

<sc_bundles>
// kernel: kernel.5.cloned.1.call-start
scs
__scs_entry_jumppad:
0x0: {  	(pc) =	sbr.rel $0x88, $3  }
0x1: {  	(tag) =	ssettag $0x0;
	lr =	simm.s32 $0x1  }
0x2: {  	[smem:$0x3F9D] =	sst lr;
	_ =	strace $0xD0000000  }
0x3: {  	_ = 	snop  }
0x4: {  	_ = 	snop  }
0x5: {  	_ = 	snop  }
0x6: {  	_ = 	snop  }
0x7: {  	_ = 	snop  }
__scs_overlays_trampoline_lowered:
0x8: {  	[smem:$0x3FAC] =	sst s0  }
0x9: {  	[smem:$0x3FAD] =	sst s1  }
0xa: {  	[smem:$0x3FAE] =	sst s2  }
0xb: {  	[smem:$0x3FAF] =	sst s3  }
0xc: {  	[smem:$0x3FB0] =	sst s4  }
0xd: {  	[smem:$0x3FB1] =	sst s5  }
0xe: {  	[smem:$0x3FB2] =	sst s6  }
0xf: {  	[smem:$0x3FB3] =	sst s7  }
0x10: {  	[smem:$0x3FB4] =	sst s8  }
0x11: {  	[smem:$0x3FB5] =	sst s9;
	s0 =	simm.s32 @!p0 $0x0  }
0x12: {  	s1 =	sld [smem:$0x3F9B];
	s0 =	simm.s32 @p0 $0x1  }
0x13: {  	[smem:$0x3FB6] =	sst s0;
	s0 =	simm.s32 @!p1 $0x0  }
0x14: {  	s2 =	sld [smem:$0x3F9A];
	s0 =	simm.s32 @p1 $0x1  }
0x15: {  	[smem:$0x3FB7] =	sst s0;
	s0 =	simm.s32 @!p2 $0x0  }
0x16: {  	s3 =	sld [smem:$0x3FDB];
	s0 =	simm.s32 @p2 $0x1  }
0x17: {  	s4 =	simm.s32 $0x1BF5;
	[smem:$0x3FB9] =	sst s0  }
0x18: {  	s0 =	sld [smem:$0x3F9C];
	_ =	swait.ge [sflag:s4], $0x0  }
0x19: {  	s7 =	sld [smem:$0x3F9D]  }
0x1a: {  	s8 =	sadd.s32 $0xFFFFE003, lr  }
0x1b: {  	s9 =	sadd.s32 $0xFFFFFEF7, lr;
	s5 =	simm.s32 $0xFFFFFFFF;
	p2 =	slt.u32 s8, $0xFFFFF086  }
0x1c: {  	p1 =	slt.u32 s9, $0xF7A;
	s5 =	simm.s32 @!p2 $0x0  }
0x1d: {  	s5 =	simm.s32 @p1 $0x1;
	p0 =	seq.s32 s7, s2  }
0x1e: {  	s7 =	smul.u32 @!p0 $0xF7A, s2;
	p2 =	seq.s32 @!p0 s5, $0x0  }
0x1f: {  	s9 =	smul.u32 $0xF7A, s1;
	s8 =	simm.s32 @!p0 $0x1BF5;
	p2 =	por !p2, p0  }
0x20: {  	[sflag:s8] =	ssyncset.s32 @!p0 $0xFFFFF086;
	s6 =	sadd.s32 @!p0 s3, s7;
	s7 =	simm.s32 @!p0 $0x108  }
0x21: {  	s3 =	sadd.s32 s3, s9;
	s6 =	sadd.s32 @!p0 $0x88, s6;
	s7 =	simm.s32 @p2 $0x1082  }
0x22: {  	[simem:s7], [sflag:s8] =	dma.local @!p0 [hbm:s6], $0xF7A  }
0x23: {  	s9 =	sor.u32 $0xD0000000, s2;
	s6 =	simm.s32 $0x108;
	_ =	swait.ge @!p0 [sflag:s8], $0x0  }
0x24: {  	s3 =	sadd.s32 $0x88, s3;
	s6 =	simm.s32 @!p1 $0x1082;
	[sflag:s4] =	ssyncset.s32 $0xFFFFF086  }
0x25: {  	[simem:s6], [sflag:s4] =	dma.local [hbm:s3], $0xF7A  }
0x26: {  	[smem:$0x3F9D] =	sst s1;
	(tag) =	ssettag s2;
	_ =	strace s9  }
0x27: {  	s1 =	sld [smem:$0x3FAD]  }
0x28: {  	s2 =	sld [smem:$0x3FAE]  }
0x29: {  	s4 =	sld [smem:$0x3FB0]  }
0x2a: {  	p0 =	seq.s32 s5, $0x0;
	s5 =	sld [smem:$0x3FB1]  }
0x2b: {  	s6 =	sld [smem:$0x3FB2]  }
0x2c: {  	s7 =	sld [smem:$0x3FB3]  }
0x2d: {  	s3 =	simm.s32 $0x108;
	s8 =	sld [smem:$0x3FB4]  }
0x2e: {  	s3 =	simm.s32 @!p0 $0x1082;
	s9 =	sld [smem:$0x3FB5]  }
0x2f: {  	lr =	sadd.s32 s0, s3;
	s0 =	sld [smem:$0x3FAC]  }
0x30: {  	s3 =	sld [smem:$0x3FAF]  }
0x31: {  	[smem:$0x3FB8] =	sst s10  }
0x32: {  	s10 =	sld [smem:$0x3FB6];
	_ =	sdelay $0x3  }
0x33: {  	p0 =	seq.s32 s10, $0x1;
	s10 =	sld [smem:$0x3FB8];
	_ =	sdelay $0x3  }
0x34: {  	[smem:$0x3FB8] =	sst s10  }
0x35: {  	s10 =	sld [smem:$0x3FB7];
	_ =	sdelay $0x3  }
0x36: {  	p1 =	seq.s32 s10, $0x1;
	s10 =	sld [smem:$0x3FB8];
	_ =	sdelay $0x3  }
0x37: {  	[smem:$0x3FB8] =	sst s10  }
0x38: {  	s10 =	sld [smem:$0x3FB9]  }
0x39: {  	_ = 	snop;
	(pc) =	sbr.ind lr, $3  }
0x3a: {  	_ = 	snop  }
0x3b: {  	_ = 	snop  }
0x3c: {  	p2 =	seq.s32 s10, $0x1;
	s10 =	sld [smem:$0x3FB8]  }
0x3d: {  	_ =	shalt  }
0x3e: {  	_ =	shalt  }
0x3f: {  	_ =	shalt  }
0x40: {  	_ =	shalt  }
0x41: {  	_ =	shalt  }
0x42: {  	_ =	shalt  }
0x43: {  	_ =	shalt  }
0x44: {  	_ =	shalt  }
0x45: {  	_ =	shalt  }
0x46: {  	_ =	shalt  }
0x47: {  	_ =	shalt  }
0x48: {  	_ =	shalt  }
0x49: {  	_ =	shalt  }
0x4a: {  	_ =	shalt  }
0x4b: {  	_ =	shalt  }
0x4c: {  	_ =	shalt  }
0x4d: {  	_ =	shalt  }
0x4e: {  	_ =	shalt  }
0x4f: {  	_ =	shalt  }
0x50: {  	_ =	shalt  }
0x51: {  	_ =	shalt  }
0x52: {  	_ =	shalt  }
0x53: {  	_ =	shalt  }
0x54: {  	_ =	shalt  }
0x55: {  	_ =	shalt  }
0x56: {  	_ =	shalt  }
0x57: {  	_ =	shalt  }
0x58: {  	_ =	shalt  }
0x59: {  	_ =	shalt  }
0x5a: {  	_ =	shalt  }
0x5b: {  	_ =	shalt  }
0x5c: {  	_ =	shalt  }
0x5d: {  	_ =	shalt  }
0x5e: {  	_ =	shalt  }
0x5f: {  	_ =	shalt  }
0x60: {  	_ =	shalt  }
0x61: {  	_ =	shalt  }
0x62: {  	_ =	shalt  }
0x63: {  	_ =	shalt  }
0x64: {  	_ =	shalt  }
0x65: {  	_ =	shalt  }
0x66: {  	_ =	shalt  }
0x67: {  	_ =	shalt  }
0x68: {  	_ =	shalt  }
0x69: {  	_ =	shalt  }
0x6a: {  	_ =	shalt  }
0x6b: {  	_ =	shalt  }
0x6c: {  	_ =	shalt  }
0x6d: {  	_ =	shalt  }
0x6e: {  	_ =	shalt  }
0x6f: {  	_ =	shalt  }
0x70: {  	_ =	shalt  }
0x71: {  	_ =	shalt  }
0x72: {  	_ =	shalt  }
0x73: {  	_ =	shalt  }
0x74: {  	_ =	shalt  }
0x75: {  	_ =	shalt  }
0x76: {  	_ =	shalt  }
0x77: {  	_ =	shalt  }
0x78: {  	_ =	shalt  }
0x79: {  	_ =	shalt  }
0x7a: {  	_ =	shalt  }
0x7b: {  	_ =	shalt  }
0x7c: {  	_ =	shalt  }
0x7d: {  	_ =	shalt  }
0x7e: {  	_ =	shalt  }
0x7f: {  	_ =	shalt  }
0x80: {  	_ =	shalt  }
0x81: {  	_ =	shalt  }
0x82: {  	_ =	shalt  }
0x83: {  	_ =	shalt  }
0x84: {  	_ =	shalt  }
0x85: {  	_ =	shalt  }
0x86: {  	_ =	shalt  }
0x87: {  	_ =	shalt  }
.Lfunc_end0:
.L_simem_size_0:
called_computation_lowered:
.L_overlay_start_0:
0x88: {  	s2 =	sld [smem:$0x3FD9]  }
0x89: {  	s3 =	sld [smem:$0x3FFE];
	_ =	sdelay $0x1  }
0x8a: {  	s1 =	srdreg.scid  }
0x8b: {  	s0 =	sand.u32 $0x1, s1  }
0x8c: {  	s17 =	sshll.u32 s0, $0xA;
	s2 =	sadd.s32 s3, s2  }
0x8d: {  	s2 =	sadd.s32 s2, s17  }
0x8e: {  	[smem:$0x3FC4] =	sst s2  }
0x8f: {  	_ = 	snop  }
0x90: {  	s2 =	sld [smem:$0x3FC9];
	(tm) =	ssettm $0x1  }
0x91: {  	s18 =	sld [smem:$0x3FFB];
	_ =	sdelay $0x3  }
0x92: {  	_ =	strace s18  }
0x93: {  	s3 =	sld [smem:$0x3FFC];
	_ =	sdelay $0x3  }
0x94: {  	_ =	strace s3  }
0x95: {  	s3 =	sld [smem:$0x3FFD];
	_ =	sdelay $0x3  }
0x96: {  	_ =	strace s3  }
0x97: {  	_ =	strace $0x8FFFFFFF  }
0x98: {  	s19 =	sld [smem:$0x3FDB];
	_ =	sdelay $0x1  }
0x99: {  	s4 =	simm.s32 $_scs_section_size  }
0x9a: {  	s5 =	simm.s32 $_size__tile_overlayer_lowered;
	s6 =	simm.s32 $_tile_overlayer_lowered  }
0x9b: {  	s22 =	simm.s32 $0x1BFF;
	s21 =	sshll.u32 s6, $0x1;
	s3 =	sadd.s32 s4, s19  }
0x9c: {  	s7 =	simm.s32 $0x0;
	s20 =	sshll.u32 s5, $0x1;
	s5 =	sadd.s32 s21, s3  }
0x9d: {  	[timem:s7], [sflag:s22] =	dma.local [hbm:s5], s20  }
0x9e: {  	_ =	swait.ge [sflag:s22], s20  }
0x9f: {  	s4 =	ssub.s32 $0x0, s20;
	[sflag:s22] =	ssyncset.done $0x0  }
0xa0: {  	[sflag:s22] =	ssyncadd.s32 s4;
	_ =	sdelay $0x1  }
0xa1: {  	s23 =	simm.s32 $0x1B8B  }
0xa2: {  	_ =	swait.ge [sflag:s23], $0x1  }
0xa3: {  	[sflag:s23] =	ssyncset.done $0x0  }
0xa4: {  	s25 =	simm.s32 $0x1B8E;
	s24 =	sld [smem:$0x3FFE];
	[sflag:s23] =	ssyncadd.s32 $0xFFFFFFFF  }
0xa5: {  	s26 =	simm.s32 $execute0_lowered;
	[smem:$0x3FD2] =	sst s25  }
0xa6: {  	s5 =	sshll.u32 s26, $0x1;
	_ =	strace $0x80000046;
	[dreg:$0x1] =	wrdreg $0xFFFFFFFF  }
0xa7: {  	s28 =	simm.s32 $_size_execute0_lowered;
	s3 =	sadd.s32 s3, s5;
	[dreg:$0x0] =	wrdreg $0x0  }
0xa8: {  	s5 =	sshll.u32 s28, $0x1;
	[dreg:$0x2] =	wrdreg s3  }
0xa9: {  	[dreg:$0x3] =	wrdreg s5  }
0xaa: {  	[dreg:$0x4] =	wrdreg $0xC0  }
0xab: {  	_ =	task [dreg:s7], $0x5FFFF  }
0xac: {  	[dreg:$0x1] =	wrdreg $0xFFFFFFFF  }
0xad: {  	[dreg:$0x0] =	wrdreg $0x60  }
0xae: {  	[dreg:$0x2] =	wrdreg s2  }
0xaf: {  	[dreg:$0x3] =	wrdreg s24  }
0xb0: {  	[dreg:$0x4] =	wrdreg $0x9  }
0xb1: {  	_ =	task.clear_ibuf [dreg:s7], $0x5FFFF;
	_ =	strace $0x90000046  }
0xb2: {  	s29 =	simm.s32 $0x9;
	_ =	strace $0x80000048  }
0xb3: {  	_ =	swait.ge [sflag:s29], $0x1  }
0xb4: {  	[sflag:s29] =	ssyncadd.s32 $0xFFFFFFFF  }
0xb5: {  	_ =	strace $0x90000048  }
0xb6: {  	_ =	sfence  }
0xb7: {  	s30 =	sld [smem:$0x0];
	_ =	sdelay $0x2  }
0xb8: {  	s31 =	sshll.u32 s1, $0xD;
	s1 =	sshrl.u32 s1, $0x2  }
0xb9: {  	s3 =	sand.u32 $0x4000, s31;
	s1 =	sadd.s32 s1, s30  }
0xba: {  	s0 =	sor.u32 s3, s0;
	s1 =	sshll.u32 s1, $0x11  }
0xbb: {  	s0 =	sor.u32 s1, s0  }
0xbc: {  	s0 =	sadd.s32 $0x8F2B, s0  }
0xbd: {  	[sflag:s0] =	ssyncadd.remote.s32 $0x1  }
0xbe: {  	_ =	sfence.sel $0xFFFF  }
0xbf: {  	[dreg:$0x0] =	wrdreg $0xFFFFFFFF;
	(pc) =	sbr.abs _section_cstart, $3  }
0xc0: {  	[dreg:$0x1] =	wrdreg $0xFFFFFFFF  }
0xc1: {  	_ =	task.clear_ibuf [dreg:s7], $0x2FFFF;
	_ =	strace $0x9FFFFFFF  }
0xc2: {  	(tm) =	ssettm $0x7FFFFFFF  }
0xc3: {  	_ =	shalt  }
tec
execute0_lowered:
.L_overlay_start_1:
0x0: {  	(tag) =	ssettag $0x1  }
0x1: {  	s0 =	rddreg [dreg:$0x0]  }
0x2: {  	s2 =	rddreg [dreg:$0x1];
	s1 =	simm.s32 $0x0  }
0x3: {  	s23 =	srdreg.scid;
	s6 =	stileid.u32;
	s17 =	simm.s32 $0x2800  }
0x4: {  	s18 =	simm.s32 $0x4800;
	s29 =	simm.s32 $0x4;
	s30 =	simm.s32 $0x6  }
0x5: {  	s31 =	simm.s32 $0x5;
	[smem:$0x7FF] =	sst s1;
	s3 =	sadd.s32 $0x2800, s2  }
0x6: {  	s19 =	sadd.s32 $0x3400, s2;
	_ =	strace $0x80000047;
	[dreg:$0x3] =	wrdreg s3  }
0x7: {  	s20 =	sadd.s32 $0x3800, s2;
	s21 =	sadd.s32 $0x3C00, s2;
	[dreg:$0x4] =	wrdreg s19  }
0x8: {  	s22 =	sadd.s32 $0x2E00, s2;
	s4 =	sadd.s32 $0x4000, s2;
	[dreg:$0x5] =	wrdreg s20  }
0x9: {  	s6 =	sshll.u32 s6, $0xC;
	s2 =	sadd.s32 $0x14000, s2;
	[dreg:$0x6] =	wrdreg s21  }
0xa: {  	[dreg:$0x7] =	wrdreg s22;
	s3 =	sand.u32 $0x1, s23;
	s19 =	simm.s32 $0x6800  }
0xb: {  	s20 =	simm.s32 $0x8800;
	s5 =	ssub.s32 $0x2, s3;
	s3 =	sshll.u32 s3, $0xB  }
0xc: {  	s21 =	simm.s32 $0x1;
	s7 =	sshrl.u32 s5, $0x1;
	s3 =	sor.u32 s3, s6  }
0xd: {  	s22 =	simm.s32 $0x2;
	s5 =	ssub.s32 s5, s7;
	s6 =	sadd.s32 s0, s3  }
0xe: {  	s24 =	sor.u32 $0x400, s3;
	s25 =	sadd.s32 s4, s3;
	[dreg:$0x8] =	wrdreg s6  }
0xf: {  	s26 =	sadd.s32 s2, s3;
	s0 =	sadd.s32 s0, s24;
	[dreg:$0xa] =	wrdreg s25  }
0x10: {  	[dreg:$0xb] =	wrdreg s26;
	s28 =	sadd.s32 s4, s24;
	s13 =	sadd.s32 s2, s24  }
0x11: {  	s14 =	smax.u32 s5, $0x1;
	s25 =	simm.s32 $0x3;
	[dreg:$0x9] =	wrdreg s0  }
0x12: {  	v54 =	vlaneseq.u32;
	v57 =	vimm.f32 $0.0e+00;
	v0 =	vimm.s32 $0x0;
	s5 =	simm.s32 $0x0;
	[dreg:$0xc] =	wrdreg s28;
	s0 =	simm.s32 $0x7  }
.LBB2_1:
0x13: {  	s2 =	rddreg [dreg:$0x8];
	s3 =	simm.s32 $0xB000  }
0x14: {  	[tilespmem:s3], [sflag:$0x2] =	stream.linear.gather [hbm4b:s2+s1], $0x2000, $0x38;
	[tilespmem:$0x17000] =	vst v63  }
0x15: {  	s24 =	rddreg [dreg:$0x9];
	s26 =	simm.s32 $0xD000  }
0x16: {  	[tilespmem:s26], [sflag:$0x3] =	stream.linear.gather [hbm4b:s24+s1], $0x2000, $0x38;
	[tilespmem:$0x17000] =	vst v63  }
0x17: {  	s3 =	rddreg [dreg:$0x3]  }
0x18: {  	[tilespmem:s1], [sflag:$0x1] =	stream.linear.gather [hbm4b:s3+s1], $0x2800, $0x38;
	[tilespmem:$0x17000] =	vst v63  }
0x19: {  	s4 =	rddreg [dreg:$0x4]  }
0x1a: {  	[tilespmem:s17], [sflag:$0x1] =	stream.linear.gather [hbm4b:s4+s1], $0x2000, $0x38;
	[tilespmem:$0x17000] =	vst v63  }
0x1b: {  	s6 =	rddreg [dreg:$0x5]  }
0x1c: {  	[tilespmem:s18], [sflag:$0x1] =	stream.linear.gather [hbm4b:s6+s1], $0x2000, $0x38;
	[tilespmem:$0x17000] =	vst v63  }
0x1d: {  	s7 =	rddreg [dreg:$0x6]  }
0x1e: {  	[tilespmem:s19], [sflag:$0x1] =	stream.linear.gather [hbm4b:s7+s1], $0x2000, $0x38;
	[tilespmem:$0x17000] =	vst v63  }
0x1f: {  	s8 =	rddreg [dreg:$0x7]  }
0x20: {  	[tilespmem:s20], [sflag:$0x1] =	stream.linear.gather [hbm4b:s8+s1], $0x2800, $0x38;
	[tilespmem:$0x17000] =	vst v63  }
0x21: {  	_ =	swait.ge [sflag:s21], $0x2800  }
0x22: {  	[sflag:s21] =	ssyncset.done $0x0  }
0x23: {  	[sflag:s21] =	ssyncadd.s32 $0xFFFFD800  }
0x24: {  	_ =	swait.ge [sflag:s21], $0x2000  }
0x25: {  	[sflag:s21] =	ssyncset.done $0x0  }
0x26: {  	[sflag:s21] =	ssyncadd.s32 $0xFFFFE000  }
0x27: {  	_ =	swait.ge [sflag:s21], $0x2000  }
0x28: {  	[sflag:s21] =	ssyncset.done $0x0  }
0x29: {  	s26 =	simm.s32 $0x0;
	[sflag:s21] =	ssyncadd.s32 $0xFFFFE000  }
0x2a: {  	s9 =	sand.u32 $0xC0, s26;
	_ =	swait.ge [sflag:s21], $0x2000  }
0x2b: {  	s10 =	sor.u32 $0x30, s9;
	[sflag:s21] =	ssyncset.done $0x0  }
0x2c: {  	v3 =	vmov s10;
	[sflag:s21] =	ssyncadd.s32 $0xFFFFE000  }
0x2d: {  	v4 =	vor.u32 s10, v54;
	v3 =	vshll.u32 v3, $0x3;
	_ =	swait.ge [sflag:s21], $0x2800  }
0x2e: {  	s11 =	sand.u32 $0x380, s1;
	v7 =	vand.u32 $0x7F, v4;
	v18 =	vand.u32 $0x400, v3;
	[sflag:s21] =	ssyncset.done $0x0  }
0x2f: {  	s4 =	sand.u32 $0x1800, s26;
	v3 =	vor.u32 v18, v7;
	s6 =	sand.u32 $0x400, s1;
	[sflag:s21] =	ssyncadd.s32 $0xFFFFD800  }
0x30: {  	s3 =	sand.u32 $0x70, s10;
	v4 =	vor.u32 $0x1000, v3;
	s4 =	sor.u32 s4, s6;
	_ =	swait.ge [sflag:s22], $0x2000  }
0x31: {  	s7 =	sor.u32 $0x10, s9;
	s4 =	sor.u32 s11, s4;
	[sflag:s22] =	ssyncset.done $0x0  }
0x32: {  	v3 =	vmov s7;
	s15 =	sor.u32 s3, s4;
	[sflag:s22] =	ssyncadd.s32 $0xFFFFE000  }
0x33: {  	s12 =	sor.u32 $0x20, s9;
	v5 =	vmov s9;
	v10 =	vor.u32 s9, v54;
	v8 =	vshll.u32 v3, $0x3;
	v3 =	vld [tilespmem:s15+$0xB000]  }
0x34: {  	v6 =	vmov s12;
	v11 =	vshll.u32 v5, $0x3;
	v15 =	vor.u32 s12, v54  }
0x35: {  	v10 =	vand.u32 $0x4F, v10;
	v6 =	vshll.u32 v6, $0x3;
	v5 =	vor.u32 s7, v54;
	v16 =	vld.idx.msk [tilespmem:v4+s1+$0x0], $0xffff  }
0x36: {  	v13 =	vand.u32 $0x400, v11;
	v9 =	vand.u32 $0x5F, v5;
	v12 =	vand.u32 $0x400, v8  }
0x37: {  	v14 =	vand.u32 $0x400, v6;
	v8 =	vand.u32 $0x6F, v15;
	v4 =	vor.u32 v12, v9  }
0x38: {  	s16 =	sand.u32 $0x40, s26;
	v5 =	vor.u32 v14, v8;
	v15 =	vor.u32 $0x1000, v4;
	v4 =	vmax.f32 v3, $0.0e+00  }
0x39: {  	v6 =	vor.u32 v13, v10;
	s23 =	sand.u32 $0x50, s7;
	s16 =	sor.u32 s16, s4;
	v17 =	vor.u32 $0x1000, v5;
	v19 =	vmin.f32 v4, $1.000000000e+00  }
0x3a: {  	s24 =	sand.u32 $0x60, s12;
	v20 =	vor.u32 $0x1000, v6;
	s23 =	sor.u32 s23, s4;
	v50 =	vld [tilespmem:s16+$0xB000];
	vm0 =	vge.f32 v19, v16  }
0x3b: {  	s24 =	sor.u32 s24, s4;
	v51 =	vld [tilespmem:s23+$0xB000];
	v21 =	vsel vm0, $0x10, v0  }
0x3c: {  	v52 =	vld [tilespmem:s24+$0xB000];
	v22 =	vor.u32 $0x8, v21  }
0x3d: {  	v15 =	vld.idx.msk [tilespmem:v15+s1+$0x0], $0xffff;
	v16 =	vshll.u32 v22, $0x8  }
0x3e: {  	v23 =	vld.idx.msk [tilespmem:v17+s1+$0x0], $0xffff;
	v16 =	vor.u32 v18, v16  }
0x3f: {  	v20 =	vld.idx.msk [tilespmem:v20+s1+$0x0], $0xffff;
	v24 =	vor.u32 v7, v16  }
0x40: {  	v16 =	vmax.f32 v51, $0.0e+00  }
0x41: {  	v17 =	vmin.f32 v16, $1.000000000e+00;
	v16 =	vmax.f32 v52, $0.0e+00  }
0x42: {  	v25 =	vmax.f32 v50, $0.0e+00;
	v16 =	vmin.f32 v16, $1.000000000e+00;
	vm0 =	vge.f32 v17, v15  }
0x43: {  	v15 =	vmin.f32 v25, $1.000000000e+00;
	v25 =	vsel vm0, $0x10, v0;
	vm0 =	vge.f32 v16, v23  }
0x44: {  	vm1 =	vge.f32 v15, v20;
	v20 =	vor.u32 $0x8, v25;
	v23 =	vsel vm0, $0x10, v0;
	v24 =	vld.idx.msk [tilespmem:v24+s1+$0x0], $0xffff  }
0x45: {  	v26 =	vsel vm1, $0x10, v0;
	v27 =	vshll.u32 v20, $0x8;
	v28 =	vor.u32 $0x8, v23  }
0x46: {  	v29 =	vor.u32 $0x8, v26;
	v27 =	vor.u32 v12, v27;
	v30 =	vshll.u32 v28, $0x8  }
0x47: {  	v31 =	vshll.u32 v29, $0x8;
	v27 =	vor.u32 v9, v27;
	v30 =	vor.u32 v14, v30  }
0x48: {  	v31 =	vor.u32 v13, v31;
	v30 =	vor.u32 v8, v30  }
0x49: {  	v31 =	vor.u32 v10, v31;
	vm0 =	vge.f32 v19, v24  }
0x4a: {  	v21 =	vsel vm0, v22, v21  }
0x4b: {  	v22 =	vshll.u32 v21, $0x8  }
0x4c: {  	v24 =	vld.idx.msk [tilespmem:v27+s1+$0x0], $0xffff;
	v22 =	vor.u32 v18, v22  }
0x4d: {  	v27 =	vld.idx.msk [tilespmem:v30+s1+$0x0], $0xffff;
	v22 =	vor.u32 v7, v22  }
0x4e: {  	v30 =	vld.idx.msk [tilespmem:v31+s1+$0x0], $0xffff;
	v22 =	vor.u32 $0x200, v22;
	_ =	sdelay $0x3  }
0x4f: {  	vm0 =	vge.f32 v17, v24  }
0x50: {  	v20 =	vsel vm0, v20, v25;
	vm0 =	vge.f32 v16, v27;
	vm1 =	vge.f32 v15, v30;
	v22 =	vld.idx.msk [tilespmem:v22+s1+$0x0], $0xffff  }
0x51: {  	v24 =	vshll.u32 v20, $0x8;
	v23 =	vsel vm0, v28, v23;
	v25 =	vsel vm1, v29, v26  }
0x52: {  	v24 =	vor.u32 v12, v24;
	v26 =	vshll.u32 v23, $0x8;
	v27 =	vshll.u32 v25, $0x8  }
0x53: {  	v24 =	vor.u32 v9, v24;
	v26 =	vor.u32 v14, v26;
	v11 =	vor.u32 v11, v27  }
0x54: {  	v27 =	vor.u32 $0x4, v21;
	v24 =	vor.u32 $0x200, v24;
	v26 =	vor.u32 v8, v26  }
0x55: {  	v11 =	vor.u32 v11, v10;
	v26 =	vor.u32 $0x200, v26;
	vm0 =	vge.f32 v19, v22  }
0x56: {  	v11 =	vor.u32 $0x200, v11;
	v21 =	vsel vm0, v27, v21  }
0x57: {  	v22 =	vor.u32 $0x2, v21  }
0x58: {  	v27 =	vshll.u32 v21, $0x8;
	v28 =	vshll.u32 v22, $0x7  }
0x59: {  	v24 =	vld.idx.msk [tilespmem:v24+s1+$0x0], $0xffff;
	v27 =	vand.u32 $0x7FFFF800, v27;
	v28 =	vand.u32 $0x380, v28  }
0x5a: {  	v26 =	vld.idx.msk [tilespmem:v26+s1+$0x0], $0xffff;
	v27 =	vor.u32 v28, v27  }
0x5b: {  	v11 =	vld.idx.msk [tilespmem:v11+s1+$0x0], $0xffff;
	v27 =	vor.u32 v18, v27  }
0x5c: {  	v27 =	vor.u32 v7, v27;
	_ =	sdelay $0x1  }
0x5d: {  	v29 =	vor.u32 $0x4, v25;
	v28 =	vor.u32 $0x4, v20;
	vm0 =	vge.f32 v17, v24  }
0x5e: {  	v30 =	vor.u32 $0x4, v23;
	v20 =	vsel vm0, v28, v20;
	vm0 =	vge.f32 v16, v26  }
0x5f: {  	vm1 =	vge.f32 v15, v11;
	v11 =	vor.u32 $0x2, v20;
	v23 =	vsel vm0, v30, v23  }
0x60: {  	v24 =	vsel vm1, v29, v25;
	v29 =	vshll.u32 v20, $0x8;
	v26 =	vshll.u32 v11, $0x7;
	v25 =	vld.idx.msk [tilespmem:v27+s1+$0x0], $0xffff  }
0x61: {  	v28 =	vor.u32 $0x2, v24;
	v32 =	vshll.u32 v24, $0x8;
	v33 =	vshll.u32 v23, $0x8  }
0x62: {  	v29 =	vand.u32 $0x7FFFF800, v29;
	v31 =	vshll.u32 v28, $0x7;
	v26 =	vand.u32 $0x380, v26  }
0x63: {  	v32 =	vand.u32 $0x7FFFF800, v32;
	v33 =	vand.u32 $0x7FFFF800, v33;
	v27 =	vor.u32 $0x2, v23  }
0x64: {  	v31 =	vand.u32 $0x380, v31;
	v26 =	vor.u32 v26, v29;
	v30 =	vshll.u32 v27, $0x7  }
0x65: {  	v26 =	vor.u32 v12, v26;
	v30 =	vand.u32 $0x380, v30;
	vm0 =	vge.f32 v19, v25  }
0x66: {  	v26 =	vor.u32 v9, v26;
	v25 =	vor.u32 v31, v32;
	v21 =	vsel vm0, v22, v21  }
0x67: {  	v22 =	vor.u32 v30, v33;
	v25 =	vor.u32 v13, v25;
	v29 =	vadd.s32 $0x1, v21  }
0x68: {  	v22 =	vor.u32 v14, v22;
	v30 =	vshll.u32 v29, $0x8;
	v31 =	vshll.u32 v29, $0x7  }
0x69: {  	v22 =	vor.u32 v8, v22;
	v30 =	vand.u32 $0x7FFFF800, v30;
	v31 =	vand.u32 $0x380, v31  }
0x6a: {  	v25 =	vor.u32 v10, v25;
	v30 =	vor.u32 v30, v31  }
0x6b: {  	v30 =	vor.u32 v18, v30  }
0x6c: {  	v30 =	vor.u32 v7, v30  }
0x6d: {  	v26 =	vld.idx.msk [tilespmem:v26+s1+$0x0], $0xffff  }
0x6e: {  	v22 =	vld.idx.msk [tilespmem:v22+s1+$0x0], $0xffff  }
0x6f: {  	v25 =	vld.idx.msk [tilespmem:v25+s1+$0x0], $0xffff;
	_ =	sdelay $0x1  }
0x70: {  	v30 =	vld.idx.msk [tilespmem:v30+s1+$0x0], $0xffff  }
0x71: {  	vm0 =	vge.f32 v17, v26  }
0x72: {  	v20 =	vsel vm0, v11, v20;
	vm0 =	vge.f32 v16, v22  }
0x73: {  	vm1 =	vge.f32 v15, v25;
	v22 =	vadd.s32 $0x1, v20;
	v23 =	vsel vm0, v27, v23  }
0x74: {  	v24 =	vsel vm1, v28, v24;
	v25 =	vshll.u32 v22, $0x8;
	v26 =	vadd.s32 $0x1, v23  }
0x75: {  	v25 =	vand.u32 $0x7FFFF800, v25;
	v48 =	vshll.u32 v26, $0x7;
	vm0 =	vge.f32 v19, v30  }
0x76: {  	v30 =	vshll.u32 v26, $0x8;
	v11 =	vsel vm0, v29, v21;
	v29 =	vshll.u32 v22, $0x7  }
0x77: {  	v27 =	vshll.u32 v11, $0x8;
	v28 =	vshll.u32 v11, $0x7;
	v29 =	vand.u32 $0x380, v29  }
0x78: {  	v27 =	vand.u32 $0x7FFFF800, v27;
	v28 =	vand.u32 $0x380, v28;
	v25 =	vor.u32 v25, v29  }
0x79: {  	v21 =	vadd.s32 $0x1, v24;
	v27 =	vor.u32 v27, v28;
	v25 =	vor.u32 v12, v25  }
0x7a: {  	v47 =	vadd.s32 $0x1, v11;
	v27 =	vor.u32 v18, v27;
	v25 =	vor.u32 v9, v25  }
0x7b: {  	v32 =	vshll.u32 v47, $0x7;
	v11 =	vor.u32 v7, v27;
	v27 =	vshll.u32 v47, $0x8  }
0x7c: {  	v30 =	vand.u32 $0x7FFFF800, v30;
	v32 =	vand.u32 $0x380, v32;
	v27 =	vand.u32 $0x7FFFF800, v27  }
0x7d: {  	v31 =	vshll.u32 v21, $0x8;
	v28 =	vshll.u32 v21, $0x7;
	v27 =	vor.u32 v27, v32  }
0x7e: {  	v31 =	vand.u32 $0x7FFFF800, v31;
	v18 =	vor.u32 v18, v27;
	v27 =	vand.u32 $0x380, v28  }
0x7f: {  	v18 =	vor.u32 v7, v18;
	v7 =	vand.u32 $0x380, v48;
	v27 =	vor.u32 v31, v27;
	v25 =	vld.idx.msk [tilespmem:v25+s1+$0x0], $0xffff  }
0x80: {  	v28 =	vld.idx.msk [tilespmem:v11+s20+$0x0], $0xffff;
	v7 =	vor.u32 v30, v7;
	v27 =	vor.u32 v13, v27  }
0x81: {  	v29 =	vld.idx.msk [tilespmem:v11+s1+$0x0], $0xffff;
	v7 =	vor.u32 v14, v7;
	v27 =	vor.u32 v10, v27  }
0x82: {  	v30 =	vld.idx.msk [tilespmem:v11+s17+$0x0], $0xffff;
	v31 =	vor.u32 v8, v7  }
0x83: {  	v7 =	vld.idx.msk [tilespmem:v11+s19+$0x0], $0xffff  }
0x84: {  	v18 =	vld.idx.msk [tilespmem:v18+s20+$0x0], $0xffff  }
0x85: {  	vm2 =	vlt.f32 v51, $0.0e+00;
	vm3 =	vgt.f32 v51, $1.000000000e+00  }
0x86: {  	vm1 =	vgt.f32 v50, $1.000000000e+00;
	vm0 =	vlt.f32 v50, $0.0e+00;
	v19 =	vsub.f32 v19, v29;
	v27 =	vld.idx.msk [tilespmem:v27+s1+$0x0], $0xffff  }
0x87: {  	vm0 =	vmor vm0, vm1;
	vm1 =	vmor vm2, vm3;
	v29 =	vld.idx.msk [tilespmem:v31+s1+$0x0], $0xffff  }
0x88: {  	vm2 =	vge.f32 v17, v25;
	v31 =	vmul.f32 v7, v30;
	v19 =	vmul.f32 v30, v19  }
0x89: {  	v20 =	vsel vm2, v22, v20;
	v30 =	vadd.f32 v18, v28  }
0x8a: {  	v22 =	vshll.u32 v20, $0x8;
	v49 =	vsub.f32 $1.000000000e+00, v19;
	v53 =	vadd.f32 v31, v31  }
0x8b: {  	v22 =	vand.u32 $0x7FFFF800, v22;
	vm3 =	vge.f32 v15, v27  }
0x8c: {  	v25 =	vmul.f32 v49, v19;
	v27 =	vsub.f32 v30, v53;
	vm2 =	vge.f32 v16, v29  }
0x8d: {  	v19 =	vmul.f32 v19, v19;
	v21 =	vsel vm3, v21, v24;
	v23 =	vsel vm2, v26, v23  }
0x8e: {  	v24 =	vmul.f32 v27, v25;
	v26 =	vshll.u32 v20, $0x7;
	v29 =	vshll.u32 v21, $0x8  }
0x8f: {  	v30 =	vshll.u32 v21, $0x7;
	v18 =	vmul.f32 v18, v19;
	v20 =	vadd.s32 $0x1, v20  }
0x90: {  	v21 =	vadd.s32 $0x1, v21;
	v27 =	vshll.u32 v23, $0x8;
	v34 =	vshll.u32 v23, $0x7  }
0x91: {  	v26 =	vand.u32 $0x380, v26;
	v29 =	vand.u32 $0x7FFFF800, v29;
	v30 =	vand.u32 $0x380, v30  }
0x92: {  	v23 =	vadd.s32 $0x1, v23;
	v55 =	vshll.u32 v21, $0x8;
	v21 =	vshll.u32 v21, $0x7  }
0x93: {  	v24 =	vadd.f32 v24, v31;
	v27 =	vand.u32 $0x7FFFF800, v27;
	v34 =	vand.u32 $0x380, v34  }
0x94: {  	v22 =	vor.u32 v22, v26;
	v26 =	vor.u32 v29, v30;
	v29 =	vmul.f32 v53, v25  }
0x95: {  	v30 =	vmul.f32 v28, v49;
	v27 =	vor.u32 v27, v34;
	v35 =	vmul.f32 v24, v24  }
0x96: {  	v22 =	vor.u32 v12, v22;
	v26 =	vor.u32 v13, v26;
	v27 =	vor.u32 v14, v27  }
0x97: {  	v22 =	vor.u32 v9, v22;
	v18 =	vadd.f32 v29, v18;
	(erf) = vrcp.f32 v35  }
0x98: {  	v29 =	vmul.f32 v30, v49;
	v39 =	vor.u32 v10, v26;
	v26 =	vshll.u32 v20, $0x8  }
0x99: {  	v20 =	vshll.u32 v20, $0x7;
	v30 =	vmul.f32 v31, v31;
	v27 =	vor.u32 v8, v27  }
0x9a: {  	v18 =	vadd.f32 v18, v29;
	v29 =	vshll.u32 v23, $0x8;
	v23 =	vshll.u32 v23, $0x7  }
0x9b: {  	v26 =	vand.u32 $0x7FFFF800, v26;
	v29 =	vand.u32 $0x7FFFF800, v29;
	v23 =	vand.u32 $0x380, v23  }
0x9c: {  	v20 =	vand.u32 $0x380, v20;
	v18 =	vmul.f32 v18, v30;
	v23 =	vor.u32 v29, v23;
	v30 =	vld.idx.msk [tilespmem:v22+s1+$0x0], $0xffff  }
0x9d: {  	v32 =	vand.u32 $0x7FFFF800, v55;
	v20 =	vor.u32 v26, v20;
	v26 =	vld.idx.msk [tilespmem:v22+s17+$0x0], $0xffff;
	v14 =	vor.u32 v14, v23  }
0x9e: {  	v21 =	vand.u32 $0x380, v21;
	v20 =	vor.u32 v12, v20;
	v12 =	vld.idx.msk [tilespmem:v22+s19+$0x0], $0xffff;
	v14 =	vor.u32 v8, v14  }
0x9f: {  	v21 =	vor.u32 v32, v21;
	v58 =	vld.idx.msk [tilespmem:v27+s1+$0x0], $0xffff  }
0xa0: {  	v13 =	vor.u32 v13, v21;
	v21 =	vld.idx.msk [tilespmem:v27+s17+$0x0], $0xffff;
	v56 =	vpop (erf)  }
0xa1: {  	vm4 =	vlt.f32 v52, $0.0e+00;
	vm5 =	vgt.f32 v52, $1.000000000e+00;
	v8 =	vld.idx.msk [tilespmem:v27+s19+$0x0], $0xffff;
	v34 =	vmul.f32 v56, v18  }
0xa2: {  	vm4 =	vmor vm4, vm5;
	v19 =	vmul.f32 v31, v19;
	v32 =	vld.idx.msk [tilespmem:v27+s20+$0x0], $0xffff  }
0xa3: {  	v13 =	vor.u32 v10, v13;
	(erf) = vrcp.f32 v24;
	v14 =	vld.idx.msk [tilespmem:v14+s20+$0x0], $0xffff;
	v23 =	vand.u32 $0x7FFFFF, v34  }
0xa4: {  	v20 =	vor.u32 v9, v20;
	v16 =	vsub.f32 v16, v58;
	v18 =	vld.idx.msk [tilespmem:v39+s1+$0x0], $0xffff;
	v9 =	vor.u32 $0x3F800000, v23  }
0xa5: {  	v24 =	vmul.f32 v25, v28;
	v17 =	vsub.f32 v17, v30;
	v10 =	vmul.f32 $5.000000000e-01, v9  }
0xa6: {  	v33 =	vld.idx.msk [tilespmem:v22+s20+$0x0], $0xffff;
	v28 =	vmul.f32 v12, v26;
	v16 =	vmul.f32 v21, v16;
	vm5 =	vgt.f32 v9, $1.414213540e+00  }
0xa7: {  	v30 =	vmul.f32 v8, v21;
	v17 =	vmul.f32 v26, v17;
	v23 =	vld.idx.msk [tilespmem:v39+s17+$0x0], $0xffff;
	v10 =	vsel vm5, v10, v9  }
0xa8: {  	v37 =	vld.idx.msk [tilespmem:v39+s20+$0x0], $0xffff;
	v21 =	vsub.f32 $1.000000000e+00, v16;
	v36 =	vmul.f32 v16, v16;
	v25 =	vadd.f32 $-1.000000000e+00, v10  }
0xa9: {  	v29 =	vmul.f32 v17, v17;
	v43 =	vadd.f32 v14, v32;
	v15 =	vsub.f32 v15, v18;
	v18 =	vld.idx.msk [tilespmem:v20+s20+$0x0], $0xffff  }
0xaa: {  	v38 =	vmul.f32 v21, v16;
	v14 =	vmul.f32 v14, v36;
	v9 =	vld.idx.msk [tilespmem:v39+s19+$0x0], $0xffff;
	v20 =	vadd.f32 $2.000000000e+00, v25  }
0xab: {  	v46 =	vmul.f32 v32, v21;
	v10 =	vadd.f32 v24, v19;
	v19 =	vsub.f32 $1.000000000e+00, v17;
	v24 =	vld.idx.msk [tilespmem:v13+s20+$0x0], $0xffff  }
0xac: {  	v15 =	vmul.f32 v23, v15;
	(erf) = vrcp.f32 v20  }
0xad: {  	v13 =	vadd.f32 v28, v28;
	v40 =	vmul.f32 v19, v17;
	v17 =	vadd.f32 v30, v30  }
0xae: {  	v41 =	vmul.f32 v33, v19;
	v35 =	vmul.f32 v15, v15;
	v26 =	vadd.f32 v18, v33  }
0xaf: {  	v18 =	vmul.f32 v18, v29;
	v31 =	vmul.f32 v9, v23;
	v23 =	vsub.f32 $1.000000000e+00, v15  }
0xb0: {  	v20 =	vmul.f32 v13, v40;
	v45 =	vadd.f32 v24, v37;
	v26 =	vsub.f32 v26, v13  }
0xb1: {  	v24 =	vmul.f32 v24, v35;
	v16 =	vadd.f32 v31, v31;
	v44 =	vmul.f32 v23, v15  }
0xb2: {  	v15 =	vmul.f32 v17, v38;
	v49 =	vmul.f32 v37, v23;
	v17 =	vsub.f32 v43, v17  }
0xb3: {  	v59 =	vadd.f32 v20, v18;
	v42 =	vmul.f32 v16, v44;
	v16 =	vsub.f32 v45, v16  }
0xb4: {  	v13 =	vpop (erf);
	v26 =	vmul.f32 v26, v40;
	v60 =	vmul.f32 v17, v38;
	v15 =	vadd.f32 v15, v14  }
0xb5: {  	v23 =	vmul.f32 v49, v23;
	v14 =	vmul.f32 v16, v44;
	v20 =	vadd.f32 v42, v24;
	v18 =	vpop (erf)  }
0xb6: {  	v16 =	vmul.f32 v41, v19;
	v17 =	vmul.f32 v18, v25;
	v25 =	vadd.f32 v26, v28  }
0xb7: {  	v48 =	vadd.f32 v60, v30;
	v24 =	vmul.f32 v46, v21;
	v47 =	vadd.f32 v14, v31  }
0xb8: {  	v18 =	vmul.f32 v17, v17;
	v19 =	vmul.f32 v25, v25  }
0xb9: {  	vm0 =	vmmov vm0;
	v61 =	vmul.f32 v48, v48;
	v63 =	vmul.f32 v47, v47  }
0xba: {  	vm1 =	vmmov vm1;
	v14 =	vld.idx.msk [tilespmem:v22+s18+$0x0], $0xffff;
	v62 =	vmul.f32 $2.857142980e-01, v18;
	(erf) = vrcp.f32 v19  }
0xbb: {  	v21 =	vadd.f32 v59, v16;
	v16 =	vld.idx.msk [tilespmem:v27+s18+$0x0], $0xffff;
	v22 =	vmul.f32 v28, v28;
	(erf) = vrcp.f32 v61  }
0xbc: {  	s28 =	simm.s32 $0x0;
	s2 =	simm.s32 $0x0;
	v26 =	vadd.f32 v15, v24;
	v15 =	vld.idx.msk [tilespmem:v39+s18+$0x0], $0xffff;
	v19 =	vadd.f32 $4.000000060e-01, v62;
	(erf) = vrcp.f32 v63  }
.LBB2_2:
0xbd: {  	v45 =	vmul.f32 v30, v30;
	v46 =	vmul.f32 v31, v31  }
0xbe: {  	vm3 =	vmmov vm4;
	vm2 =	vlt.f32 v3, $0.0e+00;
	vm4 =	vgt.f32 v3, $1.000000000e+00  }
0xbf: {  	v0 =	vimm.s32 $0x0;
	v36 =	vmul.f32 v30, v36;
	v35 =	vmul.f32 v31, v35  }
0xc0: {  	s26 =	sadd.s32 $0x40, s26;
	v10 =	vmul.f32 v10, v7;
	v27 =	vadd.f32 v20, v23;
	v19 =	vmul.f32 v19, v18  }
0xc1: {  	[tilespmem:$0x1FFF0] =	vst v50;
	s7 =	sand.u32 $0xC0, s26;
	v50 =	vmul.f32 v21, v22;
	v21 =	vshrl.u32 v34, $0x17;
	vm2 =	vmor vm2, vm4  }
0xc2: {  	v20 =	vmov s7;
	s6 =	sor.u32 $0x30, s7;
	v21 =	vadd.s32 $0xFFFFFF81, v21;
	v24 =	vor.u32 s7, v54  }
0xc3: {  	v26 =	vmul.f32 v26, v45;
	v19 =	vadd.f32 $6.666666860e-01, v19;
	v22 =	vmov s6  }
0xc4: {  	s8 =	sor.u32 $0x20, s7;
	v23 =	vor.u32 s6, v54;
	v21 =	vcvt.s32.f32 v21;
	v49 =	vshll.u32 v20, $0x3  }
0xc5: {  	v59 =	vor.u32 s8, v54;
	v22 =	vshll.u32 v22, $0x3;
	v18 =	vmul.f32 v19, v18  }
0xc6: {  	s28 =	sadd.s32 $0x200, s28;
	v39 =	vand.u32 $0x7F, v23;
	v42 =	vand.u32 $0x400, v22;
	v19 =	vsel vm5, $0x3F800000, v57  }
0xc7: {  	s2 =	sadd.s32 $0x20, s2;
	s11 =	sand.u32 $0x1800, s26;
	s12 =	sand.u32 $0x400, s28;
	v22 =	vor.u32 v42, v39;
	v19 =	vadd.f32 v21, v19;
	v18 =	vadd.f32 $2.000000000e+00, v18  }
0xc8: {  	s11 =	sor.u32 s11, s12;
	s12 =	sand.u32 $0x380, s2;
	v24 =	vand.u32 $0x4F, v24;
	v27 =	vmul.f32 v27, v46;
	v22 =	vor.u32 $0x1000, v22  }
0xc9: {  	s4 =	sor.u32 $0x10, s7;
	s11 =	sor.u32 s12, s11;
	s6 =	sand.u32 $0x70, s6;
	v23 =	vmov s8;
	v19 =	vmul.f32 $6.931471820e-01, v19;
	v17 =	vmul.f32 v18, v17  }
0xca: {  	s9 =	sand.u32 $0x50, s4;
	v23 =	vshll.u32 v23, $0x3;
	v62 =	vpop (erf);
	v21 =	vmov s4;
	v18 =	vor.u32 s4, v54;
	s4 =	sor.u32 s6, s11  }
0xcb: {  	v21 =	vshll.u32 v21, $0x3;
	v50 =	vmul.f32 v62, v50;
	v19 =	vadd.f32 v17, v19;
	v17 =	vld [tilespmem:s4+$0xB000]  }
0xcc: {  	v63 =	vpop (erf);
	v20 =	vand.u32 $0x400, v21;
	v21 =	vand.u32 $0x400, v23;
	v23 =	vand.u32 $0x400, v49  }
0xcd: {  	[tilespmem:$0x1FFD0] =	vst v51;
	v51 =	vmul.f32 v63, v26;
	v55 =	vor.u32 v23, v24;
	v60 =	vld.idx.msk [tilespmem:v22+s1+$0x0], $0xffff;
	v22 =	vand.u32 $0x5F, v18  }
0xce: {  	v43 =	vld.idx.msk [tilespmem:v11+s18+$0x0], $0xffff;
	s3 =	sand.u32 $0x40, s26;
	v53 =	vpop (erf);
	(erf) = vrcp.f32 v25;
	v55 =	vor.u32 $0x1000, v55;
	v11 =	vor.u32 v20, v22  }
0xcf: {  	s3 =	sor.u32 s3, s11;
	v41 =	vsel vm2, $0x0, v19;
	v19 =	vand.u32 $0x6F, v59;
	v11 =	vor.u32 $0x1000, v11  }
0xd0: {  	s10 =	sand.u32 $0x60, s8;
	s9 =	sor.u32 s9, s11;
	v53 =	vmul.f32 v53, v27;
	v18 =	vld [tilespmem:s3+$0xB000];
	v34 =	vor.u32 v21, v19;
	v61 =	vmax.f32 v17, $0.0e+00  }
0xd1: {  	s12 =	sor.u32 s10, s11;
	v63 =	vand.u32 $0x7FFFFF, v50;
	[tilespmem:s15+$0x13000] =	vst v41;
	v41 =	vld [tilespmem:s9+$0xB000];
	v56 =	vor.u32 $0x1000, v34;
	v45 =	vmin.f32 v61, $1.000000000e+00  }
0xd2: {  	v57 =	vor.u32 $0x3F800000, v63;
	v59 =	vand.u32 $0x7FFFFF, v51;
	v34 =	vld [tilespmem:s12+$0xB000];
	vm4 =	vge.f32 v45, v60  }
0xd3: {  	[tilespmem:$0x1FFE0] =	vst v52;
	v58 =	vand.u32 $0x7FFFFF, v53;
	v59 =	vor.u32 $0x3F800000, v59;
	v55 =	vld.idx.msk [tilespmem:v55+s1+$0x0], $0xffff;
	v52 =	vsel vm4, $0x10, v0  }
0xd4: {  	v58 =	vor.u32 $0x3F800000, v58;
	vm5 =	vgt.f32 v59, $1.414213540e+00;
	v11 =	vld.idx.msk [tilespmem:v11+s1+$0x0], $0xffff;
	v54 =	vor.u32 $0x8, v52  }
0xd5: {  	v25 =	vmax.f32 v18, $0.0e+00;
	v61 =	vmul.f32 $5.000000000e-01, v59;
	v62 =	vshll.u32 v54, $0x8  }
0xd6: {  	v25 =	vmin.f32 v25, $1.000000000e+00;
	v60 =	vmul.f32 $5.000000000e-01, v57;
	v46 =	vld.idx.msk [tilespmem:v56+s1+$0x0], $0xffff;
	v56 =	vor.u32 v42, v62  }
0xd7: {  	v26 =	vmax.f32 v41, $0.0e+00;
	vm4 =	vgt.f32 v57, $1.414213540e+00;
	v56 =	vor.u32 v39, v56  }
0xd8: {  	v26 =	vmin.f32 v26, $1.000000000e+00;
	v27 =	vmax.f32 v34, $0.0e+00;
	vm8 =	vge.f32 v25, v55  }
0xd9: {  	v57 =	vsel vm4, v60, v57;
	v60 =	vsel vm5, v61, v59;
	vm6 =	vge.f32 v26, v11  }
0xda: {  	v27 =	vmin.f32 v27, $1.000000000e+00;
	v11 =	vmul.f32 $5.000000000e-01, v58;
	v62 =	vsel vm6, $0x10, v0  }
0xdb: {  	vm7 =	vge.f32 v27, v46;
	vm6 =	vgt.f32 v58, $1.414213540e+00;
	v46 =	vpop (erf);
	(erf) = vrcp.f32 v48  }
0xdc: {  	v55 =	vor.u32 $0x8, v62;
	v63 =	vsel vm7, $0x10, v0;
	v0 =	vsel vm8, $0x10, v0;
	v56 =	vld.idx.msk [tilespmem:v56+s1+$0x0], $0xffff  }
0xdd: {  	v11 =	vsel vm6, v11, v58;
	(erf) = vrcp.f32 v47;
	v2 =	vor.u32 $0x8, v63  }
0xde: {  	v1 =	vshll.u32 v55, $0x8;
	v4 =	vor.u32 $0x8, v0;
	v5 =	vshll.u32 v2, $0x8  }
0xdf: {  	v1 =	vor.u32 v20, v1;
	v6 =	vshll.u32 v4, $0x8;
	v5 =	vor.u32 v21, v5  }
0xe0: {  	v1 =	vor.u32 v22, v1;
	v6 =	vor.u32 v23, v6;
	v5 =	vor.u32 v19, v5  }
0xe1: {  	v6 =	vor.u32 v24, v6;
	vm7 =	vge.f32 v45, v56;
	v56 =	vadd.f32 $-1.000000000e+00, v57  }
0xe2: {  	v57 =	vadd.f32 $-1.000000000e+00, v60;
	v60 =	vshrl.u32 v50, $0x17;
	v50 =	vshrl.u32 v51, $0x17  }
0xe3: {  	v51 =	vshrl.u32 v53, $0x17;
	v52 =	vsel vm7, v54, v52;
	v54 =	vadd.f32 $-1.000000000e+00, v11  }
0xe4: {  	v50 =	vadd.s32 $0xFFFFFF81, v50;
	v51 =	vadd.s32 $0xFFFFFF81, v51;
	v61 =	vadd.f32 $2.000000000e+00, v56  }
0xe5: {  	v1 =	vld.idx.msk [tilespmem:v1+s1+$0x0], $0xffff;
	v11 =	vshll.u32 v52, $0x8;
	v58 =	vadd.f32 $2.000000000e+00, v57;
	v50 =	vcvt.s32.f32 v50  }
0xe6: {  	v5 =	vld.idx.msk [tilespmem:v5+s1+$0x0], $0xffff;
	v51 =	vcvt.s32.f32 v51;
	v11 =	vor.u32 v42, v11;
	(erf) = vrcp.f32 v61  }
0xe7: {  	v6 =	vld.idx.msk [tilespmem:v6+s1+$0x0], $0xffff;
	v59 =	vadd.f32 $2.000000000e+00, v54;
	v11 =	vor.u32 v39, v11;
	(erf) = vrcp.f32 v58  }
0xe8: {  	v61 =	vor.u32 $0x200, v11;
	v11 =	vmul.f32 v40, v33;
	v33 =	vmul.f32 v44, v37  }
0xe9: {  	v40 =	vadd.s32 $0xFFFFFF81, v60;
	v37 =	vmul.f32 v38, v32;
	v38 =	vmul.f32 v28, v29  }
0xea: {  	(erf) = vrcp.f32 v59;
	vm7 =	vge.f32 v26, v1;
	v40 =	vcvt.s32.f32 v40  }
0xeb: {  	v1 =	vsel vm7, v55, v62;
	vm7 =	vge.f32 v27, v5;
	v11 =	vadd.f32 v11, v38  }
0xec: {  	vm13 =	vge.f32 v25, v6;
	v38 =	vadd.f32 v33, v35;
	v37 =	vadd.f32 v37, v36  }
0xed: {  	v5 =	vshll.u32 v1, $0x8;
	v2 =	vsel vm7, v2, v63;
	v0 =	vsel vm13, v4, v0  }
0xee: {  	v44 =	vor.u32 $0x4, v1;
	v4 =	vor.u32 v20, v5;
	v5 =	vshll.u32 v2, $0x8;
	v6 =	vld.idx.msk [tilespmem:v61+s1+$0x0], $0xffff  }
0xef: {  	v28 =	vpop (erf);
	v30 =	vshll.u32 v0, $0x8;
	v4 =	vor.u32 v22, v4;
	v5 =	vor.u32 v21, v5  }
0xf0: {  	v29 =	vpop (erf);
	v60 =	vor.u32 v49, v30;
	v4 =	vor.u32 $0x200, v4;
	v5 =	vor.u32 v19, v5  }
0xf1: {  	v48 =	vor.u32 $0x4, v0;
	v61 =	vor.u32 v60, v24;
	v5 =	vor.u32 $0x200, v5;
	v31 =	vpop (erf)  }
0xf2: {  	v53 =	vor.u32 $0x4, v2;
	v8 =	vmul.f32 v37, v8;
	v63 =	vor.u32 $0x200, v61;
	v62 =	vpop (erf)  }
0xf3: {  	v60 =	vor.u32 $0x4, v52;
	v32 =	vmul.f32 v31, v56;
	v30 =	vpop (erf);
	vm7 =	vge.f32 v45, v6  }
0xf4: {  	v31 =	vmul.f32 v62, v57;
	v6 =	vsel vm7, v60, v52;
	v30 =	vmul.f32 v30, v54  }
0xf5: {  	v4 =	vld.idx.msk [tilespmem:v4+s1+$0x0], $0xffff;
	v52 =	vmul.f32 v32, v32;
	v47 =	vor.u32 $0x2, v6;
	v61 =	vshll.u32 v6, $0x8  }
0xf6: {  	v5 =	vld.idx.msk [tilespmem:v5+s1+$0x0], $0xffff;
	v56 =	vmul.f32 v31, v31;
	v62 =	vshll.u32 v47, $0x7;
	v54 =	vand.u32 $0x7FFFF800, v61  }
0xf7: {  	v49 =	vld.idx.msk [tilespmem:v63+s1+$0x0], $0xffff;
	v57 =	vmul.f32 v30, v30;
	v63 =	vmul.f32 $2.857142980e-01, v52;
	v55 =	vand.u32 $0x380, v62  }
0xf8: {  	v8 =	vmul.f32 v28, v8;
	v60 =	vmul.f32 $2.857142980e-01, v56;
	v54 =	vor.u32 v55, v54  }
0xf9: {  	v61 =	vmul.f32 $2.857142980e-01, v57;
	v55 =	vadd.f32 $4.000000060e-01, v63;
	v54 =	vor.u32 v42, v54  }
0xfa: {  	v58 =	vadd.f32 $4.000000060e-01, v60;
	vm7 =	vge.f32 v26, v4;
	v54 =	vor.u32 v39, v54  }
0xfb: {  	v4 =	vadd.f32 $4.000000060e-01, v61;
	v1 =	vsel vm7, v44, v1;
	vm7 =	vge.f32 v27, v5  }
0xfc: {  	v5 =	vmul.f32 v55, v52;
	vm14 =	vge.f32 v25, v49;
	v44 =	vor.u32 $0x2, v1  }
0xfd: {  	v2 =	vsel vm7, v53, v2;
	v0 =	vsel vm14, v48, v0;
	v55 =	vshll.u32 v1, $0x8  }
0xfe: {  	v48 =	vshll.u32 v44, $0x7;
	v49 =	vor.u32 $0x2, v2;
	v53 =	vor.u32 $0x2, v0  }
0xff: {  	v60 =	vshll.u32 v0, $0x8;
	v62 =	vshll.u32 v2, $0x8;
	v55 =	vand.u32 $0x7FFFF800, v55  }
0x100: {  	v4 =	vmul.f32 v4, v57;
	v5 =	vadd.f32 $6.666666860e-01, v5;
	v59 =	vshll.u32 v49, $0x7;
	v54 =	vld.idx.msk [tilespmem:v54+s1+$0x0], $0xffff  }
0x101: {  	v61 =	vshll.u32 v53, $0x7;
	v48 =	vand.u32 $0x380, v48;
	v60 =	vand.u32 $0x7FFFF800, v60  }
0x102: {  	v62 =	vand.u32 $0x7FFFF800, v62;
	v59 =	vand.u32 $0x380, v59;
	v48 =	vor.u32 v48, v55  }
0x103: {  	v61 =	vand.u32 $0x380, v61;
	v62 =	vor.u32 v59, v62;
	v48 =	vor.u32 v20, v48  }
0x104: {  	v4 =	vadd.f32 $6.666666860e-01, v4;
	v55 =	vor.u32 v21, v62;
	v48 =	vor.u32 v22, v48  }
0x105: {  	v60 =	vor.u32 v61, v60;
	v55 =	vor.u32 v19, v55;
	vm7 =	vge.f32 v45, v54  }
0x106: {  	v5 =	vmul.f32 v5, v52;
	v63 =	vor.u32 v23, v60;
	v6 =	vsel vm7, v47, v6  }
0x107: {  	v4 =	vmul.f32 v4, v57;
	v47 =	vmul.f32 v58, v56;
	v58 =	vadd.s32 $0x1, v6  }
0x108: {  	v54 =	vor.u32 v24, v63;
	v59 =	vshll.u32 v58, $0x8;
	v60 =	vshll.u32 v58, $0x7  }
0x109: {  	v57 =	vimm.f32 $0.0e+00;
	v48 =	vld.idx.msk [tilespmem:v48+s1+$0x0], $0xffff;
	v59 =	vand.u32 $0x7FFFF800, v59;
	v60 =	vand.u32 $0x380, v60  }
0x10a: {  	v5 =	vadd.f32 $2.000000000e+00, v5;
	v61 =	vsel vm4, $0x3F800000, v57;
	v52 =	vld.idx.msk [tilespmem:v55+s1+$0x0], $0xffff;
	v59 =	vor.u32 v59, v60  }
0x10b: {  	v4 =	vadd.f32 $2.000000000e+00, v4;
	v47 =	vadd.f32 $6.666666860e-01, v47;
	v60 =	vor.u32 v42, v59  }
0x10c: {  	v62 =	vsel vm6, $0x3F800000, v57;
	v40 =	vadd.f32 v40, v61;
	v55 =	vor.u32 v39, v60  }
0x10d: {  	v63 =	vsel vm5, $0x3F800000, v57;
	v4 =	vmul.f32 v4, v30;
	v47 =	vmul.f32 v47, v56;
	v54 =	vld.idx.msk [tilespmem:v54+s1+$0x0], $0xffff  }
0x10e: {  	v56 =	vmul.f32 v11, v12;
	vm4 =	vge.f32 v26, v48;
	v48 =	vadd.f32 v50, v63  }
0x10f: {  	v47 =	vadd.f32 $2.000000000e+00, v47;
	v36 =	vsel vm4, v44, v1;
	vm4 =	vge.f32 v27, v52  }
0x110: {  	v44 =	vadd.f32 v51, v62;
	v50 =	vadd.s32 $0x1, v36;
	v12 =	vsel vm4, v49, v2  }
0x111: {  	v52 =	vmul.f32 $6.931471820e-01, v48;
	v35 =	vadd.s32 $0x1, v12;
	v11 =	vshll.u32 v50, $0x7;
	v1 =	vld.idx.msk [tilespmem:v55+s1+$0x0], $0xffff  }
0x112: {  	v30 =	vmul.f32 v47, v31;
	vm5 =	vge.f32 v25, v54;
	v59 =	vshll.u32 v35, $0x8  }
0x113: {  	v62 =	vshll.u32 v35, $0x7;
	v11 =	vand.u32 $0x380, v11;
	v33 =	vsel vm5, v53, v0  }
0x114: {  	v0 =	vshll.u32 v50, $0x8;
	v49 =	vand.u32 $0x7FFFF800, v59;
	v2 =	vadd.s32 $0x1, v33  }
0x115: {  	v53 =	vand.u32 $0x380, v62;
	v0 =	vand.u32 $0x7FFFF800, v0;
	v60 =	vshll.u32 v2, $0x8  }
0x116: {  	v61 =	vshll.u32 v2, $0x7;
	v0 =	vor.u32 v0, v11;
	vm4 =	vge.f32 v45, v1  }
0x117: {  	v11 =	vor.u32 v49, v53;
	v51 =	vand.u32 $0x7FFFF800, v60;
	v6 =	vsel vm4, v58, v6  }
0x118: {  	v0 =	vor.u32 v20, v0;
	v63 =	vshll.u32 v6, $0x8;
	v58 =	vshll.u32 v6, $0x7  }
0x119: {  	v60 =	vor.u32 v21, v11;
	v49 =	vand.u32 $0x7FFFF800, v63;
	v59 =	vand.u32 $0x380, v58  }
0x11a: {  	v0 =	vor.u32 v22, v0;
	v62 =	vor.u32 v19, v60;
	v11 =	vor.u32 v49, v59  }
0x11b: {  	v1 =	vand.u32 $0x380, v61;
	v6 =	vadd.s32 $0x1, v6;
	v11 =	vor.u32 v42, v11  }
0x11c: {  	v61 =	vshll.u32 v6, $0x8;
	v6 =	vshll.u32 v6, $0x7;
	v11 =	vor.u32 v39, v11  }
0x11d: {  	v8 =	vadd.f32 v8, v16;
	v49 =	vand.u32 $0x7FFFF800, v61;
	v6 =	vand.u32 $0x380, v6  }
0x11e: {  	v5 =	vmul.f32 v5, v32;
	v28 =	vadd.f32 v30, v52;
	v30 =	vld [tilespmem:$0x1FFD0];
	v6 =	vor.u32 v49, v6  }
0x11f: {  	v56 =	vmul.f32 v46, v56;
	v1 =	vor.u32 v51, v1;
	v0 =	vld.idx.msk [tilespmem:v0+s1+$0x0], $0xffff;
	v6 =	vor.u32 v42, v6  }
0x120: {  	v55 =	vmul.f32 $6.931471820e-01, v44;
	v1 =	vor.u32 v23, v1;
	v16 =	vld.idx.msk [tilespmem:v62+s1+$0x0], $0xffff;
	v6 =	vor.u32 v39, v6  }
0x121: {  	v1 =	vor.u32 v24, v1;
	v63 =	vmul.f32 v38, v9;
	v49 =	vmul.f32 $6.931471820e-01, v40;
	v9 =	vld.idx.msk [tilespmem:v11+s20+$0x0], $0xffff  }
0x122: {  	v10 =	vmul.f32 v13, v10;
	v4 =	vadd.f32 v4, v55;
	v31 =	vld.idx.msk [tilespmem:v11+s1+$0x0], $0xffff  }
0x123: {  	v13 =	vmul.f32 v29, v63;
	v29 =	vadd.f32 v56, v14;
	v5 =	vadd.f32 v5, v49;
	v53 =	vld.idx.msk [tilespmem:v11+s17+$0x0], $0xffff  }
0x124: {  	v10 =	vadd.f32 v10, v43;
	v4 =	vsel vm0, $0x0, v4;
	v7 =	vld.idx.msk [tilespmem:v11+s19+$0x0], $0xffff  }
0x125: {  	v29 =	vsel vm1, v30, v29;
	v5 =	vsel vm1, $0x0, v5;
	vm1 =	vge.f32 v26, v0;
	v6 =	vld.idx.msk [tilespmem:v6+s20+$0x0], $0xffff  }
0x126: {  	vm15 =	vgt.f32 v41, $1.000000000e+00;
	v1 =	vld.idx.msk [tilespmem:v1+s1+$0x0], $0xffff;
	[tilespmem:s16+$0x13000] =	vst v4;
	v4 =	vsel vm1, v50, v36;
	vm1 =	vge.f32 v27, v16  }
0x127: {  	v13 =	vadd.f32 v13, v15;
	[tilespmem:s23+$0xF000] =	vst v29;
	v16 =	vld [tilespmem:$0x1FFE0];
	v12 =	vsel vm1, v35, v12;
	v15 =	vsub.f32 v45, v31  }
0x128: {  	vm9 =	vlt.f32 v34, $0.0e+00;
	[tilespmem:s23+$0x13000] =	vst v5;
	v5 =	vsel vm3, $0x0, v28;
	v29 =	vshll.u32 v12, $0x8  }
0x129: {  	v58 =	vshll.u32 v12, $0x7;
	v14 =	vmul.f32 v7, v53;
	v15 =	vmul.f32 v53, v15  }
0x12a: {  	v12 =	vadd.s32 $0x1, v12;
	v29 =	vand.u32 $0x7FFFF800, v29;
	v28 =	vadd.f32 v6, v9  }
0x12b: {  	[tilespmem:s24+$0x13000] =	vst v5;
	v32 =	vand.u32 $0x380, v58;
	v5 =	vadd.f32 v14, v14;
	v0 =	vsub.f32 $1.000000000e+00, v15  }
0x12c: {  	v29 =	vor.u32 v29, v32;
	v8 =	vsel vm3, v16, v8;
	vm3 =	vge.f32 v25, v1  }
0x12d: {  	v29 =	vor.u32 v21, v29;
	v16 =	vsub.f32 v28, v5;
	v1 =	vmul.f32 v0, v15  }
0x12e: {  	[tilespmem:s24+$0xF000] =	vst v8;
	v2 =	vsel vm3, v2, v33;
	v8 =	vshll.u32 v4, $0x8;
	v60 =	vor.u32 v19, v29  }
0x12f: {  	v30 =	vshll.u32 v2, $0x8;
	v31 =	vshll.u32 v2, $0x7;
	v16 =	vmul.f32 v16, v1  }
0x130: {  	v8 =	vand.u32 $0x7FFFF800, v8;
	v30 =	vand.u32 $0x7FFFF800, v30;
	v28 =	vshll.u32 v4, $0x7  }
0x131: {  	v31 =	vand.u32 $0x380, v31;
	v28 =	vand.u32 $0x380, v28;
	v16 =	vadd.f32 v16, v14  }
0x132: {  	v30 =	vor.u32 v30, v31;
	v8 =	vor.u32 v8, v28;
	v15 =	vmul.f32 v15, v15  }
0x133: {  	v4 =	vadd.s32 $0x1, v4;
	v8 =	vor.u32 v20, v8;
	v28 =	vmul.f32 v16, v16  }
0x134: {  	v6 =	vmul.f32 v6, v15;
	v5 =	vmul.f32 v5, v1;
	v59 =	vor.u32 v22, v8  }
0x135: {  	v8 =	vshll.u32 v12, $0x8;
	v12 =	vshll.u32 v12, $0x7;
	(erf) = vrcp.f32 v28  }
0x136: {  	v8 =	vand.u32 $0x7FFFF800, v8;
	v5 =	vadd.f32 v5, v6;
	v6 =	vshll.u32 v4, $0x8  }
0x137: {  	v4 =	vshll.u32 v4, $0x7;
	v28 =	vor.u32 v23, v30;
	v30 =	vmul.f32 v9, v0  }
0x138: {  	v12 =	vand.u32 $0x380, v12;
	v6 =	vand.u32 $0x7FFFF800, v6;
	v4 =	vand.u32 $0x380, v4  }
0x139: {  	v4 =	vor.u32 v6, v4;
	v6 =	vor.u32 v8, v12;
	v8 =	vld.idx.msk [tilespmem:v60+s19+$0x0], $0xffff;
	v0 =	vmul.f32 v30, v0  }
0x13a: {  	vm6 =	vlt.f32 v41, $0.0e+00;
	vm5 =	vgt.f32 v18, $1.000000000e+00;
	vm4 =	vlt.f32 v18, $0.0e+00;
	v29 =	vld.idx.msk [tilespmem:v59+s1+$0x0], $0xffff  }
0x13b: {  	v12 =	vld.idx.msk [tilespmem:v59+s19+$0x0], $0xffff;
	v61 =	vor.u32 v24, v28;
	v28 =	vmul.f32 v14, v14;
	v0 =	vadd.f32 v5, v0  }
0x13c: {  	vm7 =	vmor vm4, vm5;
	v2 =	vadd.s32 $0x1, v2;
	v4 =	vor.u32 v20, v4;
	v20 =	vld.idx.msk [tilespmem:v60+s17+$0x0], $0xffff  }
0x13d: {  	v33 =	vld.idx.msk [tilespmem:v59+s20+$0x0], $0xffff;
	v5 =	vshll.u32 v2, $0x8;
	v2 =	vshll.u32 v2, $0x7;
	v0 =	vmul.f32 v0, v28  }
0x13e: {  	v4 =	vor.u32 v22, v4;
	v5 =	vand.u32 $0x7FFFF800, v5;
	v2 =	vand.u32 $0x380, v2;
	v28 =	vld.idx.msk [tilespmem:v60+s1+$0x0], $0xffff;
	v30 =	vpop (erf)  }
0x13f: {  	v52 =	vmovc v34;
	vm4 =	vgt.f32 v34, $1.000000000e+00;
	v34 =	vmul.f32 v30, v0;
	v0 =	vor.u32 v5, v2;
	v2 =	vld.idx.msk [tilespmem:v59+s17+$0x0], $0xffff  }
0x140: {  	vm6 =	vmor vm6, vm15;
	v1 =	vmul.f32 v1, v9;
	v14 =	vmul.f32 v14, v15;
	v31 =	vld.idx.msk [tilespmem:v61+s1+$0x0], $0xffff  }
0x141: {  	v9 =	vld.idx.msk [tilespmem:v61+s19+$0x0], $0xffff;
	(erf) = vrcp.f32 v16;
	v5 =	vor.u32 v21, v6;
	v6 =	vand.u32 $0x7FFFFF, v34  }
0x142: {  	v16 =	vld.idx.msk [tilespmem:v61+s17+$0x0], $0xffff;
	v5 =	vor.u32 v19, v5;
	v19 =	vsub.f32 v26, v29;
	v6 =	vor.u32 $0x3F800000, v6  }
0x143: {  	v4 =	vld.idx.msk [tilespmem:v4+s20+$0x0], $0xffff;
	v0 =	vor.u32 v23, v0;
	v21 =	vmul.f32 $5.000000000e-01, v6;
	vm5 =	vgt.f32 v6, $1.414213540e+00  }
0x144: {  	v15 =	vmul.f32 v2, v19;
	v19 =	vsel vm2, v3, v10;
	v10 =	vadd.f32 v1, v14;
	v1 =	vld [tilespmem:$0x1FFF0]  }
0x145: {  	v23 =	vsub.f32 v25, v31;
	v0 =	vor.u32 v24, v0;
	v6 =	vsel vm5, v21, v6  }
0x146: {  	v54 =	vlaneseq.u32;
	v30 =	vmul.f32 v8, v20;
	v6 =	vadd.f32 $-1.000000000e+00, v6  }
0x147: {  	v50 =	vmovc v18;
	v22 =	vsub.f32 v27, v28;
	v18 =	vmul.f32 v16, v23;
	v31 =	vmul.f32 v9, v16  }
0x148: {  	v32 =	vld.idx.msk [tilespmem:v60+s20+$0x0], $0xffff;
	v23 =	vadd.f32 v4, v33;
	v28 =	vmul.f32 v12, v2;
	v14 =	vadd.f32 $2.000000000e+00, v6  }
0x149: {  	v3 =	vmovc v17;
	v2 =	vld.idx.msk [tilespmem:v5+s20+$0x0], $0xffff;
	v35 =	vmul.f32 v18, v18;
	v5 =	vsub.f32 $1.000000000e+00, v15;
	v1 =	vsel vm0, v1, v13  }
0x14a: {  	v0 =	vld.idx.msk [tilespmem:v0+s20+$0x0], $0xffff;
	v29 =	vmul.f32 v15, v15;
	v17 =	vadd.f32 v28, v28;
	(erf) = vrcp.f32 v14;
	[tilespmem:s16+$0xF000] =	vst v1  }
0x14b: {  	vm4 =	vmor vm9, vm4;
	v40 =	vmul.f32 v5, v15;
	v13 =	vmul.f32 v20, v22;
	v37 =	vld.idx.msk [tilespmem:v61+s20+$0x0], $0xffff  }
0x14c: {  	v4 =	vmul.f32 v4, v29;
	v62 =	vsub.f32 v23, v17;
	v22 =	vsub.f32 $1.000000000e+00, v18  }
0x14d: {  	[tilespmem:s15+$0xF000] =	vst v19;
	v24 =	vmul.f32 v33, v5;
	v20 =	vadd.f32 v31, v31;
	v19 =	vsub.f32 $1.000000000e+00, v13  }
0x14e: {  	v1 =	vadd.f32 v30, v30;
	v36 =	vmul.f32 v13, v13;
	v44 =	vmul.f32 v22, v18  }
0x14f: {  	v21 =	vmul.f32 v17, v40;
	v26 =	vadd.f32 v2, v32;
	v38 =	vmul.f32 v19, v13  }
0x150: {  	v25 =	vmul.f32 v20, v44;
	v2 =	vmul.f32 v2, v36;
	v27 =	vadd.f32 v0, v37  }
0x151: {  	v23 =	vmul.f32 v32, v19;
	v18 =	vmul.f32 v1, v38;
	v1 =	vsub.f32 v26, v1  }
0x152: {  	v13 =	vpop (erf);
	v26 =	vmul.f32 v62, v40;
	v0 =	vmul.f32 v0, v35;
	v20 =	vsub.f32 v27, v20  }
0x153: {  	v4 =	vadd.f32 v21, v4;
	v63 =	vmul.f32 v37, v22;
	v1 =	vmul.f32 v1, v38;
	v17 =	vpop (erf)  }
0x154: {  	v2 =	vadd.f32 v18, v2;
	v17 =	vmul.f32 v17, v6;
	v6 =	vmul.f32 v20, v44  }
0x155: {  	v20 =	vadd.f32 v25, v0;
	v25 =	vadd.f32 v26, v28;
	v0 =	vmul.f32 v24, v5  }
0x156: {  	p0 =	slt.u32 s26, $0x1FC0;
	v48 =	vadd.f32 v1, v30;
	v5 =	vmul.f32 v23, v19;
	v18 =	vmul.f32 v17, v17  }
.Ltmp0:
0x157: {  	v23 =	vmul.f32 v63, v22;
	v47 =	vadd.f32 v6, v31;
	v1 =	vmul.f32 v25, v25;
	(pc) =	sbr.rel @p0 .LBB2_2-.Ltmp0, $4  }
0x158: {  	v21 =	vadd.f32 v4, v0;
	v0 =	vmul.f32 v48, v48;
	v4 =	vmul.f32 $2.857142980e-01, v18  }
0x159: {  	vm1 =	vmmov vm6;
	v16 =	vld.idx.msk [tilespmem:v60+s18+$0x0], $0xffff;
	v6 =	vmul.f32 v47, v47;
	(erf) = vrcp.f32 v1  }
0x15a: {  	s23 =	smov.u32 s9;
	vm0 =	vmmov vm7;
	v14 =	vld.idx.msk [tilespmem:v59+s18+$0x0], $0xffff;
	v22 =	vmul.f32 v28, v28;
	(erf) = vrcp.f32 v0  }
0x15b: {  	v51 =	vmovc v41;
	s24 =	smov.u32 s12;
	s15 =	smov.u32 s4;
	s16 =	smov.u32 s3;
	v15 =	vld.idx.msk [tilespmem:v61+s18+$0x0], $0xffff;
	v26 =	vadd.f32 v2, v5;
	v19 =	vadd.f32 $4.000000060e-01, v4;
	(erf) = vrcp.f32 v6  }
0x15c: {  	_ =	sdelay $0x3  }
0x15d: {  	v0 =	vmul.f32 v30, v30;
	v4 =	vmul.f32 v21, v22  }
0x15e: {  	v1 =	vadd.f32 v20, v23;
	v2 =	vmul.f32 v31, v31  }
0x15f: {  	v0 =	vmul.f32 v26, v0;
	v5 =	vpop (erf)  }
0x160: {  	v1 =	vmul.f32 v1, v2;
	v6 =	vpop (erf);
	v2 =	vmul.f32 v5, v4  }
0x161: {  	v4 =	vpop (erf);
	v0 =	vmul.f32 v6, v0  }
0x162: {  	v1 =	vmul.f32 v4, v1;
	v4 =	vand.u32 $0x7FFFFF, v2  }
0x163: {  	v5 =	vand.u32 $0x7FFFFF, v0;
	v4 =	vor.u32 $0x3F800000, v4  }
0x164: {  	v6 =	vand.u32 $0x7FFFFF, v1;
	v5 =	vor.u32 $0x3F800000, v5;
	v20 =	vmul.f32 $5.000000000e-01, v4  }
0x165: {  	vm6 =	vgt.f32 v4, $1.414213540e+00;
	v6 =	vor.u32 $0x3F800000, v6;
	v21 =	vmul.f32 $5.000000000e-01, v5  }
0x166: {  	vm2 =	vgt.f32 v5, $1.414213540e+00;
	v22 =	vmul.f32 $5.000000000e-01, v6;
	v4 =	vsel vm6, v20, v4  }
0x167: {  	vm7 =	vgt.f32 v6, $1.414213540e+00;
	v5 =	vsel vm2, v21, v5;
	v4 =	vadd.f32 $-1.000000000e+00, v4  }
0x168: {  	(erf) = vrcp.f32 v25;
	v6 =	vsel vm7, v22, v6;
	v5 =	vadd.f32 $-1.000000000e+00, v5  }
0x169: {  	(erf) = vrcp.f32 v48;
	v6 =	vadd.f32 $-1.000000000e+00, v6;
	v20 =	vadd.f32 $2.000000000e+00, v4  }
0x16a: {  	(erf) = vrcp.f32 v47;
	v21 =	vadd.f32 $2.000000000e+00, v5  }
0x16b: {  	v19 =	vmul.f32 v19, v18;
	v22 =	vadd.f32 $2.000000000e+00, v6;
	(erf) = vrcp.f32 v20  }
0x16c: {  	(erf) = vrcp.f32 v21  }
0x16d: {  	v19 =	vadd.f32 $6.666666860e-01, v19;
	v20 =	vshrl.u32 v34, $0x17;
	(erf) = vrcp.f32 v22  }
0x16e: {  	v20 =	vadd.s32 $0xFFFFFF81, v20  }
0x16f: {  	v18 =	vmul.f32 v19, v18;
	v20 =	vcvt.s32.f32 v20;
	_ =	sdelay $0x1  }
0x170: {  	v18 =	vadd.f32 $2.000000000e+00, v18;
	v21 =	vpop (erf)  }
0x171: {  	v27 =	vmul.f32 v40, v33;
	v19 =	vsel vm5, $0x3F800000, v57;
	v22 =	vpop (erf)  }
0x172: {  	v58 =	vmul.f32 v44, v37;
	v32 =	vmul.f32 v38, v32;
	v19 =	vadd.f32 v20, v19;
	v20 =	vpop (erf)  }
0x173: {  	v28 =	vmul.f32 v28, v29;
	v29 =	vmul.f32 v30, v36;
	v23 =	vpop (erf)  }
0x174: {  	v17 =	vmul.f32 v18, v17;
	v18 =	vpop (erf);
	v4 =	vmul.f32 v23, v4  }
0x175: {  	v19 =	vmul.f32 $6.931471820e-01, v19;
	v24 =	vpop (erf);
	v5 =	vmul.f32 v18, v5  }
0x176: {  	vm3 =	vlt.f32 v3, $0.0e+00;
	v6 =	vmul.f32 v24, v6;
	v18 =	vmul.f32 v4, v4  }
0x177: {  	v30 =	vmul.f32 v31, v35;
	v17 =	vadd.f32 v17, v19;
	v19 =	vmul.f32 v5, v5  }
0x178: {  	vm4 =	vmmov vm4;
	v23 =	vmul.f32 v6, v6;
	v24 =	vmul.f32 $2.857142980e-01, v18  }
0x179: {  	v7 =	vmul.f32 v10, v7;
	v10 =	vadd.f32 v58, v30;
	v2 =	vshrl.u32 v2, $0x17  }
0x17a: {  	v25 =	vmul.f32 $2.857142980e-01, v19;
	v26 =	vmul.f32 $2.857142980e-01, v23;
	v24 =	vadd.f32 $4.000000060e-01, v24  }
0x17b: {  	v0 =	vshrl.u32 v0, $0x17;
	v2 =	vadd.s32 $0xFFFFFF81, v2;
	v1 =	vshrl.u32 v1, $0x17  }
0x17c: {  	v25 =	vadd.f32 $4.000000060e-01, v25;
	v26 =	vadd.f32 $4.000000060e-01, v26;
	v24 =	vmul.f32 v24, v18  }
0x17d: {  	v0 =	vadd.s32 $0xFFFFFF81, v0;
	v2 =	vcvt.s32.f32 v2;
	v1 =	vadd.s32 $0xFFFFFF81, v1  }
0x17e: {  	v25 =	vmul.f32 v25, v19;
	v26 =	vmul.f32 v26, v23;
	v24 =	vadd.f32 $6.666666860e-01, v24  }
0x17f: {  	vm5 =	vgt.f32 v3, $1.000000000e+00;
	v0 =	vcvt.s32.f32 v0;
	v1 =	vcvt.s32.f32 v1  }
0x180: {  	v25 =	vadd.f32 $6.666666860e-01, v25;
	v26 =	vadd.f32 $6.666666860e-01, v26;
	v18 =	vmul.f32 v24, v18  }
0x181: {  	v24 =	vadd.f32 v27, v28;
	v27 =	vsel vm7, $0x3F800000, v57;
	v28 =	vsel vm2, $0x3F800000, v57  }
0x182: {  	v19 =	vmul.f32 v25, v19;
	v25 =	vsel vm6, $0x3F800000, v57;
	v0 =	vadd.f32 v0, v28  }
0x183: {  	v1 =	vadd.f32 v1, v27;
	v23 =	vmul.f32 v26, v23;
	v26 =	vadd.f32 v32, v29  }
0x184: {  	vm3 =	vmor vm3, vm5;
	v18 =	vadd.f32 $2.000000000e+00, v18;
	v2 =	vadd.f32 v2, v25  }
0x185: {  	v12 =	vmul.f32 v24, v12;
	v19 =	vadd.f32 $2.000000000e+00, v19;
	v0 =	vmul.f32 $6.931471820e-01, v0  }
0x186: {  	v23 =	vadd.f32 $2.000000000e+00, v23;
	v4 =	vmul.f32 v18, v4;
	v2 =	vmul.f32 $6.931471820e-01, v2  }
0x187: {  	v17 =	vsel vm3, $0x0, v17;
	v1 =	vmul.f32 $6.931471820e-01, v1;
	v5 =	vmul.f32 v19, v5  }
0x188: {  	v11 =	vld.idx.msk [tilespmem:v11+s18+$0x0], $0xffff;
	v8 =	vmul.f32 v26, v8;
	v6 =	vmul.f32 v23, v6;
	v2 =	vadd.f32 v4, v2  }
0x189: {  	v4 =	vmul.f32 v10, v9;
	v9 =	vmul.f32 v21, v12;
	v0 =	vadd.f32 v5, v0  }
0x18a: {  	[tilespmem:s15+$0x13000] =	vst v17;
	v5 =	vmul.f32 v22, v8;
	v1 =	vadd.f32 v6, v1;
	v2 =	vsel vm1, $0x0, v2  }
0x18b: {  	v6 =	vmul.f32 v13, v7;
	v7 =	vadd.f32 v9, v14;
	[tilespmem:s23+$0x13000] =	vst v2;
	v0 =	vsel vm4, $0x0, v0  }
0x18c: {  	v2 =	vmul.f32 v20, v4;
	v4 =	vadd.f32 v5, v16;
	v1 =	vsel vm0, $0x0, v1;
	[tilespmem:s24+$0x13000] =	vst v0  }
0x18d: {  	v0 =	vadd.f32 v6, v11;
	v5 =	vsel vm1, v51, v7;
	[tilespmem:s16+$0x13000] =	vst v1  }
0x18e: {  	v1 =	vadd.f32 v2, v15;
	[tilespmem:s23+$0xF000] =	vst v5;
	v2 =	vsel vm4, v52, v4  }
0x18f: {  	s26 =	simm.s32 $0x0;
	[tilespmem:s24+$0xF000] =	vst v2;
	v0 =	vsel vm3, v3, v0  }
0x190: {  	s2 =	sand.u32 $0xC0, s26;
	v1 =	vsel vm0, v50, v1;
	[tilespmem:s15+$0xF000] =	vst v0  }
0x191: {  	s28 =	simm.s32 $0x0;
	s6 =	simm.s32 $0xF000;
	s3 =	sor.u32 $0x30, s2;
	[tilespmem:s16+$0xF000] =	vst v1  }
0x192: {  	s8 =	simm.s32 $0x13000;
	s9 =	sand.u32 $0x1800, s26;
	v0 =	vmov s3;
	s4 =	rddreg [dreg:$0xa]  }
0x193: {  	v1 =	vor.u32 s3, v54;
	v0 =	vshll.u32 v0, $0x3;
	[hbm4b:s4+s28] =	stream.linear.scatter [tilespmem:s6], [sflag:$0x4], $0x2000, $0x38;
	[tilespmem:$0x17000] =	vst v63  }
0x194: {  	s10 =	sand.u32 $0x400, s28;
	s11 =	sand.u32 $0x380, s28;
	s7 =	rddreg [dreg:$0xb];
	v7 =	vand.u32 $0x7F, v1;
	v18 =	vand.u32 $0x400, v0  }
0x195: {  	v0 =	vor.u32 v18, v7;
	[hbm4b:s7+s28] =	stream.linear.scatter [tilespmem:s8], [sflag:$0x6], $0x2000, $0x38;
	[tilespmem:$0x17000] =	vst v63  }
0x196: {  	s12 =	sor.u32 $0x20, s2;
	s4 =	sor.u32 s9, s10;
	v0 =	vor.u32 $0x1000, v0;
	_ =	swait.ge [sflag:s25], $0x2000  }
0x197: {  	s3 =	sand.u32 $0x70, s3;
	s4 =	sor.u32 s11, s4;
	[sflag:s25] =	ssyncset.done $0x0  }
0x198: {  	v8 =	vor.u32 s12, v54;
	s15 =	sor.u32 s3, s4;
	[sflag:s25] =	ssyncadd.s32 $0xFFFFE000  }
0x199: {  	v8 =	vand.u32 $0x6F, v8;
	v6 =	vor.u32 s2, v54;
	v4 =	vmov s12;
	s7 =	sor.u32 $0x10, s2;
	v3 =	vld [tilespmem:s15+$0xD000]  }
0x19a: {  	v10 =	vand.u32 $0x4F, v6;
	v2 =	vmov s2;
	v1 =	vmov s7  }
0x19b: {  	v4 =	vshll.u32 v4, $0x3;
	v5 =	vor.u32 s7, v54;
	v1 =	vshll.u32 v1, $0x3;
	v0 =	vld.idx.msk [tilespmem:v0+s1+$0x0], $0xffff  }
0x19c: {  	v2 =	vshll.u32 v2, $0x3;
	v9 =	vand.u32 $0x5F, v5;
	v12 =	vand.u32 $0x400, v1  }
0x19d: {  	v14 =	vand.u32 $0x400, v4;
	v13 =	vand.u32 $0x400, v2;
	v1 =	vor.u32 v12, v9  }
0x19e: {  	s16 =	sand.u32 $0x40, s26;
	v4 =	vor.u32 v14, v8;
	v1 =	vor.u32 $0x1000, v1;
	v5 =	vmax.f32 v3, $0.0e+00  }
0x19f: {  	v6 =	vor.u32 v13, v10;
	v11 =	vor.u32 $0x1000, v4;
	s16 =	sor.u32 s16, s4;
	s23 =	sand.u32 $0x50, s7;
	v19 =	vmin.f32 v5, $1.000000000e+00  }
0x1a0: {  	s24 =	sand.u32 $0x60, s12;
	v4 =	vimm.s32 $0x0;
	v15 =	vor.u32 $0x1000, v6;
	s23 =	sor.u32 s23, s4;
	v44 =	vld [tilespmem:s16+$0xD000];
	vm0 =	vge.f32 v19, v0  }
0x1a1: {  	s24 =	sor.u32 s24, s4;
	v46 =	vld [tilespmem:s23+$0xD000];
	v0 =	vsel vm0, $0x10, v4  }
0x1a2: {  	v49 =	vld [tilespmem:s24+$0xD000];
	v20 =	vor.u32 $0x8, v0  }
0x1a3: {  	v1 =	vld.idx.msk [tilespmem:v1+s1+$0x0], $0xffff;
	v16 =	vshll.u32 v20, $0x8  }
0x1a4: {  	v11 =	vld.idx.msk [tilespmem:v11+s1+$0x0], $0xffff;
	v16 =	vor.u32 v18, v16  }
0x1a5: {  	v21 =	vld.idx.msk [tilespmem:v15+s1+$0x0], $0xffff;
	v22 =	vor.u32 v7, v16  }
0x1a6: {  	v15 =	vmax.f32 v46, $0.0e+00  }
0x1a7: {  	v17 =	vmin.f32 v15, $1.000000000e+00;
	v15 =	vmax.f32 v49, $0.0e+00  }
0x1a8: {  	v23 =	vmax.f32 v44, $0.0e+00;
	vm0 =	vge.f32 v17, v1;
	v16 =	vmin.f32 v15, $1.000000000e+00  }
0x1a9: {  	v15 =	vmin.f32 v23, $1.000000000e+00;
	v1 =	vsel vm0, $0x10, v4;
	vm0 =	vge.f32 v16, v11  }
0x1aa: {  	vm1 =	vge.f32 v15, v21;
	v11 =	vor.u32 $0x8, v1;
	v21 =	vsel vm0, $0x10, v4;
	v22 =	vld.idx.msk [tilespmem:v22+s1+$0x0], $0xffff  }
0x1ab: {  	v23 =	vsel vm1, $0x10, v4;
	v24 =	vshll.u32 v11, $0x8;
	v25 =	vor.u32 $0x8, v21  }
0x1ac: {  	v26 =	vor.u32 $0x8, v23;
	v24 =	vor.u32 v12, v24;
	v27 =	vshll.u32 v25, $0x8  }
0x1ad: {  	v28 =	vshll.u32 v26, $0x8;
	v24 =	vor.u32 v9, v24;
	v27 =	vor.u32 v14, v27  }
0x1ae: {  	v28 =	vor.u32 v13, v28;
	v27 =	vor.u32 v8, v27  }
0x1af: {  	v28 =	vor.u32 v10, v28;
	vm0 =	vge.f32 v19, v22  }
0x1b0: {  	v0 =	vsel vm0, v20, v0  }
0x1b1: {  	v20 =	vshll.u32 v0, $0x8  }
0x1b2: {  	v22 =	vld.idx.msk [tilespmem:v24+s1+$0x0], $0xffff;
	v20 =	vor.u32 v18, v20  }
0x1b3: {  	v24 =	vld.idx.msk [tilespmem:v27+s1+$0x0], $0xffff;
	v20 =	vor.u32 v7, v20  }
0x1b4: {  	v27 =	vld.idx.msk [tilespmem:v28+s1+$0x0], $0xffff;
	v20 =	vor.u32 $0x200, v20;
	_ =	sdelay $0x2  }
0x1b5: {  	vm0 =	vge.f32 v17, v22  }
0x1b6: {  	v1 =	vsel vm0, v11, v1;
	vm0 =	vge.f32 v16, v24  }
0x1b7: {  	vm1 =	vge.f32 v15, v27;
	v21 =	vsel vm0, v25, v21;
	v11 =	vld.idx.msk [tilespmem:v20+s1+$0x0], $0xffff  }
0x1b8: {  	v22 =	vsel vm1, v26, v23;
	v23 =	vshll.u32 v21, $0x8  }
0x1b9: {  	v24 =	vshll.u32 v22, $0x8;
	v23 =	vor.u32 v14, v23;
	v20 =	vshll.u32 v1, $0x8  }
0x1ba: {  	v2 =	vor.u32 v2, v24;
	v23 =	vor.u32 v8, v23;
	v20 =	vor.u32 v12, v20  }
0x1bb: {  	v24 =	vor.u32 $0x4, v0;
	v23 =	vor.u32 $0x200, v23;
	v20 =	vor.u32 v9, v20  }
0x1bc: {  	v2 =	vor.u32 v2, v10;
	v20 =	vor.u32 $0x200, v20;
	vm0 =	vge.f32 v19, v11  }
0x1bd: {  	v2 =	vor.u32 $0x200, v2;
	v0 =	vsel vm0, v24, v0  }
0x1be: {  	v11 =	vor.u32 $0x2, v0  }
0x1bf: {  	v24 =	vshll.u32 v0, $0x8;
	v25 =	vshll.u32 v11, $0x7  }
0x1c0: {  	v23 =	vld.idx.msk [tilespmem:v23+s1+$0x0], $0xffff;
	v24 =	vand.u32 $0x7FFFF800, v24;
	v25 =	vand.u32 $0x380, v25  }
0x1c1: {  	v20 =	vld.idx.msk [tilespmem:v20+s1+$0x0], $0xffff;
	v24 =	vor.u32 v25, v24  }
0x1c2: {  	v2 =	vld.idx.msk [tilespmem:v2+s1+$0x0], $0xffff;
	v24 =	vor.u32 v18, v24  }
0x1c3: {  	v24 =	vor.u32 v7, v24;
	_ =	sdelay $0x1  }
0x1c4: {  	v26 =	vor.u32 $0x4, v22  }
0x1c5: {  	v27 =	vor.u32 $0x4, v21;
	v25 =	vor.u32 $0x4, v1;
	vm0 =	vge.f32 v17, v20  }
0x1c6: {  	vm1 =	vge.f32 v15, v2;
	v1 =	vsel vm0, v25, v1;
	vm0 =	vge.f32 v16, v23  }
0x1c7: {  	v2 =	vor.u32 $0x2, v1;
	v20 =	vsel vm0, v27, v21;
	v21 =	vsel vm1, v26, v22;
	v22 =	vld.idx.msk [tilespmem:v24+s1+$0x0], $0xffff  }
0x1c8: {  	v26 =	vshll.u32 v1, $0x8;
	v23 =	vshll.u32 v2, $0x7;
	v25 =	vor.u32 $0x2, v21  }
0x1c9: {  	v29 =	vshll.u32 v21, $0x8;
	v30 =	vshll.u32 v20, $0x8;
	v26 =	vand.u32 $0x7FFFF800, v26  }
0x1ca: {  	v24 =	vor.u32 $0x2, v20;
	v28 =	vshll.u32 v25, $0x7;
	v23 =	vand.u32 $0x380, v23  }
0x1cb: {  	v29 =	vand.u32 $0x7FFFF800, v29;
	v30 =	vand.u32 $0x7FFFF800, v30;
	v27 =	vshll.u32 v24, $0x7  }
0x1cc: {  	v28 =	vand.u32 $0x380, v28;
	v23 =	vor.u32 v23, v26;
	vm0 =	vge.f32 v19, v22  }
0x1cd: {  	v27 =	vand.u32 $0x380, v27;
	v23 =	vor.u32 v12, v23;
	v0 =	vsel vm0, v11, v0  }
0x1ce: {  	v23 =	vor.u32 v9, v23;
	v22 =	vor.u32 v28, v29;
	v26 =	vadd.s32 $0x1, v0  }
0x1cf: {  	v11 =	vor.u32 v27, v30;
	v27 =	vshll.u32 v26, $0x8;
	v28 =	vshll.u32 v26, $0x7  }
0x1d0: {  	v22 =	vor.u32 v13, v22;
	v27 =	vand.u32 $0x7FFFF800, v27;
	v28 =	vand.u32 $0x380, v28  }
0x1d1: {  	v11 =	vor.u32 v14, v11;
	v22 =	vor.u32 v10, v22;
	v27 =	vor.u32 v27, v28  }
0x1d2: {  	v11 =	vor.u32 v8, v11;
	v27 =	vor.u32 v18, v27  }
0x1d3: {  	v27 =	vor.u32 v7, v27  }
0x1d4: {  	v23 =	vld.idx.msk [tilespmem:v23+s1+$0x0], $0xffff;
	_ =	sdelay $0x1  }
0x1d5: {  	v22 =	vld.idx.msk [tilespmem:v22+s1+$0x0], $0xffff  }
0x1d6: {  	v11 =	vld.idx.msk [tilespmem:v11+s1+$0x0], $0xffff  }
0x1d7: {  	v27 =	vld.idx.msk [tilespmem:v27+s1+$0x0], $0xffff  }
0x1d8: {  	vm0 =	vge.f32 v17, v23  }
0x1d9: {  	v1 =	vsel vm0, v2, v1  }
0x1da: {  	v2 =	vadd.s32 $0x1, v1;
	vm1 =	vge.f32 v15, v22  }
0x1db: {  	v22 =	vshll.u32 v2, $0x8;
	vm0 =	vge.f32 v16, v11;
	v21 =	vsel vm1, v25, v21  }
0x1dc: {  	v22 =	vand.u32 $0x7FFFF800, v22;
	v20 =	vsel vm0, v24, v20;
	vm0 =	vge.f32 v19, v27  }
0x1dd: {  	v24 =	vadd.s32 $0x1, v21;
	v23 =	vadd.s32 $0x1, v20;
	v0 =	vsel vm0, v26, v0  }
0x1de: {  	v28 =	vshll.u32 v24, $0x8;
	v26 =	vshll.u32 v2, $0x7;
	v11 =	vshll.u32 v0, $0x8  }
0x1df: {  	v25 =	vshll.u32 v0, $0x7;
	v0 =	vadd.s32 $0x1, v0;
	v26 =	vand.u32 $0x380, v26  }
0x1e0: {  	v11 =	vand.u32 $0x7FFFF800, v11;
	v25 =	vand.u32 $0x380, v25;
	v22 =	vor.u32 v22, v26  }
0x1e1: {  	v29 =	vshll.u32 v0, $0x8;
	v11 =	vor.u32 v11, v25;
	v22 =	vor.u32 v12, v22  }
0x1e2: {  	v0 =	vshll.u32 v0, $0x7;
	v11 =	vor.u32 v18, v11;
	v22 =	vor.u32 v9, v22  }
0x1e3: {  	v29 =	vand.u32 $0x7FFFF800, v29;
	v0 =	vand.u32 $0x380, v0;
	v11 =	vor.u32 v7, v11  }
0x1e4: {  	v28 =	vand.u32 $0x7FFFF800, v28;
	v25 =	vshll.u32 v24, $0x7;
	v0 =	vor.u32 v29, v0  }
0x1e5: {  	v27 =	vshll.u32 v23, $0x8;
	v0 =	vor.u32 v18, v0;
	v18 =	vand.u32 $0x380, v25  }
0x1e6: {  	v30 =	vshll.u32 v23, $0x7;
	v27 =	vand.u32 $0x7FFFF800, v27;
	v18 =	vor.u32 v28, v18  }
0x1e7: {  	v0 =	vor.u32 v7, v0;
	v7 =	vand.u32 $0x380, v30;
	v18 =	vor.u32 v13, v18;
	v22 =	vld.idx.msk [tilespmem:v22+s1+$0x0], $0xffff  }
0x1e8: {  	v7 =	vor.u32 v27, v7;
	v18 =	vor.u32 v10, v18;
	v26 =	vld.idx.msk [tilespmem:v11+s1+$0x0], $0xffff  }
0x1e9: {  	v7 =	vor.u32 v14, v7;
	v27 =	vld.idx.msk [tilespmem:v11+s17+$0x0], $0xffff  }
0x1ea: {  	v28 =	vor.u32 v8, v7;
	v7 =	vld.idx.msk [tilespmem:v11+s19+$0x0], $0xffff  }
0x1eb: {  	v25 =	vld.idx.msk [tilespmem:v11+s20+$0x0], $0xffff  }
0x1ec: {  	v0 =	vld.idx.msk [tilespmem:v0+s20+$0x0], $0xffff  }
0x1ed: {  	vm2 =	vlt.f32 v46, $0.0e+00;
	vm3 =	vgt.f32 v46, $1.000000000e+00;
	v18 =	vld.idx.msk [tilespmem:v18+s1+$0x0], $0xffff  }
0x1ee: {  	vm4 =	vlt.f32 v49, $0.0e+00;
	vm5 =	vgt.f32 v49, $1.000000000e+00;
	vm1 =	vgt.f32 v44, $1.000000000e+00  }
0x1ef: {  	vm0 =	vlt.f32 v44, $0.0e+00;
	v19 =	vsub.f32 v19, v26;
	v26 =	vld.idx.msk [tilespmem:v28+s1+$0x0], $0xffff;
	v28 =	vmul.f32 v7, v27  }
0x1f0: {  	vm0 =	vmor vm0, vm1;
	vm1 =	vmor vm2, vm3;
	vm2 =	vge.f32 v17, v22  }
0x1f1: {  	v19 =	vmul.f32 v27, v19;
	v27 =	vadd.f32 v0, v25;
	v30 =	vadd.f32 v28, v28  }
0x1f2: {  	vm3 =	vmor vm4, vm5;
	v1 =	vsel vm2, v2, v1;
	vm4 =	vge.f32 v15, v18  }
0x1f3: {  	v29 =	vsub.f32 $1.000000000e+00, v19;
	v22 =	vsub.f32 v27, v30;
	v2 =	vsel vm4, v24, v21  }
0x1f4: {  	v21 =	vshll.u32 v1, $0x8;
	vm2 =	vge.f32 v16, v26;
	v26 =	vshll.u32 v2, $0x8  }
0x1f5: {  	v27 =	vshll.u32 v2, $0x7;
	v21 =	vand.u32 $0x7FFFF800, v21;
	v2 =	vadd.s32 $0x1, v2  }
0x1f6: {  	v18 =	vmul.f32 v29, v19;
	v20 =	vsel vm2, v23, v20;
	v23 =	vshll.u32 v1, $0x7  }
0x1f7: {  	v26 =	vand.u32 $0x7FFFF800, v26;
	v27 =	vand.u32 $0x380, v27;
	v19 =	vmul.f32 v19, v19  }
0x1f8: {  	v1 =	vadd.s32 $0x1, v1;
	v24 =	vshll.u32 v20, $0x8;
	v31 =	vshll.u32 v20, $0x7  }
0x1f9: {  	v23 =	vand.u32 $0x380, v23;
	v20 =	vadd.s32 $0x1, v20;
	v22 =	vmul.f32 v22, v18  }
0x1fa: {  	v24 =	vand.u32 $0x7FFFF800, v24;
	v31 =	vand.u32 $0x380, v31;
	v21 =	vor.u32 v21, v23  }
0x1fb: {  	v23 =	vor.u32 v26, v27;
	v0 =	vmul.f32 v0, v19;
	v26 =	vmul.f32 v30, v18  }
0x1fc: {  	v27 =	vmul.f32 v25, v29;
	v24 =	vor.u32 v24, v31;
	v22 =	vadd.f32 v22, v28  }
0x1fd: {  	v21 =	vor.u32 v12, v21;
	v23 =	vor.u32 v13, v23;
	v24 =	vor.u32 v14, v24  }
0x1fe: {  	v60 =	vor.u32 v9, v21;
	v0 =	vadd.f32 v26, v0;
	v59 =	vmul.f32 v22, v22  }
0x1ff: {  	v21 =	vmul.f32 v27, v29;
	v27 =	vor.u32 v10, v23;
	v23 =	vshll.u32 v1, $0x8  }
0x200: {  	v1 =	vshll.u32 v1, $0x7;
	v26 =	vmul.f32 v28, v28;
	(erf) = vrcp.f32 v59  }
0x201: {  	v29 =	vshll.u32 v2, $0x8;
	v2 =	vshll.u32 v2, $0x7;
	v24 =	vor.u32 v8, v24  }
0x202: {  	v23 =	vand.u32 $0x7FFFF800, v23;
	v1 =	vand.u32 $0x380, v1;
	v0 =	vadd.f32 v0, v21  }
0x203: {  	v29 =	vand.u32 $0x7FFFF800, v29;
	v21 =	vshll.u32 v20, $0x8;
	v20 =	vshll.u32 v20, $0x7  }
0x204: {  	v21 =	vand.u32 $0x7FFFF800, v21;
	v20 =	vand.u32 $0x380, v20;
	v0 =	vmul.f32 v0, v26;
	v26 =	vld.idx.msk [tilespmem:v60+s1+$0x0], $0xffff  }
0x205: {  	v2 =	vand.u32 $0x380, v2;
	v1 =	vor.u32 v23, v1;
	v20 =	vor.u32 v21, v20;
	v21 =	vld.idx.msk [tilespmem:v60+s17+$0x0], $0xffff  }
0x206: {  	v2 =	vor.u32 v29, v2;
	v1 =	vor.u32 v12, v1;
	v12 =	vld.idx.msk [tilespmem:v60+s19+$0x0], $0xffff  }
0x207: {  	v2 =	vor.u32 v13, v2;
	v1 =	vor.u32 v9, v1;
	v37 =	vld.idx.msk [tilespmem:v60+s20+$0x0], $0xffff  }
0x208: {  	v2 =	vor.u32 v10, v2;
	v40 =	vld.idx.msk [tilespmem:v27+s20+$0x0], $0xffff  }
0x209: {  	v31 =	vld.idx.msk [tilespmem:v24+s1+$0x0], $0xffff;
	v30 =	vpop (erf)  }
0x20a: {  	v14 =	vor.u32 v14, v20;
	v13 =	vld.idx.msk [tilespmem:v24+s17+$0x0], $0xffff;
	v32 =	vmul.f32 v30, v0  }
0x20b: {  	v14 =	vor.u32 v8, v14;
	v8 =	vld.idx.msk [tilespmem:v24+s19+$0x0], $0xffff  }
0x20c: {  	v1 =	vld.idx.msk [tilespmem:v1+s20+$0x0], $0xffff;
	v20 =	vand.u32 $0x7FFFFF, v32  }
0x20d: {  	v18 =	vmul.f32 v18, v25;
	v2 =	vld.idx.msk [tilespmem:v2+s20+$0x0], $0xffff;
	v9 =	vor.u32 $0x3F800000, v20  }
0x20e: {  	vm0 =	vmmov vm0;
	v19 =	vmul.f32 v28, v19;
	v35 =	vld.idx.msk [tilespmem:v24+s20+$0x0], $0xffff;
	v10 =	vmul.f32 $5.000000000e-01, v9  }
0x20f: {  	(erf) = vrcp.f32 v22;
	v17 =	vsub.f32 v17, v26;
	v0 =	vld.idx.msk [tilespmem:v27+s1+$0x0], $0xffff;
	vm5 =	vgt.f32 v9, $1.414213540e+00  }
0x210: {  	v28 =	vmul.f32 v12, v21;
	v16 =	vsub.f32 v16, v31;
	v14 =	vld.idx.msk [tilespmem:v14+s20+$0x0], $0xffff;
	v10 =	vsel vm5, v10, v9  }
0x211: {  	v29 =	vmul.f32 v8, v13;
	v17 =	vmul.f32 v21, v17;
	v20 =	vld.idx.msk [tilespmem:v27+s17+$0x0], $0xffff;
	v22 =	vadd.f32 $-1.000000000e+00, v10  }
0x212: {  	v16 =	vmul.f32 v13, v16;
	v13 =	vadd.f32 v1, v37;
	v61 =	vadd.f32 v2, v40  }
0x213: {  	v31 =	vmul.f32 v17, v17;
	v10 =	vadd.f32 v18, v19;
	v18 =	vadd.f32 $2.000000000e+00, v22  }
0x214: {  	v21 =	vsub.f32 $1.000000000e+00, v16;
	v34 =	vmul.f32 v16, v16;
	v0 =	vsub.f32 v15, v0;
	v9 =	vld.idx.msk [tilespmem:v27+s19+$0x0], $0xffff  }
0x215: {  	v1 =	vmul.f32 v1, v31;
	v25 =	vadd.f32 v14, v35;
	(erf) = vrcp.f32 v18  }
0x216: {  	v41 =	vmul.f32 v21, v16;
	v15 =	vsub.f32 $1.000000000e+00, v17;
	v0 =	vmul.f32 v20, v0  }
0x217: {  	v14 =	vmul.f32 v14, v34;
	v39 =	vmul.f32 v35, v21;
	v19 =	vadd.f32 v28, v28  }
0x218: {  	v43 =	vmul.f32 v15, v17;
	v26 =	vmul.f32 v37, v15;
	v23 =	vsub.f32 $1.000000000e+00, v0  }
0x219: {  	v17 =	vadd.f32 v29, v29;
	v33 =	vmul.f32 v0, v0;
	v30 =	vmul.f32 v9, v20  }
0x21a: {  	v18 =	vmul.f32 v19, v43;
	v19 =	vsub.f32 v13, v19;
	v45 =	vmul.f32 v23, v0  }
0x21b: {  	v0 =	vmul.f32 v17, v41;
	v17 =	vsub.f32 v25, v17;
	v16 =	vadd.f32 v30, v30  }
0x21c: {  	v2 =	vmul.f32 v2, v33;
	v19 =	vmul.f32 v19, v43;
	v1 =	vadd.f32 v18, v1  }
0x21d: {  	v13 =	vpop (erf);
	v62 =	vmul.f32 v17, v41;
	v20 =	vmul.f32 v16, v45;
	v16 =	vsub.f32 v61, v16  }
0x21e: {  	v42 =	vmul.f32 v40, v23;
	v0 =	vadd.f32 v0, v14;
	v25 =	vadd.f32 v19, v28;
	v18 =	vpop (erf)  }
0x21f: {  	v48 =	vadd.f32 v62, v29;
	v14 =	vmul.f32 v16, v45;
	v17 =	vmul.f32 v18, v22  }
0x220: {  	v20 =	vadd.f32 v20, v2;
	v2 =	vmul.f32 v26, v15;
	v15 =	vmul.f32 v25, v25  }
0x221: {  	v16 =	vmul.f32 v39, v21;
	v47 =	vadd.f32 v14, v30;
	v18 =	vmul.f32 v17, v17  }
0x222: {  	v21 =	vadd.f32 v1, v2;
	v1 =	vmul.f32 v48, v48;
	(erf) = vrcp.f32 v15  }
0x223: {  	vm1 =	vmmov vm1;
	v14 =	vld.idx.msk [tilespmem:v60+s18+$0x0], $0xffff;
	v63 =	vmul.f32 v47, v47;
	v2 =	vmul.f32 $2.857142980e-01, v18  }
0x224: {  	v23 =	vmul.f32 v42, v23;
	v26 =	vadd.f32 v0, v16;
	v16 =	vld.idx.msk [tilespmem:v24+s18+$0x0], $0xffff;
	(erf) = vrcp.f32 v1  }
0x225: {  	s2 =	simm.s32 $0x0;
	v15 =	vld.idx.msk [tilespmem:v27+s18+$0x0], $0xffff;
	v22 =	vmul.f32 v28, v28;
	(erf) = vrcp.f32 v63;
	v19 =	vadd.f32 $4.000000060e-01, v2  }
.LBB2_4:
0x226: {  	v1 =	vmul.f32 v29, v29  }
0x227: {  	v27 =	vmul.f32 v30, v30;
	vm4 =	vmmov vm3;
	vm2 =	vlt.f32 v3, $0.0e+00  }
0x228: {  	vm3 =	vgt.f32 v3, $1.000000000e+00;
	v4 =	vimm.s32 $0x0;
	v35 =	vmul.f32 v41, v35  }
0x229: {  	s26 =	sadd.s32 $0x40, s26;
	v34 =	vmul.f32 v29, v34;
	v41 =	vmul.f32 v30, v33;
	v0 =	vadd.f32 v20, v23  }
0x22a: {  	v2 =	vmul.f32 v19, v18;
	s7 =	sand.u32 $0xC0, s26;
	v63 =	vmul.f32 v21, v22;
	v20 =	vshrl.u32 v32, $0x17  }
0x22b: {  	vm2 =	vmor vm2, vm3;
	v19 =	vmov s7;
	v20 =	vadd.s32 $0xFFFFFF81, v20  }
0x22c: {  	s6 =	sor.u32 $0x30, s7;
	v24 =	vor.u32 s7, v54;
	v1 =	vmul.f32 v26, v1;
	v2 =	vadd.f32 $6.666666860e-01, v2  }
0x22d: {  	s28 =	sadd.s32 $0x200, s28;
	s4 =	sor.u32 $0x10, s7;
	v21 =	vmov s6;
	v22 =	vor.u32 s6, v54;
	v20 =	vcvt.s32.f32 v20  }
0x22e: {  	[tilespmem:$0x1FFB0] =	vst v49;
	s2 =	sadd.s32 $0x20, s2;
	s11 =	sand.u32 $0x1800, s26;
	s12 =	sand.u32 $0x400, s28;
	v49 =	vshll.u32 v19, $0x3;
	v19 =	vor.u32 s4, v54;
	v24 =	vand.u32 $0x4F, v24  }
0x22f: {  	s11 =	sor.u32 s11, s12;
	s12 =	sand.u32 $0x380, s2;
	v0 =	vmul.f32 v0, v27;
	v21 =	vshll.u32 v21, $0x3;
	v36 =	vand.u32 $0x7F, v22  }
0x230: {  	s8 =	sor.u32 $0x20, s7;
	s9 =	sand.u32 $0x50, s4;
	s11 =	sor.u32 s12, s11;
	v2 =	vmul.f32 v2, v18;
	v39 =	vand.u32 $0x400, v21;
	v18 =	vsel vm5, $0x3F800000, v57  }
0x231: {  	s10 =	sand.u32 $0x60, s8;
	v22 =	vmov s8;
	s9 =	sor.u32 s9, s11;
	v21 =	vor.u32 v39, v36;
	v18 =	vadd.f32 v20, v18  }
0x232: {  	s12 =	sor.u32 s10, s11;
	v38 =	vld [tilespmem:s9+$0xD000];
	v20 =	vmov s4;
	v2 =	vadd.f32 $2.000000000e+00, v2;
	v23 =	vor.u32 $0x1000, v21  }
0x233: {  	v32 =	vld [tilespmem:s12+$0xD000];
	v50 =	vpop (erf);
	v20 =	vshll.u32 v20, $0x3;
	v21 =	vshll.u32 v22, $0x3;
	v22 =	vand.u32 $0x5F, v19  }
0x234: {  	s6 =	sand.u32 $0x70, s6;
	v51 =	vpop (erf);
	v50 =	vmul.f32 v50, v63;
	v18 =	vmul.f32 $6.931471820e-01, v18;
	v20 =	vand.u32 $0x400, v20  }
0x235: {  	s4 =	sor.u32 s6, s11;
	v52 =	vpop (erf);
	v21 =	vand.u32 $0x400, v21;
	v1 =	vmul.f32 v51, v1;
	v2 =	vmul.f32 v2, v17  }
0x236: {  	(erf) = vrcp.f32 v25;
	v17 =	vld [tilespmem:s4+$0xD000];
	v0 =	vmul.f32 v52, v0;
	v60 =	vand.u32 $0x7FFFFF, v50  }
0x237: {  	v26 =	vmax.f32 v38, $0.0e+00;
	v2 =	vadd.f32 v2, v18;
	v18 =	vor.u32 s8, v54  }
0x238: {  	v27 =	vmax.f32 v32, $0.0e+00;
	v26 =	vmin.f32 v26, $1.000000000e+00;
	v53 =	vld.idx.msk [tilespmem:v23+s1+$0x0], $0xffff;
	v19 =	vand.u32 $0x6F, v18  }
0x239: {  	v42 =	vld.idx.msk [tilespmem:v11+s18+$0x0], $0xffff;
	v61 =	vand.u32 $0x7FFFFF, v0;
	v2 =	vsel vm2, $0x0, v2;
	v11 =	vor.u32 v21, v19  }
0x23a: {  	v23 =	vand.u32 $0x400, v49;
	[tilespmem:s15+$0x15000] =	vst v2;
	v2 =	vor.u32 v20, v22;
	v11 =	vor.u32 $0x1000, v11  }
0x23b: {  	v56 =	vor.u32 v23, v24;
	v58 =	vmax.f32 v17, $0.0e+00;
	v2 =	vor.u32 $0x1000, v2  }
0x23c: {  	[tilespmem:$0x1FFC0] =	vst v44;
	s3 =	sand.u32 $0x40, s26;
	v0 =	vshrl.u32 v0, $0x17;
	v57 =	vor.u32 $0x1000, v56;
	v44 =	vmin.f32 v58, $1.000000000e+00  }
0x23d: {  	s3 =	sor.u32 s3, s11;
	v27 =	vmin.f32 v27, $1.000000000e+00;
	v0 =	vadd.s32 $0xFFFFFF81, v0;
	vm3 =	vge.f32 v44, v53  }
0x23e: {  	v54 =	vor.u32 $0x3F800000, v60;
	v18 =	vld [tilespmem:s3+$0xD000];
	v0 =	vcvt.s32.f32 v0;
	v51 =	vsel vm3, $0x10, v4  }
0x23f: {  	v56 =	vand.u32 $0x7FFFFF, v1;
	v1 =	vshrl.u32 v1, $0x17;
	v52 =	vor.u32 $0x8, v51;
	v11 =	vld.idx.msk [tilespmem:v11+s1+$0x0], $0xffff  }
0x240: {  	v56 =	vor.u32 $0x3F800000, v56;
	v58 =	vmul.f32 $5.000000000e-01, v54;
	v2 =	vld.idx.msk [tilespmem:v2+s1+$0x0], $0xffff;
	v59 =	vshll.u32 v52, $0x8  }
0x241: {  	[tilespmem:$0x1FFA0] =	vst v46;
	v1 =	vadd.s32 $0xFFFFFF81, v1;
	vm5 =	vgt.f32 v56, $1.414213540e+00;
	v53 =	vld.idx.msk [tilespmem:v57+s1+$0x0], $0xffff;
	v46 =	vor.u32 v39, v59  }
0x242: {  	v1 =	vcvt.s32.f32 v1;
	vm3 =	vgt.f32 v54, $1.414213540e+00;
	v55 =	vor.u32 v36, v46  }
0x243: {  	v25 =	vmax.f32 v18, $0.0e+00;
	v54 =	vsel vm3, v58, v54;
	v59 =	vmul.f32 $5.000000000e-01, v56  }
0x244: {  	v25 =	vmin.f32 v25, $1.000000000e+00;
	v57 =	vor.u32 $0x3F800000, v61;
	v54 =	vadd.f32 $-1.000000000e+00, v54  }
0x245: {  	v56 =	vsel vm5, v59, v56;
	vm7 =	vge.f32 v27, v11;
	vm6 =	vge.f32 v26, v2  }
0x246: {  	vm8 =	vge.f32 v25, v53;
	v56 =	vadd.f32 $-1.000000000e+00, v56;
	v60 =	vsel vm6, $0x10, v4  }
0x247: {  	v2 =	vmul.f32 $5.000000000e-01, v57;
	v61 =	vsel vm7, $0x10, v4;
	v53 =	vor.u32 $0x8, v60;
	v11 =	vld.idx.msk [tilespmem:v55+s1+$0x0], $0xffff  }
0x248: {  	v63 =	vor.u32 $0x8, v61;
	v55 =	vsel vm8, $0x10, v4;
	v62 =	vshll.u32 v53, $0x8  }
0x249: {  	v5 =	vshll.u32 v63, $0x8;
	v4 =	vor.u32 $0x8, v55;
	v62 =	vor.u32 v20, v62  }
0x24a: {  	v5 =	vor.u32 v21, v5;
	v6 =	vshll.u32 v4, $0x8;
	v62 =	vor.u32 v22, v62  }
0x24b: {  	vm6 =	vgt.f32 v57, $1.414213540e+00;
	v5 =	vor.u32 v19, v5;
	v6 =	vor.u32 v23, v6  }
0x24c: {  	v2 =	vsel vm6, v2, v57;
	v6 =	vor.u32 v24, v6;
	vm7 =	vge.f32 v44, v11  }
0x24d: {  	v46 =	vpop (erf);
	(erf) = vrcp.f32 v48;
	v2 =	vadd.f32 $-1.000000000e+00, v2;
	v51 =	vsel vm7, v52, v51  }
0x24e: {  	(erf) = vrcp.f32 v47;
	v52 =	vadd.f32 $2.000000000e+00, v54;
	v11 =	vshll.u32 v51, $0x8  }
0x24f: {  	v57 =	vadd.f32 $2.000000000e+00, v56;
	v58 =	vadd.f32 $2.000000000e+00, v2;
	v48 =	vld.idx.msk [tilespmem:v62+s1+$0x0], $0xffff;
	v11 =	vor.u32 v39, v11  }
0x250: {  	v5 =	vld.idx.msk [tilespmem:v5+s1+$0x0], $0xffff;
	v62 =	vshrl.u32 v50, $0x17;
	(erf) = vrcp.f32 v52;
	v11 =	vor.u32 v36, v11  }
0x251: {  	v6 =	vld.idx.msk [tilespmem:v6+s1+$0x0], $0xffff;
	(erf) = vrcp.f32 v57;
	v52 =	vor.u32 $0x200, v11;
	v11 =	vmul.f32 v43, v37  }
0x252: {  	v37 =	vmul.f32 v45, v40;
	v43 =	vadd.s32 $0xFFFFFF81, v62;
	v40 =	vmul.f32 v28, v31  }
0x253: {  	(erf) = vrcp.f32 v58;
	v43 =	vcvt.s32.f32 v43  }
0x254: {  	v11 =	vadd.f32 v11, v40;
	v40 =	vadd.f32 v37, v41;
	vm7 =	vge.f32 v26, v48  }
0x255: {  	v41 =	vadd.f32 v35, v34;
	v45 =	vsel vm7, v53, v60;
	vm7 =	vge.f32 v27, v5  }
0x256: {  	vm13 =	vge.f32 v25, v6;
	v5 =	vshll.u32 v45, $0x8;
	v6 =	vsel vm7, v63, v61  }
0x257: {  	v30 =	vld.idx.msk [tilespmem:v52+s1+$0x0], $0xffff;
	v4 =	vsel vm13, v4, v55;
	v5 =	vor.u32 v20, v5;
	v53 =	vshll.u32 v6, $0x8  }
0x258: {  	v28 =	vpop (erf);
	v31 =	vshll.u32 v4, $0x8;
	v5 =	vor.u32 v22, v5;
	v55 =	vor.u32 v21, v53  }
0x259: {  	v29 =	vpop (erf);
	v60 =	vor.u32 v49, v31;
	v5 =	vor.u32 $0x200, v5;
	v33 =	vor.u32 v19, v55  }
0x25a: {  	v8 =	vmul.f32 v41, v8;
	v47 =	vpop (erf);
	v61 =	vor.u32 v60, v24;
	v62 =	vor.u32 $0x200, v33  }
0x25b: {  	v48 =	vor.u32 $0x4, v45;
	v52 =	vor.u32 $0x4, v4;
	v63 =	vpop (erf);
	v60 =	vor.u32 $0x200, v61  }
0x25c: {  	v31 =	vpop (erf);
	v61 =	vor.u32 $0x4, v51;
	v33 =	vmul.f32 v47, v54;
	vm7 =	vge.f32 v44, v30  }
0x25d: {  	v30 =	vmul.f32 v31, v2;
	v31 =	vmul.f32 v63, v56;
	v47 =	vsel vm7, v61, v51  }
0x25e: {  	v50 =	vmul.f32 v33, v33;
	v51 =	vshll.u32 v47, $0x8;
	v2 =	vld.idx.msk [tilespmem:v5+s1+$0x0], $0xffff;
	v5 =	vor.u32 $0x2, v47  }
0x25f: {  	v56 =	vmul.f32 v31, v31;
	v57 =	vmul.f32 v30, v30;
	v49 =	vld.idx.msk [tilespmem:v62+s1+$0x0], $0xffff;
	v62 =	vshll.u32 v5, $0x7  }
0x260: {  	v51 =	vand.u32 $0x7FFFF800, v51;
	v63 =	vmul.f32 $2.857142980e-01, v50;
	v53 =	vld.idx.msk [tilespmem:v60+s1+$0x0], $0xffff;
	v54 =	vand.u32 $0x380, v62  }
0x261: {  	v55 =	vor.u32 $0x4, v6;
	v60 =	vmul.f32 $2.857142980e-01, v56;
	v51 =	vor.u32 v54, v51  }
0x262: {  	v61 =	vmul.f32 $2.857142980e-01, v57;
	v54 =	vadd.f32 $4.000000060e-01, v63;
	v51 =	vor.u32 v39, v51  }
0x263: {  	v58 =	vadd.f32 $4.000000060e-01, v60;
	v51 =	vor.u32 v36, v51;
	vm7 =	vge.f32 v26, v2  }
0x264: {  	v2 =	vadd.f32 $4.000000060e-01, v61;
	v45 =	vsel vm7, v48, v45;
	vm7 =	vge.f32 v27, v49  }
0x265: {  	v48 =	vmul.f32 v54, v50;
	vm14 =	vge.f32 v25, v53;
	v49 =	vor.u32 $0x2, v45  }
0x266: {  	v6 =	vsel vm7, v55, v6;
	v4 =	vsel vm14, v52, v4;
	v55 =	vshll.u32 v45, $0x8  }
0x267: {  	v2 =	vmul.f32 v2, v57;
	v52 =	vshll.u32 v49, $0x7;
	v53 =	vor.u32 $0x2, v6  }
0x268: {  	v54 =	vor.u32 $0x2, v4;
	v60 =	vshll.u32 v4, $0x8;
	v62 =	vshll.u32 v6, $0x8  }
0x269: {  	v55 =	vand.u32 $0x7FFFF800, v55;
	v48 =	vadd.f32 $6.666666860e-01, v48;
	v59 =	vshll.u32 v53, $0x7  }
0x26a: {  	v61 =	vshll.u32 v54, $0x7;
	v52 =	vand.u32 $0x380, v52;
	v60 =	vand.u32 $0x7FFFF800, v60  }
0x26b: {  	v62 =	vand.u32 $0x7FFFF800, v62;
	v2 =	vadd.f32 $6.666666860e-01, v2;
	v51 =	vld.idx.msk [tilespmem:v51+s1+$0x0], $0xffff;
	v61 =	vand.u32 $0x380, v61  }
0x26c: {  	v59 =	vand.u32 $0x380, v59;
	v52 =	vor.u32 v52, v55;
	v48 =	vmul.f32 v48, v50  }
0x26d: {  	v60 =	vor.u32 v61, v60;
	v62 =	vor.u32 v59, v62;
	v52 =	vor.u32 v20, v52  }
0x26e: {  	v2 =	vmul.f32 v2, v57;
	v55 =	vor.u32 v21, v62;
	v52 =	vor.u32 v22, v52  }
0x26f: {  	v57 =	vimm.f32 $0.0e+00;
	v63 =	vor.u32 v23, v60;
	v55 =	vor.u32 v19, v55  }
0x270: {  	v61 =	vsel vm3, $0x3F800000, v57;
	v62 =	vsel vm6, $0x3F800000, v57;
	vm7 =	vge.f32 v44, v51  }
0x271: {  	v2 =	vadd.f32 $2.000000000e+00, v2;
	v51 =	vor.u32 v24, v63;
	v5 =	vsel vm7, v5, v47  }
0x272: {  	v0 =	vadd.f32 v0, v62;
	v47 =	vmul.f32 v58, v56;
	v58 =	vadd.s32 $0x1, v5  }
0x273: {  	v63 =	vsel vm5, $0x3F800000, v57;
	v52 =	vld.idx.msk [tilespmem:v52+s1+$0x0], $0xffff;
	v59 =	vshll.u32 v58, $0x8;
	v60 =	vshll.u32 v58, $0x7  }
0x274: {  	v2 =	vmul.f32 v2, v30;
	v50 =	vld.idx.msk [tilespmem:v55+s1+$0x0], $0xffff;
	v59 =	vand.u32 $0x7FFFF800, v59;
	v60 =	vand.u32 $0x380, v60  }
0x275: {  	v0 =	vmul.f32 $6.931471820e-01, v0;
	v47 =	vadd.f32 $6.666666860e-01, v47;
	v59 =	vor.u32 v59, v60  }
0x276: {  	v43 =	vadd.f32 v43, v61;
	v1 =	vadd.f32 v1, v63;
	v51 =	vld.idx.msk [tilespmem:v51+s1+$0x0], $0xffff;
	v60 =	vor.u32 v39, v59  }
0x277: {  	v0 =	vadd.f32 v2, v0;
	v47 =	vmul.f32 v47, v56;
	v55 =	vor.u32 v36, v60  }
0x278: {  	v1 =	vmul.f32 $6.931471820e-01, v1;
	v56 =	vmul.f32 v11, v12;
	vm3 =	vge.f32 v26, v52  }
0x279: {  	v47 =	vadd.f32 $2.000000000e+00, v47;
	v37 =	vsel vm3, v49, v45;
	vm3 =	vge.f32 v27, v50  }
0x27a: {  	v56 =	vmul.f32 v46, v56;
	v45 =	vadd.s32 $0x1, v37;
	v12 =	vsel vm3, v53, v6  }
0x27b: {  	v30 =	vmul.f32 v47, v31;
	vm5 =	vge.f32 v25, v51;
	v35 =	vadd.s32 $0x1, v12  }
0x27c: {  	v59 =	vshll.u32 v45, $0x7;
	v34 =	vsel vm5, v54, v4;
	v4 =	vshll.u32 v45, $0x8;
	v11 =	vld.idx.msk [tilespmem:v55+s1+$0x0], $0xffff  }
0x27d: {  	v60 =	vshll.u32 v35, $0x8;
	v63 =	vshll.u32 v35, $0x7;
	v49 =	vand.u32 $0x380, v59  }
0x27e: {  	v1 =	vadd.f32 v30, v1;
	v6 =	vadd.s32 $0x1, v34;
	v4 =	vand.u32 $0x7FFFF800, v4  }
0x27f: {  	v50 =	vand.u32 $0x7FFFF800, v60;
	v53 =	vand.u32 $0x380, v63;
	v4 =	vor.u32 v4, v49  }
0x280: {  	v61 =	vshll.u32 v6, $0x8;
	v62 =	vshll.u32 v6, $0x7;
	v4 =	vor.u32 v20, v4  }
0x281: {  	v51 =	vand.u32 $0x7FFFF800, v61;
	v4 =	vor.u32 v22, v4;
	vm3 =	vge.f32 v44, v11  }
0x282: {  	v11 =	vand.u32 $0x380, v62;
	v5 =	vsel vm3, v58, v5;
	v58 =	vor.u32 v50, v53  }
0x283: {  	v11 =	vor.u32 v51, v11;
	v59 =	vshll.u32 v5, $0x8;
	v60 =	vshll.u32 v5, $0x7  }
0x284: {  	v30 =	vld [tilespmem:$0x1FFA0];
	v49 =	vor.u32 v21, v58;
	v50 =	vand.u32 $0x7FFFF800, v59;
	v61 =	vand.u32 $0x380, v60  }
0x285: {  	v62 =	vor.u32 v23, v11;
	v5 =	vadd.s32 $0x1, v5;
	v50 =	vor.u32 v50, v61  }
0x286: {  	v63 =	vshll.u32 v5, $0x8;
	v49 =	vor.u32 v19, v49;
	v11 =	vor.u32 v39, v50  }
0x287: {  	v5 =	vshll.u32 v5, $0x7;
	v2 =	vld.idx.msk [tilespmem:v4+s1+$0x0], $0xffff;
	v4 =	vadd.f32 v56, v14;
	v11 =	vor.u32 v36, v11  }
0x288: {  	v5 =	vand.u32 $0x380, v5;
	v50 =	vand.u32 $0x7FFFF800, v63  }
0x289: {  	v8 =	vmul.f32 v28, v8;
	v4 =	vsel vm1, v30, v4;
	v5 =	vor.u32 v50, v5  }
0x28a: {  	[tilespmem:s23+$0x11000] =	vst v4;
	v4 =	vld [tilespmem:$0x1FFB0];
	v5 =	vor.u32 v39, v5  }
0x28b: {  	v10 =	vmul.f32 v10, v7;
	v8 =	vadd.f32 v8, v16;
	v5 =	vor.u32 v36, v5;
	v16 =	vld.idx.msk [tilespmem:v49+s1+$0x0], $0xffff  }
0x28c: {  	v48 =	vadd.f32 $2.000000000e+00, v48;
	v52 =	vmul.f32 v40, v9;
	v51 =	vor.u32 v24, v62;
	v9 =	vld.idx.msk [tilespmem:v11+s20+$0x0], $0xffff  }
0x28d: {  	v31 =	vld.idx.msk [tilespmem:v11+s1+$0x0], $0xffff  }
0x28e: {  	v10 =	vmul.f32 v13, v10;
	v33 =	vmul.f32 v48, v33;
	v55 =	vld.idx.msk [tilespmem:v11+s17+$0x0], $0xffff  }
0x28f: {  	v13 =	vmul.f32 v29, v52;
	v53 =	vmul.f32 $6.931471820e-01, v43;
	v7 =	vld.idx.msk [tilespmem:v11+s19+$0x0], $0xffff  }
0x290: {  	vm9 =	vlt.f32 v32, $0.0e+00;
	v0 =	vsel vm0, $0x0, v0;
	vm5 =	vgt.f32 v18, $1.000000000e+00;
	v5 =	vld.idx.msk [tilespmem:v5+s20+$0x0], $0xffff  }
0x291: {  	v13 =	vadd.f32 v13, v15;
	vm3 =	vlt.f32 v18, $0.0e+00;
	v33 =	vadd.f32 v33, v53;
	v15 =	vld.idx.msk [tilespmem:v51+s1+$0x0], $0xffff  }
0x292: {  	v1 =	vsel vm4, $0x0, v1;
	vm7 =	vmor vm3, vm5;
	v28 =	vsub.f32 v44, v31  }
0x293: {  	vm3 =	vgt.f32 v32, $1.000000000e+00;
	v29 =	vsel vm1, $0x0, v33;
	vm1 =	vge.f32 v26, v2  }
0x294: {  	[tilespmem:s16+$0x15000] =	vst v0;
	v0 =	vsel vm1, v45, v37;
	v14 =	vmul.f32 v7, v55;
	v28 =	vmul.f32 v55, v28  }
0x295: {  	[tilespmem:s23+$0x15000] =	vst v29;
	v4 =	vsel vm4, v4, v8;
	vm1 =	vge.f32 v27, v16;
	v29 =	vadd.f32 v5, v9  }
0x296: {  	[tilespmem:s24+$0x15000] =	vst v1;
	vm4 =	vge.f32 v25, v15;
	v2 =	vadd.f32 v14, v14;
	v1 =	vsub.f32 $1.000000000e+00, v28  }
0x297: {  	[tilespmem:s24+$0x11000] =	vst v4;
	v16 =	vshll.u32 v0, $0x7;
	v4 =	vsel vm4, v6, v34;
	v6 =	vshll.u32 v0, $0x8  }
0x298: {  	v12 =	vsel vm1, v35, v12;
	v8 =	vsub.f32 v29, v2;
	v15 =	vmul.f32 v1, v28  }
0x299: {  	v16 =	vand.u32 $0x380, v16;
	v0 =	vadd.s32 $0x1, v0;
	v30 =	vshll.u32 v4, $0x8  }
0x29a: {  	v58 =	vshll.u32 v12, $0x7;
	v6 =	vand.u32 $0x7FFFF800, v6;
	v8 =	vmul.f32 v8, v15  }
0x29b: {  	v31 =	vshll.u32 v4, $0x7;
	v6 =	vor.u32 v6, v16;
	v28 =	vmul.f32 v28, v28  }
0x29c: {  	v31 =	vand.u32 $0x380, v31;
	v6 =	vor.u32 v20, v6;
	v59 =	vadd.f32 v8, v14  }
0x29d: {  	v6 =	vor.u32 v22, v6;
	v29 =	vshll.u32 v12, $0x8;
	v5 =	vmul.f32 v5, v28  }
0x29e: {  	v12 =	vadd.s32 $0x1, v12;
	v2 =	vmul.f32 v2, v15;
	v16 =	vmul.f32 v59, v59  }
0x29f: {  	v29 =	vand.u32 $0x7FFFF800, v29;
	v8 =	vand.u32 $0x7FFFF800, v30;
	v30 =	vand.u32 $0x380, v58  }
0x2a0: {  	v2 =	vadd.f32 v2, v5;
	v5 =	vshll.u32 v0, $0x8;
	(erf) = vrcp.f32 v16  }
0x2a1: {  	v0 =	vshll.u32 v0, $0x7;
	v8 =	vor.u32 v8, v31;
	v29 =	vor.u32 v29, v30  }
0x2a2: {  	v5 =	vand.u32 $0x7FFFF800, v5;
	v8 =	vor.u32 v23, v8;
	v16 =	vmul.f32 v9, v1  }
0x2a3: {  	v0 =	vand.u32 $0x380, v0;
	v29 =	vor.u32 v21, v29;
	v61 =	vor.u32 v24, v8  }
0x2a4: {  	v60 =	vor.u32 v19, v29;
	v8 =	vshll.u32 v12, $0x8;
	v1 =	vmul.f32 v16, v1  }
0x2a5: {  	v37 =	vld.idx.msk [tilespmem:v6+s20+$0x0], $0xffff;
	v0 =	vor.u32 v5, v0;
	v12 =	vshll.u32 v12, $0x7;
	v8 =	vand.u32 $0x7FFFF800, v8  }
0x2a6: {  	v29 =	vld.idx.msk [tilespmem:v6+s1+$0x0], $0xffff;
	v12 =	vand.u32 $0x380, v12;
	v16 =	vmul.f32 v14, v14;
	v1 =	vadd.f32 v2, v1  }
0x2a7: {  	v4 =	vadd.s32 $0x1, v4;
	v0 =	vor.u32 v20, v0;
	v5 =	vor.u32 v8, v12;
	v12 =	vld.idx.msk [tilespmem:v6+s19+$0x0], $0xffff  }
0x2a8: {  	v49 =	vmovc v32;
	v2 =	vshll.u32 v4, $0x8;
	v4 =	vshll.u32 v4, $0x7;
	v31 =	vld.idx.msk [tilespmem:v61+s1+$0x0], $0xffff;
	v1 =	vmul.f32 v1, v16  }
0x2a9: {  	v0 =	vor.u32 v22, v0;
	v20 =	vld.idx.msk [tilespmem:v60+s17+$0x0], $0xffff;
	v2 =	vand.u32 $0x7FFFF800, v2;
	v4 =	vand.u32 $0x380, v4;
	v30 =	vpop (erf)  }
0x2aa: {  	v22 =	vld.idx.msk [tilespmem:v61+s17+$0x0], $0xffff;
	v32 =	vmul.f32 v30, v1;
	v1 =	vor.u32 v2, v4;
	v4 =	vor.u32 v21, v5  }
0x2ab: {  	v10 =	vadd.f32 v10, v42;
	v2 =	vld.idx.msk [tilespmem:v6+s17+$0x0], $0xffff;
	v4 =	vor.u32 v19, v4  }
0x2ac: {  	vm15 =	vgt.f32 v38, $1.000000000e+00;
	vm6 =	vlt.f32 v38, $0.0e+00;
	v15 =	vmul.f32 v15, v9;
	v9 =	vld.idx.msk [tilespmem:v61+s19+$0x0], $0xffff  }
0x2ad: {  	vm6 =	vmor vm6, vm15;
	v54 =	vlaneseq.u32;
	v8 =	vld.idx.msk [tilespmem:v60+s19+$0x0], $0xffff;
	v5 =	vand.u32 $0x7FFFFF, v32  }
0x2ae: {  	vm3 =	vmor vm9, vm3;
	v16 =	vld.idx.msk [tilespmem:v60+s1+$0x0], $0xffff;
	v19 =	vsub.f32 v26, v29;
	v5 =	vor.u32 $0x3F800000, v5  }
0x2af: {  	v14 =	vmul.f32 v14, v28;
	v0 =	vld.idx.msk [tilespmem:v0+s20+$0x0], $0xffff;
	v1 =	vor.u32 v23, v1;
	v21 =	vmul.f32 $5.000000000e-01, v5  }
0x2b0: {  	v23 =	vsub.f32 v25, v31;
	v19 =	vmul.f32 v2, v19;
	v28 =	vmul.f32 v12, v2;
	v2 =	vld.idx.msk [tilespmem:v4+s20+$0x0], $0xffff  }
0x2b1: {  	(erf) = vrcp.f32 v59;
	v30 =	vmul.f32 v9, v22;
	vm5 =	vgt.f32 v5, $1.414213540e+00;
	v4 =	vld [tilespmem:$0x1FFC0]  }
0x2b2: {  	v44 =	vmovc v18;
	v1 =	vor.u32 v24, v1;
	v18 =	vmul.f32 v22, v23;
	v5 =	vsel vm5, v21, v5  }
0x2b3: {  	v16 =	vsub.f32 v27, v16;
	v29 =	vmul.f32 v8, v20;
	v5 =	vadd.f32 $-1.000000000e+00, v5  }
0x2b4: {  	v22 =	vadd.f32 v0, v37;
	v33 =	vmul.f32 v18, v18;
	v24 =	vsub.f32 $1.000000000e+00, v19  }
0x2b5: {  	v35 =	vld.idx.msk [tilespmem:v60+s20+$0x0], $0xffff;
	v21 =	vsel vm2, v3, v10;
	v10 =	vadd.f32 v15, v14;
	v14 =	vadd.f32 $2.000000000e+00, v5  }
0x2b6: {  	v31 =	vmul.f32 v19, v19;
	v43 =	vmul.f32 v24, v19;
	v4 =	vsel vm0, v4, v13  }
0x2b7: {  	v3 =	vmovc v17;
	v1 =	vld.idx.msk [tilespmem:v1+s20+$0x0], $0xffff;
	v19 =	vsub.f32 $1.000000000e+00, v18;
	v13 =	vmul.f32 v20, v16;
	(erf) = vrcp.f32 v14;
	[tilespmem:s16+$0x11000] =	vst v4  }
0x2b8: {  	v17 =	vadd.f32 v28, v28;
	v0 =	vmul.f32 v0, v31;
	v23 =	vmul.f32 v37, v24;
	v40 =	vld.idx.msk [tilespmem:v61+s20+$0x0], $0xffff  }
0x2b9: {  	[tilespmem:s15+$0x11000] =	vst v21;
	v14 =	vld.idx.msk [tilespmem:v6+s18+$0x0], $0xffff;
	v6 =	vadd.f32 v30, v30;
	v45 =	vmul.f32 v19, v18;
	v21 =	vsub.f32 $1.000000000e+00, v13  }
0x2ba: {  	v20 =	vmul.f32 v17, v43;
	v26 =	vadd.f32 v2, v35;
	v34 =	vmul.f32 v13, v13  }
0x2bb: {  	v4 =	vadd.f32 v29, v29;
	v25 =	vmul.f32 v6, v45;
	v41 =	vmul.f32 v21, v13  }
0x2bc: {  	v62 =	vsub.f32 v22, v17;
	v2 =	vmul.f32 v2, v34;
	v22 =	vmul.f32 v35, v21  }
0x2bd: {  	v18 =	vmul.f32 v4, v41;
	v4 =	vsub.f32 v26, v4;
	v27 =	vadd.f32 v1, v40  }
0x2be: {  	v0 =	vadd.f32 v20, v0;
	v26 =	vmul.f32 v62, v43;
	v1 =	vmul.f32 v1, v33  }
0x2bf: {  	v13 =	vpop (erf);
	v63 =	vmul.f32 v40, v19;
	v4 =	vmul.f32 v4, v41;
	v6 =	vsub.f32 v27, v6  }
0x2c0: {  	v17 =	vpop (erf);
	v20 =	vadd.f32 v25, v1;
	v25 =	vadd.f32 v26, v28;
	v1 =	vmul.f32 v23, v24  }
0x2c1: {  	v2 =	vadd.f32 v18, v2;
	v17 =	vmul.f32 v17, v5;
	v5 =	vmul.f32 v6, v45  }
0x2c2: {  	p0 =	slt.u32 s26, $0x1FC0;
	v23 =	vmul.f32 v63, v19;
	v48 =	vadd.f32 v4, v29;
	v4 =	vmul.f32 v25, v25  }
.Ltmp1:
0x2c3: {  	v18 =	vmul.f32 v17, v17;
	v47 =	vadd.f32 v5, v30;
	v5 =	vmul.f32 v22, v21;
	(pc) =	sbr.rel @p0 .LBB2_4-.Ltmp1, $4  }
0x2c4: {  	v21 =	vadd.f32 v0, v1;
	v0 =	vmul.f32 v48, v48;
	(erf) = vrcp.f32 v4  }
0x2c5: {  	vm1 =	vmmov vm6;
	v1 =	vmul.f32 $2.857142980e-01, v18;
	v6 =	vmul.f32 v47, v47  }
0x2c6: {  	s23 =	smov.u32 s9;
	v16 =	vld.idx.msk [tilespmem:v60+s18+$0x0], $0xffff;
	vm0 =	vmmov vm7;
	v22 =	vmul.f32 v28, v28;
	(erf) = vrcp.f32 v0  }
0x2c7: {  	v46 =	vmovc v38;
	s24 =	smov.u32 s12;
	s15 =	smov.u32 s4;
	s16 =	smov.u32 s3;
	v15 =	vld.idx.msk [tilespmem:v61+s18+$0x0], $0xffff;
	v26 =	vadd.f32 v2, v5;
	v19 =	vadd.f32 $4.000000060e-01, v1;
	(erf) = vrcp.f32 v6  }
0x2c8: {  	_ =	sdelay $0x3  }
0x2c9: {  	v0 =	vmul.f32 v29, v29  }
0x2ca: {  	v1 =	vadd.f32 v20, v23;
	v2 =	vmul.f32 v30, v30;
	v4 =	vmul.f32 v21, v22  }
0x2cb: {  	v0 =	vmul.f32 v26, v0;
	v5 =	vpop (erf)  }
0x2cc: {  	v1 =	vmul.f32 v1, v2;
	v2 =	vmul.f32 v5, v4;
	v6 =	vpop (erf)  }
0x2cd: {  	v27 =	vpop (erf);
	v0 =	vmul.f32 v6, v0  }
0x2ce: {  	v36 =	vand.u32 $0x7FFFFF, v2;
	v1 =	vmul.f32 v27, v1  }
0x2cf: {  	v4 =	vor.u32 $0x3F800000, v36;
	v38 =	vand.u32 $0x7FFFFF, v0  }
0x2d0: {  	v42 =	vmul.f32 $5.000000000e-01, v4;
	v39 =	vand.u32 $0x7FFFFF, v1;
	v5 =	vor.u32 $0x3F800000, v38  }
0x2d1: {  	vm2 =	vgt.f32 v4, $1.414213540e+00;
	v6 =	vor.u32 $0x3F800000, v39;
	v50 =	vmul.f32 $5.000000000e-01, v5  }
0x2d2: {  	v4 =	vsel vm2, v42, v4;
	vm4 =	vgt.f32 v5, $1.414213540e+00;
	v51 =	vmul.f32 $5.000000000e-01, v6  }
0x2d3: {  	vm6 =	vgt.f32 v6, $1.414213540e+00;
	v4 =	vadd.f32 $-1.000000000e+00, v4;
	v5 =	vsel vm4, v50, v5  }
0x2d4: {  	(erf) = vrcp.f32 v25;
	v6 =	vsel vm6, v51, v6;
	v5 =	vadd.f32 $-1.000000000e+00, v5  }
0x2d5: {  	(erf) = vrcp.f32 v48;
	v52 =	vadd.f32 $2.000000000e+00, v4;
	v6 =	vadd.f32 $-1.000000000e+00, v6  }
0x2d6: {  	(erf) = vrcp.f32 v47;
	v53 =	vadd.f32 $2.000000000e+00, v5  }
0x2d7: {  	(erf) = vrcp.f32 v52;
	v55 =	vadd.f32 $2.000000000e+00, v6  }
0x2d8: {  	v19 =	vmul.f32 v19, v18;
	(erf) = vrcp.f32 v53  }
0x2d9: {  	v56 =	vshrl.u32 v32, $0x17;
	(erf) = vrcp.f32 v55  }
0x2da: {  	v24 =	vmul.f32 v43, v37;
	v20 =	vadd.s32 $0xFFFFFF81, v56;
	v19 =	vadd.f32 $6.666666860e-01, v19  }
0x2db: {  	v28 =	vmul.f32 v28, v31;
	v20 =	vcvt.s32.f32 v20  }
0x2dc: {  	v60 =	vsel vm5, $0x3F800000, v57;
	v59 =	vmul.f32 v19, v18  }
0x2dd: {  	vm15 =	vlt.f32 v3, $0.0e+00;
	v24 =	vadd.f32 v24, v28;
	v19 =	vadd.f32 v20, v60;
	v58 =	vpop (erf)  }
0x2de: {  	v37 =	vmul.f32 v45, v40;
	v7 =	vmul.f32 v10, v7;
	v18 =	vadd.f32 $2.000000000e+00, v59;
	v61 =	vpop (erf)  }
0x2df: {  	vm7 =	vgt.f32 v3, $1.000000000e+00;
	v12 =	vmul.f32 v24, v12;
	v19 =	vmul.f32 $6.931471820e-01, v19;
	v62 =	vpop (erf)  }
0x2e0: {  	vm3 =	vmmov vm3;
	v17 =	vmul.f32 v18, v17;
	v27 =	vmul.f32 v41, v35;
	v63 =	vpop (erf)  }
0x2e1: {  	vm5 =	vmor vm15, vm7;
	v48 =	vmul.f32 v30, v33;
	v4 =	vmul.f32 v63, v4;
	v32 =	vpop (erf)  }
0x2e2: {  	v2 =	vshrl.u32 v2, $0x17;
	v47 =	vmul.f32 v29, v34;
	v36 =	vpop (erf);
	v5 =	vmul.f32 v32, v5  }
0x2e3: {  	v2 =	vadd.s32 $0xFFFFFF81, v2;
	v23 =	vmul.f32 v4, v4;
	v6 =	vmul.f32 v36, v6  }
0x2e4: {  	v0 =	vshrl.u32 v0, $0x17;
	v2 =	vcvt.s32.f32 v2;
	v38 =	vmul.f32 v5, v5  }
0x2e5: {  	v17 =	vadd.f32 v17, v19;
	v40 =	vmul.f32 $2.857142980e-01, v23;
	v39 =	vmul.f32 v6, v6  }
0x2e6: {  	v1 =	vshrl.u32 v1, $0x17;
	v0 =	vadd.s32 $0xFFFFFF81, v0;
	v41 =	vmul.f32 $2.857142980e-01, v38  }
0x2e7: {  	v1 =	vadd.s32 $0xFFFFFF81, v1;
	v43 =	vadd.f32 $4.000000060e-01, v40;
	v42 =	vmul.f32 $2.857142980e-01, v39  }
0x2e8: {  	v0 =	vcvt.s32.f32 v0;
	v27 =	vadd.f32 v27, v47;
	v19 =	vadd.f32 $4.000000060e-01, v41  }
0x2e9: {  	v17 =	vsel vm5, $0x0, v17;
	v31 =	vmul.f32 v43, v23;
	v45 =	vadd.f32 $4.000000060e-01, v42  }
0x2ea: {  	v1 =	vcvt.s32.f32 v1;
	v51 =	vsel vm2, $0x3F800000, v57;
	v19 =	vmul.f32 v19, v38  }
0x2eb: {  	v2 =	vadd.f32 v2, v51;
	v31 =	vadd.f32 $6.666666860e-01, v31;
	v32 =	vmul.f32 v45, v39  }
0x2ec: {  	v8 =	vmul.f32 v27, v8;
	v52 =	vsel vm6, $0x3F800000, v57;
	v19 =	vadd.f32 $6.666666860e-01, v19  }
0x2ed: {  	v2 =	vmul.f32 $6.931471820e-01, v2;
	v23 =	vmul.f32 v31, v23;
	v32 =	vadd.f32 $6.666666860e-01, v32  }
0x2ee: {  	v1 =	vadd.f32 v1, v52;
	v58 =	vmul.f32 v58, v12;
	v19 =	vmul.f32 v19, v38  }
0x2ef: {  	v53 =	vsel vm4, $0x3F800000, v57;
	v23 =	vadd.f32 $2.000000000e+00, v23;
	v50 =	vmul.f32 v32, v39  }
0x2f0: {  	v59 =	vmul.f32 v61, v8;
	v0 =	vadd.f32 v0, v53;
	v19 =	vadd.f32 $2.000000000e+00, v19  }
0x2f1: {  	v55 =	vadd.f32 v37, v48;
	v4 =	vmul.f32 v23, v4;
	v25 =	vadd.f32 $2.000000000e+00, v50  }
0x2f2: {  	v11 =	vld.idx.msk [tilespmem:v11+s18+$0x0], $0xffff;
	v61 =	vadd.f32 v58, v14;
	v0 =	vmul.f32 $6.931471820e-01, v0;
	v5 =	vmul.f32 v19, v5  }
0x2f3: {  	v1 =	vmul.f32 $6.931471820e-01, v1;
	v2 =	vadd.f32 v4, v2;
	v6 =	vmul.f32 v25, v6  }
0x2f4: {  	[tilespmem:s15+$0x15000] =	vst v17;
	v56 =	vmul.f32 v55, v9;
	v63 =	vsel vm1, v46, v61;
	v0 =	vadd.f32 v5, v0  }
0x2f5: {  	v60 =	vmul.f32 v13, v7;
	[tilespmem:s23+$0x11000] =	vst v63;
	v2 =	vsel vm1, $0x0, v2;
	v1 =	vadd.f32 v6, v1  }
0x2f6: {  	[tilespmem:s23+$0x15000] =	vst v2;
	v2 =	vmul.f32 v62, v56;
	v62 =	vadd.f32 v59, v16;
	v0 =	vsel vm3, $0x0, v0  }
0x2f7: {  	v1 =	vsel vm0, $0x0, v1;
	[tilespmem:s24+$0x15000] =	vst v0;
	v0 =	vadd.f32 v60, v11  }
0x2f8: {  	[tilespmem:s16+$0x15000] =	vst v1;
	v1 =	vadd.f32 v2, v15;
	v2 =	vsel vm3, v49, v62  }
0x2f9: {  	[tilespmem:s24+$0x11000] =	vst v2;
	v0 =	vsel vm5, v3, v0  }
0x2fa: {  	v1 =	vsel vm0, v44, v1;
	[tilespmem:s15+$0x11000] =	vst v0  }
0x2fb: {  	[tilespmem:s16+$0x11000] =	vst v1  }
0x2fc: {  	s3 =	simm.s32 $0x11000;
	s2 =	rddreg [dreg:$0xc]  }
0x2fd: {  	[hbm4b:s2+s1] =	stream.linear.scatter [tilespmem:s3], [sflag:$0x5], $0x2000, $0x38;
	[tilespmem:$0x17000] =	vst v63  }
0x2fe: {  	s28 =	simm.s32 $0x15000  }
0x2ff: {  	[hbm4b:s13+s1] =	stream.linear.scatter [tilespmem:s28], [sflag:$0x7], $0x2000, $0x38;
	[tilespmem:$0x17000] =	vst v63  }
0x300: {  	_ =	swait.ge [sflag:s29], $0x2000  }
0x301: {  	[sflag:s29] =	ssyncset.done $0x0  }
0x302: {  	[sflag:s29] =	ssyncadd.s32 $0xFFFFE000  }
0x303: {  	_ =	swait.ge [sflag:s30], $0x2000  }
0x304: {  	[sflag:s30] =	ssyncset.done $0x0  }
0x305: {  	s5 =	sadd.s32 $0x1, s5;
	[sflag:s30] =	ssyncadd.s32 $0xFFFFE000  }
0x306: {  	p0 =	sne.s32 s5, s14;
	_ =	swait.ge [sflag:s31], $0x2000  }
.Ltmp2:
0x307: {  	[sflag:s31] =	ssyncset.done $0x0;
	(pc) =	sbr.rel @p0 .LBB2_1-.Ltmp2, $4  }
0x308: {  	[sflag:s31] =	ssyncadd.s32 $0xFFFFE000  }
0x309: {  	_ =	swait.ge [sflag:s0], $0x2000  }
0x30a: {  	[sflag:s0] =	ssyncset.done $0x0  }
0x30b: {  	v0 =	vimm.s32 $0x0;
	[sflag:s0] =	ssyncadd.s32 $0xFFFFE000  }
0x30c: {  	_ =	sfence.sel $0x180000  }
0x30d: {  	[bflag:$0x0] =	sbarrier.arrive $0xFFFF  }
0x30e: {  	_ =	strace $0x90000047  }
0x30f: {  	s0 =	stileid.u32;
	[bflag:$0x2] =	sbarrier.arrive $0xFFFF  }
0x310: {  	p0 =	sne.s32 s0, $0x0;
	s0 =	rddreg [dreg:$0x2]  }
0x311: {  	s0 =	sadd.s32 @!p0 $0x100000, s0  }
0x312: {  	[sflag:s0] =	ssyncadd.tile.s32 @!p0 $0x1;
	_ =	shalt  }
.Lfunc_end2:
_tile_overlayer_lowered:
.L_overlay_start_2:
0x313: {  	(tag) =	ssettag $0x2  }
0x314: {  	s0 =	rddreg [dreg:$0x0];
	s2 =	stileid.u32  }
0x315: {  	s1 =	rddreg [dreg:$0x1];
	p0 =	sne.s32 s2, $0x0  }
0x316: {  	s3 =	rddreg [dreg:$0x2];
	[bflag:$0x3] =	sbarrier.arrive $0xFFFF;
	s2 =	simm.s32 @!p0 $0x1C08  }
0x317: {  	[timem:s3], [sflag:s2] =	dma.local @!p0 [hbm:s0], s1  }
0x318: {  	s0 =	simm.s32 @!p0 $0x8  }
0x319: {  	_ =	swait.ge @!p0 [sflag:s0], s1  }
0x31a: {  	s1 =	ssub.s32 @!p0 $0x0, s1;
	[sflag:s0] =	ssyncset.done @!p0 $0x0  }
0x31b: {  	[sflag:s0] =	ssyncadd.s32 @!p0 s1  }
0x31c: {  	[bflag:$0x3] =	sbarrier.arrive $0xFFFF  }
0x31d: {  	_ =	shalt  }

</sc_bundles>
